<compile_context>
chip_gen: v7x
topology: tpu7x:2x2x1
jax: 0.10.2.dev20260603
libtpu: 0.0.44.dev20260713+nightly
codegen_flags: <defaults>
</compile_context>

<pallas_src>
import functools

import jax
import jax.numpy as jnp
from jax import lax
from jax.experimental import pallas as pl
from jax.experimental.pallas import tpu as pltpu
from jax.experimental.pallas import tpu_sc as plsc

H = 2
OUT_M = 32
OUT_X = 32
NC = 2
NS = 16
NW = NC * NS
LANES = 16

E = 640000
EW = E // NW
EG = 160000
EGW = EG // NW
NG = 10000
NGP = 10240
C = 80
R = 2048
SH = 11
WA = 1000
WB = 512
CAP = E + C * WB


def _leaky(x):
    return jnp.where(x >= 0, x, 0.01 * x)


def _mesh():
    return plsc.VectorSubcoreMesh(core_axis_name="c", subcore_axis_name="s",
                                  num_cores=NC, num_subcores=NS)



def _sc_gather(tabs, idxs, win=200):
    e = idxs[0].shape[0]
    d = tabs[0].shape[1]
    e_pw = e // NW
    assert e_pw * NW == e and e_pw % win == 0
    wins = e_pw // win
    nt = len(tabs)

    @functools.partial(
        pl.kernel, mesh=_mesh(),
        out_type=jax.ShapeDtypeStruct((e, d), jnp.float32),
        scratch_types=[pltpu.VMEM((win,), jnp.int32) for _ in range(nt)]
        + [pltpu.VMEM((win, d), jnp.float32), pltpu.SemaphoreType.DMA],
    )
    def k(*refs):
        tab_refs = refs[:nt]
        idx_refs = refs[nt:2 * nt]
        out = refs[2 * nt]
        iv = refs[2 * nt + 1:2 * nt + 1 + nt]
        buf = refs[2 * nt + 1 + nt]
        sem = refs[2 * nt + 2 + nt]
        wid = lax.axis_index("s") * NC + lax.axis_index("c")
        base = wid * e_pw

        def body(i, carry):
            start = base + i * win
            for j in range(nt):
                pltpu.sync_copy(idx_refs[j].at[pl.ds(start, win)], iv[j])
            for j in range(nt):
                pltpu.async_copy(tab_refs[j].at[iv[j]], buf, sem,
                                 add=(j > 0)).wait()
            pltpu.sync_copy(buf, out.at[pl.ds(start, win)])
            return carry

        lax.fori_loop(0, wins, body, 0)

    return k(*tabs, *idxs)




def _row_call(body, n, br, in_arrs, in_blocks, out_shapes, out_blocks):
    return pl.pallas_call(
        body,
        grid=(n // br,),
        in_specs=[pl.BlockSpec(bs, im) for bs, im in in_blocks],
        out_specs=[pl.BlockSpec(bs, im) for bs, im in out_blocks],
        out_shape=out_shapes,
    )(*in_arrs)


def kernel(l_feats, m_feats, x_feats, graph_edge_index, lgraph_edge_index,
           W_lg_node, b_lg_node, W_lg_ni, W_lg_fij, W_lg_nj, lg_attn, bias_lg,
           W_g_node, b_g_node, W_g_ni, W_g_fij, W_g_nj, g_attn, bias_g):
    n_lg = m_feats.shape[0]
    in_l = l_feats.shape[1]
    hx = H * OUT_X
    g_src = graph_edge_index[0]
    g_dst = graph_edge_index[1]
    lg_src = lgraph_edge_index[0]
    lg_dst = lgraph_edge_index[1]

    f32 = jnp.float32

    w_m = jnp.concatenate(
        [W_lg_ni.T, W_lg_nj.T, W_lg_node[:, :in_l].T,
         W_g_fij.T, W_g_node[:, in_l:].T], axis=1)
    b_m = jnp.concatenate(
        [jnp.zeros((2 * hx,), f32), b_lg_node,
         jnp.zeros((hx,), f32), b_g_node])

    def m_body(x_ref, w_ref, b_ref, ni0_ref, njp_ref, hm1_ref, fgm_ref):
        acc = (jnp.dot(x_ref[...], w_ref[...],
                       preferred_element_type=f32) + b_ref[...])
        z = jnp.zeros((acc.shape[0], hx), f32)
        ni0_ref[...] = jnp.concatenate([acc[:, 0:hx], z], axis=1)
        njp_ref[...] = jnp.concatenate([z, acc[:, hx:2 * hx]], axis=1)
        hm1_ref[...] = acc[:, 2 * hx:3 * hx]
        fgm_ref[...] = acc[:, 3 * hx:5 * hx]

    br = 2000
    ni0, njp, hm1, fgm = _row_call(
        m_body, n_lg, br, [m_feats, w_m, b_m.reshape(1, 5 * hx)],
        [((br, in_l), lambda i: (i, 0)), ((in_l, 5 * hx), lambda i: (0, 0)),
         ((1, 5 * hx), lambda i: (0, 0))],
        [jax.ShapeDtypeStruct((n_lg, 2 * hx), f32),
         jax.ShapeDtypeStruct((n_lg, 2 * hx), f32),
         jax.ShapeDtypeStruct((n_lg, hx), f32),
         jax.ShapeDtypeStruct((n_lg, 2 * hx), f32)],
        [((br, 2 * hx), lambda i: (i, 0)), ((br, 2 * hx), lambda i: (i, 0)),
         ((br, hx), lambda i: (i, 0)), ((br, 2 * hx), lambda i: (i, 0))])

    def x_body(x_ref, w_ref, o_ref):
        o_ref[...] = jnp.dot(x_ref[...], w_ref[...],
                             preferred_element_type=f32)

    w_x = jnp.concatenate([W_lg_fij.T, W_lg_node[:, in_l:].T], axis=1)
    (pxy,) = _row_call(
        x_body, E, br, [x_feats, w_x],
        [((br, in_l), lambda i: (i, 0)), ((in_l, 2 * hx), lambda i: (0, 0))],
        [jax.ShapeDtypeStruct((E, 2 * hx), f32)],
        [((br, 2 * hx), lambda i: (i, 0))])

    q_t = W_g_node[:, :in_l].T
    w_l = jnp.concatenate([W_g_ni.T, q_t, W_g_nj.T, q_t], axis=1)

    def l_body(x_ref, w_ref, ps_ref, pd_ref):
        acc = jnp.dot(x_ref[...], w_ref[...], preferred_element_type=f32)
        ps_ref[...] = acc[:, :2 * hx]
        pd_ref[...] = acc[:, 2 * hx:]

    ps, pd = _row_call(
        l_body, NG, br, [l_feats, w_l],
        [((br, in_l), lambda i: (i, 0)), ((in_l, 4 * hx), lambda i: (0, 0))],
        [jax.ShapeDtypeStruct((NG, 2 * hx), f32),
         jax.ShapeDtypeStruct((NG, 2 * hx), f32)],
        [((br, 2 * hx), lambda i: (i, 0)), ((br, 2 * hx), lambda i: (i, 0))])

    a1b = _sc_gather([ni0, njp], [lg_src, lg_dst])
    agp = _sc_gather([ps, pd], [g_src, g_dst])

    def ex_body(a_ref, f_ref, attn_ref, bias_ref, o_ref):
        pre = a_ref[:, :hx] + a_ref[:, hx:] + f_ref[:, :hx] + bias_ref[...]
        xh = _leaky(pre).reshape(-1, H, OUT_X)
        attn = attn_ref[...].reshape(1, H, OUT_X)
        o_ref[...] = jnp.exp(jnp.sum(xh * attn, axis=-1))

    ex_in_specs = [
        ((br, 2 * hx), lambda i: (i, 0)), ((br, 2 * hx), lambda i: (i, 0)),
        ((1, hx), lambda i: (0, 0)), ((1, hx), lambda i: (0, 0))]
    (ex_lg,) = _row_call(
        ex_body, E, br,
        [a1b, pxy, lg_attn.reshape(1, hx), bias_lg.reshape(1, hx)],
        ex_in_specs,
        [jax.ShapeDtypeStruct((E, H), f32)],
        [((br, H), lambda i: (i, 0))])

    def exg_body(a_ref, f_ref, attn_ref, bias_ref, o_ref):
        pre = a_ref[:, :hx] + f_ref[:, :hx] + bias_ref[...]
        xh = _leaky(pre).reshape(-1, H, OUT_X)
        attn = attn_ref[...].reshape(1, H, OUT_X)
        o_ref[...] = jnp.exp(jnp.sum(xh * attn, axis=-1))

    (ex_g,) = _row_call(
        exg_body, EG, br,
        [agp, fgm, g_attn.reshape(1, hx), bias_g.reshape(1, hx)],
        ex_in_specs,
        [jax.ShapeDtypeStruct((EG, H), f32)],
        [((br, H), lambda i: (i, 0))])

    s_lg_arr = jax.ops.segment_sum(ex_lg, lg_dst, num_segments=EG)
    cnt_arr = jax.ops.segment_sum(jnp.ones((E,), f32), lg_dst,
                                  num_segments=EG).reshape(EG, 1)
    sg_arr = jax.ops.segment_sum(ex_g, g_dst, num_segments=NG)
    sy_arr = jax.ops.segment_sum(pxy[:, hx:], lg_dst, num_segments=EG)
    syf = None

    def h2_body(hm1_ref, syf_ref, c_ref, agp_ref, fgm_ref, o_ref):
        cnt = jnp.maximum(c_ref[...], 1.0)
        h_lg = hm1_ref[...] + syf_ref[:, hx:] / cnt
        h_g = agp_ref[:, hx:] + fgm_ref[:, hx:]
        o_ref[...] = jnp.concatenate([h_lg, h_g], axis=1)

    if syf is None:
        syf = jnp.concatenate([jnp.zeros((EG, hx), f32), sy_arr], axis=1)
    (h2,) = _row_call(
        h2_body, EG, br,
        [hm1, syf, cnt_arr, agp, fgm],
        [((br, hx), lambda i: (i, 0)), ((br, 2 * hx), lambda i: (i, 0)),
         ((br, 1), lambda i: (i, 0)),
         ((br, 2 * hx), lambda i: (i, 0)), ((br, 2 * hx), lambda i: (i, 0))],
        [jax.ShapeDtypeStruct((EG, 2 * hx), f32)],
        [((br, 2 * hx), lambda i: (i, 0))])

    def sgt_body(s_ref, o_ref):
        o_ref[...] = jnp.pad(s_ref[...], ((0, 0), (0, 128 - H)))

    (sgt,) = _row_call(
        sgt_body, NG, br, [sg_arr],
        [((br, H), lambda i: (i, 0))],
        [jax.ShapeDtypeStruct((NG, 128), f32)],
        [((br, 128), lambda i: (i, 0))])

    asg = _sc_gather([sgt], [g_dst])
    h2g = _sc_gather([h2], [lg_src])

    def wm_body(h_ref, e_ref, o_ref):
        exv = e_ref[...]
        o_ref[...] = jnp.concatenate(
            [h_ref[:, 0:OUT_M] * exv[:, 0:1],
             h_ref[:, OUT_M:hx] * exv[:, 1:2],
             h_ref[:, hx:]], axis=1)

    (wmsg,) = _row_call(
        wm_body, E, br, [h2g, ex_lg],
        [((br, 2 * hx), lambda i: (i, 0)), ((br, H), lambda i: (i, 0))],
        [jax.ShapeDtypeStruct((E, 2 * hx), f32)],
        [((br, 2 * hx), lambda i: (i, 0))])

    nt = jax.ops.segment_sum(wmsg, lg_dst, num_segments=EG)

    def fin_body(nt_ref, sl_ref, exg_ref, asg_ref, o_ref):
        s_lg = jnp.maximum(sl_ref[...], 1e-30)
        numer = nt_ref[:, :hx].reshape(-1, H, OUT_M)
        tg = nt_ref[:, hx:].reshape(-1, H, OUT_M)
        a_g = exg_ref[...] / asg_ref[:, :H]
        h_lg_new = numer / s_lg[:, :, None]
        g_h_new = tg * a_g[:, :, None]
        o_ref[...] = (jnp.sum(_leaky(h_lg_new), axis=1)
                      + jnp.sum(_leaky(g_h_new), axis=1))

    (out,) = _row_call(
        fin_body, EG, br,
        [nt, s_lg_arr, ex_g, asg],
        [((br, 2 * hx), lambda i: (i, 0)), ((br, H), lambda i: (i, 0)),
         ((br, H), lambda i: (i, 0)),
         ((br, 128), lambda i: (i, 0))],
        [jax.ShapeDtypeStruct((EG, OUT_M), f32)],
        [((br, OUT_M), lambda i: (i, 0))])
    return out

# --- scband reference (transcript-rebuilt; emitter-appended) ---
"""Pipeline reference for scband-path-complex-layer-11484742549814 (READ-ONLY COPY).

The authoritative reference and input builder live on the scoring server;
editing this copy changes nothing except your own understanding.
"""

import jax, jax.numpy as jnp
import numpy as np

N_G = 10000
E_G = 160000
E_LG = 640000
IN_L = 128
IN_M = 128
IN_X = 128
OUT_M = 32
OUT_X = 32
H = 2


def _leaky_relu(x):
    return jnp.where(x >= 0, x, 0.01 * x)


def _edge_softmax(logits, dst, n):
    m = jax.ops.segment_max(logits, dst, num_segments=n)
    ex = jnp.exp(logits - m[dst])
    s = jax.ops.segment_sum(ex, dst, num_segments=n)
    return ex / s[dst]


def _xavier(key, shape):
    fan_out = shape[0] if len(shape) == 2 else shape[-1]
    fan_in = shape[-1]
    std = float(np.sqrt(2.0 / (fan_in + fan_out)))
    return jax.random.normal(key, shape, dtype=jnp.float32) * std


def setup_inputs(seed: int = 0):
    key = jax.random.key(seed)
    ks = jax.random.split(key, 20)
    inp = {}
    inp["l_feats"] = jax.random.normal(ks[0], (N_G, IN_L), dtype=jnp.float32)
    inp["m_feats"] = jax.random.normal(ks[1], (E_G, IN_M), dtype=jnp.float32)
    inp["x_feats"] = jax.random.normal(ks[2], (E_LG, IN_X), dtype=jnp.float32)
    inp["graph_edge_index"] = jax.random.randint(ks[3], (2, E_G), 0, N_G, dtype=jnp.int32)
    inp["lgraph_edge_index"] = jax.random.randint(ks[4], (2, E_LG), 0, E_G, dtype=jnp.int32)
    inp["W_lg_node"] = _xavier(ks[5], (H * OUT_M, IN_M + IN_X))
    inp["b_lg_node"] = jnp.zeros((H * OUT_M,), jnp.float32)
    inp["W_lg_ni"] = _xavier(ks[6], (H * OUT_X, IN_M))
    inp["W_lg_fij"] = _xavier(ks[7], (H * OUT_X, IN_X))
    inp["W_lg_nj"] = _xavier(ks[8], (H * OUT_X, IN_M))
    inp["lg_attn"] = _xavier(ks[9], (1, H, OUT_X))
    inp["bias_lg"] = jnp.zeros((H * OUT_X,), jnp.float32)
    inp["W_g_node"] = _xavier(ks[10], (H * OUT_M, IN_M + IN_L))
    inp["b_g_node"] = jnp.zeros((H * OUT_M,), jnp.float32)
    inp["W_g_ni"] = _xavier(ks[11], (H * OUT_M, IN_L))
    inp["W_g_fij"] = _xavier(ks[12], (H * OUT_M, IN_M))
    inp["W_g_nj"] = _xavier(ks[13], (H * OUT_M, IN_L))
    inp["g_attn"] = _xavier(ks[14], (1, H, OUT_M))
    inp["bias_g"] = jnp.zeros((H * OUT_M,), jnp.float32)
    return inp


def reference(l_feats, m_feats, x_feats, graph_edge_index, lgraph_edge_index,
              W_lg_node, b_lg_node, W_lg_ni, W_lg_fij, W_lg_nj, lg_attn, bias_lg,
              W_g_node, b_g_node, W_g_ni, W_g_fij, W_g_nj, g_attn, bias_g):
    N_lg = m_feats.shape[0]
    N_g = l_feats.shape[0]
    g_src = graph_edge_index[0]
    g_dst = graph_edge_index[1]
    lg_src = lgraph_edge_index[0]
    lg_dst = lgraph_edge_index[1]

    # line-graph block: (n paths) nodes, (n+1 paths) edges
    lg_f_ni = m_feats @ W_lg_ni.T
    lg_f_nj = m_feats @ W_lg_nj.T
    lg_f_fij = x_feats @ W_lg_fij.T
    lg_f_out = lg_f_ni[lg_src] + lg_f_nj[lg_dst] + lg_f_fij + bias_lg
    lg_f_out = _leaky_relu(lg_f_out)
    xh = lg_f_out.reshape(-1, H, OUT_X)
    lg_e = jnp.sum(xh * lg_attn, axis=-1, keepdims=True)
    a_lg = _edge_softmax(lg_e, lg_dst, N_lg)
    # mean aggregation of (n+1)-path edge feats onto l_graph nodes
    sum_x = jax.ops.segment_sum(x_feats, lg_dst, num_segments=N_lg)
    cnt = jax.ops.segment_sum(jnp.ones((x_feats.shape[0],), jnp.float32), lg_dst, num_segments=N_lg)
    agg = sum_x / jnp.maximum(cnt, 1.0)[:, None]
    m1 = jnp.concatenate([m_feats, agg], axis=1)
    h_lg = (m1 @ W_lg_node.T + b_lg_node).reshape(-1, H, OUT_M)
    h_lg_new = jax.ops.segment_sum(h_lg[lg_src] * a_lg, lg_dst, num_segments=N_lg)
    lg_h_out = jnp.sum(_leaky_relu(h_lg_new), axis=1)

    # base graph block: (n-1 paths) nodes, (n paths) edges
    g_f = (l_feats @ W_g_ni.T)[g_src] + (l_feats @ W_g_nj.T)[g_dst] + m_feats @ W_g_fij.T + bias_g
    g_f = _leaky_relu(g_f).reshape(-1, H, OUT_M)
    g_e = jnp.sum(g_f * g_attn, axis=-1, keepdims=True)
    a_g = _edge_softmax(g_e, g_dst, N_g)  # one weight per graph edge == per l_graph node
    node_edge = l_feats[g_src] + l_feats[g_dst]
    m2 = jnp.concatenate([node_edge, m_feats], axis=1)
    h_g = (m2 @ W_g_node.T + b_g_node).reshape(-1, H, OUT_M)
    # u_mul_v('h_out','a','m') + sum on l_graph
    g_h_new = jax.ops.segment_sum(h_g[lg_src] * a_g[lg_dst], lg_dst, num_segments=N_lg)
    g_h_out = jnp.sum(_leaky_relu(g_h_new), axis=1)

    return g_h_out + lg_h_out

if __name__ == "__main__":
    import jax
    _d = setup_inputs()
    print(jax.jit(kernel)(*tuple(_d.values())))

</pallas_src>

<mosaic_0001>
#map = affine_map<(d0, d1) -> (0, 0)>
#map1 = affine_map<(d0, d1) -> (0)>
module attributes {stable_mosaic.version = 14 : i64} {
  func.func @k(%arg0: i32, %arg1: i32, %arg2: memref<160000x128xf32, #tpu.memory_space<hbm>>, %arg3: memref<160000x128xf32, #tpu.memory_space<hbm>>, %arg4: memref<640000xi32, #tpu.memory_space<hbm>>, %arg5: memref<640000xi32, #tpu.memory_space<hbm>>, %arg6: memref<640000x128xf32, #tpu.memory_space<hbm>>, %arg7: memref<200xi32, #tpu.memory_space<vmem>>, %arg8: memref<200xi32, #tpu.memory_space<vmem>>, %arg9: memref<200x128xf32, #tpu.memory_space<vmem>>, %arg10: memref<!tpu.dma_semaphore, #tpu.memory_space<semaphore_mem>>) attributes {dimension_semantics = [#tpu.dimension_semantics<core_parallel>, #tpu.dimension_semantics<subcore_parallel>], iteration_bounds = array<i64: 2, 16>, scalar_prefetch = 0 : i64, scratch_operands = 4 : i64, tpu.core_type = #tpu.core_type<sc_vector_subcore>, window_params = [{transform_indices = #map}, {transform_indices = #map}, {transform_indices = #map1}, {transform_indices = #map1}, {transform_indices = #map}]} {
    %mul3A = arith.constant 2 : i32
    %mul3A_0 = arith.muli %arg1, %mul3A : i32
    %add3A = arith.addi %mul3A_0, %arg0 : i32
    %mul3A_1 = arith.constant 20000 : i32
    %mul3A_2 = arith.muli %add3A, %mul3A_1 : i32
    %scan3A = arith.constant 0 : i32
    %scan3A_3 = arith.constant 0 : i32
    %scan3A_4 = arith.constant 100 : i32
    %scan3A_5 = arith.addi %scan3A_3, %scan3A_4 : i32
    %scan3A_6 = arith.constant 1 : i32
    scf.for %scan3A_8 = %scan3A_3 to %scan3A_5 step %scan3A_6  : i32 {
      %mul3A_9 = arith.constant 200 : i32
      %mul3A_10 = arith.muli %scan3A_8, %mul3A_9 : i32
      %add3A_11 = arith.addi %mul3A_2, %mul3A_10 : i32
      "tpu.region"() ({
        %run_scoped3A = tpu.sem_alloc : memref<!tpu.dma_semaphore, #tpu.memory_space<semaphore_mem>>
        %dma_start3A_22 = tpu.memref_slice %arg4[%add3A_11] : memref<640000xi32, #tpu.memory_space<hbm>> -> memref<200xi32, #tpu.memory_space<hbm>>
        %dma_start3A_23 = tpu.memref_slice %arg4[%add3A_11] : memref<640000xi32, #tpu.memory_space<hbm>> -> memref<200xi32, #tpu.memory_space<hbm>>
        tpu.enqueue_dma source(%dma_start3A_23 : memref<200xi32, #tpu.memory_space<hbm>>) target(%arg7 : memref<200xi32, #tpu.memory_space<vmem>>) target_semaphore(%run_scoped3A : memref<!tpu.dma_semaphore, #tpu.memory_space<semaphore_mem>>)
        %dma_wait3A_24 = tpu.memref_slice %arg4[%add3A_11] : memref<640000xi32, #tpu.memory_space<hbm>> -> memref<200xi32, #tpu.memory_space<hbm>>
        %dma_wait3A_25 = tpu.memref_slice %arg4[%add3A_11] : memref<640000xi32, #tpu.memory_space<hbm>> -> memref<200xi32, #tpu.memory_space<hbm>>
        tpu.wait_dma2 semaphore(%run_scoped3A : memref<!tpu.dma_semaphore, #tpu.memory_space<semaphore_mem>>) src(%dma_wait3A_25 : memref<200xi32, #tpu.memory_space<hbm>>) dst(%arg7 : memref<200xi32, #tpu.memory_space<vmem>>)
        tpu.yield
      }) : () -> ()
      "tpu.region"() ({
        %run_scoped3A = tpu.sem_alloc : memref<!tpu.dma_semaphore, #tpu.memory_space<semaphore_mem>>
        %dma_start3A_22 = tpu.memref_slice %arg5[%add3A_11] : memref<640000xi32, #tpu.memory_space<hbm>> -> memref<200xi32, #tpu.memory_space<hbm>>
        %dma_start3A_23 = tpu.memref_slice %arg5[%add3A_11] : memref<640000xi32, #tpu.memory_space<hbm>> -> memref<200xi32, #tpu.memory_space<hbm>>
        tpu.enqueue_dma source(%dma_start3A_23 : memref<200xi32, #tpu.memory_space<hbm>>) target(%arg8 : memref<200xi32, #tpu.memory_space<vmem>>) target_semaphore(%run_scoped3A : memref<!tpu.dma_semaphore, #tpu.memory_space<semaphore_mem>>)
        %dma_wait3A_24 = tpu.memref_slice %arg5[%add3A_11] : memref<640000xi32, #tpu.memory_space<hbm>> -> memref<200xi32, #tpu.memory_space<hbm>>
        %dma_wait3A_25 = tpu.memref_slice %arg5[%add3A_11] : memref<640000xi32, #tpu.memory_space<hbm>> -> memref<200xi32, #tpu.memory_space<hbm>>
        tpu.wait_dma2 semaphore(%run_scoped3A : memref<!tpu.dma_semaphore, #tpu.memory_space<semaphore_mem>>) src(%dma_wait3A_25 : memref<200xi32, #tpu.memory_space<hbm>>) dst(%arg8 : memref<200xi32, #tpu.memory_space<vmem>>)
        tpu.yield
      }) : () -> ()
      %dma_start3A = arith.constant 0 : i32
      %dma_start3A_12 = arith.constant 0 : i32
      %dma_start3A_13 = tpu.memref_slice %arg2[%dma_start3A, %dma_start3A_12] : memref<160000x128xf32, #tpu.memory_space<hbm>> -> memref<160000x128xf32, #tpu.memory_space<hbm>>
      tpu.enqueue_indirect_dma source(%dma_start3A_13 : memref<160000x128xf32, #tpu.memory_space<hbm>>) target(%arg9 : memref<200x128xf32, #tpu.memory_space<vmem>>) offsets(%arg7 : memref<200xi32, #tpu.memory_space<vmem>>) semaphore(%arg10 : memref<!tpu.dma_semaphore, #tpu.memory_space<semaphore_mem>>)
      %dma_wait3A = arith.constant 0 : i32
      %dma_wait3A_14 = arith.constant 0 : i32
      %dma_wait3A_15 = tpu.memref_slice %arg2[%dma_wait3A, %dma_wait3A_14] : memref<160000x128xf32, #tpu.memory_space<hbm>> -> memref<160000x128xf32, #tpu.memory_space<hbm>>
      tpu.wait_indirect_dma semaphore(%arg10 : memref<!tpu.dma_semaphore, #tpu.memory_space<semaphore_mem>>) src(%dma_wait3A_15 : memref<160000x128xf32, #tpu.memory_space<hbm>>) dst(%arg9 : memref<200x128xf32, #tpu.memory_space<vmem>>)
      %dma_start3A_16 = arith.constant 0 : i32
      %dma_start3A_17 = arith.constant 0 : i32
      %dma_start3A_18 = tpu.memref_slice %arg3[%dma_start3A_16, %dma_start3A_17] : memref<160000x128xf32, #tpu.memory_space<hbm>> -> memref<160000x128xf32, #tpu.memory_space<hbm>>
      tpu.enqueue_indirect_dma source(%dma_start3A_18 : memref<160000x128xf32, #tpu.memory_space<hbm>>) target(%arg9 : memref<200x128xf32, #tpu.memory_space<vmem>>) offsets(%arg8 : memref<200xi32, #tpu.memory_space<vmem>>) semaphore(%arg10 : memref<!tpu.dma_semaphore, #tpu.memory_space<semaphore_mem>>) {add = true}
      %dma_wait3A_19 = arith.constant 0 : i32
      %dma_wait3A_20 = arith.constant 0 : i32
      %dma_wait3A_21 = tpu.memref_slice %arg3[%dma_wait3A_19, %dma_wait3A_20] : memref<160000x128xf32, #tpu.memory_space<hbm>> -> memref<160000x128xf32, #tpu.memory_space<hbm>>
      tpu.wait_indirect_dma semaphore(%arg10 : memref<!tpu.dma_semaphore, #tpu.memory_space<semaphore_mem>>) src(%dma_wait3A_21 : memref<160000x128xf32, #tpu.memory_space<hbm>>) dst(%arg9 : memref<200x128xf32, #tpu.memory_space<vmem>>)
      "tpu.region"() ({
        %run_scoped3A = tpu.sem_alloc : memref<!tpu.dma_semaphore, #tpu.memory_space<semaphore_mem>>
        %dma_start3A_22 = arith.constant 0 : i32
        %dma_start3A_23 = tpu.memref_slice %arg6[%add3A_11, %dma_start3A_22] : memref<640000x128xf32, #tpu.memory_space<hbm>> -> memref<200x128xf32, #tpu.memory_space<hbm>>
        %dma_start3A_24 = arith.constant 0 : i32
        %dma_start3A_25 = tpu.memref_slice %arg6[%add3A_11, %dma_start3A_24] : memref<640000x128xf32, #tpu.memory_space<hbm>> -> memref<200x128xf32, #tpu.memory_space<hbm>>
        tpu.enqueue_dma source(%arg9 : memref<200x128xf32, #tpu.memory_space<vmem>>) target(%dma_start3A_25 : memref<200x128xf32, #tpu.memory_space<hbm>>) target_semaphore(%run_scoped3A : memref<!tpu.dma_semaphore, #tpu.memory_space<semaphore_mem>>)
        %dma_wait3A_26 = arith.constant 0 : i32
        %dma_wait3A_27 = tpu.memref_slice %arg6[%add3A_11, %dma_wait3A_26] : memref<640000x128xf32, #tpu.memory_space<hbm>> -> memref<200x128xf32, #tpu.memory_space<hbm>>
        %dma_wait3A_28 = arith.constant 0 : i32
        %dma_wait3A_29 = tpu.memref_slice %arg6[%add3A_11, %dma_wait3A_28] : memref<640000x128xf32, #tpu.memory_space<hbm>> -> memref<200x128xf32, #tpu.memory_space<hbm>>
        tpu.wait_dma2 semaphore(%run_scoped3A : memref<!tpu.dma_semaphore, #tpu.memory_space<semaphore_mem>>) src(%arg9 : memref<200x128xf32, #tpu.memory_space<vmem>>) dst(%dma_wait3A_29 : memref<200x128xf32, #tpu.memory_space<hbm>>)
        tpu.yield
      }) : () -> ()
    }
    %scan3A_7 = arith.constant 100 : i32
    return
  }
}

#map = affine_map<(d0, d1) -> (0, 0)>
#map1 = affine_map<(d0, d1) -> (0)>
module attributes {stable_mosaic.version = 14 : i64} {
  func.func @k(%arg0: i32, %arg1: i32, %arg2: memref<10000x128xf32, #tpu.memory_space<hbm>>, %arg3: memref<10000x128xf32, #tpu.memory_space<hbm>>, %arg4: memref<160000xi32, #tpu.memory_space<hbm>>, %arg5: memref<160000xi32, #tpu.memory_space<hbm>>, %arg6: memref<160000x128xf32, #tpu.memory_space<hbm>>, %arg7: memref<200xi32, #tpu.memory_space<vmem>>, %arg8: memref<200xi32, #tpu.memory_space<vmem>>, %arg9: memref<200x128xf32, #tpu.memory_space<vmem>>, %arg10: memref<!tpu.dma_semaphore, #tpu.memory_space<semaphore_mem>>) attributes {dimension_semantics = [#tpu.dimension_semantics<core_parallel>, #tpu.dimension_semantics<subcore_parallel>], iteration_bounds = array<i64: 2, 16>, scalar_prefetch = 0 : i64, scratch_operands = 4 : i64, tpu.core_type = #tpu.core_type<sc_vector_subcore>, window_params = [{transform_indices = #map}, {transform_indices = #map}, {transform_indices = #map1}, {transform_indices = #map1}, {transform_indices = #map}]} {
    %mul3A = arith.constant 2 : i32
    %mul3A_0 = arith.muli %arg1, %mul3A : i32
    %add3A = arith.addi %mul3A_0, %arg0 : i32
    %mul3A_1 = arith.constant 5000 : i32
    %mul3A_2 = arith.muli %add3A, %mul3A_1 : i32
    %scan3A = arith.constant 0 : i32
    %scan3A_3 = arith.constant 0 : i32
    %scan3A_4 = arith.constant 25 : i32
    %scan3A_5 = arith.addi %scan3A_3, %scan3A_4 : i32
    %scan3A_6 = arith.constant 1 : i32
    scf.for %scan3A_8 = %scan3A_3 to %scan3A_5 step %scan3A_6  : i32 {
      %mul3A_9 = arith.constant 200 : i32
      %mul3A_10 = arith.muli %scan3A_8, %mul3A_9 : i32
      %add3A_11 = arith.addi %mul3A_2, %mul3A_10 : i32
      "tpu.region"() ({
        %run_scoped3A = tpu.sem_alloc : memref<!tpu.dma_semaphore, #tpu.memory_space<semaphore_mem>>
        %dma_start3A_22 = tpu.memref_slice %arg4[%add3A_11] : memref<160000xi32, #tpu.memory_space<hbm>> -> memref<200xi32, #tpu.memory_space<hbm>>
        %dma_start3A_23 = tpu.memref_slice %arg4[%add3A_11] : memref<160000xi32, #tpu.memory_space<hbm>> -> memref<200xi32, #tpu.memory_space<hbm>>
        tpu.enqueue_dma source(%dma_start3A_23 : memref<200xi32, #tpu.memory_space<hbm>>) target(%arg7 : memref<200xi32, #tpu.memory_space<vmem>>) target_semaphore(%run_scoped3A : memref<!tpu.dma_semaphore, #tpu.memory_space<semaphore_mem>>)
        %dma_wait3A_24 = tpu.memref_slice %arg4[%add3A_11] : memref<160000xi32, #tpu.memory_space<hbm>> -> memref<200xi32, #tpu.memory_space<hbm>>
        %dma_wait3A_25 = tpu.memref_slice %arg4[%add3A_11] : memref<160000xi32, #tpu.memory_space<hbm>> -> memref<200xi32, #tpu.memory_space<hbm>>
        tpu.wait_dma2 semaphore(%run_scoped3A : memref<!tpu.dma_semaphore, #tpu.memory_space<semaphore_mem>>) src(%dma_wait3A_25 : memref<200xi32, #tpu.memory_space<hbm>>) dst(%arg7 : memref<200xi32, #tpu.memory_space<vmem>>)
        tpu.yield
      }) : () -> ()
      "tpu.region"() ({
        %run_scoped3A = tpu.sem_alloc : memref<!tpu.dma_semaphore, #tpu.memory_space<semaphore_mem>>
        %dma_start3A_22 = tpu.memref_slice %arg5[%add3A_11] : memref<160000xi32, #tpu.memory_space<hbm>> -> memref<200xi32, #tpu.memory_space<hbm>>
        %dma_start3A_23 = tpu.memref_slice %arg5[%add3A_11] : memref<160000xi32, #tpu.memory_space<hbm>> -> memref<200xi32, #tpu.memory_space<hbm>>
        tpu.enqueue_dma source(%dma_start3A_23 : memref<200xi32, #tpu.memory_space<hbm>>) target(%arg8 : memref<200xi32, #tpu.memory_space<vmem>>) target_semaphore(%run_scoped3A : memref<!tpu.dma_semaphore, #tpu.memory_space<semaphore_mem>>)
        %dma_wait3A_24 = tpu.memref_slice %arg5[%add3A_11] : memref<160000xi32, #tpu.memory_space<hbm>> -> memref<200xi32, #tpu.memory_space<hbm>>
        %dma_wait3A_25 = tpu.memref_slice %arg5[%add3A_11] : memref<160000xi32, #tpu.memory_space<hbm>> -> memref<200xi32, #tpu.memory_space<hbm>>
        tpu.wait_dma2 semaphore(%run_scoped3A : memref<!tpu.dma_semaphore, #tpu.memory_space<semaphore_mem>>) src(%dma_wait3A_25 : memref<200xi32, #tpu.memory_space<hbm>>) dst(%arg8 : memref<200xi32, #tpu.memory_space<vmem>>)
        tpu.yield
      }) : () -> ()
      %dma_start3A = arith.constant 0 : i32
      %dma_start3A_12 = arith.constant 0 : i32
      %dma_start3A_13 = tpu.memref_slice %arg2[%dma_start3A, %dma_start3A_12] : memref<10000x128xf32, #tpu.memory_space<hbm>> -> memref<10000x128xf32, #tpu.memory_space<hbm>>
      tpu.enqueue_indirect_dma source(%dma_start3A_13 : memref<10000x128xf32, #tpu.memory_space<hbm>>) target(%arg9 : memref<200x128xf32, #tpu.memory_space<vmem>>) offsets(%arg7 : memref<200xi32, #tpu.memory_space<vmem>>) semaphore(%arg10 : memref<!tpu.dma_semaphore, #tpu.memory_space<semaphore_mem>>)
      %dma_wait3A = arith.constant 0 : i32
      %dma_wait3A_14 = arith.constant 0 : i32
      %dma_wait3A_15 = tpu.memref_slice %arg2[%dma_wait3A, %dma_wait3A_14] : memref<10000x128xf32, #tpu.memory_space<hbm>> -> memref<10000x128xf32, #tpu.memory_space<hbm>>
      tpu.wait_indirect_dma semaphore(%arg10 : memref<!tpu.dma_semaphore, #tpu.memory_space<semaphore_mem>>) src(%dma_wait3A_15 : memref<10000x128xf32, #tpu.memory_space<hbm>>) dst(%arg9 : memref<200x128xf32, #tpu.memory_space<vmem>>)
      %dma_start3A_16 = arith.constant 0 : i32
      %dma_start3A_17 = arith.constant 0 : i32
      %dma_start3A_18 = tpu.memref_slice %arg3[%dma_start3A_16, %dma_start3A_17] : memref<10000x128xf32, #tpu.memory_space<hbm>> -> memref<10000x128xf32, #tpu.memory_space<hbm>>
      tpu.enqueue_indirect_dma source(%dma_start3A_18 : memref<10000x128xf32, #tpu.memory_space<hbm>>) target(%arg9 : memref<200x128xf32, #tpu.memory_space<vmem>>) offsets(%arg8 : memref<200xi32, #tpu.memory_space<vmem>>) semaphore(%arg10 : memref<!tpu.dma_semaphore, #tpu.memory_space<semaphore_mem>>) {add = true}
      %dma_wait3A_19 = arith.constant 0 : i32
      %dma_wait3A_20 = arith.constant 0 : i32
      %dma_wait3A_21 = tpu.memref_slice %arg3[%dma_wait3A_19, %dma_wait3A_20] : memref<10000x128xf32, #tpu.memory_space<hbm>> -> memref<10000x128xf32, #tpu.memory_space<hbm>>
      tpu.wait_indirect_dma semaphore(%arg10 : memref<!tpu.dma_semaphore, #tpu.memory_space<semaphore_mem>>) src(%dma_wait3A_21 : memref<10000x128xf32, #tpu.memory_space<hbm>>) dst(%arg9 : memref<200x128xf32, #tpu.memory_space<vmem>>)
      "tpu.region"() ({
        %run_scoped3A = tpu.sem_alloc : memref<!tpu.dma_semaphore, #tpu.memory_space<semaphore_mem>>
        %dma_start3A_22 = arith.constant 0 : i32
        %dma_start3A_23 = tpu.memref_slice %arg6[%add3A_11, %dma_start3A_22] : memref<160000x128xf32, #tpu.memory_space<hbm>> -> memref<200x128xf32, #tpu.memory_space<hbm>>
        %dma_start3A_24 = arith.constant 0 : i32
        %dma_start3A_25 = tpu.memref_slice %arg6[%add3A_11, %dma_start3A_24] : memref<160000x128xf32, #tpu.memory_space<hbm>> -> memref<200x128xf32, #tpu.memory_space<hbm>>
        tpu.enqueue_dma source(%arg9 : memref<200x128xf32, #tpu.memory_space<vmem>>) target(%dma_start3A_25 : memref<200x128xf32, #tpu.memory_space<hbm>>) target_semaphore(%run_scoped3A : memref<!tpu.dma_semaphore, #tpu.memory_space<semaphore_mem>>)
        %dma_wait3A_26 = arith.constant 0 : i32
        %dma_wait3A_27 = tpu.memref_slice %arg6[%add3A_11, %dma_wait3A_26] : memref<160000x128xf32, #tpu.memory_space<hbm>> -> memref<200x128xf32, #tpu.memory_space<hbm>>
        %dma_wait3A_28 = arith.constant 0 : i32
        %dma_wait3A_29 = tpu.memref_slice %arg6[%add3A_11, %dma_wait3A_28] : memref<160000x128xf32, #tpu.memory_space<hbm>> -> memref<200x128xf32, #tpu.memory_space<hbm>>
        tpu.wait_dma2 semaphore(%run_scoped3A : memref<!tpu.dma_semaphore, #tpu.memory_space<semaphore_mem>>) src(%arg9 : memref<200x128xf32, #tpu.memory_space<vmem>>) dst(%dma_wait3A_29 : memref<200x128xf32, #tpu.memory_space<hbm>>)
        tpu.yield
      }) : () -> ()
    }
    %scan3A_7 = arith.constant 25 : i32
    return
  }
}

#map = affine_map<(d0, d1) -> (0, 0)>
#map1 = affine_map<(d0, d1) -> (0)>
module attributes {stable_mosaic.version = 14 : i64} {
  func.func @k(%arg0: i32, %arg1: i32, %arg2: memref<160000x128xf32, #tpu.memory_space<hbm>>, %arg3: memref<640000xi32, #tpu.memory_space<hbm>>, %arg4: memref<640000x128xf32, #tpu.memory_space<hbm>>, %arg5: memref<200xi32, #tpu.memory_space<vmem>>, %arg6: memref<200x128xf32, #tpu.memory_space<vmem>>, %arg7: memref<!tpu.dma_semaphore, #tpu.memory_space<semaphore_mem>>) attributes {dimension_semantics = [#tpu.dimension_semantics<core_parallel>, #tpu.dimension_semantics<subcore_parallel>], iteration_bounds = array<i64: 2, 16>, scalar_prefetch = 0 : i64, scratch_operands = 3 : i64, tpu.core_type = #tpu.core_type<sc_vector_subcore>, window_params = [{transform_indices = #map}, {transform_indices = #map1}, {transform_indices = #map}]} {
    %mul3A = arith.constant 2 : i32
    %mul3A_0 = arith.muli %arg1, %mul3A : i32
    %add3A = arith.addi %mul3A_0, %arg0 : i32
    %mul3A_1 = arith.constant 20000 : i32
    %mul3A_2 = arith.muli %add3A, %mul3A_1 : i32
    %scan3A = arith.constant 0 : i32
    %scan3A_3 = arith.constant 0 : i32
    %scan3A_4 = arith.constant 100 : i32
    %scan3A_5 = arith.addi %scan3A_3, %scan3A_4 : i32
    %scan3A_6 = arith.constant 1 : i32
    scf.for %scan3A_8 = %scan3A_3 to %scan3A_5 step %scan3A_6  : i32 {
      %mul3A_9 = arith.constant 200 : i32
      %mul3A_10 = arith.muli %scan3A_8, %mul3A_9 : i32
      %add3A_11 = arith.addi %mul3A_2, %mul3A_10 : i32
      "tpu.region"() ({
        %run_scoped3A = tpu.sem_alloc : memref<!tpu.dma_semaphore, #tpu.memory_space<semaphore_mem>>
        %dma_start3A_16 = tpu.memref_slice %arg3[%add3A_11] : memref<640000xi32, #tpu.memory_space<hbm>> -> memref<200xi32, #tpu.memory_space<hbm>>
        %dma_start3A_17 = tpu.memref_slice %arg3[%add3A_11] : memref<640000xi32, #tpu.memory_space<hbm>> -> memref<200xi32, #tpu.memory_space<hbm>>
        tpu.enqueue_dma source(%dma_start3A_17 : memref<200xi32, #tpu.memory_space<hbm>>) target(%arg5 : memref<200xi32, #tpu.memory_space<vmem>>) target_semaphore(%run_scoped3A : memref<!tpu.dma_semaphore, #tpu.memory_space<semaphore_mem>>)
        %dma_wait3A_18 = tpu.memref_slice %arg3[%add3A_11] : memref<640000xi32, #tpu.memory_space<hbm>> -> memref<200xi32, #tpu.memory_space<hbm>>
        %dma_wait3A_19 = tpu.memref_slice %arg3[%add3A_11] : memref<640000xi32, #tpu.memory_space<hbm>> -> memref<200xi32, #tpu.memory_space<hbm>>
        tpu.wait_dma2 semaphore(%run_scoped3A : memref<!tpu.dma_semaphore, #tpu.memory_space<semaphore_mem>>) src(%dma_wait3A_19 : memref<200xi32, #tpu.memory_space<hbm>>) dst(%arg5 : memref<200xi32, #tpu.memory_space<vmem>>)
        tpu.yield
      }) : () -> ()
      %dma_start3A = arith.constant 0 : i32
      %dma_start3A_12 = arith.constant 0 : i32
      %dma_start3A_13 = tpu.memref_slice %arg2[%dma_start3A, %dma_start3A_12] : memref<160000x128xf32, #tpu.memory_space<hbm>> -> memref<160000x128xf32, #tpu.memory_space<hbm>>
      tpu.enqueue_indirect_dma source(%dma_start3A_13 : memref<160000x128xf32, #tpu.memory_space<hbm>>) target(%arg6 : memref<200x128xf32, #tpu.memory_space<vmem>>) offsets(%arg5 : memref<200xi32, #tpu.memory_space<vmem>>) semaphore(%arg7 : memref<!tpu.dma_semaphore, #tpu.memory_space<semaphore_mem>>)
      %dma_wait3A = arith.constant 0 : i32
      %dma_wait3A_14 = arith.constant 0 : i32
      %dma_wait3A_15 = tpu.memref_slice %arg2[%dma_wait3A, %dma_wait3A_14] : memref<160000x128xf32, #tpu.memory_space<hbm>> -> memref<160000x128xf32, #tpu.memory_space<hbm>>
      tpu.wait_indirect_dma semaphore(%arg7 : memref<!tpu.dma_semaphore, #tpu.memory_space<semaphore_mem>>) src(%dma_wait3A_15 : memref<160000x128xf32, #tpu.memory_space<hbm>>) dst(%arg6 : memref<200x128xf32, #tpu.memory_space<vmem>>)
      "tpu.region"() ({
        %run_scoped3A = tpu.sem_alloc : memref<!tpu.dma_semaphore, #tpu.memory_space<semaphore_mem>>
        %dma_start3A_16 = arith.constant 0 : i32
        %dma_start3A_17 = tpu.memref_slice %arg4[%add3A_11, %dma_start3A_16] : memref<640000x128xf32, #tpu.memory_space<hbm>> -> memref<200x128xf32, #tpu.memory_space<hbm>>
        %dma_start3A_18 = arith.constant 0 : i32
        %dma_start3A_19 = tpu.memref_slice %arg4[%add3A_11, %dma_start3A_18] : memref<640000x128xf32, #tpu.memory_space<hbm>> -> memref<200x128xf32, #tpu.memory_space<hbm>>
        tpu.enqueue_dma source(%arg6 : memref<200x128xf32, #tpu.memory_space<vmem>>) target(%dma_start3A_19 : memref<200x128xf32, #tpu.memory_space<hbm>>) target_semaphore(%run_scoped3A : memref<!tpu.dma_semaphore, #tpu.memory_space<semaphore_mem>>)
        %dma_wait3A_20 = arith.constant 0 : i32
        %dma_wait3A_21 = tpu.memref_slice %arg4[%add3A_11, %dma_wait3A_20] : memref<640000x128xf32, #tpu.memory_space<hbm>> -> memref<200x128xf32, #tpu.memory_space<hbm>>
        %dma_wait3A_22 = arith.constant 0 : i32
        %dma_wait3A_23 = tpu.memref_slice %arg4[%add3A_11, %dma_wait3A_22] : memref<640000x128xf32, #tpu.memory_space<hbm>> -> memref<200x128xf32, #tpu.memory_space<hbm>>
        tpu.wait_dma2 semaphore(%run_scoped3A : memref<!tpu.dma_semaphore, #tpu.memory_space<semaphore_mem>>) src(%arg6 : memref<200x128xf32, #tpu.memory_space<vmem>>) dst(%dma_wait3A_23 : memref<200x128xf32, #tpu.memory_space<hbm>>)
        tpu.yield
      }) : () -> ()
    }
    %scan3A_7 = arith.constant 100 : i32
    return
  }
}

#map = affine_map<(d0, d1) -> (0, 0)>
#map1 = affine_map<(d0, d1) -> (0)>
module attributes {stable_mosaic.version = 14 : i64} {
  func.func @k(%arg0: i32, %arg1: i32, %arg2: memref<10000x128xf32, #tpu.memory_space<hbm>>, %arg3: memref<160000xi32, #tpu.memory_space<hbm>>, %arg4: memref<160000x128xf32, #tpu.memory_space<hbm>>, %arg5: memref<200xi32, #tpu.memory_space<vmem>>, %arg6: memref<200x128xf32, #tpu.memory_space<vmem>>, %arg7: memref<!tpu.dma_semaphore, #tpu.memory_space<semaphore_mem>>) attributes {dimension_semantics = [#tpu.dimension_semantics<core_parallel>, #tpu.dimension_semantics<subcore_parallel>], iteration_bounds = array<i64: 2, 16>, scalar_prefetch = 0 : i64, scratch_operands = 3 : i64, tpu.core_type = #tpu.core_type<sc_vector_subcore>, window_params = [{transform_indices = #map}, {transform_indices = #map1}, {transform_indices = #map}]} {
    %mul3A = arith.constant 2 : i32
    %mul3A_0 = arith.muli %arg1, %mul3A : i32
    %add3A = arith.addi %mul3A_0, %arg0 : i32
    %mul3A_1 = arith.constant 5000 : i32
    %mul3A_2 = arith.muli %add3A, %mul3A_1 : i32
    %scan3A = arith.constant 0 : i32
    %scan3A_3 = arith.constant 0 : i32
    %scan3A_4 = arith.constant 25 : i32
    %scan3A_5 = arith.addi %scan3A_3, %scan3A_4 : i32
    %scan3A_6 = arith.constant 1 : i32
    scf.for %scan3A_8 = %scan3A_3 to %scan3A_5 step %scan3A_6  : i32 {
      %mul3A_9 = arith.constant 200 : i32
      %mul3A_10 = arith.muli %scan3A_8, %mul3A_9 : i32
      %add3A_11 = arith.addi %mul3A_2, %mul3A_10 : i32
      "tpu.region"() ({
        %run_scoped3A = tpu.sem_alloc : memref<!tpu.dma_semaphore, #tpu.memory_space<semaphore_mem>>
        %dma_start3A_16 = tpu.memref_slice %arg3[%add3A_11] : memref<160000xi32, #tpu.memory_space<hbm>> -> memref<200xi32, #tpu.memory_space<hbm>>
        %dma_start3A_17 = tpu.memref_slice %arg3[%add3A_11] : memref<160000xi32, #tpu.memory_space<hbm>> -> memref<200xi32, #tpu.memory_space<hbm>>
        tpu.enqueue_dma source(%dma_start3A_17 : memref<200xi32, #tpu.memory_space<hbm>>) target(%arg5 : memref<200xi32, #tpu.memory_space<vmem>>) target_semaphore(%run_scoped3A : memref<!tpu.dma_semaphore, #tpu.memory_space<semaphore_mem>>)
        %dma_wait3A_18 = tpu.memref_slice %arg3[%add3A_11] : memref<160000xi32, #tpu.memory_space<hbm>> -> memref<200xi32, #tpu.memory_space<hbm>>
        %dma_wait3A_19 = tpu.memref_slice %arg3[%add3A_11] : memref<160000xi32, #tpu.memory_space<hbm>> -> memref<200xi32, #tpu.memory_space<hbm>>
        tpu.wait_dma2 semaphore(%run_scoped3A : memref<!tpu.dma_semaphore, #tpu.memory_space<semaphore_mem>>) src(%dma_wait3A_19 : memref<200xi32, #tpu.memory_space<hbm>>) dst(%arg5 : memref<200xi32, #tpu.memory_space<vmem>>)
        tpu.yield
      }) : () -> ()
      %dma_start3A = arith.constant 0 : i32
      %dma_start3A_12 = arith.constant 0 : i32
      %dma_start3A_13 = tpu.memref_slice %arg2[%dma_start3A, %dma_start3A_12] : memref<10000x128xf32, #tpu.memory_space<hbm>> -> memref<10000x128xf32, #tpu.memory_space<hbm>>
      tpu.enqueue_indirect_dma source(%dma_start3A_13 : memref<10000x128xf32, #tpu.memory_space<hbm>>) target(%arg6 : memref<200x128xf32, #tpu.memory_space<vmem>>) offsets(%arg5 : memref<200xi32, #tpu.memory_space<vmem>>) semaphore(%arg7 : memref<!tpu.dma_semaphore, #tpu.memory_space<semaphore_mem>>)
      %dma_wait3A = arith.constant 0 : i32
      %dma_wait3A_14 = arith.constant 0 : i32
      %dma_wait3A_15 = tpu.memref_slice %arg2[%dma_wait3A, %dma_wait3A_14] : memref<10000x128xf32, #tpu.memory_space<hbm>> -> memref<10000x128xf32, #tpu.memory_space<hbm>>
      tpu.wait_indirect_dma semaphore(%arg7 : memref<!tpu.dma_semaphore, #tpu.memory_space<semaphore_mem>>) src(%dma_wait3A_15 : memref<10000x128xf32, #tpu.memory_space<hbm>>) dst(%arg6 : memref<200x128xf32, #tpu.memory_space<vmem>>)
      "tpu.region"() ({
        %run_scoped3A = tpu.sem_alloc : memref<!tpu.dma_semaphore, #tpu.memory_space<semaphore_mem>>
        %dma_start3A_16 = arith.constant 0 : i32
        %dma_start3A_17 = tpu.memref_slice %arg4[%add3A_11, %dma_start3A_16] : memref<160000x128xf32, #tpu.memory_space<hbm>> -> memref<200x128xf32, #tpu.memory_space<hbm>>
        %dma_start3A_18 = arith.constant 0 : i32
        %dma_start3A_19 = tpu.memref_slice %arg4[%add3A_11, %dma_start3A_18] : memref<160000x128xf32, #tpu.memory_space<hbm>> -> memref<200x128xf32, #tpu.memory_space<hbm>>
        tpu.enqueue_dma source(%arg6 : memref<200x128xf32, #tpu.memory_space<vmem>>) target(%dma_start3A_19 : memref<200x128xf32, #tpu.memory_space<hbm>>) target_semaphore(%run_scoped3A : memref<!tpu.dma_semaphore, #tpu.memory_space<semaphore_mem>>)
        %dma_wait3A_20 = arith.constant 0 : i32
        %dma_wait3A_21 = tpu.memref_slice %arg4[%add3A_11, %dma_wait3A_20] : memref<160000x128xf32, #tpu.memory_space<hbm>> -> memref<200x128xf32, #tpu.memory_space<hbm>>
        %dma_wait3A_22 = arith.constant 0 : i32
        %dma_wait3A_23 = tpu.memref_slice %arg4[%add3A_11, %dma_wait3A_22] : memref<160000x128xf32, #tpu.memory_space<hbm>> -> memref<200x128xf32, #tpu.memory_space<hbm>>
        tpu.wait_dma2 semaphore(%run_scoped3A : memref<!tpu.dma_semaphore, #tpu.memory_space<semaphore_mem>>) src(%arg6 : memref<200x128xf32, #tpu.memory_space<vmem>>) dst(%dma_wait3A_23 : memref<200x128xf32, #tpu.memory_space<hbm>>)
        tpu.yield
      }) : () -> ()
    }
    %scan3A_7 = arith.constant 25 : i32
    return
  }
}

module attributes {stable_mosaic.version = 14 : i64} {
  func.func @l_body(%arg0: i32, %arg1: memref<2000x128xf32, #tpu.memory_space<vmem>>, %arg2: memref<128x256xf32, #tpu.memory_space<vmem>>, %arg3: memref<2000x128xf32, #tpu.memory_space<vmem>>, %arg4: memref<2000x128xf32, #tpu.memory_space<vmem>>) attributes {dimension_semantics = [#tpu.dimension_semantics<arbitrary>], iteration_bounds = array<i64: 5>, scalar_prefetch = 0 : i64, scratch_operands = 0 : i64, tpu.core_type = #tpu.core_type<tc>, window_params = [{transform_indices = @transform_0, window_bounds = array<i64: 2000, 128>}, {pipeline_mode = #tpu.pipeline_mode<synchronous>, transform_indices = @transform_1, window_bounds = array<i64: 128, 256>}, {transform_indices = @transform_2, window_bounds = array<i64: 2000, 128>}, {transform_indices = @transform_3, window_bounds = array<i64: 2000, 128>}]} {
    %get3A = arith.constant 0 : index
    %get3A_0 = arith.constant 0 : index
    %get3A_1 = vector.load %arg1[%get3A, %get3A_0] : memref<2000x128xf32, #tpu.memory_space<vmem>>, vector<2000x128xf32>
    %get3A_2 = arith.constant 0 : index
    %get3A_3 = arith.constant 0 : index
    %get3A_4 = vector.load %arg2[%get3A_2, %get3A_3] : memref<128x256xf32, #tpu.memory_space<vmem>>, vector<128x256xf32>
    %dot_general3A = arith.constant dense<0.000000e+00> : vector<2000x256xf32>
    %dot_general3A_5 = tpu.matmul %get3A_1, %get3A_4, %dot_general3A {dimension_numbers = #tpu.dot_dimension_numbers<[1], [0], [0], [1], [0, 0, 1, 1], [], []>, transpose_lhs_hint = false} : vector<2000x128xf32>, vector<128x256xf32>, vector<2000x256xf32> -> vector<2000x256xf32>
    %slice3A = vector.extract_strided_slice %dot_general3A_5 {offsets = [0, 0], sizes = [2000, 128], strides = [1, 1]} : vector<2000x256xf32> to vector<2000x128xf32>
    %swap3A = arith.constant 0 : index
    %swap3A_6 = arith.constant 0 : index
    %swap3A_7 = vector.load %arg3[%swap3A, %swap3A_6] : memref<2000x128xf32, #tpu.memory_space<vmem>>, vector<2000x128xf32>
    tpu.vector_store %arg3[%swap3A, %swap3A_6], %slice3A {strides = array<i32>} : memref<2000x128xf32, #tpu.memory_space<vmem>>, vector<2000x128xf32>,
    %slice3A_8 = vector.extract_strided_slice %dot_general3A_5 {offsets = [0, 128], sizes = [2000, 128], strides = [1, 1]} : vector<2000x256xf32> to vector<2000x128xf32>
    %swap3A_9 = arith.constant 0 : index
    %swap3A_10 = arith.constant 0 : index
    %swap3A_11 = vector.load %arg4[%swap3A_9, %swap3A_10] : memref<2000x128xf32, #tpu.memory_space<vmem>>, vector<2000x128xf32>
    tpu.vector_store %arg4[%swap3A_9, %swap3A_10], %slice3A_8 {strides = array<i32>} : memref<2000x128xf32, #tpu.memory_space<vmem>>, vector<2000x128xf32>,
    return
  }
  func.func @transform_0(%arg0: i32) -> (i32, i32) {
    %c0_i32 = arith.constant 0 : i32
    %c0_i32_0 = arith.constant 0 : i32
    return %arg0, %c0_i32 : i32, i32
  }
  func.func @transform_1(%arg0: i32) -> (i32, i32) {
    %c0_i32 = arith.constant 0 : i32
    %c0_i32_0 = arith.constant 0 : i32
    %c0_i32_1 = arith.constant 0 : i32
    return %c0_i32, %c0_i32_0 : i32, i32
  }
  func.func @transform_2(%arg0: i32) -> (i32, i32) {
    %c0_i32 = arith.constant 0 : i32
    %c0_i32_0 = arith.constant 0 : i32
    return %arg0, %c0_i32 : i32, i32
  }
  func.func @transform_3(%arg0: i32) -> (i32, i32) {
    %c0_i32 = arith.constant 0 : i32
    %c0_i32_0 = arith.constant 0 : i32
    return %arg0, %c0_i32 : i32, i32
  }
}

module attributes {stable_mosaic.version = 14 : i64} {
  func.func @x_body(%arg0: i32, %arg1: memref<2000x128xf32, #tpu.memory_space<vmem>>, %arg2: memref<128x128xf32, #tpu.memory_space<vmem>>, %arg3: memref<2000x128xf32, #tpu.memory_space<vmem>>) attributes {dimension_semantics = [#tpu.dimension_semantics<arbitrary>], iteration_bounds = array<i64: 320>, scalar_prefetch = 0 : i64, scratch_operands = 0 : i64, tpu.core_type = #tpu.core_type<tc>, window_params = [{transform_indices = @transform_0, window_bounds = array<i64: 2000, 128>}, {pipeline_mode = #tpu.pipeline_mode<synchronous>, transform_indices = @transform_1, window_bounds = array<i64: 128, 128>}, {transform_indices = @transform_2, window_bounds = array<i64: 2000, 128>}]} {
    %get3A = arith.constant 0 : index
    %get3A_0 = arith.constant 0 : index
    %get3A_1 = vector.load %arg1[%get3A, %get3A_0] : memref<2000x128xf32, #tpu.memory_space<vmem>>, vector<2000x128xf32>
    %get3A_2 = arith.constant 0 : index
    %get3A_3 = arith.constant 0 : index
    %get3A_4 = vector.load %arg2[%get3A_2, %get3A_3] : memref<128x128xf32, #tpu.memory_space<vmem>>, vector<128x128xf32>
    %dot_general3A = arith.constant dense<0.000000e+00> : vector<2000x128xf32>
    %dot_general3A_5 = tpu.matmul %get3A_1, %get3A_4, %dot_general3A {dimension_numbers = #tpu.dot_dimension_numbers<[1], [0], [0], [1], [0, 0, 1, 1], [], []>, transpose_lhs_hint = false} : vector<2000x128xf32>, vector<128x128xf32>, vector<2000x128xf32> -> vector<2000x128xf32>
    %swap3A = arith.constant 0 : index
    %swap3A_6 = arith.constant 0 : index
    %swap3A_7 = vector.load %arg3[%swap3A, %swap3A_6] : memref<2000x128xf32, #tpu.memory_space<vmem>>, vector<2000x128xf32>
    tpu.vector_store %arg3[%swap3A, %swap3A_6], %dot_general3A_5 {strides = array<i32>} : memref<2000x128xf32, #tpu.memory_space<vmem>>, vector<2000x128xf32>,
    return
  }
  func.func @transform_0(%arg0: i32) -> (i32, i32) {
    %c0_i32 = arith.constant 0 : i32
    %c0_i32_0 = arith.constant 0 : i32
    return %arg0, %c0_i32 : i32, i32
  }
  func.func @transform_1(%arg0: i32) -> (i32, i32) {
    %c0_i32 = arith.constant 0 : i32
    %c0_i32_0 = arith.constant 0 : i32
    %c0_i32_1 = arith.constant 0 : i32
    return %c0_i32, %c0_i32_0 : i32, i32
  }
  func.func @transform_2(%arg0: i32) -> (i32, i32) {
    %c0_i32 = arith.constant 0 : i32
    %c0_i32_0 = arith.constant 0 : i32
    return %arg0, %c0_i32 : i32, i32
  }
}

module attributes {stable_mosaic.version = 14 : i64} {
  func.func @m_body(%arg0: i32, %arg1: memref<2000x128xf32, #tpu.memory_space<vmem>>, %arg2: memref<128x320xf32, #tpu.memory_space<vmem>>, %arg3: memref<1x320xf32, #tpu.memory_space<vmem>>, %arg4: memref<2000x128xf32, #tpu.memory_space<vmem>>, %arg5: memref<2000x128xf32, #tpu.memory_space<vmem>>, %arg6: memref<2000x64xf32, #tpu.memory_space<vmem>>, %arg7: memref<2000x128xf32, #tpu.memory_space<vmem>>) attributes {dimension_semantics = [#tpu.dimension_semantics<arbitrary>], iteration_bounds = array<i64: 80>, scalar_prefetch = 0 : i64, scratch_operands = 0 : i64, tpu.core_type = #tpu.core_type<tc>, window_params = [{transform_indices = @transform_0, window_bounds = array<i64: 2000, 128>}, {pipeline_mode = #tpu.pipeline_mode<synchronous>, transform_indices = @transform_1, window_bounds = array<i64: 128, 320>}, {pipeline_mode = #tpu.pipeline_mode<synchronous>, transform_indices = @transform_2, window_bounds = array<i64: 1, 320>}, {transform_indices = @transform_3, window_bounds = array<i64: 2000, 128>}, {transform_indices = @transform_4, window_bounds = array<i64: 2000, 128>}, {transform_indices = @transform_5, window_bounds = array<i64: 2000, 64>}, {transform_indices = @transform_6, window_bounds = array<i64: 2000, 128>}]} {
    %get3A = arith.constant 0 : index
    %get3A_0 = arith.constant 0 : index
    %get3A_1 = vector.load %arg1[%get3A, %get3A_0] : memref<2000x128xf32, #tpu.memory_space<vmem>>, vector<2000x128xf32>
    %get3A_2 = arith.constant 0 : index
    %get3A_3 = arith.constant 0 : index
    %get3A_4 = vector.load %arg2[%get3A_2, %get3A_3] : memref<128x320xf32, #tpu.memory_space<vmem>>, vector<128x320xf32>
    %dot_general3A = arith.constant dense<0.000000e+00> : vector<2000x320xf32>
    %dot_general3A_5 = tpu.matmul %get3A_1, %get3A_4, %dot_general3A {dimension_numbers = #tpu.dot_dimension_numbers<[1], [0], [0], [1], [0, 0, 1, 1], [], []>, transpose_lhs_hint = false} : vector<2000x128xf32>, vector<128x320xf32>, vector<2000x320xf32> -> vector<2000x320xf32>
    %get3A_6 = arith.constant 0 : index
    %get3A_7 = arith.constant 0 : index
    %get3A_8 = vector.load %arg3[%get3A_6, %get3A_7] : memref<1x320xf32, #tpu.memory_space<vmem>>, vector<1x320xf32>
    %add3A = vector.broadcast %get3A_8 : vector<1x320xf32> to vector<2000x320xf32>
    %add3A_9 = arith.addf %dot_general3A_5, %add3A : vector<2000x320xf32>
    %broadcast_in_dim3A = arith.constant 0.000000e+00 : f32
    %broadcast_in_dim3A_10 = vector.broadcast %broadcast_in_dim3A : f32 to vector<2000x64xf32>
    %slice3A = vector.extract_strided_slice %add3A_9 {offsets = [0, 0], sizes = [2000, 64], strides = [1, 1]} : vector<2000x320xf32> to vector<2000x64xf32>
    %concatenate3A = tpu.concatenate %slice3A, %broadcast_in_dim3A_10 in 1 : vector<2000x64xf32>, vector<2000x64xf32> -> vector<2000x128xf32>
    %swap3A = arith.constant 0 : index
    %swap3A_11 = arith.constant 0 : index
    %swap3A_12 = vector.load %arg4[%swap3A, %swap3A_11] : memref<2000x128xf32, #tpu.memory_space<vmem>>, vector<2000x128xf32>
    tpu.vector_store %arg4[%swap3A, %swap3A_11], %concatenate3A {strides = array<i32>} : memref<2000x128xf32, #tpu.memory_space<vmem>>, vector<2000x128xf32>,
    %slice3A_13 = vector.extract_strided_slice %add3A_9 {offsets = [0, 64], sizes = [2000, 64], strides = [1, 1]} : vector<2000x320xf32> to vector<2000x64xf32>
    %concatenate3A_14 = tpu.concatenate %broadcast_in_dim3A_10, %slice3A_13 in 1 : vector<2000x64xf32>, vector<2000x64xf32> -> vector<2000x128xf32>
    %swap3A_15 = arith.constant 0 : index
    %swap3A_16 = arith.constant 0 : index
    %swap3A_17 = vector.load %arg5[%swap3A_15, %swap3A_16] : memref<2000x128xf32, #tpu.memory_space<vmem>>, vector<2000x128xf32>
    tpu.vector_store %arg5[%swap3A_15, %swap3A_16], %concatenate3A_14 {strides = array<i32>} : memref<2000x128xf32, #tpu.memory_space<vmem>>, vector<2000x128xf32>,
    %slice3A_18 = vector.extract_strided_slice %add3A_9 {offsets = [0, 128], sizes = [2000, 64], strides = [1, 1]} : vector<2000x320xf32> to vector<2000x64xf32>
    %swap3A_19 = arith.constant 0 : index
    %swap3A_20 = arith.constant 0 : index
    %swap3A_21 = vector.load %arg6[%swap3A_19, %swap3A_20] : memref<2000x64xf32, #tpu.memory_space<vmem>>, vector<2000x64xf32>
    tpu.vector_store %arg6[%swap3A_19, %swap3A_20], %slice3A_18 {strides = array<i32>} : memref<2000x64xf32, #tpu.memory_space<vmem>>, vector<2000x64xf32>,
    %slice3A_22 = vector.extract_strided_slice %add3A_9 {offsets = [0, 192], sizes = [2000, 128], strides = [1, 1]} : vector<2000x320xf32> to vector<2000x128xf32>
    %swap3A_23 = arith.constant 0 : index
    %swap3A_24 = arith.constant 0 : index
    %swap3A_25 = vector.load %arg7[%swap3A_23, %swap3A_24] : memref<2000x128xf32, #tpu.memory_space<vmem>>, vector<2000x128xf32>
    tpu.vector_store %arg7[%swap3A_23, %swap3A_24], %slice3A_22 {strides = array<i32>} : memref<2000x128xf32, #tpu.memory_space<vmem>>, vector<2000x128xf32>,
    return
  }
  func.func @transform_0(%arg0: i32) -> (i32, i32) {
    %c0_i32 = arith.constant 0 : i32
    %c0_i32_0 = arith.constant 0 : i32
    return %arg0, %c0_i32 : i32, i32
  }
  func.func @transform_1(%arg0: i32) -> (i32, i32) {
    %c0_i32 = arith.constant 0 : i32
    %c0_i32_0 = arith.constant 0 : i32
    %c0_i32_1 = arith.constant 0 : i32
    return %c0_i32, %c0_i32_0 : i32, i32
  }
  func.func @transform_2(%arg0: i32) -> (i32, i32) {
    %c0_i32 = arith.constant 0 : i32
    %c0_i32_0 = arith.constant 0 : i32
    %c0_i32_1 = arith.constant 0 : i32
    return %c0_i32, %c0_i32_0 : i32, i32
  }
  func.func @transform_3(%arg0: i32) -> (i32, i32) {
    %c0_i32 = arith.constant 0 : i32
    %c0_i32_0 = arith.constant 0 : i32
    return %arg0, %c0_i32 : i32, i32
  }
  func.func @transform_4(%arg0: i32) -> (i32, i32) {
    %c0_i32 = arith.constant 0 : i32
    %c0_i32_0 = arith.constant 0 : i32
    return %arg0, %c0_i32 : i32, i32
  }
  func.func @transform_5(%arg0: i32) -> (i32, i32) {
    %c0_i32 = arith.constant 0 : i32
    %c0_i32_0 = arith.constant 0 : i32
    return %arg0, %c0_i32 : i32, i32
  }
  func.func @transform_6(%arg0: i32) -> (i32, i32) {
    %c0_i32 = arith.constant 0 : i32
    %c0_i32_0 = arith.constant 0 : i32
    return %arg0, %c0_i32 : i32, i32
  }
}

module attributes {stable_mosaic.version = 14 : i64} {
  func.func @exg_body(%arg0: i32, %arg1: memref<2000x128xf32, #tpu.memory_space<vmem>>, %arg2: memref<2000x128xf32, #tpu.memory_space<vmem>>, %arg3: memref<1x64xf32, #tpu.memory_space<vmem>>, %arg4: memref<1x64xf32, #tpu.memory_space<vmem>>, %arg5: memref<2000x2xf32, #tpu.memory_space<vmem>>) attributes {dimension_semantics = [#tpu.dimension_semantics<arbitrary>], iteration_bounds = array<i64: 80>, scalar_prefetch = 0 : i64, scratch_operands = 0 : i64, tpu.core_type = #tpu.core_type<tc>, window_params = [{transform_indices = @transform_0, window_bounds = array<i64: 2000, 128>}, {transform_indices = @transform_1, window_bounds = array<i64: 2000, 128>}, {pipeline_mode = #tpu.pipeline_mode<synchronous>, transform_indices = @transform_2, window_bounds = array<i64: 1, 64>}, {pipeline_mode = #tpu.pipeline_mode<synchronous>, transform_indices = @transform_3, window_bounds = array<i64: 1, 64>}, {transform_indices = @transform_4, window_bounds = array<i64: 2000, 2>}]} {
    %get3A = arith.constant 0 : index
    %get3A_0 = arith.constant 0 : index
    %get3A_1 = vector.load %arg1[%get3A, %get3A_0] : memref<2000x128xf32, #tpu.memory_space<vmem>>, vector<2000x64xf32>
    %get3A_2 = arith.constant 0 : index
    %get3A_3 = arith.constant 0 : index
    %get3A_4 = vector.load %arg2[%get3A_2, %get3A_3] : memref<2000x128xf32, #tpu.memory_space<vmem>>, vector<2000x64xf32>
    %add3A = arith.addf %get3A_1, %get3A_4 : vector<2000x64xf32>
    %get3A_5 = arith.constant 0 : index
    %get3A_6 = arith.constant 0 : index
    %get3A_7 = vector.load %arg4[%get3A_5, %get3A_6] : memref<1x64xf32, #tpu.memory_space<vmem>>, vector<1x64xf32>
    %add3A_8 = vector.broadcast %get3A_7 : vector<1x64xf32> to vector<2000x64xf32>
    %add3A_9 = arith.addf %add3A, %add3A_8 : vector<2000x64xf32>
    %ge3A = arith.constant 0.000000e+00 : f32
    %ge3A_10 = vector.broadcast %ge3A : f32 to vector<2000x64xf32>
    %ge3A_11 = arith.cmpf oge, %add3A_9, %ge3A_10 : vector<2000x64xf32>
    %mul3A = arith.constant 0.00999999977 : f32
    %mul3A_12 = vector.broadcast %mul3A : f32 to vector<2000x64xf32>
    %mul3A_13 = arith.mulf %mul3A_12, %add3A_9 : vector<2000x64xf32>
    %select_n3A = arith.select %ge3A_11, %add3A_9, %mul3A_13 : vector<2000x64xi1>, vector<2000x64xf32>
    %reshape3A = vector.shape_cast %select_n3A : vector<2000x64xf32> to vector<2000x2x32xf32>
    %get3A_14 = arith.constant 0 : index
    %get3A_15 = arith.constant 0 : index
    %get3A_16 = vector.load %arg3[%get3A_14, %get3A_15] : memref<1x64xf32, #tpu.memory_space<vmem>>, vector<1x64xf32>
    %reshape3A_17 = vector.shape_cast %get3A_16 : vector<1x64xf32> to vector<1x2x32xf32>
    %mul3A_18 = vector.broadcast %reshape3A_17 : vector<1x2x32xf32> to vector<2000x2x32xf32>
    %mul3A_19 = arith.mulf %reshape3A, %mul3A_18 : vector<2000x2x32xf32>
    %reduce_sum3A = arith.constant dense<0.000000e+00> : vector<2000x2xf32>
    %reduce_sum3A_20 = vector.multi_reduction <add>, %mul3A_19, %reduce_sum3A [2] : vector<2000x2x32xf32> to vector<2000x2xf32>
    %exp3A = math.exp %reduce_sum3A_20 : vector<2000x2xf32>
    %swap3A = arith.constant 0 : index
    %swap3A_21 = arith.constant 0 : index
    %swap3A_22 = vector.load %arg5[%swap3A, %swap3A_21] : memref<2000x2xf32, #tpu.memory_space<vmem>>, vector<2000x2xf32>
    tpu.vector_store %arg5[%swap3A, %swap3A_21], %exp3A {strides = array<i32>} : memref<2000x2xf32, #tpu.memory_space<vmem>>, vector<2000x2xf32>,
    return
  }
  func.func @transform_0(%arg0: i32) -> (i32, i32) {
    %c0_i32 = arith.constant 0 : i32
    %c0_i32_0 = arith.constant 0 : i32
    return %arg0, %c0_i32 : i32, i32
  }
  func.func @transform_1(%arg0: i32) -> (i32, i32) {
    %c0_i32 = arith.constant 0 : i32
    %c0_i32_0 = arith.constant 0 : i32
    return %arg0, %c0_i32 : i32, i32
  }
  func.func @transform_2(%arg0: i32) -> (i32, i32) {
    %c0_i32 = arith.constant 0 : i32
    %c0_i32_0 = arith.constant 0 : i32
    %c0_i32_1 = arith.constant 0 : i32
    return %c0_i32, %c0_i32_0 : i32, i32
  }
  func.func @transform_3(%arg0: i32) -> (i32, i32) {
    %c0_i32 = arith.constant 0 : i32
    %c0_i32_0 = arith.constant 0 : i32
    %c0_i32_1 = arith.constant 0 : i32
    return %c0_i32, %c0_i32_0 : i32, i32
  }
  func.func @transform_4(%arg0: i32) -> (i32, i32) {
    %c0_i32 = arith.constant 0 : i32
    %c0_i32_0 = arith.constant 0 : i32
    return %arg0, %c0_i32 : i32, i32
  }
}

module attributes {stable_mosaic.version = 14 : i64} {
  func.func @h2_body(%arg0: i32, %arg1: memref<2000x64xf32, #tpu.memory_space<vmem>>, %arg2: memref<2000x128xf32, #tpu.memory_space<vmem>>, %arg3: memref<2000x1xf32, #tpu.memory_space<vmem>>, %arg4: memref<2000x128xf32, #tpu.memory_space<vmem>>, %arg5: memref<2000x128xf32, #tpu.memory_space<vmem>>, %arg6: memref<2000x128xf32, #tpu.memory_space<vmem>>) attributes {dimension_semantics = [#tpu.dimension_semantics<arbitrary>], iteration_bounds = array<i64: 80>, scalar_prefetch = 0 : i64, scratch_operands = 0 : i64, tpu.core_type = #tpu.core_type<tc>, window_params = [{transform_indices = @transform_0, window_bounds = array<i64: 2000, 64>}, {transform_indices = @transform_1, window_bounds = array<i64: 2000, 128>}, {transform_indices = @transform_2, window_bounds = array<i64: 2000, 1>}, {transform_indices = @transform_3, window_bounds = array<i64: 2000, 128>}, {transform_indices = @transform_4, window_bounds = array<i64: 2000, 128>}, {transform_indices = @transform_5, window_bounds = array<i64: 2000, 128>}]} {
    %get3A = arith.constant 0 : index
    %get3A_0 = arith.constant 0 : index
    %get3A_1 = vector.load %arg3[%get3A, %get3A_0] : memref<2000x1xf32, #tpu.memory_space<vmem>>, vector<2000x1xf32>
    %max3A = arith.constant 1.000000e+00 : f32
    %max3A_2 = vector.broadcast %max3A : f32 to vector<2000x1xf32>
    %max3A_3 = arith.maximumf %get3A_1, %max3A_2 : vector<2000x1xf32>
    %get3A_4 = arith.constant 0 : index
    %get3A_5 = arith.constant 0 : index
    %get3A_6 = vector.load %arg1[%get3A_4, %get3A_5] : memref<2000x64xf32, #tpu.memory_space<vmem>>, vector<2000x64xf32>
    %get3A_7 = arith.constant 0 : index
    %get3A_8 = arith.constant 64 : index
    %get3A_9 = vector.load %arg2[%get3A_7, %get3A_8] : memref<2000x128xf32, #tpu.memory_space<vmem>>, vector<2000x64xf32>
    %div3A = vector.broadcast %max3A_3 : vector<2000x1xf32> to vector<2000x64xf32>
    %div3A_10 = arith.divf %get3A_9, %div3A : vector<2000x64xf32>
    %add3A = arith.addf %get3A_6, %div3A_10 : vector<2000x64xf32>
    %get3A_11 = arith.constant 0 : index
    %get3A_12 = arith.constant 64 : index
    %get3A_13 = vector.load %arg4[%get3A_11, %get3A_12] : memref<2000x128xf32, #tpu.memory_space<vmem>>, vector<2000x64xf32>
    %get3A_14 = arith.constant 0 : index
    %get3A_15 = arith.constant 64 : index
    %get3A_16 = vector.load %arg5[%get3A_14, %get3A_15] : memref<2000x128xf32, #tpu.memory_space<vmem>>, vector<2000x64xf32>
    %add3A_17 = arith.addf %get3A_13, %get3A_16 : vector<2000x64xf32>
    %concatenate3A = tpu.concatenate %add3A, %add3A_17 in 1 : vector<2000x64xf32>, vector<2000x64xf32> -> vector<2000x128xf32>
    %swap3A = arith.constant 0 : index
    %swap3A_18 = arith.constant 0 : index
    %swap3A_19 = vector.load %arg6[%swap3A, %swap3A_18] : memref<2000x128xf32, #tpu.memory_space<vmem>>, vector<2000x128xf32>
    tpu.vector_store %arg6[%swap3A, %swap3A_18], %concatenate3A {strides = array<i32>} : memref<2000x128xf32, #tpu.memory_space<vmem>>, vector<2000x128xf32>,
    return
  }
  func.func @transform_0(%arg0: i32) -> (i32, i32) {
    %c0_i32 = arith.constant 0 : i32
    %c0_i32_0 = arith.constant 0 : i32
    return %arg0, %c0_i32 : i32, i32
  }
  func.func @transform_1(%arg0: i32) -> (i32, i32) {
    %c0_i32 = arith.constant 0 : i32
    %c0_i32_0 = arith.constant 0 : i32
    return %arg0, %c0_i32 : i32, i32
  }
  func.func @transform_2(%arg0: i32) -> (i32, i32) {
    %c0_i32 = arith.constant 0 : i32
    %c0_i32_0 = arith.constant 0 : i32
    return %arg0, %c0_i32 : i32, i32
  }
  func.func @transform_3(%arg0: i32) -> (i32, i32) {
    %c0_i32 = arith.constant 0 : i32
    %c0_i32_0 = arith.constant 0 : i32
    return %arg0, %c0_i32 : i32, i32
  }
  func.func @transform_4(%arg0: i32) -> (i32, i32) {
    %c0_i32 = arith.constant 0 : i32
    %c0_i32_0 = arith.constant 0 : i32
    return %arg0, %c0_i32 : i32, i32
  }
  func.func @transform_5(%arg0: i32) -> (i32, i32) {
    %c0_i32 = arith.constant 0 : i32
    %c0_i32_0 = arith.constant 0 : i32
    return %arg0, %c0_i32 : i32, i32
  }
}

module attributes {stable_mosaic.version = 14 : i64} {
  func.func @ex_body(%arg0: i32, %arg1: memref<2000x128xf32, #tpu.memory_space<vmem>>, %arg2: memref<2000x128xf32, #tpu.memory_space<vmem>>, %arg3: memref<1x64xf32, #tpu.memory_space<vmem>>, %arg4: memref<1x64xf32, #tpu.memory_space<vmem>>, %arg5: memref<2000x2xf32, #tpu.memory_space<vmem>>) attributes {dimension_semantics = [#tpu.dimension_semantics<arbitrary>], iteration_bounds = array<i64: 320>, scalar_prefetch = 0 : i64, scratch_operands = 0 : i64, tpu.core_type = #tpu.core_type<tc>, window_params = [{transform_indices = @transform_0, window_bounds = array<i64: 2000, 128>}, {transform_indices = @transform_1, window_bounds = array<i64: 2000, 128>}, {pipeline_mode = #tpu.pipeline_mode<synchronous>, transform_indices = @transform_2, window_bounds = array<i64: 1, 64>}, {pipeline_mode = #tpu.pipeline_mode<synchronous>, transform_indices = @transform_3, window_bounds = array<i64: 1, 64>}, {transform_indices = @transform_4, window_bounds = array<i64: 2000, 2>}]} {
    %get3A = arith.constant 0 : index
    %get3A_0 = arith.constant 0 : index
    %get3A_1 = vector.load %arg1[%get3A, %get3A_0] : memref<2000x128xf32, #tpu.memory_space<vmem>>, vector<2000x64xf32>
    %get3A_2 = arith.constant 0 : index
    %get3A_3 = arith.constant 64 : index
    %get3A_4 = vector.load %arg1[%get3A_2, %get3A_3] : memref<2000x128xf32, #tpu.memory_space<vmem>>, vector<2000x64xf32>
    %add3A = arith.addf %get3A_1, %get3A_4 : vector<2000x64xf32>
    %get3A_5 = arith.constant 0 : index
    %get3A_6 = arith.constant 0 : index
    %get3A_7 = vector.load %arg2[%get3A_5, %get3A_6] : memref<2000x128xf32, #tpu.memory_space<vmem>>, vector<2000x64xf32>
    %add3A_8 = arith.addf %add3A, %get3A_7 : vector<2000x64xf32>
    %get3A_9 = arith.constant 0 : index
    %get3A_10 = arith.constant 0 : index
    %get3A_11 = vector.load %arg4[%get3A_9, %get3A_10] : memref<1x64xf32, #tpu.memory_space<vmem>>, vector<1x64xf32>
    %add3A_12 = vector.broadcast %get3A_11 : vector<1x64xf32> to vector<2000x64xf32>
    %add3A_13 = arith.addf %add3A_8, %add3A_12 : vector<2000x64xf32>
    %ge3A = arith.constant 0.000000e+00 : f32
    %ge3A_14 = vector.broadcast %ge3A : f32 to vector<2000x64xf32>
    %ge3A_15 = arith.cmpf oge, %add3A_13, %ge3A_14 : vector<2000x64xf32>
    %mul3A = arith.constant 0.00999999977 : f32
    %mul3A_16 = vector.broadcast %mul3A : f32 to vector<2000x64xf32>
    %mul3A_17 = arith.mulf %mul3A_16, %add3A_13 : vector<2000x64xf32>
    %select_n3A = arith.select %ge3A_15, %add3A_13, %mul3A_17 : vector<2000x64xi1>, vector<2000x64xf32>
    %reshape3A = vector.shape_cast %select_n3A : vector<2000x64xf32> to vector<2000x2x32xf32>
    %get3A_18 = arith.constant 0 : index
    %get3A_19 = arith.constant 0 : index
    %get3A_20 = vector.load %arg3[%get3A_18, %get3A_19] : memref<1x64xf32, #tpu.memory_space<vmem>>, vector<1x64xf32>
    %reshape3A_21 = vector.shape_cast %get3A_20 : vector<1x64xf32> to vector<1x2x32xf32>
    %mul3A_22 = vector.broadcast %reshape3A_21 : vector<1x2x32xf32> to vector<2000x2x32xf32>
    %mul3A_23 = arith.mulf %reshape3A, %mul3A_22 : vector<2000x2x32xf32>
    %reduce_sum3A = arith.constant dense<0.000000e+00> : vector<2000x2xf32>
    %reduce_sum3A_24 = vector.multi_reduction <add>, %mul3A_23, %reduce_sum3A [2] : vector<2000x2x32xf32> to vector<2000x2xf32>
    %exp3A = math.exp %reduce_sum3A_24 : vector<2000x2xf32>
    %swap3A = arith.constant 0 : index
    %swap3A_25 = arith.constant 0 : index
    %swap3A_26 = vector.load %arg5[%swap3A, %swap3A_25] : memref<2000x2xf32, #tpu.memory_space<vmem>>, vector<2000x2xf32>
    tpu.vector_store %arg5[%swap3A, %swap3A_25], %exp3A {strides = array<i32>} : memref<2000x2xf32, #tpu.memory_space<vmem>>, vector<2000x2xf32>,
    return
  }
  func.func @transform_0(%arg0: i32) -> (i32, i32) {
    %c0_i32 = arith.constant 0 : i32
    %c0_i32_0 = arith.constant 0 : i32
    return %arg0, %c0_i32 : i32, i32
  }
  func.func @transform_1(%arg0: i32) -> (i32, i32) {
    %c0_i32 = arith.constant 0 : i32
    %c0_i32_0 = arith.constant 0 : i32
    return %arg0, %c0_i32 : i32, i32
  }
  func.func @transform_2(%arg0: i32) -> (i32, i32) {
    %c0_i32 = arith.constant 0 : i32
    %c0_i32_0 = arith.constant 0 : i32
    %c0_i32_1 = arith.constant 0 : i32
    return %c0_i32, %c0_i32_0 : i32, i32
  }
  func.func @transform_3(%arg0: i32) -> (i32, i32) {
    %c0_i32 = arith.constant 0 : i32
    %c0_i32_0 = arith.constant 0 : i32
    %c0_i32_1 = arith.constant 0 : i32
    return %c0_i32, %c0_i32_0 : i32, i32
  }
  func.func @transform_4(%arg0: i32) -> (i32, i32) {
    %c0_i32 = arith.constant 0 : i32
    %c0_i32_0 = arith.constant 0 : i32
    return %arg0, %c0_i32 : i32, i32
  }
}

module attributes {stable_mosaic.version = 14 : i64} {
  func.func @sgt_body(%arg0: i32, %arg1: memref<2000x2xf32, #tpu.memory_space<vmem>>, %arg2: memref<2000x128xf32, #tpu.memory_space<vmem>>) attributes {dimension_semantics = [#tpu.dimension_semantics<arbitrary>], iteration_bounds = array<i64: 5>, scalar_prefetch = 0 : i64, scratch_operands = 0 : i64, tpu.core_type = #tpu.core_type<tc>, window_params = [{transform_indices = @transform_0, window_bounds = array<i64: 2000, 2>}, {transform_indices = @transform_1, window_bounds = array<i64: 2000, 128>}]} {
    %get3A = arith.constant 0 : index
    %get3A_0 = arith.constant 0 : index
    %get3A_1 = vector.load %arg1[%get3A, %get3A_0] : memref<2000x2xf32, #tpu.memory_space<vmem>>, vector<2000x2xf32>
    %jit3A = arith.constant 0 : i32
    %convert_element_type3A = arith.sitofp %jit3A : i32 to f32
    %pad3A = vector.broadcast %convert_element_type3A : f32 to vector<2000x126xf32>
    %pad3A_2 = tpu.concatenate %get3A_1, %pad3A in 1 : vector<2000x2xf32>, vector<2000x126xf32> -> vector<2000x128xf32>
    %swap3A = arith.constant 0 : index
    %swap3A_3 = arith.constant 0 : index
    %swap3A_4 = vector.load %arg2[%swap3A, %swap3A_3] : memref<2000x128xf32, #tpu.memory_space<vmem>>, vector<2000x128xf32>
    tpu.vector_store %arg2[%swap3A, %swap3A_3], %pad3A_2 {strides = array<i32>} : memref<2000x128xf32, #tpu.memory_space<vmem>>, vector<2000x128xf32>,
    return
  }
  func.func @transform_0(%arg0: i32) -> (i32, i32) {
    %c0_i32 = arith.constant 0 : i32
    %c0_i32_0 = arith.constant 0 : i32
    return %arg0, %c0_i32 : i32, i32
  }
  func.func @transform_1(%arg0: i32) -> (i32, i32) {
    %c0_i32 = arith.constant 0 : i32
    %c0_i32_0 = arith.constant 0 : i32
    return %arg0, %c0_i32 : i32, i32
  }
}

module attributes {stable_mosaic.version = 14 : i64} {
  func.func @wm_body(%arg0: i32, %arg1: memref<2000x128xf32, #tpu.memory_space<vmem>>, %arg2: memref<2000x2xf32, #tpu.memory_space<vmem>>, %arg3: memref<2000x128xf32, #tpu.memory_space<vmem>>) attributes {dimension_semantics = [#tpu.dimension_semantics<arbitrary>], iteration_bounds = array<i64: 320>, scalar_prefetch = 0 : i64, scratch_operands = 0 : i64, tpu.core_type = #tpu.core_type<tc>, window_params = [{transform_indices = @transform_0, window_bounds = array<i64: 2000, 128>}, {transform_indices = @transform_1, window_bounds = array<i64: 2000, 2>}, {transform_indices = @transform_2, window_bounds = array<i64: 2000, 128>}]} {
    %get3A = arith.constant 0 : index
    %get3A_0 = arith.constant 0 : index
    %get3A_1 = vector.load %arg2[%get3A, %get3A_0] : memref<2000x2xf32, #tpu.memory_space<vmem>>, vector<2000x2xf32>
    %get3A_2 = arith.constant 0 : index
    %get3A_3 = arith.constant 0 : index
    %get3A_4 = vector.load %arg1[%get3A_2, %get3A_3] : memref<2000x128xf32, #tpu.memory_space<vmem>>, vector<2000x32xf32>
    %slice3A = vector.extract_strided_slice %get3A_1 {offsets = [0, 0], sizes = [2000, 1], strides = [1, 1]} : vector<2000x2xf32> to vector<2000x1xf32>
    %mul3A = vector.broadcast %slice3A : vector<2000x1xf32> to vector<2000x32xf32>
    %mul3A_5 = arith.mulf %get3A_4, %mul3A : vector<2000x32xf32>
    %get3A_6 = arith.constant 0 : index
    %get3A_7 = arith.constant 32 : index
    %get3A_8 = vector.load %arg1[%get3A_6, %get3A_7] : memref<2000x128xf32, #tpu.memory_space<vmem>>, vector<2000x32xf32>
    %slice3A_9 = vector.extract_strided_slice %get3A_1 {offsets = [0, 1], sizes = [2000, 1], strides = [1, 1]} : vector<2000x2xf32> to vector<2000x1xf32>
    %mul3A_10 = vector.broadcast %slice3A_9 : vector<2000x1xf32> to vector<2000x32xf32>
    %mul3A_11 = arith.mulf %get3A_8, %mul3A_10 : vector<2000x32xf32>
    %get3A_12 = arith.constant 0 : index
    %get3A_13 = arith.constant 64 : index
    %get3A_14 = vector.load %arg1[%get3A_12, %get3A_13] : memref<2000x128xf32, #tpu.memory_space<vmem>>, vector<2000x64xf32>
    %concatenate3A = tpu.concatenate %mul3A_5, %mul3A_11, %get3A_14 in 1 : vector<2000x32xf32>, vector<2000x32xf32>, vector<2000x64xf32> -> vector<2000x128xf32>
    %swap3A = arith.constant 0 : index
    %swap3A_15 = arith.constant 0 : index
    %swap3A_16 = vector.load %arg3[%swap3A, %swap3A_15] : memref<2000x128xf32, #tpu.memory_space<vmem>>, vector<2000x128xf32>
    tpu.vector_store %arg3[%swap3A, %swap3A_15], %concatenate3A {strides = array<i32>} : memref<2000x128xf32, #tpu.memory_space<vmem>>, vector<2000x128xf32>,
    return
  }
  func.func @transform_0(%arg0: i32) -> (i32, i32) {
    %c0_i32 = arith.constant 0 : i32
    %c0_i32_0 = arith.constant 0 : i32
    return %arg0, %c0_i32 : i32, i32
  }
  func.func @transform_1(%arg0: i32) -> (i32, i32) {
    %c0_i32 = arith.constant 0 : i32
    %c0_i32_0 = arith.constant 0 : i32
    return %arg0, %c0_i32 : i32, i32
  }
  func.func @transform_2(%arg0: i32) -> (i32, i32) {
    %c0_i32 = arith.constant 0 : i32
    %c0_i32_0 = arith.constant 0 : i32
    return %arg0, %c0_i32 : i32, i32
  }
}

module attributes {stable_mosaic.version = 14 : i64} {
  func.func @fin_body(%arg0: i32, %arg1: memref<2000x128xf32, #tpu.memory_space<vmem>>, %arg2: memref<2000x2xf32, #tpu.memory_space<vmem>>, %arg3: memref<2000x2xf32, #tpu.memory_space<vmem>>, %arg4: memref<2000x128xf32, #tpu.memory_space<vmem>>, %arg5: memref<2000x32xf32, #tpu.memory_space<vmem>>) attributes {dimension_semantics = [#tpu.dimension_semantics<arbitrary>], iteration_bounds = array<i64: 80>, scalar_prefetch = 0 : i64, scratch_operands = 0 : i64, tpu.core_type = #tpu.core_type<tc>, window_params = [{transform_indices = @transform_0, window_bounds = array<i64: 2000, 128>}, {transform_indices = @transform_1, window_bounds = array<i64: 2000, 2>}, {transform_indices = @transform_2, window_bounds = array<i64: 2000, 2>}, {transform_indices = @transform_3, window_bounds = array<i64: 2000, 128>}, {transform_indices = @transform_4, window_bounds = array<i64: 2000, 32>}]} {
    %get3A = arith.constant 0 : index
    %get3A_0 = arith.constant 0 : index
    %get3A_1 = vector.load %arg2[%get3A, %get3A_0] : memref<2000x2xf32, #tpu.memory_space<vmem>>, vector<2000x2xf32>
    %max3A = arith.constant 1.000000e-30 : f32
    %max3A_2 = vector.broadcast %max3A : f32 to vector<2000x2xf32>
    %max3A_3 = arith.maximumf %get3A_1, %max3A_2 : vector<2000x2xf32>
    %get3A_4 = arith.constant 0 : index
    %get3A_5 = arith.constant 0 : index
    %get3A_6 = vector.load %arg1[%get3A_4, %get3A_5] : memref<2000x128xf32, #tpu.memory_space<vmem>>, vector<2000x64xf32>
    %reshape3A = vector.shape_cast %get3A_6 : vector<2000x64xf32> to vector<2000x2x32xf32>
    %get3A_7 = arith.constant 0 : index
    %get3A_8 = arith.constant 64 : index
    %get3A_9 = vector.load %arg1[%get3A_7, %get3A_8] : memref<2000x128xf32, #tpu.memory_space<vmem>>, vector<2000x64xf32>
    %reshape3A_10 = vector.shape_cast %get3A_9 : vector<2000x64xf32> to vector<2000x2x32xf32>
    %get3A_11 = arith.constant 0 : index
    %get3A_12 = arith.constant 0 : index
    %get3A_13 = vector.load %arg3[%get3A_11, %get3A_12] : memref<2000x2xf32, #tpu.memory_space<vmem>>, vector<2000x2xf32>
    %get3A_14 = arith.constant 0 : index
    %get3A_15 = arith.constant 0 : index
    %get3A_16 = vector.load %arg4[%get3A_14, %get3A_15] : memref<2000x128xf32, #tpu.memory_space<vmem>>, vector<2000x2xf32>
    %div3A = arith.divf %get3A_13, %get3A_16 : vector<2000x2xf32>
    %broadcast_in_dim3A = vector.shape_cast %max3A_3 : vector<2000x2xf32> to vector<2000x2x1xf32>
    %div3A_17 = vector.broadcast %broadcast_in_dim3A : vector<2000x2x1xf32> to vector<2000x2x32xf32>
    %div3A_18 = arith.divf %reshape3A, %div3A_17 : vector<2000x2x32xf32>
    %broadcast_in_dim3A_19 = vector.shape_cast %div3A : vector<2000x2xf32> to vector<2000x2x1xf32>
    %mul3A = vector.broadcast %broadcast_in_dim3A_19 : vector<2000x2x1xf32> to vector<2000x2x32xf32>
    %mul3A_20 = arith.mulf %reshape3A_10, %mul3A : vector<2000x2x32xf32>
    %ge3A = arith.constant 0.000000e+00 : f32
    %ge3A_21 = vector.broadcast %ge3A : f32 to vector<2000x2x32xf32>
    %ge3A_22 = arith.cmpf oge, %div3A_18, %ge3A_21 : vector<2000x2x32xf32>
    %mul3A_23 = arith.constant 0.00999999977 : f32
    %mul3A_24 = vector.broadcast %mul3A_23 : f32 to vector<2000x2x32xf32>
    %mul3A_25 = arith.mulf %mul3A_24, %div3A_18 : vector<2000x2x32xf32>
    %select_n3A = arith.select %ge3A_22, %div3A_18, %mul3A_25 : vector<2000x2x32xi1>, vector<2000x2x32xf32>
    %reduce_sum3A = arith.constant dense<0.000000e+00> : vector<2000x32xf32>
    %reduce_sum3A_26 = vector.multi_reduction <add>, %select_n3A, %reduce_sum3A [1] : vector<2000x2x32xf32> to vector<2000x32xf32>
    %ge3A_27 = arith.constant 0.000000e+00 : f32
    %ge3A_28 = vector.broadcast %ge3A_27 : f32 to vector<2000x2x32xf32>
    %ge3A_29 = arith.cmpf oge, %mul3A_20, %ge3A_28 : vector<2000x2x32xf32>
    %mul3A_30 = arith.constant 0.00999999977 : f32
    %mul3A_31 = vector.broadcast %mul3A_30 : f32 to vector<2000x2x32xf32>
    %mul3A_32 = arith.mulf %mul3A_31, %mul3A_20 : vector<2000x2x32xf32>
    %select_n3A_33 = arith.select %ge3A_29, %mul3A_20, %mul3A_32 : vector<2000x2x32xi1>, vector<2000x2x32xf32>
    %reduce_sum3A_34 = arith.constant dense<0.000000e+00> : vector<2000x32xf32>
    %reduce_sum3A_35 = vector.multi_reduction <add>, %select_n3A_33, %reduce_sum3A_34 [1] : vector<2000x2x32xf32> to vector<2000x32xf32>
    %add3A = arith.addf %reduce_sum3A_26, %reduce_sum3A_35 : vector<2000x32xf32>
    %swap3A = arith.constant 0 : index
    %swap3A_36 = arith.constant 0 : index
    %swap3A_37 = vector.load %arg5[%swap3A, %swap3A_36] : memref<2000x32xf32, #tpu.memory_space<vmem>>, vector<2000x32xf32>
    tpu.vector_store %arg5[%swap3A, %swap3A_36], %add3A {strides = array<i32>} : memref<2000x32xf32, #tpu.memory_space<vmem>>, vector<2000x32xf32>,
    return
  }
  func.func @transform_0(%arg0: i32) -> (i32, i32) {
    %c0_i32 = arith.constant 0 : i32
    %c0_i32_0 = arith.constant 0 : i32
    return %arg0, %c0_i32 : i32, i32
  }
  func.func @transform_1(%arg0: i32) -> (i32, i32) {
    %c0_i32 = arith.constant 0 : i32
    %c0_i32_0 = arith.constant 0 : i32
    return %arg0, %c0_i32 : i32, i32
  }
  func.func @transform_2(%arg0: i32) -> (i32, i32) {
    %c0_i32 = arith.constant 0 : i32
    %c0_i32_0 = arith.constant 0 : i32
    return %arg0, %c0_i32 : i32, i32
  }
  func.func @transform_3(%arg0: i32) -> (i32, i32) {
    %c0_i32 = arith.constant 0 : i32
    %c0_i32_0 = arith.constant 0 : i32
    return %arg0, %c0_i32 : i32, i32
  }
  func.func @transform_4(%arg0: i32) -> (i32, i32) {
    %c0_i32 = arith.constant 0 : i32
    %c0_i32_0 = arith.constant 0 : i32
    return %arg0, %c0_i32 : i32, i32
  }
}

</mosaic_0001>

<sc_bundles>
// kernel: kernel.15.cloned.1.call-start
scs
__scs_entry_jumppad:
0x0: {  	(pc) =	sbr.rel $0x88, $3  }
0x1: {  	(tag) =	ssettag $0x0;
	lr =	simm.s32 $0x1  }
0x2: {  	[smem:$0x3F8E] =	sst lr;
	_ =	strace $0xD0000000  }
0x3: {  	_ = 	snop  }
0x4: {  	_ = 	snop  }
0x5: {  	_ = 	snop  }
0x6: {  	_ = 	snop  }
0x7: {  	_ = 	snop  }
__scs_overlays_trampoline_lowered:
0x8: {  	[smem:$0x3F9D] =	sst s0  }
0x9: {  	[smem:$0x3F9E] =	sst s1  }
0xa: {  	[smem:$0x3F9F] =	sst s2  }
0xb: {  	[smem:$0x3FA0] =	sst s3  }
0xc: {  	[smem:$0x3FA1] =	sst s4  }
0xd: {  	[smem:$0x3FA2] =	sst s5  }
0xe: {  	[smem:$0x3FA3] =	sst s6  }
0xf: {  	[smem:$0x3FA4] =	sst s7  }
0x10: {  	[smem:$0x3FA5] =	sst s8  }
0x11: {  	[smem:$0x3FA6] =	sst s9;
	s0 =	simm.s32 @!p0 $0x0  }
0x12: {  	s1 =	sld [smem:$0x3F8C];
	s0 =	simm.s32 @p0 $0x1  }
0x13: {  	[smem:$0x3FA7] =	sst s0;
	s0 =	simm.s32 @!p1 $0x0  }
0x14: {  	s2 =	sld [smem:$0x3F8B];
	s0 =	simm.s32 @p1 $0x1  }
0x15: {  	[smem:$0x3FA8] =	sst s0;
	s0 =	simm.s32 @!p2 $0x0  }
0x16: {  	s3 =	sld [smem:$0x3FDB];
	s0 =	simm.s32 @p2 $0x1  }
0x17: {  	s4 =	simm.s32 $0x1BF5;
	[smem:$0x3FAA] =	sst s0  }
0x18: {  	s0 =	sld [smem:$0x3F8D];
	_ =	swait.ge [sflag:s4], $0x0  }
0x19: {  	s7 =	sld [smem:$0x3F8E]  }
0x1a: {  	s8 =	sadd.s32 $0xFFFFE003, lr  }
0x1b: {  	s9 =	sadd.s32 $0xFFFFFEF7, lr;
	s5 =	simm.s32 $0xFFFFFFFF;
	p2 =	slt.u32 s8, $0xFFFFF086  }
0x1c: {  	p1 =	slt.u32 s9, $0xF7A;
	s5 =	simm.s32 @!p2 $0x0  }
0x1d: {  	s5 =	simm.s32 @p1 $0x1;
	p0 =	seq.s32 s7, s2  }
0x1e: {  	s7 =	smul.u32 @!p0 $0xF7A, s2;
	p2 =	seq.s32 @!p0 s5, $0x0  }
0x1f: {  	s9 =	smul.u32 $0xF7A, s1;
	s8 =	simm.s32 @!p0 $0x1BF5;
	p2 =	por !p2, p0  }
0x20: {  	[sflag:s8] =	ssyncset.s32 @!p0 $0xFFFFF086;
	s6 =	sadd.s32 @!p0 s3, s7;
	s7 =	simm.s32 @!p0 $0x108  }
0x21: {  	s3 =	sadd.s32 s3, s9;
	s6 =	sadd.s32 @!p0 $0x88, s6;
	s7 =	simm.s32 @p2 $0x1082  }
0x22: {  	[simem:s7], [sflag:s8] =	dma.local @!p0 [hbm:s6], $0xF7A  }
0x23: {  	s9 =	sor.u32 $0xD0000000, s2;
	s6 =	simm.s32 $0x108;
	_ =	swait.ge @!p0 [sflag:s8], $0x0  }
0x24: {  	s3 =	sadd.s32 $0x88, s3;
	s6 =	simm.s32 @!p1 $0x1082;
	[sflag:s4] =	ssyncset.s32 $0xFFFFF086  }
0x25: {  	[simem:s6], [sflag:s4] =	dma.local [hbm:s3], $0xF7A  }
0x26: {  	[smem:$0x3F8E] =	sst s1;
	(tag) =	ssettag s2;
	_ =	strace s9  }
0x27: {  	s1 =	sld [smem:$0x3F9E]  }
0x28: {  	s2 =	sld [smem:$0x3F9F]  }
0x29: {  	s4 =	sld [smem:$0x3FA1]  }
0x2a: {  	p0 =	seq.s32 s5, $0x0;
	s5 =	sld [smem:$0x3FA2]  }
0x2b: {  	s6 =	sld [smem:$0x3FA3]  }
0x2c: {  	s7 =	sld [smem:$0x3FA4]  }
0x2d: {  	s3 =	simm.s32 $0x108;
	s8 =	sld [smem:$0x3FA5]  }
0x2e: {  	s3 =	simm.s32 @!p0 $0x1082;
	s9 =	sld [smem:$0x3FA6]  }
0x2f: {  	lr =	sadd.s32 s0, s3;
	s0 =	sld [smem:$0x3F9D]  }
0x30: {  	s3 =	sld [smem:$0x3FA0]  }
0x31: {  	[smem:$0x3FA9] =	sst s10  }
0x32: {  	s10 =	sld [smem:$0x3FA7];
	_ =	sdelay $0x3  }
0x33: {  	p0 =	seq.s32 s10, $0x1;
	s10 =	sld [smem:$0x3FA9];
	_ =	sdelay $0x3  }
0x34: {  	[smem:$0x3FA9] =	sst s10  }
0x35: {  	s10 =	sld [smem:$0x3FA8];
	_ =	sdelay $0x3  }
0x36: {  	p1 =	seq.s32 s10, $0x1;
	s10 =	sld [smem:$0x3FA9];
	_ =	sdelay $0x3  }
0x37: {  	[smem:$0x3FA9] =	sst s10  }
0x38: {  	s10 =	sld [smem:$0x3FAA]  }
0x39: {  	_ = 	snop;
	(pc) =	sbr.ind lr, $3  }
0x3a: {  	_ = 	snop  }
0x3b: {  	_ = 	snop  }
0x3c: {  	p2 =	seq.s32 s10, $0x1;
	s10 =	sld [smem:$0x3FA9]  }
0x3d: {  	_ =	shalt  }
0x3e: {  	_ =	shalt  }
0x3f: {  	_ =	shalt  }
0x40: {  	_ =	shalt  }
0x41: {  	_ =	shalt  }
0x42: {  	_ =	shalt  }
0x43: {  	_ =	shalt  }
0x44: {  	_ =	shalt  }
0x45: {  	_ =	shalt  }
0x46: {  	_ =	shalt  }
0x47: {  	_ =	shalt  }
0x48: {  	_ =	shalt  }
0x49: {  	_ =	shalt  }
0x4a: {  	_ =	shalt  }
0x4b: {  	_ =	shalt  }
0x4c: {  	_ =	shalt  }
0x4d: {  	_ =	shalt  }
0x4e: {  	_ =	shalt  }
0x4f: {  	_ =	shalt  }
0x50: {  	_ =	shalt  }
0x51: {  	_ =	shalt  }
0x52: {  	_ =	shalt  }
0x53: {  	_ =	shalt  }
0x54: {  	_ =	shalt  }
0x55: {  	_ =	shalt  }
0x56: {  	_ =	shalt  }
0x57: {  	_ =	shalt  }
0x58: {  	_ =	shalt  }
0x59: {  	_ =	shalt  }
0x5a: {  	_ =	shalt  }
0x5b: {  	_ =	shalt  }
0x5c: {  	_ =	shalt  }
0x5d: {  	_ =	shalt  }
0x5e: {  	_ =	shalt  }
0x5f: {  	_ =	shalt  }
0x60: {  	_ =	shalt  }
0x61: {  	_ =	shalt  }
0x62: {  	_ =	shalt  }
0x63: {  	_ =	shalt  }
0x64: {  	_ =	shalt  }
0x65: {  	_ =	shalt  }
0x66: {  	_ =	shalt  }
0x67: {  	_ =	shalt  }
0x68: {  	_ =	shalt  }
0x69: {  	_ =	shalt  }
0x6a: {  	_ =	shalt  }
0x6b: {  	_ =	shalt  }
0x6c: {  	_ =	shalt  }
0x6d: {  	_ =	shalt  }
0x6e: {  	_ =	shalt  }
0x6f: {  	_ =	shalt  }
0x70: {  	_ =	shalt  }
0x71: {  	_ =	shalt  }
0x72: {  	_ =	shalt  }
0x73: {  	_ =	shalt  }
0x74: {  	_ =	shalt  }
0x75: {  	_ =	shalt  }
0x76: {  	_ =	shalt  }
0x77: {  	_ =	shalt  }
0x78: {  	_ =	shalt  }
0x79: {  	_ =	shalt  }
0x7a: {  	_ =	shalt  }
0x7b: {  	_ =	shalt  }
0x7c: {  	_ =	shalt  }
0x7d: {  	_ =	shalt  }
0x7e: {  	_ =	shalt  }
0x7f: {  	_ =	shalt  }
0x80: {  	_ =	shalt  }
0x81: {  	_ =	shalt  }
0x82: {  	_ =	shalt  }
0x83: {  	_ =	shalt  }
0x84: {  	_ =	shalt  }
0x85: {  	_ =	shalt  }
0x86: {  	_ =	shalt  }
0x87: {  	_ =	shalt  }
.Lfunc_end0:
.L_simem_size_0:
called_computation.5_lowered:
.L_overlay_start_0:
0x88: {  	s2 =	sld [smem:$0x3FD9]  }
0x89: {  	s3 =	sld [smem:$0x3FFE];
	_ =	sdelay $0x1  }
0x8a: {  	s1 =	srdreg.scid  }
0x8b: {  	s0 =	sand.u32 $0x1, s1  }
0x8c: {  	s17 =	sshll.u32 s0, $0xA;
	s2 =	sadd.s32 s3, s2  }
0x8d: {  	s2 =	sadd.s32 s2, s17  }
0x8e: {  	[smem:$0x3FB5] =	sst s2  }
0x8f: {  	_ = 	snop  }
0x90: {  	(tm) =	ssettm $0x1  }
0x91: {  	s18 =	sld [smem:$0x3FFB];
	_ =	sdelay $0x3  }
0x92: {  	_ =	strace s18  }
0x93: {  	s2 =	sld [smem:$0x3FFC];
	_ =	sdelay $0x3  }
0x94: {  	_ =	strace s2  }
0x95: {  	s2 =	sld [smem:$0x3FFD];
	_ =	sdelay $0x3  }
0x96: {  	_ =	strace s2  }
0x97: {  	_ =	strace $0x8FFFFFFF  }
0x98: {  	s19 =	sld [smem:$0x3FDB];
	_ =	sdelay $0x1  }
0x99: {  	s20 =	simm.s32 $_scs_section_size  }
0x9a: {  	s4 =	simm.s32 $_size__tile_overlayer_lowered;
	s5 =	simm.s32 $_tile_overlayer_lowered  }
0x9b: {  	s6 =	simm.s32 $0x1BFF;
	s21 =	sshll.u32 s5, $0x1;
	s3 =	sadd.s32 s20, s19  }
0x9c: {  	s22 =	simm.s32 $0x0;
	s4 =	sshll.u32 s4, $0x1;
	s5 =	sadd.s32 s21, s3  }
0x9d: {  	[timem:s22], [sflag:s6] =	dma.local [hbm:s5], s4  }
0x9e: {  	_ =	swait.ge [sflag:s6], s4  }
0x9f: {  	s4 =	ssub.s32 $0x0, s4;
	[sflag:s6] =	ssyncset.done $0x0  }
0xa0: {  	[sflag:s6] =	ssyncadd.s32 s4;
	_ =	sdelay $0x1  }
0xa1: {  	s23 =	simm.s32 $0x1B8B  }
0xa2: {  	_ =	swait.ge [sflag:s23], $0x1  }
0xa3: {  	[sflag:s23] =	ssyncset.done $0x0  }
0xa4: {  	[sflag:s23] =	ssyncadd.s32 $0xFFFFFFFF  }
0xa5: {  	s4 =	sld [smem:$0x0]  }
0xa6: {  	s5 =	sand.u32 $0xFFFFFFFE, s1  }
0xa7: {  	p0 =	sne.s32 s1, s5  }
0xa8: {  	s5 =	sshll.u32 @p0 s5, $0xE  }
0xa9: {  	s5 =	sadd.s32 @p0 $0x11B8D, s5;
	s6 =	sshll.u32 @p0 s4, $0x11  }
0xaa: {  	s5 =	sor.u32 @p0 s6, s5  }
0xab: {  	[sflag:s5] =	ssyncadd.remote.s32 @p0 $0x1;
	_ =	sdelay $0x1  }
0xac: {  	s5 =	simm.s32 @p0 $0x1B8D  }
0xad: {  	_ =	swait.eq @p0 [sflag:s5], $0x1  }
0xae: {  	[sflag:s5] =	ssyncadd.s32 @p0 $0xFFFFFFFF  }
0xaf: {  	s6 =	sshll.u32 @!p0 s1, $0xE  }
0xb0: {  	s6 =	sor.u32 @!p0 $0x4000, s6;
	s5 =	simm.s32 @!p0 $0x1B8D  }
0xb1: {  	s4 =	sshll.u32 @!p0 s4, $0x11;
	s6 =	sadd.s32 @!p0 $0x11B8D, s6;
	_ =	swait.eq @!p0 [sflag:s5], $0x1  }
0xb2: {  	s4 =	sor.u32 @!p0 s4, s6;
	[sflag:s5] =	ssyncadd.s32 @!p0 $0xFFFFFFFF  }
0xb3: {  	s25 =	simm.s32 $0x1B8E;
	s24 =	sld [smem:$0x3FFE];
	[sflag:s4] =	ssyncadd.remote.s32 @!p0 $0x1  }
0xb4: {  	s26 =	simm.s32 $execute0_lowered;
	[smem:$0x3FD2] =	sst s25  }
0xb5: {  	s5 =	sshll.u32 s26, $0x1;
	_ =	strace $0x8000004F;
	[dreg:$0x1] =	wrdreg $0xFFFFFFFF  }
0xb6: {  	s28 =	simm.s32 $_size_execute0_lowered;
	s3 =	sadd.s32 s3, s5;
	[dreg:$0x0] =	wrdreg $0x0  }
0xb7: {  	s5 =	sshll.u32 s28, $0x1;
	[dreg:$0x2] =	wrdreg s3  }
0xb8: {  	[dreg:$0x3] =	wrdreg s5  }
0xb9: {  	[dreg:$0x4] =	wrdreg $0xC0  }
0xba: {  	_ =	task [dreg:s22], $0x5FFFF  }
0xbb: {  	[dreg:$0x1] =	wrdreg $0xFFFFFFFF  }
0xbc: {  	[dreg:$0x0] =	wrdreg $0x60  }
0xbd: {  	[dreg:$0x2] =	wrdreg s24  }
0xbe: {  	[dreg:$0x3] =	wrdreg $0xA  }
0xbf: {  	_ =	task.clear_ibuf [dreg:s22], $0x4FFFF;
	_ =	strace $0x9000004F  }
0xc0: {  	s29 =	simm.s32 $0xA;
	_ =	strace $0x80000051  }
0xc1: {  	_ =	swait.ge [sflag:s29], $0x1  }
0xc2: {  	[sflag:s29] =	ssyncadd.s32 $0xFFFFFFFF  }
0xc3: {  	_ =	strace $0x90000051  }
0xc4: {  	_ =	sfence  }
0xc5: {  	s30 =	sld [smem:$0x0];
	_ =	sdelay $0x2  }
0xc6: {  	s31 =	sshll.u32 s1, $0xD;
	s1 =	sshrl.u32 s1, $0x2  }
0xc7: {  	s4 =	sand.u32 $0x4000, s31;
	s1 =	sadd.s32 s1, s30  }
0xc8: {  	s0 =	sor.u32 s4, s0;
	s1 =	sshll.u32 s1, $0x11  }
0xc9: {  	s0 =	sor.u32 s1, s0  }
0xca: {  	s0 =	sadd.s32 $0x8F2B, s0  }
0xcb: {  	[sflag:s0] =	ssyncadd.remote.s32 $0x1  }
0xcc: {  	_ =	sfence.sel $0xFFFF  }
0xcd: {  	[dreg:$0x0] =	wrdreg $0xFFFFFFFF;
	(pc) =	sbr.abs _section_cstart, $3  }
0xce: {  	[dreg:$0x1] =	wrdreg $0xFFFFFFFF  }
0xcf: {  	_ =	task.clear_ibuf [dreg:s22], $0x2FFFF;
	_ =	strace $0x9FFFFFFF  }
0xd0: {  	(tm) =	ssettm $0x7FFFFFFF  }
0xd1: {  	_ =	shalt  }
tec
execute0_lowered:
.L_overlay_start_1:
0x0: {  	(tag) =	ssettag $0x1  }
0x1: {  	s5 =	rddreg [dreg:$0x0]  }
0x2: {  	s0 =	rddreg [dreg:$0x1]  }
0x3: {  	s2 =	simm.s32 $0x0;
	s3 =	srdreg.scid;
	s1 =	stileid.u32  }
0x4: {  	s11 =	simm.s32 $0xC8;
	s12 =	simm.s32 $0x200;
	s13 =	simm.s32 $0x1  }
0x5: {  	s6 =	sand.u32 $0x1, s3;
	s7 =	smul.u32 $0x9C40, s1;
	s3 =	sadd.s32 $0x1DF9400, s5  }
0x6: {  	[smem:$0x7FF] =	sst s2;
	s9 =	smul.u32 $0x9C400, s1;
	s4 =	sadd.s32 $0x206A400, s5  }
0x7: {  	s14 =	simm.s32 $0x0;
	_ =	strace $0x80000050;
	s8 =	smul.u32 $0x4E20, s6  }
0x8: {  	s10 =	smul.u32 $0x4E200, s6;
	s6 =	ssub.s32 $0x2, s6;
	s29 =	sadd.s32 s9, s5  }
0x9: {  	s30 =	sshrl.u32 s6, $0x1;
	s9 =	simm.s32 $0x2;
	s7 =	sadd.s32 s8, s7  }
0xa: {  	s8 =	sadd.s32 s10, s29;
	s6 =	ssub.s32 s6, s30;
	s7 =	sshrl.u32 s7, $0x3  }
0xb: {  	s10 =	simm.s32 $0x100;
	s31 =	sadd.s32 s7, s5;
	s5 =	sadd.s32 $0x22DB400, s8  }
0xc: {  	s6 =	smax.u32 s6, $0x1;
	s7 =	sadd.s32 $0x163F200, s31;
	s8 =	sadd.s32 $0x162B800, s31  }
.LBB2_1:
0xd: {  	s15 =	sadd.s32 $0x0, s8  }
0xe: {  	[tilespmem:s2], [sflag:$0x2] =	stream.linear.gather [hbm4b:s15+s2], $0xC8, $0x38;
	[tilespmem:$0x6600] =	vst v63  }
0xf: {  	_ =	swait.ge [sflag:s9], $0xC8  }
0x10: {  	[sflag:s9] =	ssyncset.done $0x0  }
0x11: {  	s31 =	sadd.s32 $0x0, s7;
	[sflag:s9] =	ssyncadd.s32 $0xFFFFFF38  }
0x12: {  	[tilespmem:s10], [sflag:$0x2] =	stream.linear.gather [hbm4b:s31+s2], $0xC8, $0x38;
	[tilespmem:$0x6600] =	vst v63  }
0x13: {  	_ =	swait.ge [sflag:s9], $0xC8  }
0x14: {  	[sflag:s9] =	ssyncset.done $0x0  }
0x15: {  	[sflag:s9] =	ssyncadd.s32 $0xFFFFFF38  }
0x16: {  	[tilespmem:s12], [sflag:$0x1] =	stream.indirect.gather [hbm4b:s3+s11], $0x80, s2, s11, $0xb8;
	[tilespmem:$0x6600] =	vst v63  }
0x17: {  	_ =	swait.ge [sflag:s13], $0x6400  }
0x18: {  	[sflag:s13] =	ssyncset.done $0x0  }
0x19: {  	[sflag:s13] =	ssyncadd.s32 $0xFFFF9C00  }
0x1a: {  	[tilespmem:s12], [sflag:$0x1] =	stream.indirect.gather.add.f32 [hbm:s4], $0x80, s10, s11, $0xb8;
	[tilespmem:$0x6600] =	vst v63  }
0x1b: {  	_ =	swait.ge [sflag:s13], $0x6400  }
0x1c: {  	[sflag:s13] =	ssyncset.done $0x0  }
0x1d: {  	[sflag:s13] =	ssyncadd.s32 $0xFFFF9C00  }
0x1e: {  	[hbm4b:s5+s2] =	stream.linear.scatter [tilespmem:s12], [sflag:$0x2], $0x6400, $0x38;
	[tilespmem:$0x6600] =	vst v63  }
0x1f: {  	s16 =	simm.s32 $0x19;
	_ =	swait.ge [sflag:s9], $0x6400  }
0x20: {  	s17 =	simm.s32 $0x32;
	s15 =	sadd.s32 $0xC80, s5;
	[sflag:s9] =	ssyncset.done $0x0  }
.LBB2_2:
0x21: {  	s18 =	sadd.s32 s16, s8  }
0x22: {  	[sflag:s9] =	ssyncadd.s32 $0xFFFF9C00;
	s19 =	smov.u32 s17;
	s20 =	sadd.s32 $0x19, s17  }
0x23: {  	[tilespmem:s2], [sflag:$0x2] =	stream.linear.gather [hbm4b:s18+s2], $0xC8, $0x38;
	[tilespmem:$0x6600] =	vst v63  }
0x24: {  	p0 =	sne.s32 s17, $0x9AB;
	_ =	swait.ge [sflag:s9], $0xC8  }
0x25: {  	[sflag:s9] =	ssyncset.done $0x0  }
0x26: {  	s17 =	sadd.s32 s16, s7;
	s16 =	smov.u32 s19;
	[sflag:s9] =	ssyncadd.s32 $0xFFFFFF38  }
0x27: {  	[tilespmem:s10], [sflag:$0x2] =	stream.linear.gather [hbm4b:s17+s2], $0xC8, $0x38;
	[tilespmem:$0x6600] =	vst v63  }
0x28: {  	_ =	swait.ge [sflag:s9], $0xC8  }
0x29: {  	[sflag:s9] =	ssyncset.done $0x0  }
0x2a: {  	[sflag:s9] =	ssyncadd.s32 $0xFFFFFF38  }
0x2b: {  	[tilespmem:s12], [sflag:$0x1] =	stream.indirect.gather [hbm4b:s3+s11], $0x80, s2, s11, $0xb8;
	[tilespmem:$0x6600] =	vst v63  }
0x2c: {  	_ =	swait.ge [sflag:s13], $0x6400  }
0x2d: {  	[sflag:s13] =	ssyncset.done $0x0  }
0x2e: {  	[sflag:s13] =	ssyncadd.s32 $0xFFFF9C00  }
0x2f: {  	[tilespmem:s12], [sflag:$0x1] =	stream.indirect.gather.add.f32 [hbm:s4], $0x80, s10, s11, $0xb8;
	[tilespmem:$0x6600] =	vst v63  }
0x30: {  	_ =	swait.ge [sflag:s13], $0x6400  }
.Ltmp0:
0x31: {  	[sflag:s13] =	ssyncset.done $0x0;
	(pc) =	sbr.rel @p0 .LBB2_2-.Ltmp0, $4  }
0x32: {  	[sflag:s13] =	ssyncadd.s32 $0xFFFF9C00  }
0x33: {  	[hbm4b:s15+s2] =	stream.linear.scatter [tilespmem:s12], [sflag:$0x2], $0x6400, $0x38;
	[tilespmem:$0x6600] =	vst v63  }
0x34: {  	_ =	swait.ge [sflag:s9], $0x6400  }
0x35: {  	s17 =	smov.u32 s20;
	s15 =	sadd.s32 $0xC80, s15;
	[sflag:s9] =	ssyncset.done $0x0  }
0x36: {  	s17 =	sadd.s32 s16, s8;
	[sflag:s9] =	ssyncadd.s32 $0xFFFF9C00  }
0x37: {  	[tilespmem:s2], [sflag:$0x2] =	stream.linear.gather [hbm4b:s17+s2], $0xC8, $0x38;
	[tilespmem:$0x6600] =	vst v63  }
0x38: {  	_ =	swait.ge [sflag:s9], $0xC8  }
0x39: {  	[sflag:s9] =	ssyncset.done $0x0  }
0x3a: {  	s31 =	sadd.s32 s16, s7;
	[sflag:s9] =	ssyncadd.s32 $0xFFFFFF38  }
0x3b: {  	[tilespmem:s10], [sflag:$0x2] =	stream.linear.gather [hbm4b:s31+s2], $0xC8, $0x38;
	[tilespmem:$0x6600] =	vst v63  }
0x3c: {  	_ =	swait.ge [sflag:s9], $0xC8  }
0x3d: {  	[sflag:s9] =	ssyncset.done $0x0  }
0x3e: {  	[sflag:s9] =	ssyncadd.s32 $0xFFFFFF38  }
0x3f: {  	[tilespmem:s12], [sflag:$0x1] =	stream.indirect.gather [hbm4b:s3+s11], $0x80, s2, s11, $0xb8;
	[tilespmem:$0x6600] =	vst v63  }
0x40: {  	_ =	swait.ge [sflag:s13], $0x6400  }
0x41: {  	[sflag:s13] =	ssyncset.done $0x0  }
0x42: {  	[sflag:s13] =	ssyncadd.s32 $0xFFFF9C00  }
0x43: {  	[tilespmem:s12], [sflag:$0x1] =	stream.indirect.gather.add.f32 [hbm:s4], $0x80, s10, s11, $0xb8;
	[tilespmem:$0x6600] =	vst v63  }
0x44: {  	s14 =	sadd.s32 $0x1, s14;
	_ =	swait.ge [sflag:s13], $0x6400  }
0x45: {  	p0 =	sne.s32 s14, s6;
	[sflag:s13] =	ssyncset.done $0x0  }
.Ltmp1:
0x46: {  	[sflag:s13] =	ssyncadd.s32 $0xFFFF9C00;
	(pc) =	sbr.rel @p0 .LBB2_1-.Ltmp1, $4  }
0x47: {  	[hbm4b:s15+s2] =	stream.linear.scatter [tilespmem:s12], [sflag:$0x2], $0x6400, $0x38;
	[tilespmem:$0x6600] =	vst v63  }
0x48: {  	_ =	swait.ge [sflag:s9], $0x6400  }
0x49: {  	[sflag:s9] =	ssyncset.done $0x0  }
0x4a: {  	[sflag:s9] =	ssyncadd.s32 $0xFFFF9C00  }
0x4b: {  	_ =	sfence.sel $0x180000  }
0x4c: {  	[bflag:$0x0] =	sbarrier.arrive $0xFFFF  }
0x4d: {  	p0 =	sne.s32 s1, $0x0;
	_ =	strace $0x90000050  }
0x4e: {  	s0 =	sadd.s32 @!p0 $0x100000, s0;
	[bflag:$0x2] =	sbarrier.arrive $0xFFFF  }
0x4f: {  	[sflag:s0] =	ssyncadd.tile.s32 @!p0 $0x1;
	_ =	shalt  }
.Lfunc_end2:
_tile_overlayer_lowered:
.L_overlay_start_2:
0x50: {  	(tag) =	ssettag $0x2  }
0x51: {  	s0 =	rddreg [dreg:$0x0];
	s2 =	stileid.u32  }
0x52: {  	s1 =	rddreg [dreg:$0x1];
	p0 =	sne.s32 s2, $0x0  }
0x53: {  	s3 =	rddreg [dreg:$0x2];
	[bflag:$0x3] =	sbarrier.arrive $0xFFFF;
	s2 =	simm.s32 @!p0 $0x1C02  }
0x54: {  	[timem:s3], [sflag:s2] =	dma.local @!p0 [hbm:s0], s1  }
0x55: {  	s0 =	simm.s32 @!p0 $0x2  }
0x56: {  	_ =	swait.ge @!p0 [sflag:s0], s1  }
0x57: {  	s1 =	ssub.s32 @!p0 $0x0, s1;
	[sflag:s0] =	ssyncset.done @!p0 $0x0  }
0x58: {  	[sflag:s0] =	ssyncadd.s32 @!p0 s1  }
0x59: {  	[bflag:$0x3] =	sbarrier.arrive $0xFFFF  }
0x5a: {  	_ =	shalt  }

// kernel: kernel.18.cloned.1.call-start
scs
__scs_entry_jumppad:
0x0: {  	(pc) =	sbr.rel $0x88, $3  }
0x1: {  	(tag) =	ssettag $0x0;
	lr =	simm.s32 $0x1  }
0x2: {  	[smem:$0x3F8E] =	sst lr;
	_ =	strace $0xD0000000  }
0x3: {  	_ = 	snop  }
0x4: {  	_ = 	snop  }
0x5: {  	_ = 	snop  }
0x6: {  	_ = 	snop  }
0x7: {  	_ = 	snop  }
__scs_overlays_trampoline_lowered:
0x8: {  	[smem:$0x3F9D] =	sst s0  }
0x9: {  	[smem:$0x3F9E] =	sst s1  }
0xa: {  	[smem:$0x3F9F] =	sst s2  }
0xb: {  	[smem:$0x3FA0] =	sst s3  }
0xc: {  	[smem:$0x3FA1] =	sst s4  }
0xd: {  	[smem:$0x3FA2] =	sst s5  }
0xe: {  	[smem:$0x3FA3] =	sst s6  }
0xf: {  	[smem:$0x3FA4] =	sst s7  }
0x10: {  	[smem:$0x3FA5] =	sst s8  }
0x11: {  	[smem:$0x3FA6] =	sst s9;
	s0 =	simm.s32 @!p0 $0x0  }
0x12: {  	s1 =	sld [smem:$0x3F8C];
	s0 =	simm.s32 @p0 $0x1  }
0x13: {  	[smem:$0x3FA7] =	sst s0;
	s0 =	simm.s32 @!p1 $0x0  }
0x14: {  	s2 =	sld [smem:$0x3F8B];
	s0 =	simm.s32 @p1 $0x1  }
0x15: {  	[smem:$0x3FA8] =	sst s0;
	s0 =	simm.s32 @!p2 $0x0  }
0x16: {  	s3 =	sld [smem:$0x3FDB];
	s0 =	simm.s32 @p2 $0x1  }
0x17: {  	s4 =	simm.s32 $0x1BF5;
	[smem:$0x3FAA] =	sst s0  }
0x18: {  	s0 =	sld [smem:$0x3F8D];
	_ =	swait.ge [sflag:s4], $0x0  }
0x19: {  	s7 =	sld [smem:$0x3F8E]  }
0x1a: {  	s8 =	sadd.s32 $0xFFFFE003, lr  }
0x1b: {  	s9 =	sadd.s32 $0xFFFFFEF7, lr;
	s5 =	simm.s32 $0xFFFFFFFF;
	p2 =	slt.u32 s8, $0xFFFFF086  }
0x1c: {  	p1 =	slt.u32 s9, $0xF7A;
	s5 =	simm.s32 @!p2 $0x0  }
0x1d: {  	s5 =	simm.s32 @p1 $0x1;
	p0 =	seq.s32 s7, s2  }
0x1e: {  	s7 =	smul.u32 @!p0 $0xF7A, s2;
	p2 =	seq.s32 @!p0 s5, $0x0  }
0x1f: {  	s9 =	smul.u32 $0xF7A, s1;
	s8 =	simm.s32 @!p0 $0x1BF5;
	p2 =	por !p2, p0  }
0x20: {  	[sflag:s8] =	ssyncset.s32 @!p0 $0xFFFFF086;
	s6 =	sadd.s32 @!p0 s3, s7;
	s7 =	simm.s32 @!p0 $0x108  }
0x21: {  	s3 =	sadd.s32 s3, s9;
	s6 =	sadd.s32 @!p0 $0x88, s6;
	s7 =	simm.s32 @p2 $0x1082  }
0x22: {  	[simem:s7], [sflag:s8] =	dma.local @!p0 [hbm:s6], $0xF7A  }
0x23: {  	s9 =	sor.u32 $0xD0000000, s2;
	s6 =	simm.s32 $0x108;
	_ =	swait.ge @!p0 [sflag:s8], $0x0  }
0x24: {  	s3 =	sadd.s32 $0x88, s3;
	s6 =	simm.s32 @!p1 $0x1082;
	[sflag:s4] =	ssyncset.s32 $0xFFFFF086  }
0x25: {  	[simem:s6], [sflag:s4] =	dma.local [hbm:s3], $0xF7A  }
0x26: {  	[smem:$0x3F8E] =	sst s1;
	(tag) =	ssettag s2;
	_ =	strace s9  }
0x27: {  	s1 =	sld [smem:$0x3F9E]  }
0x28: {  	s2 =	sld [smem:$0x3F9F]  }
0x29: {  	s4 =	sld [smem:$0x3FA1]  }
0x2a: {  	p0 =	seq.s32 s5, $0x0;
	s5 =	sld [smem:$0x3FA2]  }
0x2b: {  	s6 =	sld [smem:$0x3FA3]  }
0x2c: {  	s7 =	sld [smem:$0x3FA4]  }
0x2d: {  	s3 =	simm.s32 $0x108;
	s8 =	sld [smem:$0x3FA5]  }
0x2e: {  	s3 =	simm.s32 @!p0 $0x1082;
	s9 =	sld [smem:$0x3FA6]  }
0x2f: {  	lr =	sadd.s32 s0, s3;
	s0 =	sld [smem:$0x3F9D]  }
0x30: {  	s3 =	sld [smem:$0x3FA0]  }
0x31: {  	[smem:$0x3FA9] =	sst s10  }
0x32: {  	s10 =	sld [smem:$0x3FA7];
	_ =	sdelay $0x3  }
0x33: {  	p0 =	seq.s32 s10, $0x1;
	s10 =	sld [smem:$0x3FA9];
	_ =	sdelay $0x3  }
0x34: {  	[smem:$0x3FA9] =	sst s10  }
0x35: {  	s10 =	sld [smem:$0x3FA8];
	_ =	sdelay $0x3  }
0x36: {  	p1 =	seq.s32 s10, $0x1;
	s10 =	sld [smem:$0x3FA9];
	_ =	sdelay $0x3  }
0x37: {  	[smem:$0x3FA9] =	sst s10  }
0x38: {  	s10 =	sld [smem:$0x3FAA]  }
0x39: {  	_ = 	snop;
	(pc) =	sbr.ind lr, $3  }
0x3a: {  	_ = 	snop  }
0x3b: {  	_ = 	snop  }
0x3c: {  	p2 =	seq.s32 s10, $0x1;
	s10 =	sld [smem:$0x3FA9]  }
0x3d: {  	_ =	shalt  }
0x3e: {  	_ =	shalt  }
0x3f: {  	_ =	shalt  }
0x40: {  	_ =	shalt  }
0x41: {  	_ =	shalt  }
0x42: {  	_ =	shalt  }
0x43: {  	_ =	shalt  }
0x44: {  	_ =	shalt  }
0x45: {  	_ =	shalt  }
0x46: {  	_ =	shalt  }
0x47: {  	_ =	shalt  }
0x48: {  	_ =	shalt  }
0x49: {  	_ =	shalt  }
0x4a: {  	_ =	shalt  }
0x4b: {  	_ =	shalt  }
0x4c: {  	_ =	shalt  }
0x4d: {  	_ =	shalt  }
0x4e: {  	_ =	shalt  }
0x4f: {  	_ =	shalt  }
0x50: {  	_ =	shalt  }
0x51: {  	_ =	shalt  }
0x52: {  	_ =	shalt  }
0x53: {  	_ =	shalt  }
0x54: {  	_ =	shalt  }
0x55: {  	_ =	shalt  }
0x56: {  	_ =	shalt  }
0x57: {  	_ =	shalt  }
0x58: {  	_ =	shalt  }
0x59: {  	_ =	shalt  }
0x5a: {  	_ =	shalt  }
0x5b: {  	_ =	shalt  }
0x5c: {  	_ =	shalt  }
0x5d: {  	_ =	shalt  }
0x5e: {  	_ =	shalt  }
0x5f: {  	_ =	shalt  }
0x60: {  	_ =	shalt  }
0x61: {  	_ =	shalt  }
0x62: {  	_ =	shalt  }
0x63: {  	_ =	shalt  }
0x64: {  	_ =	shalt  }
0x65: {  	_ =	shalt  }
0x66: {  	_ =	shalt  }
0x67: {  	_ =	shalt  }
0x68: {  	_ =	shalt  }
0x69: {  	_ =	shalt  }
0x6a: {  	_ =	shalt  }
0x6b: {  	_ =	shalt  }
0x6c: {  	_ =	shalt  }
0x6d: {  	_ =	shalt  }
0x6e: {  	_ =	shalt  }
0x6f: {  	_ =	shalt  }
0x70: {  	_ =	shalt  }
0x71: {  	_ =	shalt  }
0x72: {  	_ =	shalt  }
0x73: {  	_ =	shalt  }
0x74: {  	_ =	shalt  }
0x75: {  	_ =	shalt  }
0x76: {  	_ =	shalt  }
0x77: {  	_ =	shalt  }
0x78: {  	_ =	shalt  }
0x79: {  	_ =	shalt  }
0x7a: {  	_ =	shalt  }
0x7b: {  	_ =	shalt  }
0x7c: {  	_ =	shalt  }
0x7d: {  	_ =	shalt  }
0x7e: {  	_ =	shalt  }
0x7f: {  	_ =	shalt  }
0x80: {  	_ =	shalt  }
0x81: {  	_ =	shalt  }
0x82: {  	_ =	shalt  }
0x83: {  	_ =	shalt  }
0x84: {  	_ =	shalt  }
0x85: {  	_ =	shalt  }
0x86: {  	_ =	shalt  }
0x87: {  	_ =	shalt  }
.Lfunc_end0:
.L_simem_size_0:
called_computation.6_lowered:
.L_overlay_start_0:
0x88: {  	s2 =	sld [smem:$0x3FD9]  }
0x89: {  	s3 =	sld [smem:$0x3FFE];
	_ =	sdelay $0x1  }
0x8a: {  	s1 =	srdreg.scid  }
0x8b: {  	s0 =	sand.u32 $0x1, s1  }
0x8c: {  	s17 =	sshll.u32 s0, $0xA;
	s2 =	sadd.s32 s3, s2  }
0x8d: {  	s2 =	sadd.s32 s2, s17  }
0x8e: {  	[smem:$0x3FB5] =	sst s2  }
0x8f: {  	_ = 	snop  }
0x90: {  	s2 =	sld [smem:$0x3FD0];
	(tm) =	ssettm $0x1  }
0x91: {  	s18 =	sld [smem:$0x3FFB];
	_ =	sdelay $0x3  }
0x92: {  	_ =	strace s18  }
0x93: {  	s3 =	sld [smem:$0x3FFC];
	_ =	sdelay $0x3  }
0x94: {  	_ =	strace s3  }
0x95: {  	s3 =	sld [smem:$0x3FFD];
	_ =	sdelay $0x3  }
0x96: {  	_ =	strace s3  }
0x97: {  	_ =	strace $0x8FFFFFFF  }
0x98: {  	s19 =	sld [smem:$0x3FDB];
	_ =	sdelay $0x1  }
0x99: {  	s4 =	simm.s32 $_scs_section_size  }
0x9a: {  	s5 =	simm.s32 $_size__tile_overlayer_lowered;
	s6 =	simm.s32 $_tile_overlayer_lowered  }
0x9b: {  	s22 =	simm.s32 $0x1BFF;
	s21 =	sshll.u32 s6, $0x1;
	s3 =	sadd.s32 s4, s19  }
0x9c: {  	s7 =	simm.s32 $0x0;
	s20 =	sshll.u32 s5, $0x1;
	s5 =	sadd.s32 s21, s3  }
0x9d: {  	[timem:s7], [sflag:s22] =	dma.local [hbm:s5], s20  }
0x9e: {  	_ =	swait.ge [sflag:s22], s20  }
0x9f: {  	s4 =	ssub.s32 $0x0, s20;
	[sflag:s22] =	ssyncset.done $0x0  }
0xa0: {  	[sflag:s22] =	ssyncadd.s32 s4;
	_ =	sdelay $0x1  }
0xa1: {  	s23 =	simm.s32 $0x1B8B  }
0xa2: {  	_ =	swait.ge [sflag:s23], $0x1  }
0xa3: {  	[sflag:s23] =	ssyncset.done $0x0  }
0xa4: {  	s25 =	simm.s32 $0x1B8E;
	s24 =	sld [smem:$0x3FFE];
	[sflag:s23] =	ssyncadd.s32 $0xFFFFFFFF  }
0xa5: {  	s26 =	simm.s32 $execute0_lowered;
	[smem:$0x3FD2] =	sst s25  }
0xa6: {  	s5 =	sshll.u32 s26, $0x1;
	_ =	strace $0x80000046;
	[dreg:$0x1] =	wrdreg $0xFFFFFFFF  }
0xa7: {  	s28 =	simm.s32 $_size_execute0_lowered;
	s3 =	sadd.s32 s3, s5;
	[dreg:$0x0] =	wrdreg $0x0  }
0xa8: {  	s5 =	sshll.u32 s28, $0x1;
	[dreg:$0x2] =	wrdreg s3  }
0xa9: {  	[dreg:$0x3] =	wrdreg s5  }
0xaa: {  	[dreg:$0x4] =	wrdreg $0xC0  }
0xab: {  	_ =	task [dreg:s7], $0x5FFFF  }
0xac: {  	[dreg:$0x1] =	wrdreg $0xFFFFFFFF  }
0xad: {  	[dreg:$0x0] =	wrdreg $0x60  }
0xae: {  	[dreg:$0x2] =	wrdreg s2  }
0xaf: {  	[dreg:$0x3] =	wrdreg s24  }
0xb0: {  	[dreg:$0x4] =	wrdreg $0x9  }
0xb1: {  	_ =	task.clear_ibuf [dreg:s7], $0x5FFFF;
	_ =	strace $0x90000046  }
0xb2: {  	s29 =	simm.s32 $0x9;
	_ =	strace $0x80000048  }
0xb3: {  	_ =	swait.ge [sflag:s29], $0x1  }
0xb4: {  	[sflag:s29] =	ssyncadd.s32 $0xFFFFFFFF  }
0xb5: {  	_ =	strace $0x90000048  }
0xb6: {  	_ =	sfence  }
0xb7: {  	s30 =	sld [smem:$0x0];
	_ =	sdelay $0x2  }
0xb8: {  	s31 =	sshll.u32 s1, $0xD;
	s1 =	sshrl.u32 s1, $0x2  }
0xb9: {  	s3 =	sand.u32 $0x4000, s31;
	s1 =	sadd.s32 s1, s30  }
0xba: {  	s0 =	sor.u32 s3, s0;
	s1 =	sshll.u32 s1, $0x11  }
0xbb: {  	s0 =	sor.u32 s1, s0  }
0xbc: {  	s0 =	sadd.s32 $0x8F2B, s0  }
0xbd: {  	[sflag:s0] =	ssyncadd.remote.s32 $0x1  }
0xbe: {  	_ =	sfence.sel $0xFFFF  }
0xbf: {  	[dreg:$0x0] =	wrdreg $0xFFFFFFFF;
	(pc) =	sbr.abs _section_cstart, $3  }
0xc0: {  	[dreg:$0x1] =	wrdreg $0xFFFFFFFF  }
0xc1: {  	_ =	task.clear_ibuf [dreg:s7], $0x2FFFF;
	_ =	strace $0x9FFFFFFF  }
0xc2: {  	(tm) =	ssettm $0x7FFFFFFF  }
0xc3: {  	_ =	shalt  }
tec
execute0_lowered:
.L_overlay_start_1:
0x0: {  	(tag) =	ssettag $0x1  }
0x1: {  	s1 =	rddreg [dreg:$0x0]  }
0x2: {  	s5 =	rddreg [dreg:$0x1]  }
0x3: {  	s0 =	rddreg [dreg:$0x2];
	s3 =	simm.s32 $0x0;
	s4 =	srdreg.scid  }
0x4: {  	s2 =	stileid.u32;
	s11 =	simm.s32 $0xC8;
	s12 =	simm.s32 $0x200  }
0x5: {  	s13 =	simm.s32 $0x1;
	s14 =	simm.s32 $0x0;
	s7 =	smul.u32 $0x2710, s2  }
0x6: {  	[smem:$0x7FF] =	sst s3;
	s6 =	sand.u32 $0x1, s4;
	s9 =	smul.u32 $0x27100, s2  }
0x7: {  	s4 =	sadd.s32 $0xB200, s5;
	s8 =	smul.u32 $0x1388, s6;
	s10 =	ssub.s32 $0x2, s6  }
0x8: {  	_ =	strace $0x80000047;
	s6 =	smul.u32 $0x13880, s6;
	s30 =	sshrl.u32 s10, $0x1  }
0x9: {  	s9 =	sadd.s32 s9, s5;
	s7 =	sadd.s32 s8, s7;
	s8 =	ssub.s32 s10, s30  }
0xa: {  	s6 =	sadd.s32 s6, s9;
	s9 =	simm.s32 $0x2;
	s7 =	sshrl.u32 s7, $0x3  }
0xb: {  	s10 =	simm.s32 $0x100;
	s6 =	sadd.s32 $0x32400, s6;
	s31 =	sadd.s32 s7, s5  }
0xc: {  	s5 =	smax.u32 s8, $0x1;
	s7 =	sadd.s32 $0x5E00, s31;
	s8 =	sadd.s32 $0xE00, s31  }
.LBB2_1:
0xd: {  	s15 =	sadd.s32 $0x0, s8  }
0xe: {  	[tilespmem:s3], [sflag:$0x2] =	stream.linear.gather [hbm4b:s15+s3], $0xC8, $0x38;
	[tilespmem:$0x6600] =	vst v63  }
0xf: {  	_ =	swait.ge [sflag:s9], $0xC8  }
0x10: {  	[sflag:s9] =	ssyncset.done $0x0  }
0x11: {  	s31 =	sadd.s32 $0x0, s7;
	[sflag:s9] =	ssyncadd.s32 $0xFFFFFF38  }
0x12: {  	[tilespmem:s10], [sflag:$0x2] =	stream.linear.gather [hbm4b:s31+s3], $0xC8, $0x38;
	[tilespmem:$0x6600] =	vst v63  }
0x13: {  	_ =	swait.ge [sflag:s9], $0xC8  }
0x14: {  	[sflag:s9] =	ssyncset.done $0x0  }
0x15: {  	[sflag:s9] =	ssyncadd.s32 $0xFFFFFF38  }
0x16: {  	[tilespmem:s12], [sflag:$0x1] =	stream.indirect.gather [hbm4b:s1+s11], $0x80, s3, s11, $0xb8;
	[tilespmem:$0x6600] =	vst v63  }
0x17: {  	_ =	swait.ge [sflag:s13], $0x6400  }
0x18: {  	[sflag:s13] =	ssyncset.done $0x0  }
0x19: {  	[sflag:s13] =	ssyncadd.s32 $0xFFFF9C00  }
0x1a: {  	[tilespmem:s12], [sflag:$0x1] =	stream.indirect.gather.add.f32 [hbm:s4], $0x80, s10, s11, $0xb8;
	[tilespmem:$0x6600] =	vst v63  }
0x1b: {  	_ =	swait.ge [sflag:s13], $0x6400  }
0x1c: {  	[sflag:s13] =	ssyncset.done $0x0  }
0x1d: {  	[sflag:s13] =	ssyncadd.s32 $0xFFFF9C00  }
0x1e: {  	[hbm4b:s6+s3] =	stream.linear.scatter [tilespmem:s12], [sflag:$0x2], $0x6400, $0x38;
	[tilespmem:$0x6600] =	vst v63  }
0x1f: {  	s16 =	simm.s32 $0x19;
	_ =	swait.ge [sflag:s9], $0x6400  }
0x20: {  	s17 =	simm.s32 $0x32;
	s15 =	sadd.s32 $0xC80, s6;
	[sflag:s9] =	ssyncset.done $0x0  }
.LBB2_2:
0x21: {  	s18 =	sadd.s32 s16, s8  }
0x22: {  	[sflag:s9] =	ssyncadd.s32 $0xFFFF9C00;
	s19 =	smov.u32 s17;
	s20 =	sadd.s32 $0x19, s17  }
0x23: {  	[tilespmem:s3], [sflag:$0x2] =	stream.linear.gather [hbm4b:s18+s3], $0xC8, $0x38;
	[tilespmem:$0x6600] =	vst v63  }
0x24: {  	p0 =	sne.s32 s17, $0x258;
	_ =	swait.ge [sflag:s9], $0xC8  }
0x25: {  	[sflag:s9] =	ssyncset.done $0x0  }
0x26: {  	s17 =	sadd.s32 s16, s7;
	s16 =	smov.u32 s19;
	[sflag:s9] =	ssyncadd.s32 $0xFFFFFF38  }
0x27: {  	[tilespmem:s10], [sflag:$0x2] =	stream.linear.gather [hbm4b:s17+s3], $0xC8, $0x38;
	[tilespmem:$0x6600] =	vst v63  }
0x28: {  	_ =	swait.ge [sflag:s9], $0xC8  }
0x29: {  	[sflag:s9] =	ssyncset.done $0x0  }
0x2a: {  	[sflag:s9] =	ssyncadd.s32 $0xFFFFFF38  }
0x2b: {  	[tilespmem:s12], [sflag:$0x1] =	stream.indirect.gather [hbm4b:s1+s11], $0x80, s3, s11, $0xb8;
	[tilespmem:$0x6600] =	vst v63  }
0x2c: {  	_ =	swait.ge [sflag:s13], $0x6400  }
0x2d: {  	[sflag:s13] =	ssyncset.done $0x0  }
0x2e: {  	[sflag:s13] =	ssyncadd.s32 $0xFFFF9C00  }
0x2f: {  	[tilespmem:s12], [sflag:$0x1] =	stream.indirect.gather.add.f32 [hbm:s4], $0x80, s10, s11, $0xb8;
	[tilespmem:$0x6600] =	vst v63  }
0x30: {  	_ =	swait.ge [sflag:s13], $0x6400  }
.Ltmp0:
0x31: {  	[sflag:s13] =	ssyncset.done $0x0;
	(pc) =	sbr.rel @p0 .LBB2_2-.Ltmp0, $4  }
0x32: {  	[sflag:s13] =	ssyncadd.s32 $0xFFFF9C00  }
0x33: {  	[hbm4b:s15+s3] =	stream.linear.scatter [tilespmem:s12], [sflag:$0x2], $0x6400, $0x38;
	[tilespmem:$0x6600] =	vst v63  }
0x34: {  	_ =	swait.ge [sflag:s9], $0x6400  }
0x35: {  	s17 =	smov.u32 s20;
	s15 =	sadd.s32 $0xC80, s15;
	[sflag:s9] =	ssyncset.done $0x0  }
0x36: {  	s17 =	sadd.s32 s16, s8;
	[sflag:s9] =	ssyncadd.s32 $0xFFFF9C00  }
0x37: {  	[tilespmem:s3], [sflag:$0x2] =	stream.linear.gather [hbm4b:s17+s3], $0xC8, $0x38;
	[tilespmem:$0x6600] =	vst v63  }
0x38: {  	_ =	swait.ge [sflag:s9], $0xC8  }
0x39: {  	[sflag:s9] =	ssyncset.done $0x0  }
0x3a: {  	s31 =	sadd.s32 s16, s7;
	[sflag:s9] =	ssyncadd.s32 $0xFFFFFF38  }
0x3b: {  	[tilespmem:s10], [sflag:$0x2] =	stream.linear.gather [hbm4b:s31+s3], $0xC8, $0x38;
	[tilespmem:$0x6600] =	vst v63  }
0x3c: {  	_ =	swait.ge [sflag:s9], $0xC8  }
0x3d: {  	[sflag:s9] =	ssyncset.done $0x0  }
0x3e: {  	[sflag:s9] =	ssyncadd.s32 $0xFFFFFF38  }
0x3f: {  	[tilespmem:s12], [sflag:$0x1] =	stream.indirect.gather [hbm4b:s1+s11], $0x80, s3, s11, $0xb8;
	[tilespmem:$0x6600] =	vst v63  }
0x40: {  	_ =	swait.ge [sflag:s13], $0x6400  }
0x41: {  	[sflag:s13] =	ssyncset.done $0x0  }
0x42: {  	[sflag:s13] =	ssyncadd.s32 $0xFFFF9C00  }
0x43: {  	[tilespmem:s12], [sflag:$0x1] =	stream.indirect.gather.add.f32 [hbm:s4], $0x80, s10, s11, $0xb8;
	[tilespmem:$0x6600] =	vst v63  }
0x44: {  	s14 =	sadd.s32 $0x1, s14;
	_ =	swait.ge [sflag:s13], $0x6400  }
0x45: {  	p0 =	sne.s32 s14, s5;
	[sflag:s13] =	ssyncset.done $0x0  }
.Ltmp1:
0x46: {  	[sflag:s13] =	ssyncadd.s32 $0xFFFF9C00;
	(pc) =	sbr.rel @p0 .LBB2_1-.Ltmp1, $4  }
0x47: {  	[hbm4b:s15+s3] =	stream.linear.scatter [tilespmem:s12], [sflag:$0x2], $0x6400, $0x38;
	[tilespmem:$0x6600] =	vst v63  }
0x48: {  	_ =	swait.ge [sflag:s9], $0x6400  }
0x49: {  	[sflag:s9] =	ssyncset.done $0x0  }
0x4a: {  	[sflag:s9] =	ssyncadd.s32 $0xFFFF9C00  }
0x4b: {  	_ =	sfence.sel $0x180000  }
0x4c: {  	[bflag:$0x0] =	sbarrier.arrive $0xFFFF  }
0x4d: {  	p0 =	sne.s32 s2, $0x0;
	_ =	strace $0x90000047  }
0x4e: {  	s0 =	sadd.s32 @!p0 $0x100000, s0;
	[bflag:$0x2] =	sbarrier.arrive $0xFFFF  }
0x4f: {  	[sflag:s0] =	ssyncadd.tile.s32 @!p0 $0x1;
	_ =	shalt  }
.Lfunc_end2:
_tile_overlayer_lowered:
.L_overlay_start_2:
0x50: {  	(tag) =	ssettag $0x2  }
0x51: {  	s0 =	rddreg [dreg:$0x0];
	s2 =	stileid.u32  }
0x52: {  	s1 =	rddreg [dreg:$0x1];
	p0 =	sne.s32 s2, $0x0  }
0x53: {  	s3 =	rddreg [dreg:$0x2];
	[bflag:$0x3] =	sbarrier.arrive $0xFFFF;
	s2 =	simm.s32 @!p0 $0x1C02  }
0x54: {  	[timem:s3], [sflag:s2] =	dma.local @!p0 [hbm:s0], s1  }
0x55: {  	s0 =	simm.s32 @!p0 $0x2  }
0x56: {  	_ =	swait.ge @!p0 [sflag:s0], s1  }
0x57: {  	s1 =	ssub.s32 @!p0 $0x0, s1;
	[sflag:s0] =	ssyncset.done @!p0 $0x0  }
0x58: {  	[sflag:s0] =	ssyncadd.s32 @!p0 s1  }
0x59: {  	[bflag:$0x3] =	sbarrier.arrive $0xFFFF  }
0x5a: {  	_ =	shalt  }

// kernel: kernel.21.cloned.1.call-start
scs
__scs_entry_jumppad:
0x0: {  	(pc) =	sbr.rel $0x88, $3  }
0x1: {  	(tag) =	ssettag $0x0;
	lr =	simm.s32 $0x1  }
0x2: {  	[smem:$0x3F8E] =	sst lr;
	_ =	strace $0xD0000000  }
0x3: {  	_ = 	snop  }
0x4: {  	_ = 	snop  }
0x5: {  	_ = 	snop  }
0x6: {  	_ = 	snop  }
0x7: {  	_ = 	snop  }
__scs_overlays_trampoline_lowered:
0x8: {  	[smem:$0x3F9D] =	sst s0  }
0x9: {  	[smem:$0x3F9E] =	sst s1  }
0xa: {  	[smem:$0x3F9F] =	sst s2  }
0xb: {  	[smem:$0x3FA0] =	sst s3  }
0xc: {  	[smem:$0x3FA1] =	sst s4  }
0xd: {  	[smem:$0x3FA2] =	sst s5  }
0xe: {  	[smem:$0x3FA3] =	sst s6  }
0xf: {  	[smem:$0x3FA4] =	sst s7  }
0x10: {  	[smem:$0x3FA5] =	sst s8  }
0x11: {  	[smem:$0x3FA6] =	sst s9;
	s0 =	simm.s32 @!p0 $0x0  }
0x12: {  	s1 =	sld [smem:$0x3F8C];
	s0 =	simm.s32 @p0 $0x1  }
0x13: {  	[smem:$0x3FA7] =	sst s0;
	s0 =	simm.s32 @!p1 $0x0  }
0x14: {  	s2 =	sld [smem:$0x3F8B];
	s0 =	simm.s32 @p1 $0x1  }
0x15: {  	[smem:$0x3FA8] =	sst s0;
	s0 =	simm.s32 @!p2 $0x0  }
0x16: {  	s3 =	sld [smem:$0x3FDB];
	s0 =	simm.s32 @p2 $0x1  }
0x17: {  	s4 =	simm.s32 $0x1BF5;
	[smem:$0x3FAA] =	sst s0  }
0x18: {  	s0 =	sld [smem:$0x3F8D];
	_ =	swait.ge [sflag:s4], $0x0  }
0x19: {  	s7 =	sld [smem:$0x3F8E]  }
0x1a: {  	s8 =	sadd.s32 $0xFFFFE003, lr  }
0x1b: {  	s9 =	sadd.s32 $0xFFFFFEF7, lr;
	s5 =	simm.s32 $0xFFFFFFFF;
	p2 =	slt.u32 s8, $0xFFFFF086  }
0x1c: {  	p1 =	slt.u32 s9, $0xF7A;
	s5 =	simm.s32 @!p2 $0x0  }
0x1d: {  	s5 =	simm.s32 @p1 $0x1;
	p0 =	seq.s32 s7, s2  }
0x1e: {  	s7 =	smul.u32 @!p0 $0xF7A, s2;
	p2 =	seq.s32 @!p0 s5, $0x0  }
0x1f: {  	s9 =	smul.u32 $0xF7A, s1;
	s8 =	simm.s32 @!p0 $0x1BF5;
	p2 =	por !p2, p0  }
0x20: {  	[sflag:s8] =	ssyncset.s32 @!p0 $0xFFFFF086;
	s6 =	sadd.s32 @!p0 s3, s7;
	s7 =	simm.s32 @!p0 $0x108  }
0x21: {  	s3 =	sadd.s32 s3, s9;
	s6 =	sadd.s32 @!p0 $0x88, s6;
	s7 =	simm.s32 @p2 $0x1082  }
0x22: {  	[simem:s7], [sflag:s8] =	dma.local @!p0 [hbm:s6], $0xF7A  }
0x23: {  	s9 =	sor.u32 $0xD0000000, s2;
	s6 =	simm.s32 $0x108;
	_ =	swait.ge @!p0 [sflag:s8], $0x0  }
0x24: {  	s3 =	sadd.s32 $0x88, s3;
	s6 =	simm.s32 @!p1 $0x1082;
	[sflag:s4] =	ssyncset.s32 $0xFFFFF086  }
0x25: {  	[simem:s6], [sflag:s4] =	dma.local [hbm:s3], $0xF7A  }
0x26: {  	[smem:$0x3F8E] =	sst s1;
	(tag) =	ssettag s2;
	_ =	strace s9  }
0x27: {  	s1 =	sld [smem:$0x3F9E]  }
0x28: {  	s2 =	sld [smem:$0x3F9F]  }
0x29: {  	s4 =	sld [smem:$0x3FA1]  }
0x2a: {  	p0 =	seq.s32 s5, $0x0;
	s5 =	sld [smem:$0x3FA2]  }
0x2b: {  	s6 =	sld [smem:$0x3FA3]  }
0x2c: {  	s7 =	sld [smem:$0x3FA4]  }
0x2d: {  	s3 =	simm.s32 $0x108;
	s8 =	sld [smem:$0x3FA5]  }
0x2e: {  	s3 =	simm.s32 @!p0 $0x1082;
	s9 =	sld [smem:$0x3FA6]  }
0x2f: {  	lr =	sadd.s32 s0, s3;
	s0 =	sld [smem:$0x3F9D]  }
0x30: {  	s3 =	sld [smem:$0x3FA0]  }
0x31: {  	[smem:$0x3FA9] =	sst s10  }
0x32: {  	s10 =	sld [smem:$0x3FA7];
	_ =	sdelay $0x3  }
0x33: {  	p0 =	seq.s32 s10, $0x1;
	s10 =	sld [smem:$0x3FA9];
	_ =	sdelay $0x3  }
0x34: {  	[smem:$0x3FA9] =	sst s10  }
0x35: {  	s10 =	sld [smem:$0x3FA8];
	_ =	sdelay $0x3  }
0x36: {  	p1 =	seq.s32 s10, $0x1;
	s10 =	sld [smem:$0x3FA9];
	_ =	sdelay $0x3  }
0x37: {  	[smem:$0x3FA9] =	sst s10  }
0x38: {  	s10 =	sld [smem:$0x3FAA]  }
0x39: {  	_ = 	snop;
	(pc) =	sbr.ind lr, $3  }
0x3a: {  	_ = 	snop  }
0x3b: {  	_ = 	snop  }
0x3c: {  	p2 =	seq.s32 s10, $0x1;
	s10 =	sld [smem:$0x3FA9]  }
0x3d: {  	_ =	shalt  }
0x3e: {  	_ =	shalt  }
0x3f: {  	_ =	shalt  }
0x40: {  	_ =	shalt  }
0x41: {  	_ =	shalt  }
0x42: {  	_ =	shalt  }
0x43: {  	_ =	shalt  }
0x44: {  	_ =	shalt  }
0x45: {  	_ =	shalt  }
0x46: {  	_ =	shalt  }
0x47: {  	_ =	shalt  }
0x48: {  	_ =	shalt  }
0x49: {  	_ =	shalt  }
0x4a: {  	_ =	shalt  }
0x4b: {  	_ =	shalt  }
0x4c: {  	_ =	shalt  }
0x4d: {  	_ =	shalt  }
0x4e: {  	_ =	shalt  }
0x4f: {  	_ =	shalt  }
0x50: {  	_ =	shalt  }
0x51: {  	_ =	shalt  }
0x52: {  	_ =	shalt  }
0x53: {  	_ =	shalt  }
0x54: {  	_ =	shalt  }
0x55: {  	_ =	shalt  }
0x56: {  	_ =	shalt  }
0x57: {  	_ =	shalt  }
0x58: {  	_ =	shalt  }
0x59: {  	_ =	shalt  }
0x5a: {  	_ =	shalt  }
0x5b: {  	_ =	shalt  }
0x5c: {  	_ =	shalt  }
0x5d: {  	_ =	shalt  }
0x5e: {  	_ =	shalt  }
0x5f: {  	_ =	shalt  }
0x60: {  	_ =	shalt  }
0x61: {  	_ =	shalt  }
0x62: {  	_ =	shalt  }
0x63: {  	_ =	shalt  }
0x64: {  	_ =	shalt  }
0x65: {  	_ =	shalt  }
0x66: {  	_ =	shalt  }
0x67: {  	_ =	shalt  }
0x68: {  	_ =	shalt  }
0x69: {  	_ =	shalt  }
0x6a: {  	_ =	shalt  }
0x6b: {  	_ =	shalt  }
0x6c: {  	_ =	shalt  }
0x6d: {  	_ =	shalt  }
0x6e: {  	_ =	shalt  }
0x6f: {  	_ =	shalt  }
0x70: {  	_ =	shalt  }
0x71: {  	_ =	shalt  }
0x72: {  	_ =	shalt  }
0x73: {  	_ =	shalt  }
0x74: {  	_ =	shalt  }
0x75: {  	_ =	shalt  }
0x76: {  	_ =	shalt  }
0x77: {  	_ =	shalt  }
0x78: {  	_ =	shalt  }
0x79: {  	_ =	shalt  }
0x7a: {  	_ =	shalt  }
0x7b: {  	_ =	shalt  }
0x7c: {  	_ =	shalt  }
0x7d: {  	_ =	shalt  }
0x7e: {  	_ =	shalt  }
0x7f: {  	_ =	shalt  }
0x80: {  	_ =	shalt  }
0x81: {  	_ =	shalt  }
0x82: {  	_ =	shalt  }
0x83: {  	_ =	shalt  }
0x84: {  	_ =	shalt  }
0x85: {  	_ =	shalt  }
0x86: {  	_ =	shalt  }
0x87: {  	_ =	shalt  }
.Lfunc_end0:
.L_simem_size_0:
called_computation.7_lowered:
.L_overlay_start_0:
0x88: {  	s2 =	sld [smem:$0x3FD9]  }
0x89: {  	s3 =	sld [smem:$0x3FFE];
	_ =	sdelay $0x1  }
0x8a: {  	s1 =	srdreg.scid  }
0x8b: {  	s0 =	sand.u32 $0x1, s1  }
0x8c: {  	s17 =	sshll.u32 s0, $0xA;
	s2 =	sadd.s32 s3, s2  }
0x8d: {  	s2 =	sadd.s32 s2, s17  }
0x8e: {  	[smem:$0x3FB5] =	sst s2  }
0x8f: {  	_ = 	snop  }
0x90: {  	s18 =	sld [smem:$0x3FD0];
	(tm) =	ssettm $0x1  }
0x91: {  	s19 =	sld [smem:$0x3FFB];
	_ =	sdelay $0x3  }
0x92: {  	_ =	strace s19  }
0x93: {  	s2 =	sld [smem:$0x3FFC];
	_ =	sdelay $0x3  }
0x94: {  	_ =	strace s2  }
0x95: {  	s2 =	sld [smem:$0x3FFD];
	_ =	sdelay $0x3  }
0x96: {  	_ =	strace s2  }
0x97: {  	_ =	strace $0x8FFFFFFF  }
0x98: {  	s20 =	sld [smem:$0x3FDB];
	_ =	sdelay $0x1  }
0x99: {  	s4 =	simm.s32 $_scs_section_size  }
0x9a: {  	s5 =	simm.s32 $_size__tile_overlayer_lowered;
	s6 =	simm.s32 $_tile_overlayer_lowered  }
0x9b: {  	s7 =	simm.s32 $0x1BFF;
	s21 =	sshll.u32 s6, $0x1;
	s4 =	sadd.s32 s4, s20  }
0x9c: {  	s22 =	simm.s32 $0x0;
	s5 =	sshll.u32 s5, $0x1;
	s6 =	sadd.s32 s21, s4  }
0x9d: {  	[timem:s22], [sflag:s7] =	dma.local [hbm:s6], s5  }
0x9e: {  	_ =	swait.ge [sflag:s7], s5  }
0x9f: {  	s5 =	ssub.s32 $0x0, s5;
	[sflag:s7] =	ssyncset.done $0x0  }
0xa0: {  	[sflag:s7] =	ssyncadd.s32 s5;
	_ =	sdelay $0x1  }
0xa1: {  	s23 =	simm.s32 $0x1B8B  }
0xa2: {  	_ =	swait.ge [sflag:s23], $0x1  }
0xa3: {  	[sflag:s23] =	ssyncset.done $0x0  }
0xa4: {  	[sflag:s23] =	ssyncadd.s32 $0xFFFFFFFF  }
0xa5: {  	s5 =	sld [smem:$0x0]  }
0xa6: {  	s6 =	sand.u32 $0xFFFFFFFE, s1  }
0xa7: {  	p0 =	sne.s32 s1, s6  }
0xa8: {  	s6 =	sshll.u32 @p0 s6, $0xE  }
0xa9: {  	s6 =	sadd.s32 @p0 $0x11B8D, s6;
	s7 =	sshll.u32 @p0 s5, $0x11  }
0xaa: {  	s6 =	sor.u32 @p0 s7, s6  }
0xab: {  	[sflag:s6] =	ssyncadd.remote.s32 @p0 $0x1;
	_ =	sdelay $0x1  }
0xac: {  	s6 =	simm.s32 @p0 $0x1B8D  }
0xad: {  	_ =	swait.eq @p0 [sflag:s6], $0x1  }
0xae: {  	[sflag:s6] =	ssyncadd.s32 @p0 $0xFFFFFFFF  }
0xaf: {  	s7 =	sshll.u32 @!p0 s1, $0xE  }
0xb0: {  	s7 =	sor.u32 @!p0 $0x4000, s7;
	s6 =	simm.s32 @!p0 $0x1B8D  }
0xb1: {  	s5 =	sshll.u32 @!p0 s5, $0x11;
	s7 =	sadd.s32 @!p0 $0x11B8D, s7;
	_ =	swait.eq @!p0 [sflag:s6], $0x1  }
0xb2: {  	s5 =	sor.u32 @!p0 s5, s7;
	[sflag:s6] =	ssyncadd.s32 @!p0 $0xFFFFFFFF  }
0xb3: {  	s25 =	simm.s32 $0x1B8E;
	s24 =	sld [smem:$0x3FFE];
	[sflag:s5] =	ssyncadd.remote.s32 @!p0 $0x1  }
0xb4: {  	s26 =	simm.s32 $execute0_lowered;
	[smem:$0x3FD2] =	sst s25  }
0xb5: {  	s6 =	sshll.u32 s26, $0x1;
	_ =	strace $0x8000005B;
	[dreg:$0x1] =	wrdreg $0xFFFFFFFF  }
0xb6: {  	s28 =	simm.s32 $_size_execute0_lowered;
	s4 =	sadd.s32 s4, s6;
	[dreg:$0x0] =	wrdreg $0x0  }
0xb7: {  	s6 =	sshll.u32 s28, $0x1;
	[dreg:$0x2] =	wrdreg s4  }
0xb8: {  	[dreg:$0x3] =	wrdreg s6  }
0xb9: {  	[dreg:$0x4] =	wrdreg $0xC0  }
0xba: {  	_ =	task [dreg:s22], $0x5FFFF  }
0xbb: {  	[dreg:$0x1] =	wrdreg $0xFFFFFFFF  }
0xbc: {  	[dreg:$0x0] =	wrdreg $0x60  }
0xbd: {  	[dreg:$0x2] =	wrdreg s18  }
0xbe: {  	[dreg:$0x3] =	wrdreg s24  }
0xbf: {  	[dreg:$0x4] =	wrdreg $0x9  }
0xc0: {  	_ =	task.clear_ibuf [dreg:s22], $0x5FFFF;
	_ =	strace $0x9000005B  }
0xc1: {  	s29 =	simm.s32 $0x9;
	_ =	strace $0x8000005D  }
0xc2: {  	_ =	swait.ge [sflag:s29], $0x1  }
0xc3: {  	[sflag:s29] =	ssyncadd.s32 $0xFFFFFFFF  }
0xc4: {  	_ =	strace $0x9000005D  }
0xc5: {  	_ =	sfence  }
0xc6: {  	s30 =	sld [smem:$0x0];
	_ =	sdelay $0x2  }
0xc7: {  	s31 =	sshll.u32 s1, $0xD;
	s1 =	sshrl.u32 s1, $0x2  }
0xc8: {  	s4 =	sand.u32 $0x4000, s31;
	s1 =	sadd.s32 s1, s30  }
0xc9: {  	s0 =	sor.u32 s4, s0;
	s1 =	sshll.u32 s1, $0x11  }
0xca: {  	s0 =	sor.u32 s1, s0  }
0xcb: {  	s0 =	sadd.s32 $0x8F2B, s0  }
0xcc: {  	[sflag:s0] =	ssyncadd.remote.s32 $0x1  }
0xcd: {  	_ =	sfence.sel $0xFFFF  }
0xce: {  	[dreg:$0x0] =	wrdreg $0xFFFFFFFF;
	(pc) =	sbr.abs _section_cstart, $3  }
0xcf: {  	[dreg:$0x1] =	wrdreg $0xFFFFFFFF  }
0xd0: {  	_ =	task.clear_ibuf [dreg:s22], $0x2FFFF;
	_ =	strace $0x9FFFFFFF  }
0xd1: {  	(tm) =	ssettm $0x7FFFFFFF  }
tec
execute0_lowered:
.L_overlay_start_1:
0x0: {  	(tag) =	ssettag $0x1  }
0x1: {  	s2 =	rddreg [dreg:$0x0];
	s1 =	srdreg.scid  }
0x2: {  	s0 =	stileid.u32;
	s4 =	rddreg [dreg:$0x1];
	s3 =	simm.s32 $0x0  }
0x3: {  	s10 =	simm.s32 $0x1;
	s11 =	simm.s32 $0x0;
	s6 =	smul.u32 $0x2710, s0  }
0x4: {  	s5 =	sand.u32 $0x1, s1;
	s1 =	rddreg [dreg:$0x2];
	s8 =	smul.u32 $0x27100, s0  }
0x5: {  	[smem:$0x7FF] =	sst s3;
	s7 =	smul.u32 $0x1388, s5;
	s9 =	ssub.s32 $0x2, s5  }
0x6: {  	_ =	strace $0x8000005C;
	s5 =	smul.u32 $0x13880, s5;
	s31 =	sshrl.u32 s9, $0x1  }
0x7: {  	s30 =	sadd.s32 s8, s4;
	s6 =	sadd.s32 s7, s6;
	s8 =	ssub.s32 s9, s31  }
0x8: {  	s5 =	sadd.s32 s5, s30;
	s7 =	simm.s32 $0x2;
	s6 =	sshrl.u32 s6, $0x3  }
0x9: {  	s9 =	simm.s32 $0x100;
	s5 =	sadd.s32 $0x2520000, s5;
	s6 =	sadd.s32 s6, s4  }
0xa: {  	s4 =	smax.u32 s8, $0x1;
	s8 =	simm.s32 $0xC8;
	s6 =	sadd.s32 $0x5E00, s6  }
.LBB2_1:
0xb: {  	s12 =	sadd.s32 $0x0, s6  }
0xc: {  	[tilespmem:s3], [sflag:$0x2] =	stream.linear.gather [hbm4b:s12+s3], $0xC8, $0x38;
	[tilespmem:$0x6500] =	vst v63  }
0xd: {  	_ =	swait.ge [sflag:s7], $0xC8  }
0xe: {  	[sflag:s7] =	ssyncset.done $0x0  }
0xf: {  	[sflag:s7] =	ssyncadd.s32 $0xFFFFFF38  }
0x10: {  	[tilespmem:s9], [sflag:$0x1] =	stream.indirect.gather [hbm4b:s2+s8], $0x80, s3, s8, $0xb8;
	[tilespmem:$0x6500] =	vst v63  }
0x11: {  	_ =	swait.ge [sflag:s10], $0x6400  }
0x12: {  	[sflag:s10] =	ssyncset.done $0x0  }
0x13: {  	[sflag:s10] =	ssyncadd.s32 $0xFFFF9C00  }
0x14: {  	[hbm4b:s5+s3] =	stream.linear.scatter [tilespmem:s9], [sflag:$0x2], $0x6400, $0x38;
	[tilespmem:$0x6500] =	vst v63  }
0x15: {  	s13 =	simm.s32 $0x19;
	_ =	swait.ge [sflag:s7], $0x6400  }
0x16: {  	s14 =	simm.s32 $0x32;
	s12 =	sadd.s32 $0xC80, s5;
	[sflag:s7] =	ssyncset.done $0x0  }
.LBB2_2:
0x17: {  	s15 =	sadd.s32 s13, s6  }
0x18: {  	[sflag:s7] =	ssyncadd.s32 $0xFFFF9C00;
	s13 =	smov.u32 s14;
	s16 =	sadd.s32 $0x19, s14  }
0x19: {  	[tilespmem:s3], [sflag:$0x2] =	stream.linear.gather [hbm4b:s15+s3], $0xC8, $0x38;
	[tilespmem:$0x6500] =	vst v63  }
0x1a: {  	p0 =	sne.s32 s14, $0x258;
	_ =	swait.ge [sflag:s7], $0xC8  }
0x1b: {  	[sflag:s7] =	ssyncset.done $0x0  }
0x1c: {  	[sflag:s7] =	ssyncadd.s32 $0xFFFFFF38  }
0x1d: {  	[tilespmem:s9], [sflag:$0x1] =	stream.indirect.gather [hbm4b:s2+s8], $0x80, s3, s8, $0xb8;
	[tilespmem:$0x6500] =	vst v63  }
0x1e: {  	_ =	swait.ge [sflag:s10], $0x6400  }
.Ltmp0:
0x1f: {  	[sflag:s10] =	ssyncset.done $0x0;
	(pc) =	sbr.rel @p0 .LBB2_2-.Ltmp0, $4  }
0x20: {  	[sflag:s10] =	ssyncadd.s32 $0xFFFF9C00  }
0x21: {  	[hbm4b:s12+s3] =	stream.linear.scatter [tilespmem:s9], [sflag:$0x2], $0x6400, $0x38;
	[tilespmem:$0x6500] =	vst v63  }
0x22: {  	_ =	swait.ge [sflag:s7], $0x6400  }
0x23: {  	s14 =	smov.u32 s16;
	s12 =	sadd.s32 $0xC80, s12;
	[sflag:s7] =	ssyncset.done $0x0  }
0x24: {  	s13 =	sadd.s32 s13, s6;
	[sflag:s7] =	ssyncadd.s32 $0xFFFF9C00  }
0x25: {  	[tilespmem:s3], [sflag:$0x2] =	stream.linear.gather [hbm4b:s13+s3], $0xC8, $0x38;
	[tilespmem:$0x6500] =	vst v63  }
0x26: {  	_ =	swait.ge [sflag:s7], $0xC8  }
0x27: {  	[sflag:s7] =	ssyncset.done $0x0  }
0x28: {  	[sflag:s7] =	ssyncadd.s32 $0xFFFFFF38  }
0x29: {  	[tilespmem:s9], [sflag:$0x1] =	stream.indirect.gather [hbm4b:s2+s8], $0x80, s3, s8, $0xb8;
	[tilespmem:$0x6500] =	vst v63  }
0x2a: {  	s11 =	sadd.s32 $0x1, s11;
	_ =	swait.ge [sflag:s10], $0x6400  }
0x2b: {  	p0 =	sne.s32 s11, s4;
	[sflag:s10] =	ssyncset.done $0x0  }
.Ltmp1:
0x2c: {  	[sflag:s10] =	ssyncadd.s32 $0xFFFF9C00;
	(pc) =	sbr.rel @p0 .LBB2_1-.Ltmp1, $4  }
0x2d: {  	[hbm4b:s12+s3] =	stream.linear.scatter [tilespmem:s9], [sflag:$0x2], $0x6400, $0x38;
	[tilespmem:$0x6500] =	vst v63  }
0x2e: {  	_ =	swait.ge [sflag:s7], $0x6400  }
0x2f: {  	[sflag:s7] =	ssyncset.done $0x0  }
0x30: {  	[sflag:s7] =	ssyncadd.s32 $0xFFFF9C00  }
0x31: {  	_ =	sfence.sel $0x180000  }
0x32: {  	[bflag:$0x0] =	sbarrier.arrive $0xFFFF  }
0x33: {  	p0 =	sne.s32 s0, $0x0;
	_ =	strace $0x9000005C  }
0x34: {  	s0 =	sadd.s32 @!p0 $0x100000, s1;
	[bflag:$0x2] =	sbarrier.arrive $0xFFFF  }
0x35: {  	[sflag:s0] =	ssyncadd.tile.s32 @!p0 $0x1;
	_ =	shalt  }
.Lfunc_end2:
_tile_overlayer_lowered:
.L_overlay_start_2:
0x36: {  	(tag) =	ssettag $0x2  }
0x37: {  	s0 =	rddreg [dreg:$0x0];
	s2 =	stileid.u32  }
0x38: {  	s1 =	rddreg [dreg:$0x1];
	p0 =	sne.s32 s2, $0x0  }
0x39: {  	s3 =	rddreg [dreg:$0x2];
	[bflag:$0x3] =	sbarrier.arrive $0xFFFF;
	s2 =	simm.s32 @!p0 $0x1C02  }
0x3a: {  	[timem:s3], [sflag:s2] =	dma.local @!p0 [hbm:s0], s1  }
0x3b: {  	s0 =	simm.s32 @!p0 $0x2  }
0x3c: {  	_ =	swait.ge @!p0 [sflag:s0], s1  }
0x3d: {  	s1 =	ssub.s32 @!p0 $0x0, s1;
	[sflag:s0] =	ssyncset.done @!p0 $0x0  }
0x3e: {  	[sflag:s0] =	ssyncadd.s32 @!p0 s1  }
0x3f: {  	[bflag:$0x3] =	sbarrier.arrive $0xFFFF  }
0x40: {  	_ =	shalt  }

// kernel: kernel.24.cloned.1.call-start
scs
__scs_entry_jumppad:
0x0: {  	(pc) =	sbr.rel $0x88, $3  }
0x1: {  	(tag) =	ssettag $0x0;
	lr =	simm.s32 $0x1  }
0x2: {  	[smem:$0x3F8E] =	sst lr;
	_ =	strace $0xD0000000  }
0x3: {  	_ = 	snop  }
0x4: {  	_ = 	snop  }
0x5: {  	_ = 	snop  }
0x6: {  	_ = 	snop  }
0x7: {  	_ = 	snop  }
__scs_overlays_trampoline_lowered:
0x8: {  	[smem:$0x3F9D] =	sst s0  }
0x9: {  	[smem:$0x3F9E] =	sst s1  }
0xa: {  	[smem:$0x3F9F] =	sst s2  }
0xb: {  	[smem:$0x3FA0] =	sst s3  }
0xc: {  	[smem:$0x3FA1] =	sst s4  }
0xd: {  	[smem:$0x3FA2] =	sst s5  }
0xe: {  	[smem:$0x3FA3] =	sst s6  }
0xf: {  	[smem:$0x3FA4] =	sst s7  }
0x10: {  	[smem:$0x3FA5] =	sst s8  }
0x11: {  	[smem:$0x3FA6] =	sst s9;
	s0 =	simm.s32 @!p0 $0x0  }
0x12: {  	s1 =	sld [smem:$0x3F8C];
	s0 =	simm.s32 @p0 $0x1  }
0x13: {  	[smem:$0x3FA7] =	sst s0;
	s0 =	simm.s32 @!p1 $0x0  }
0x14: {  	s2 =	sld [smem:$0x3F8B];
	s0 =	simm.s32 @p1 $0x1  }
0x15: {  	[smem:$0x3FA8] =	sst s0;
	s0 =	simm.s32 @!p2 $0x0  }
0x16: {  	s3 =	sld [smem:$0x3FDB];
	s0 =	simm.s32 @p2 $0x1  }
0x17: {  	s4 =	simm.s32 $0x1BF5;
	[smem:$0x3FAA] =	sst s0  }
0x18: {  	s0 =	sld [smem:$0x3F8D];
	_ =	swait.ge [sflag:s4], $0x0  }
0x19: {  	s7 =	sld [smem:$0x3F8E]  }
0x1a: {  	s8 =	sadd.s32 $0xFFFFE003, lr  }
0x1b: {  	s9 =	sadd.s32 $0xFFFFFEF7, lr;
	s5 =	simm.s32 $0xFFFFFFFF;
	p2 =	slt.u32 s8, $0xFFFFF086  }
0x1c: {  	p1 =	slt.u32 s9, $0xF7A;
	s5 =	simm.s32 @!p2 $0x0  }
0x1d: {  	s5 =	simm.s32 @p1 $0x1;
	p0 =	seq.s32 s7, s2  }
0x1e: {  	s7 =	smul.u32 @!p0 $0xF7A, s2;
	p2 =	seq.s32 @!p0 s5, $0x0  }
0x1f: {  	s9 =	smul.u32 $0xF7A, s1;
	s8 =	simm.s32 @!p0 $0x1BF5;
	p2 =	por !p2, p0  }
0x20: {  	[sflag:s8] =	ssyncset.s32 @!p0 $0xFFFFF086;
	s6 =	sadd.s32 @!p0 s3, s7;
	s7 =	simm.s32 @!p0 $0x108  }
0x21: {  	s3 =	sadd.s32 s3, s9;
	s6 =	sadd.s32 @!p0 $0x88, s6;
	s7 =	simm.s32 @p2 $0x1082  }
0x22: {  	[simem:s7], [sflag:s8] =	dma.local @!p0 [hbm:s6], $0xF7A  }
0x23: {  	s9 =	sor.u32 $0xD0000000, s2;
	s6 =	simm.s32 $0x108;
	_ =	swait.ge @!p0 [sflag:s8], $0x0  }
0x24: {  	s3 =	sadd.s32 $0x88, s3;
	s6 =	simm.s32 @!p1 $0x1082;
	[sflag:s4] =	ssyncset.s32 $0xFFFFF086  }
0x25: {  	[simem:s6], [sflag:s4] =	dma.local [hbm:s3], $0xF7A  }
0x26: {  	[smem:$0x3F8E] =	sst s1;
	(tag) =	ssettag s2;
	_ =	strace s9  }
0x27: {  	s1 =	sld [smem:$0x3F9E]  }
0x28: {  	s2 =	sld [smem:$0x3F9F]  }
0x29: {  	s4 =	sld [smem:$0x3FA1]  }
0x2a: {  	p0 =	seq.s32 s5, $0x0;
	s5 =	sld [smem:$0x3FA2]  }
0x2b: {  	s6 =	sld [smem:$0x3FA3]  }
0x2c: {  	s7 =	sld [smem:$0x3FA4]  }
0x2d: {  	s3 =	simm.s32 $0x108;
	s8 =	sld [smem:$0x3FA5]  }
0x2e: {  	s3 =	simm.s32 @!p0 $0x1082;
	s9 =	sld [smem:$0x3FA6]  }
0x2f: {  	lr =	sadd.s32 s0, s3;
	s0 =	sld [smem:$0x3F9D]  }
0x30: {  	s3 =	sld [smem:$0x3FA0]  }
0x31: {  	[smem:$0x3FA9] =	sst s10  }
0x32: {  	s10 =	sld [smem:$0x3FA7];
	_ =	sdelay $0x3  }
0x33: {  	p0 =	seq.s32 s10, $0x1;
	s10 =	sld [smem:$0x3FA9];
	_ =	sdelay $0x3  }
0x34: {  	[smem:$0x3FA9] =	sst s10  }
0x35: {  	s10 =	sld [smem:$0x3FA8];
	_ =	sdelay $0x3  }
0x36: {  	p1 =	seq.s32 s10, $0x1;
	s10 =	sld [smem:$0x3FA9];
	_ =	sdelay $0x3  }
0x37: {  	[smem:$0x3FA9] =	sst s10  }
0x38: {  	s10 =	sld [smem:$0x3FAA]  }
0x39: {  	_ = 	snop;
	(pc) =	sbr.ind lr, $3  }
0x3a: {  	_ = 	snop  }
0x3b: {  	_ = 	snop  }
0x3c: {  	p2 =	seq.s32 s10, $0x1;
	s10 =	sld [smem:$0x3FA9]  }
0x3d: {  	_ =	shalt  }
0x3e: {  	_ =	shalt  }
0x3f: {  	_ =	shalt  }
0x40: {  	_ =	shalt  }
0x41: {  	_ =	shalt  }
0x42: {  	_ =	shalt  }
0x43: {  	_ =	shalt  }
0x44: {  	_ =	shalt  }
0x45: {  	_ =	shalt  }
0x46: {  	_ =	shalt  }
0x47: {  	_ =	shalt  }
0x48: {  	_ =	shalt  }
0x49: {  	_ =	shalt  }
0x4a: {  	_ =	shalt  }
0x4b: {  	_ =	shalt  }
0x4c: {  	_ =	shalt  }
0x4d: {  	_ =	shalt  }
0x4e: {  	_ =	shalt  }
0x4f: {  	_ =	shalt  }
0x50: {  	_ =	shalt  }
0x51: {  	_ =	shalt  }
0x52: {  	_ =	shalt  }
0x53: {  	_ =	shalt  }
0x54: {  	_ =	shalt  }
0x55: {  	_ =	shalt  }
0x56: {  	_ =	shalt  }
0x57: {  	_ =	shalt  }
0x58: {  	_ =	shalt  }
0x59: {  	_ =	shalt  }
0x5a: {  	_ =	shalt  }
0x5b: {  	_ =	shalt  }
0x5c: {  	_ =	shalt  }
0x5d: {  	_ =	shalt  }
0x5e: {  	_ =	shalt  }
0x5f: {  	_ =	shalt  }
0x60: {  	_ =	shalt  }
0x61: {  	_ =	shalt  }
0x62: {  	_ =	shalt  }
0x63: {  	_ =	shalt  }
0x64: {  	_ =	shalt  }
0x65: {  	_ =	shalt  }
0x66: {  	_ =	shalt  }
0x67: {  	_ =	shalt  }
0x68: {  	_ =	shalt  }
0x69: {  	_ =	shalt  }
0x6a: {  	_ =	shalt  }
0x6b: {  	_ =	shalt  }
0x6c: {  	_ =	shalt  }
0x6d: {  	_ =	shalt  }
0x6e: {  	_ =	shalt  }
0x6f: {  	_ =	shalt  }
0x70: {  	_ =	shalt  }
0x71: {  	_ =	shalt  }
0x72: {  	_ =	shalt  }
0x73: {  	_ =	shalt  }
0x74: {  	_ =	shalt  }
0x75: {  	_ =	shalt  }
0x76: {  	_ =	shalt  }
0x77: {  	_ =	shalt  }
0x78: {  	_ =	shalt  }
0x79: {  	_ =	shalt  }
0x7a: {  	_ =	shalt  }
0x7b: {  	_ =	shalt  }
0x7c: {  	_ =	shalt  }
0x7d: {  	_ =	shalt  }
0x7e: {  	_ =	shalt  }
0x7f: {  	_ =	shalt  }
0x80: {  	_ =	shalt  }
0x81: {  	_ =	shalt  }
0x82: {  	_ =	shalt  }
0x83: {  	_ =	shalt  }
0x84: {  	_ =	shalt  }
0x85: {  	_ =	shalt  }
0x86: {  	_ =	shalt  }
0x87: {  	_ =	shalt  }
.Lfunc_end0:
.L_simem_size_0:
called_computation.8_lowered:
.L_overlay_start_0:
0x88: {  	s2 =	sld [smem:$0x3FD9]  }
0x89: {  	s3 =	sld [smem:$0x3FFE];
	_ =	sdelay $0x1  }
0x8a: {  	s1 =	srdreg.scid  }
0x8b: {  	s0 =	sand.u32 $0x1, s1  }
0x8c: {  	s17 =	sshll.u32 s0, $0xA;
	s2 =	sadd.s32 s3, s2  }
0x8d: {  	s2 =	sadd.s32 s2, s17  }
0x8e: {  	[smem:$0x3FB5] =	sst s2  }
0x8f: {  	_ = 	snop  }
0x90: {  	(tm) =	ssettm $0x1  }
0x91: {  	s18 =	sld [smem:$0x3FFB];
	_ =	sdelay $0x3  }
0x92: {  	_ =	strace s18  }
0x93: {  	s2 =	sld [smem:$0x3FFC];
	_ =	sdelay $0x3  }
0x94: {  	_ =	strace s2  }
0x95: {  	s2 =	sld [smem:$0x3FFD];
	_ =	sdelay $0x3  }
0x96: {  	_ =	strace s2  }
0x97: {  	_ =	strace $0x8FFFFFFF  }
0x98: {  	s19 =	sld [smem:$0x3FDB];
	_ =	sdelay $0x1  }
0x99: {  	s20 =	simm.s32 $_scs_section_size  }
0x9a: {  	s4 =	simm.s32 $_size__tile_overlayer_lowered;
	s5 =	simm.s32 $_tile_overlayer_lowered  }
0x9b: {  	s6 =	simm.s32 $0x1BFF;
	s21 =	sshll.u32 s5, $0x1;
	s3 =	sadd.s32 s20, s19  }
0x9c: {  	s22 =	simm.s32 $0x0;
	s4 =	sshll.u32 s4, $0x1;
	s5 =	sadd.s32 s21, s3  }
0x9d: {  	[timem:s22], [sflag:s6] =	dma.local [hbm:s5], s4  }
0x9e: {  	_ =	swait.ge [sflag:s6], s4  }
0x9f: {  	s4 =	ssub.s32 $0x0, s4;
	[sflag:s6] =	ssyncset.done $0x0  }
0xa0: {  	[sflag:s6] =	ssyncadd.s32 s4;
	_ =	sdelay $0x1  }
0xa1: {  	s23 =	simm.s32 $0x1B8B  }
0xa2: {  	_ =	swait.ge [sflag:s23], $0x1  }
0xa3: {  	[sflag:s23] =	ssyncset.done $0x0  }
0xa4: {  	[sflag:s23] =	ssyncadd.s32 $0xFFFFFFFF  }
0xa5: {  	s4 =	sld [smem:$0x0]  }
0xa6: {  	s5 =	sand.u32 $0xFFFFFFFE, s1  }
0xa7: {  	p0 =	sne.s32 s1, s5  }
0xa8: {  	s5 =	sshll.u32 @p0 s5, $0xE  }
0xa9: {  	s5 =	sadd.s32 @p0 $0x11B8D, s5;
	s6 =	sshll.u32 @p0 s4, $0x11  }
0xaa: {  	s5 =	sor.u32 @p0 s6, s5  }
0xab: {  	[sflag:s5] =	ssyncadd.remote.s32 @p0 $0x1;
	_ =	sdelay $0x1  }
0xac: {  	s5 =	simm.s32 @p0 $0x1B8D  }
0xad: {  	_ =	swait.eq @p0 [sflag:s5], $0x1  }
0xae: {  	[sflag:s5] =	ssyncadd.s32 @p0 $0xFFFFFFFF  }
0xaf: {  	s6 =	sshll.u32 @!p0 s1, $0xE  }
0xb0: {  	s6 =	sor.u32 @!p0 $0x4000, s6;
	s5 =	simm.s32 @!p0 $0x1B8D  }
0xb1: {  	s4 =	sshll.u32 @!p0 s4, $0x11;
	s6 =	sadd.s32 @!p0 $0x11B8D, s6;
	_ =	swait.eq @!p0 [sflag:s5], $0x1  }
0xb2: {  	s4 =	sor.u32 @!p0 s4, s6;
	[sflag:s5] =	ssyncadd.s32 @!p0 $0xFFFFFFFF  }
0xb3: {  	s25 =	simm.s32 $0x1B8E;
	s24 =	sld [smem:$0x3FFE];
	[sflag:s4] =	ssyncadd.remote.s32 @!p0 $0x1  }
0xb4: {  	s26 =	simm.s32 $execute0_lowered;
	[smem:$0x3FD2] =	sst s25  }
0xb5: {  	s5 =	sshll.u32 s26, $0x1;
	_ =	strace $0x80000055;
	[dreg:$0x1] =	wrdreg $0xFFFFFFFF  }
0xb6: {  	s28 =	simm.s32 $_size_execute0_lowered;
	s3 =	sadd.s32 s3, s5;
	[dreg:$0x0] =	wrdreg $0x0  }
0xb7: {  	s5 =	sshll.u32 s28, $0x1;
	[dreg:$0x2] =	wrdreg s3  }
0xb8: {  	[dreg:$0x3] =	wrdreg s5  }
0xb9: {  	[dreg:$0x4] =	wrdreg $0xC0  }
0xba: {  	_ =	task [dreg:s22], $0x5FFFF  }
0xbb: {  	[dreg:$0x1] =	wrdreg $0xFFFFFFFF  }
0xbc: {  	[dreg:$0x0] =	wrdreg $0x60  }
0xbd: {  	[dreg:$0x2] =	wrdreg s24  }
0xbe: {  	[dreg:$0x3] =	wrdreg $0xB  }
0xbf: {  	_ =	task.clear_ibuf [dreg:s22], $0x4FFFF;
	_ =	strace $0x90000055  }
0xc0: {  	s29 =	simm.s32 $0xB;
	_ =	strace $0x80000057  }
0xc1: {  	_ =	swait.ge [sflag:s29], $0x1  }
0xc2: {  	[sflag:s29] =	ssyncadd.s32 $0xFFFFFFFF  }
0xc3: {  	_ =	strace $0x90000057  }
0xc4: {  	_ =	sfence  }
0xc5: {  	s30 =	sld [smem:$0x0];
	_ =	sdelay $0x2  }
0xc6: {  	s31 =	sshll.u32 s1, $0xD;
	s1 =	sshrl.u32 s1, $0x2  }
0xc7: {  	s4 =	sand.u32 $0x4000, s31;
	s1 =	sadd.s32 s1, s30  }
0xc8: {  	s0 =	sor.u32 s4, s0;
	s1 =	sshll.u32 s1, $0x11  }
0xc9: {  	s0 =	sor.u32 s1, s0  }
0xca: {  	s0 =	sadd.s32 $0x8F2B, s0  }
0xcb: {  	[sflag:s0] =	ssyncadd.remote.s32 $0x1  }
0xcc: {  	_ =	sfence.sel $0xFFFF  }
0xcd: {  	[dreg:$0x0] =	wrdreg $0xFFFFFFFF;
	(pc) =	sbr.abs _section_cstart, $3  }
0xce: {  	[dreg:$0x1] =	wrdreg $0xFFFFFFFF  }
0xcf: {  	_ =	task.clear_ibuf [dreg:s22], $0x2FFFF;
	_ =	strace $0x9FFFFFFF  }
0xd0: {  	(tm) =	ssettm $0x7FFFFFFF  }
0xd1: {  	_ =	shalt  }
tec
execute0_lowered:
.L_overlay_start_1:
0x0: {  	(tag) =	ssettag $0x1  }
0x1: {  	s4 =	rddreg [dreg:$0x0]  }
0x2: {  	s0 =	rddreg [dreg:$0x1]  }
0x3: {  	s3 =	srdreg.scid;
	s1 =	stileid.u32;
	s2 =	simm.s32 $0x0  }
0x4: {  	s10 =	simm.s32 $0x1;
	s11 =	simm.s32 $0x0;
	s6 =	smul.u32 $0x9C40, s1  }
0x5: {  	s5 =	sand.u32 $0x1, s3;
	[smem:$0x7FF] =	sst s2;
	s8 =	smul.u32 $0x9C400, s1  }
0x6: {  	s3 =	sadd.s32 $0x167A000, s4;
	s7 =	smul.u32 $0x4E20, s5;
	s9 =	ssub.s32 $0x2, s5  }
0x7: {  	_ =	strace $0x80000056;
	s5 =	smul.u32 $0x4E200, s5;
	s31 =	sshrl.u32 s9, $0x1  }
0x8: {  	s30 =	sadd.s32 s8, s4;
	s6 =	sadd.s32 s7, s6;
	s8 =	ssub.s32 s9, s31  }
0x9: {  	s5 =	sadd.s32 s5, s30;
	s7 =	simm.s32 $0x2;
	s6 =	sshrl.u32 s6, $0x3  }
0xa: {  	s9 =	simm.s32 $0x100;
	s5 =	sadd.s32 $0xC67800, s5;
	s6 =	sadd.s32 s6, s4  }
0xb: {  	s4 =	smax.u32 s8, $0x1;
	s8 =	simm.s32 $0xC8;
	s6 =	sadd.s32 $0x162B800, s6  }
.LBB2_1:
0xc: {  	s12 =	sadd.s32 $0x0, s6  }
0xd: {  	[tilespmem:s2], [sflag:$0x2] =	stream.linear.gather [hbm4b:s12+s2], $0xC8, $0x38;
	[tilespmem:$0x6500] =	vst v63  }
0xe: {  	_ =	swait.ge [sflag:s7], $0xC8  }
0xf: {  	[sflag:s7] =	ssyncset.done $0x0  }
0x10: {  	[sflag:s7] =	ssyncadd.s32 $0xFFFFFF38  }
0x11: {  	[tilespmem:s9], [sflag:$0x1] =	stream.indirect.gather [hbm4b:s3+s8], $0x80, s2, s8, $0xb8;
	[tilespmem:$0x6500] =	vst v63  }
0x12: {  	_ =	swait.ge [sflag:s10], $0x6400  }
0x13: {  	[sflag:s10] =	ssyncset.done $0x0  }
0x14: {  	[sflag:s10] =	ssyncadd.s32 $0xFFFF9C00  }
0x15: {  	[hbm4b:s5+s2] =	stream.linear.scatter [tilespmem:s9], [sflag:$0x2], $0x6400, $0x38;
	[tilespmem:$0x6500] =	vst v63  }
0x16: {  	s13 =	simm.s32 $0x19;
	_ =	swait.ge [sflag:s7], $0x6400  }
0x17: {  	s14 =	simm.s32 $0x32;
	s12 =	sadd.s32 $0xC80, s5;
	[sflag:s7] =	ssyncset.done $0x0  }
.LBB2_2:
0x18: {  	s15 =	sadd.s32 s13, s6  }
0x19: {  	[sflag:s7] =	ssyncadd.s32 $0xFFFF9C00;
	s13 =	smov.u32 s14;
	s16 =	sadd.s32 $0x19, s14  }
0x1a: {  	[tilespmem:s2], [sflag:$0x2] =	stream.linear.gather [hbm4b:s15+s2], $0xC8, $0x38;
	[tilespmem:$0x6500] =	vst v63  }
0x1b: {  	p0 =	sne.s32 s14, $0x9AB;
	_ =	swait.ge [sflag:s7], $0xC8  }
0x1c: {  	[sflag:s7] =	ssyncset.done $0x0  }
0x1d: {  	[sflag:s7] =	ssyncadd.s32 $0xFFFFFF38  }
0x1e: {  	[tilespmem:s9], [sflag:$0x1] =	stream.indirect.gather [hbm4b:s3+s8], $0x80, s2, s8, $0xb8;
	[tilespmem:$0x6500] =	vst v63  }
0x1f: {  	_ =	swait.ge [sflag:s10], $0x6400  }
.Ltmp0:
0x20: {  	[sflag:s10] =	ssyncset.done $0x0;
	(pc) =	sbr.rel @p0 .LBB2_2-.Ltmp0, $4  }
0x21: {  	[sflag:s10] =	ssyncadd.s32 $0xFFFF9C00  }
0x22: {  	[hbm4b:s12+s2] =	stream.linear.scatter [tilespmem:s9], [sflag:$0x2], $0x6400, $0x38;
	[tilespmem:$0x6500] =	vst v63  }
0x23: {  	_ =	swait.ge [sflag:s7], $0x6400  }
0x24: {  	s14 =	smov.u32 s16;
	s12 =	sadd.s32 $0xC80, s12;
	[sflag:s7] =	ssyncset.done $0x0  }
0x25: {  	s13 =	sadd.s32 s13, s6;
	[sflag:s7] =	ssyncadd.s32 $0xFFFF9C00  }
0x26: {  	[tilespmem:s2], [sflag:$0x2] =	stream.linear.gather [hbm4b:s13+s2], $0xC8, $0x38;
	[tilespmem:$0x6500] =	vst v63  }
0x27: {  	_ =	swait.ge [sflag:s7], $0xC8  }
0x28: {  	[sflag:s7] =	ssyncset.done $0x0  }
0x29: {  	[sflag:s7] =	ssyncadd.s32 $0xFFFFFF38  }
0x2a: {  	[tilespmem:s9], [sflag:$0x1] =	stream.indirect.gather [hbm4b:s3+s8], $0x80, s2, s8, $0xb8;
	[tilespmem:$0x6500] =	vst v63  }
0x2b: {  	s11 =	sadd.s32 $0x1, s11;
	_ =	swait.ge [sflag:s10], $0x6400  }
0x2c: {  	p0 =	sne.s32 s11, s4;
	[sflag:s10] =	ssyncset.done $0x0  }
.Ltmp1:
0x2d: {  	[sflag:s10] =	ssyncadd.s32 $0xFFFF9C00;
	(pc) =	sbr.rel @p0 .LBB2_1-.Ltmp1, $4  }
0x2e: {  	[hbm4b:s12+s2] =	stream.linear.scatter [tilespmem:s9], [sflag:$0x2], $0x6400, $0x38;
	[tilespmem:$0x6500] =	vst v63  }
0x2f: {  	_ =	swait.ge [sflag:s7], $0x6400  }
0x30: {  	[sflag:s7] =	ssyncset.done $0x0  }
0x31: {  	[sflag:s7] =	ssyncadd.s32 $0xFFFF9C00  }
0x32: {  	_ =	sfence.sel $0x180000  }
0x33: {  	[bflag:$0x0] =	sbarrier.arrive $0xFFFF  }
0x34: {  	p0 =	sne.s32 s1, $0x0;
	_ =	strace $0x90000056  }
0x35: {  	s0 =	sadd.s32 @!p0 $0x100000, s0;
	[bflag:$0x2] =	sbarrier.arrive $0xFFFF  }
0x36: {  	[sflag:s0] =	ssyncadd.tile.s32 @!p0 $0x1;
	_ =	shalt  }
.Lfunc_end2:
_tile_overlayer_lowered:
.L_overlay_start_2:
0x37: {  	(tag) =	ssettag $0x2  }
0x38: {  	s0 =	rddreg [dreg:$0x0];
	s2 =	stileid.u32  }
0x39: {  	s1 =	rddreg [dreg:$0x1];
	p0 =	sne.s32 s2, $0x0  }
0x3a: {  	s3 =	rddreg [dreg:$0x2];
	[bflag:$0x3] =	sbarrier.arrive $0xFFFF;
	s2 =	simm.s32 @!p0 $0x1C02  }
0x3b: {  	[timem:s3], [sflag:s2] =	dma.local @!p0 [hbm:s0], s1  }
0x3c: {  	s0 =	simm.s32 @!p0 $0x2  }
0x3d: {  	_ =	swait.ge @!p0 [sflag:s0], s1  }
0x3e: {  	s1 =	ssub.s32 @!p0 $0x0, s1;
	[sflag:s0] =	ssyncset.done @!p0 $0x0  }
0x3f: {  	[sflag:s0] =	ssyncadd.s32 @!p0 s1  }
0x40: {  	[bflag:$0x3] =	sbarrier.arrive $0xFFFF  }
0x41: {  	_ =	shalt  }

// kernel: scatter_offload_async_start.1
scs
__scs_entry_jumppad:
0x0: {  	(pc) =	sbr.rel $0x88, $3  }
0x1: {  	(tag) =	ssettag $0x0;
	lr =	simm.s32 $0x1  }
0x2: {  	[smem:$0x3F8E] =	sst lr;
	_ =	strace $0xD0000000  }
0x3: {  	_ = 	snop  }
0x4: {  	_ = 	snop  }
0x5: {  	_ = 	snop  }
0x6: {  	_ = 	snop  }
0x7: {  	_ = 	snop  }
__scs_overlays_trampoline_lowered:
0x8: {  	[smem:$0x3F9D] =	sst s0  }
0x9: {  	[smem:$0x3F9E] =	sst s1  }
0xa: {  	[smem:$0x3F9F] =	sst s2  }
0xb: {  	[smem:$0x3FA0] =	sst s3  }
0xc: {  	[smem:$0x3FA1] =	sst s4  }
0xd: {  	[smem:$0x3FA2] =	sst s5  }
0xe: {  	[smem:$0x3FA3] =	sst s6  }
0xf: {  	[smem:$0x3FA4] =	sst s7  }
0x10: {  	[smem:$0x3FA5] =	sst s8  }
0x11: {  	[smem:$0x3FA6] =	sst s9;
	s0 =	simm.s32 @!p0 $0x0  }
0x12: {  	s1 =	sld [smem:$0x3F8C];
	s0 =	simm.s32 @p0 $0x1  }
0x13: {  	[smem:$0x3FA7] =	sst s0;
	s0 =	simm.s32 @!p1 $0x0  }
0x14: {  	s2 =	sld [smem:$0x3F8B];
	s0 =	simm.s32 @p1 $0x1  }
0x15: {  	[smem:$0x3FA8] =	sst s0;
	s0 =	simm.s32 @!p2 $0x0  }
0x16: {  	s3 =	sld [smem:$0x3FDB];
	s0 =	simm.s32 @p2 $0x1  }
0x17: {  	s4 =	simm.s32 $0x1BF5;
	[smem:$0x3FAA] =	sst s0  }
0x18: {  	s0 =	sld [smem:$0x3F8D];
	_ =	swait.ge [sflag:s4], $0x0  }
0x19: {  	s7 =	sld [smem:$0x3F8E]  }
0x1a: {  	s8 =	sadd.s32 $0xFFFFE003, lr  }
0x1b: {  	s9 =	sadd.s32 $0xFFFFFEF7, lr;
	s5 =	simm.s32 $0xFFFFFFFF;
	p2 =	slt.u32 s8, $0xFFFFF086  }
0x1c: {  	p1 =	slt.u32 s9, $0xF7A;
	s5 =	simm.s32 @!p2 $0x0  }
0x1d: {  	s5 =	simm.s32 @p1 $0x1;
	p0 =	seq.s32 s7, s2  }
0x1e: {  	s7 =	smul.u32 @!p0 $0xF7A, s2;
	p2 =	seq.s32 @!p0 s5, $0x0  }
0x1f: {  	s9 =	smul.u32 $0xF7A, s1;
	s8 =	simm.s32 @!p0 $0x1BF5;
	p2 =	por !p2, p0  }
0x20: {  	[sflag:s8] =	ssyncset.s32 @!p0 $0xFFFFF086;
	s6 =	sadd.s32 @!p0 s3, s7;
	s7 =	simm.s32 @!p0 $0x108  }
0x21: {  	s3 =	sadd.s32 s3, s9;
	s6 =	sadd.s32 @!p0 $0x88, s6;
	s7 =	simm.s32 @p2 $0x1082  }
0x22: {  	[simem:s7], [sflag:s8] =	dma.local @!p0 [hbm:s6], $0xF7A  }
0x23: {  	s9 =	sor.u32 $0xD0000000, s2;
	s6 =	simm.s32 $0x108;
	_ =	swait.ge @!p0 [sflag:s8], $0x0  }
0x24: {  	s3 =	sadd.s32 $0x88, s3;
	s6 =	simm.s32 @!p1 $0x1082;
	[sflag:s4] =	ssyncset.s32 $0xFFFFF086  }
0x25: {  	[simem:s6], [sflag:s4] =	dma.local [hbm:s3], $0xF7A  }
0x26: {  	[smem:$0x3F8E] =	sst s1;
	(tag) =	ssettag s2;
	_ =	strace s9  }
0x27: {  	s1 =	sld [smem:$0x3F9E]  }
0x28: {  	s2 =	sld [smem:$0x3F9F]  }
0x29: {  	s4 =	sld [smem:$0x3FA1]  }
0x2a: {  	p0 =	seq.s32 s5, $0x0;
	s5 =	sld [smem:$0x3FA2]  }
0x2b: {  	s6 =	sld [smem:$0x3FA3]  }
0x2c: {  	s7 =	sld [smem:$0x3FA4]  }
0x2d: {  	s3 =	simm.s32 $0x108;
	s8 =	sld [smem:$0x3FA5]  }
0x2e: {  	s3 =	simm.s32 @!p0 $0x1082;
	s9 =	sld [smem:$0x3FA6]  }
0x2f: {  	lr =	sadd.s32 s0, s3;
	s0 =	sld [smem:$0x3F9D]  }
0x30: {  	s3 =	sld [smem:$0x3FA0]  }
0x31: {  	[smem:$0x3FA9] =	sst s10  }
0x32: {  	s10 =	sld [smem:$0x3FA7];
	_ =	sdelay $0x3  }
0x33: {  	p0 =	seq.s32 s10, $0x1;
	s10 =	sld [smem:$0x3FA9];
	_ =	sdelay $0x3  }
0x34: {  	[smem:$0x3FA9] =	sst s10  }
0x35: {  	s10 =	sld [smem:$0x3FA8];
	_ =	sdelay $0x3  }
0x36: {  	p1 =	seq.s32 s10, $0x1;
	s10 =	sld [smem:$0x3FA9];
	_ =	sdelay $0x3  }
0x37: {  	[smem:$0x3FA9] =	sst s10  }
0x38: {  	s10 =	sld [smem:$0x3FAA]  }
0x39: {  	_ = 	snop;
	(pc) =	sbr.ind lr, $3  }
0x3a: {  	_ = 	snop  }
0x3b: {  	_ = 	snop  }
0x3c: {  	p2 =	seq.s32 s10, $0x1;
	s10 =	sld [smem:$0x3FA9]  }
0x3d: {  	_ =	shalt  }
0x3e: {  	_ =	shalt  }
0x3f: {  	_ =	shalt  }
0x40: {  	_ =	shalt  }
0x41: {  	_ =	shalt  }
0x42: {  	_ =	shalt  }
0x43: {  	_ =	shalt  }
0x44: {  	_ =	shalt  }
0x45: {  	_ =	shalt  }
0x46: {  	_ =	shalt  }
0x47: {  	_ =	shalt  }
0x48: {  	_ =	shalt  }
0x49: {  	_ =	shalt  }
0x4a: {  	_ =	shalt  }
0x4b: {  	_ =	shalt  }
0x4c: {  	_ =	shalt  }
0x4d: {  	_ =	shalt  }
0x4e: {  	_ =	shalt  }
0x4f: {  	_ =	shalt  }
0x50: {  	_ =	shalt  }
0x51: {  	_ =	shalt  }
0x52: {  	_ =	shalt  }
0x53: {  	_ =	shalt  }
0x54: {  	_ =	shalt  }
0x55: {  	_ =	shalt  }
0x56: {  	_ =	shalt  }
0x57: {  	_ =	shalt  }
0x58: {  	_ =	shalt  }
0x59: {  	_ =	shalt  }
0x5a: {  	_ =	shalt  }
0x5b: {  	_ =	shalt  }
0x5c: {  	_ =	shalt  }
0x5d: {  	_ =	shalt  }
0x5e: {  	_ =	shalt  }
0x5f: {  	_ =	shalt  }
0x60: {  	_ =	shalt  }
0x61: {  	_ =	shalt  }
0x62: {  	_ =	shalt  }
0x63: {  	_ =	shalt  }
0x64: {  	_ =	shalt  }
0x65: {  	_ =	shalt  }
0x66: {  	_ =	shalt  }
0x67: {  	_ =	shalt  }
0x68: {  	_ =	shalt  }
0x69: {  	_ =	shalt  }
0x6a: {  	_ =	shalt  }
0x6b: {  	_ =	shalt  }
0x6c: {  	_ =	shalt  }
0x6d: {  	_ =	shalt  }
0x6e: {  	_ =	shalt  }
0x6f: {  	_ =	shalt  }
0x70: {  	_ =	shalt  }
0x71: {  	_ =	shalt  }
0x72: {  	_ =	shalt  }
0x73: {  	_ =	shalt  }
0x74: {  	_ =	shalt  }
0x75: {  	_ =	shalt  }
0x76: {  	_ =	shalt  }
0x77: {  	_ =	shalt  }
0x78: {  	_ =	shalt  }
0x79: {  	_ =	shalt  }
0x7a: {  	_ =	shalt  }
0x7b: {  	_ =	shalt  }
0x7c: {  	_ =	shalt  }
0x7d: {  	_ =	shalt  }
0x7e: {  	_ =	shalt  }
0x7f: {  	_ =	shalt  }
0x80: {  	_ =	shalt  }
0x81: {  	_ =	shalt  }
0x82: {  	_ =	shalt  }
0x83: {  	_ =	shalt  }
0x84: {  	_ =	shalt  }
0x85: {  	_ =	shalt  }
0x86: {  	_ =	shalt  }
0x87: {  	_ =	shalt  }
.Lfunc_end0:
.L_simem_size_0:
called_computation.1_lowered:
.L_overlay_start_0:
0x88: {  	s0 =	sld [smem:$0x3FD9]  }
0x89: {  	s1 =	sld [smem:$0x3FFE];
	_ =	sdelay $0x3  }
0x8a: {  	s0 =	sadd.s32 s1, s0  }
0x8b: {  	[smem:$0x3FB5] =	sst s0  }
0x8c: {  	_ = 	snop  }
0x8d: {  	(tm) =	ssettm $0x1  }
0x8e: {  	s15 =	sld [smem:$0x3FFB];
	_ =	sdelay $0x3  }
0x8f: {  	_ =	strace s15  }
0x90: {  	s0 =	sld [smem:$0x3FFC];
	_ =	sdelay $0x3  }
0x91: {  	_ =	strace s0  }
0x92: {  	s0 =	sld [smem:$0x3FFD];
	_ =	sdelay $0x3  }
0x93: {  	_ =	strace s0  }
0x94: {  	_ =	strace $0x8FFFFFFF  }
0x95: {  	s16 =	sld [smem:$0x3FDB];
	_ =	sdelay $0x1  }
0x96: {  	s17 =	simm.s32 $_scs_section_size  }
0x97: {  	s2 =	simm.s32 $_size__tile_overlayer_lowered;
	s3 =	simm.s32 $_tile_overlayer_lowered  }
0x98: {  	s20 =	simm.s32 $0x1BFF;
	s19 =	sshll.u32 s3, $0x1;
	s0 =	sadd.s32 s17, s16  }
0x99: {  	s4 =	simm.s32 $0x0;
	s18 =	sshll.u32 s2, $0x1;
	s2 =	sadd.s32 s19, s0  }
0x9a: {  	[timem:s4], [sflag:s20] =	dma.local [hbm:s2], s18  }
0x9b: {  	_ =	swait.ge [sflag:s20], s18  }
0x9c: {  	s1 =	ssub.s32 $0x0, s18;
	[sflag:s20] =	ssyncset.done $0x0  }
0x9d: {  	[sflag:s20] =	ssyncadd.s32 s1;
	_ =	sdelay $0x1  }
0x9e: {  	s21 =	simm.s32 $0x1B8B  }
0x9f: {  	_ =	swait.ge [sflag:s21], $0x1  }
0xa0: {  	[sflag:s21] =	ssyncset.done $0x0  }
0xa1: {  	s23 =	simm.s32 $0x1B8E;
	s22 =	sld [smem:$0x3FFE];
	[sflag:s21] =	ssyncadd.s32 $0xFFFFFFFF  }
0xa2: {  	s24 =	simm.s32 $execute0_lowered;
	[smem:$0x3FD2] =	sst s23  }
0xa3: {  	s2 =	sshll.u32 s24, $0x1;
	_ =	strace $0x80000049;
	[dreg:$0x1] =	wrdreg $0xFFFFFFFF  }
0xa4: {  	s25 =	simm.s32 $_size_execute0_lowered;
	s0 =	sadd.s32 s0, s2;
	[dreg:$0x0] =	wrdreg $0x0  }
0xa5: {  	s2 =	sshll.u32 s25, $0x1;
	[dreg:$0x2] =	wrdreg s0  }
0xa6: {  	[dreg:$0x3] =	wrdreg s2  }
0xa7: {  	[dreg:$0x4] =	wrdreg $0xC0  }
0xa8: {  	_ =	task [dreg:s4], $0x5FFFF  }
0xa9: {  	[dreg:$0x1] =	wrdreg $0xFFFFFFFF  }
0xaa: {  	[dreg:$0x0] =	wrdreg $0x60  }
0xab: {  	[dreg:$0x2] =	wrdreg s22  }
0xac: {  	[dreg:$0x3] =	wrdreg $0xB  }
0xad: {  	_ =	task.clear_ibuf [dreg:s4], $0x4FFFF;
	_ =	strace $0x90000049  }
0xae: {  	s26 =	simm.s32 $0xB;
	_ =	strace $0x8000004B  }
0xaf: {  	_ =	swait.ge [sflag:s26], $0x1  }
0xb0: {  	[sflag:s26] =	ssyncadd.s32 $0xFFFFFFFF  }
0xb1: {  	_ =	strace $0x9000004B  }
0xb2: {  	_ =	sfence  }
0xb3: {  	s28 =	sld [smem:$0x0];
	_ =	sdelay $0x1  }
0xb4: {  	s29 =	srdreg.scid  }
0xb5: {  	s30 =	sshll.u32 s29, $0xD;
	s31 =	sshrl.u32 s29, $0x2  }
0xb6: {  	s1 =	sand.u32 $0x1, s29;
	s2 =	sand.u32 $0x4000, s30;
	s0 =	sadd.s32 s31, s28  }
0xb7: {  	s1 =	sor.u32 s2, s1;
	s0 =	sshll.u32 s0, $0x11  }
0xb8: {  	s0 =	sor.u32 s0, s1  }
0xb9: {  	s0 =	sadd.s32 $0x8F2B, s0  }
0xba: {  	[sflag:s0] =	ssyncadd.remote.s32 $0x1  }
0xbb: {  	_ =	sfence.sel $0xFFFF  }
0xbc: {  	[dreg:$0x0] =	wrdreg $0xFFFFFFFF;
	(pc) =	sbr.abs _section_cstart, $3  }
0xbd: {  	[dreg:$0x1] =	wrdreg $0xFFFFFFFF  }
0xbe: {  	_ =	task.clear_ibuf [dreg:s4], $0x2FFFF;
	_ =	strace $0x9FFFFFFF  }
0xbf: {  	(tm) =	ssettm $0x7FFFFFFF  }
tec
execute0_lowered:
.L_overlay_start_1:
0x0: {  	(tag) =	ssettag $0x1  }
0x1: {  	s6 =	rddreg [dreg:$0x0]  }
0x2: {  	s0 =	rddreg [dreg:$0x1];
	_ =	strace $0x8000004A;
	s3 =	simm.s32 $0x1  }
0x3: {  	v1 =	vimm.s32 $0xFFFFFFFF;
	[sflag:s3] =	ssyncpa.u1 $0x0  }
0x4: {  	[tilespmem:$0x10] =	vst v1  }
0x5: {  	v0 =	vimm.f32 $0.0e+00;
	[tilespmem:$0x20] =	vst v1  }
0x6: {  	[tilespmem:$0x30] =	vst v0  }
0x7: {  	[tilespmem:$0x40] =	vst v0  }
0x8: {  	s2 =	stileid.u32;
	[tilespmem:$0x50] =	vst v0  }
0x9: {  	s7 =	simm.s32 $0x2;
	s9 =	simm.s32 $0x8;
	s11 =	simm.s32 $0x9;
	[tilespmem:$0x60] =	vst v1  }
0xa: {  	s14 =	simm.s32 $0x0;
	p0 =	por $0x0, $0x0;
	s15 =	simm.s32 $0xFFFFC280;
	[tilespmem:$0x70] =	vst v1  }
0xb: {  	s16 =	simm.s32 $0xFFFFFFFE;
	s17 =	simm.s32 $0xF;
	s18 =	simm.s32 $0x30;
	[tilespmem:$0x80] =	vst v1  }
0xc: {  	s21 =	simm.s32 $0x0;
	s19 =	simm.s32 $0x0;
	s5 =	smul.u32 $0x9C40, s2;
	v1 =	vimm.s32 $0x0;
	[tilespmem:$0xB0] =	vst v0  }
.Ltmp0:
0xd: {  	s1 =	sadd.s32 $0x16A1400, s6;
	s4 =	sadd.s32 $0x167A000, s6;
	[tilespmem:$0x90] =	vst v1;
	(pc) =	sbr.rel .LBB2_1-.Ltmp0, $4  }
0xe: {  	s6 =	sadd.s32 $0x168DA00, s6;
	[tilespmem:$0xA0] =	vst v1;
	[sflag:s7] =	ssyncpa.u1 $0x0;
	s7 =	simm.s32 $0x7  }
0xf: {  	s10 =	sshll.u32 s2, $0x1;
	s12 =	sshllo.u32 s2, $0x1;
	[sflag:s7] =	ssyncpa.u1 $0x0  }
0x10: {  	vm0 =	vmmov $0xffff;
	v2 =	vlaneseq.u32;
	s13 =	sor.u32 $0x80, s10;
	s8 =	sadd.s32 $0x9C40, s5;
	[sflag:s9] =	ssyncpa.u1 $0x0  }
0x11: {  	vm1 =	vmxor vm1, vm1;
	vm2 =	vmmov $0x1;
	vm3 =	vcmask $0x3F3C;
	s20 =	smov.u32 s5;
	[sflag:s11] =	ssyncpa.u1 $0x0;
	s11 =	sor.u32 $0x81, s10  }
.LBB2_10:
0x12: {  	p1 =	slt.u32 s19, $0x3  }
0x13: {  	s21 =	simm.s32 @!p1 $0x2  }
0x14: {  	_ =	swait.ge @!p1 [sflag:s21], $0x1F40  }
0x15: {  	[sflag:s21] =	ssyncset.done @!p1 $0x0  }
0x16: {  	[sflag:s21] =	ssyncadd.s32 @!p1 $0xFFFFE0C0;
	s21 =	simm.s32 @!p1 $0x9  }
0x17: {  	_ =	swait.ge @!p1 [sflag:s21], $0x10  }
0x18: {  	s19 =	sadd.s32 $0x1, s19;
	[sflag:s21] =	ssyncset.done @!p1 $0x0  }
0x19: {  	[sflag:s21] =	ssyncadd.s32 @!p1 $0xFFFFFFF0;
	p1 =	sne.s32 s19, $0x8  }
.Ltmp1:
0x1a: {  	_ = 	snop;
	(pc) =	sbr.rel @!p1 .LBB2_11-.Ltmp1, $4  }
0x1b: {  	s22 =	sadd.s32 $0x1F40, s20  }
0x1c: {  	s23 =	smov.u32 s5;
	p2 =	slt.s32 s22, s8  }
0x1d: {  	p0 =	por !p0, !p0;
	s15 =	sadd.s32 $0x1F40, s15;
	s23 =	smov.u32 @p2 s22  }
0x1e: {  	s16 =	sadd.s32 $0x1, s16;
	s21 =	smov.u32 s20;
	s20 =	smov.u32 s23  }
.LBB2_1:
0x1f: {  	p1 =	sgt.u32 s19, $0x4  }
0x20: {  	s22 =	sadd.s32 @!p1 $0xFFFFFFFD, s19  }
0x21: {  	s22 =	smin.u32 @!p1 s19, s22  }
0x22: {  	s22 =	smul.u32 @!p1 $0x7D00, s22;
	_ =	sdelay $0x1  }
0x23: {  	s23 =	sshrl.u32 @!p1 s20, $0x3;
	s22 =	sshra.s32 @!p1 s22, $0x2  }
0x24: {  	s24 =	sand.u32 @!p1 $0x7, s20;
	s23 =	sadd.s32 @!p1 s4, s23;
	s22 =	sadd.s32 @!p1 $0x100, s22  }
0x25: {  	[tilespmem:s22], [sflag:$0x7] =	stream.linear.gather @!p1 [hbm4b:s23+s24], $0x1F40, $0x38;
	[tilespmem:$0x11A60] =	vst v63  }
0x26: {  	s22 =	sadd.s32 $0xFFFFFFFF, s19  }
0x27: {  	p1 =	sgt.u32 s22, $0x4  }
.Ltmp2:
0x28: {  	_ = 	snop;
	(pc) =	sbr.rel @p1 .LBB2_5-.Ltmp2, $1  }
0x29: {  	_ =	sdelay $0x3  }
0x2a: {  	s23 =	sadd.s32 $0xFFFFFFFC, s19;
	p1 =	slt.u32 s22, $0x3  }
0x2b: {  	s23 =	smov.u32 @p1 s22  }
0x2c: {  	s23 =	smul.u32 $0x7D00, s23  }
0x2d: {  	_ =	swait.ge [sflag:s7], $0x1F40  }
0x2e: {  	[sflag:s7] =	ssyncset.done $0x0;
	s23 =	sshra.s32 s23, $0x2  }
0x2f: {  	[sflag:s7] =	ssyncadd.s32 $0xFFFFE0C0;
	(ifvalue) =	ssetifvalue $0xFFFFFFFF;
	v3 =	vld.msk [tilespmem:s23+$0x100 ss:$0x1], $0xffff;
	_ =	sdelay $0x2  }
0x30: {  	p1 =	sne.s32 s19, $0x1  }
0x31: {  	v4 =	vimm.s32 @!p1 $0x0  }
0x32: {  	v4 =	vperm.xlane @!p1 v3, v4  }
0x33: {  	s24 =	sshll.u32 s19, $0x4;
	vm4 =	vlt.u32 v3, $0x27400  }
0x34: {  	s24 =	sand.u32 $0x10, s24;
	v3 =	vnsel vm4, $0xFFFFFFFE, v3;
	vm4 =	vlt.u32 @!p1 v4, $0x27400  }
0x35: {  	[tilespmem:s24+$0x60] =	vst v3;
	v3 =	vnsel @!p1 vm4, $0xFFFFFFFE, v4  }
0x36: {  	s26 =	sadd.s32 $0x2030, s23;
	[tilespmem:$0x80] =	vst @!p1 v3  }
0x37: {  	v3 =	vld.msk [tilespmem:s26+$0x0 ss:$0x1], $0xffff;
	_ =	sdelay $0x4  }
0x38: {  	(xrf1) =	vunique.msk.u32 $0xffff, v3;
	_ =	sdelay $0xd  }
0x39: {  	v4 =	vimm.s32 $0xFFFFFFFF;
	v5, _, _ =	vpop (xrf1)  }
0x3a: {  	vm5 =	vne.s32 v3, v4;
	vm4 =	veq.s32 v5, v2  }
0x3b: {  	vm6 =	vlt.u32 v3, $0x27400;
	vm4 =	vmand vm5, vm4  }
0x3c: {  	vm4 =	vmand vm6, vm4  }
0x3d: {  	v4 =	vnsel vm4, $0xFFFFFFFF, v3  }
0x3e: {  	s31 =	sand.u32 $0x1, s22  }
0x3f: {  	s22 =	simm.s32 $0x1F40;
	p1 =	seq.s32 s31, $0x1  }
0x40: {  	s22 =	simm.s32 @!p1 $0x0  }
0x41: {  	s23 =	sadd.s32 $0x7DF0, s22;
	(ifvalue) =	ssetifvalue $0xFFFFFFFF  }
0x42: {  	v3 =	vperm.xlane v3, v1;
	[tilespmem:s23], [sflag:$0x8] =	stream.indirect_vreg.gather [hbm4b:s1+s14], $0x1, v4, vm0, $0x4038;
	v4 =	vnsel vm6, $0xFFFFFFFE, v4;
	[tilespmem:$0x11A60] =	vst v63  }
0x43: {  	s25 =	sadd.s32 $0xFFFFFFF0, s26;
	s24 =	simm.s32 $0x0;
	[tilespmem:s26+$0x0] =	vst v4  }
.LBB2_3:
0x44: {  	v4 =	vld.msk [tilespmem:s25+$0x0 ss:$0x1], $0xffff;
	s24 =	sadd.s32 $0x10, s24;
	v5 =	vmov v3;
	s26 =	smov.u32 s25  }
0x45: {  	p1 =	slt.u32 s24, $0x1F30;
	_ =	sdelay $0x4  }
0x46: {  	v3 =	vperm.xlane v4, v1;
	(xrf1) =	vunique.msk.u32 $0xffff, v4;
	_ =	sdelay $0xd  }
0x47: {  	v6, _, _ =	vpop (xrf1)  }
0x48: {  	vm5 =	vne.s32 v4, v5;
	vm4 =	veq.s32 v6, v2  }
0x49: {  	vm6 =	vlt.u32 v4, $0x27400;
	vm4 =	vmand vm5, vm4  }
0x4a: {  	vm4 =	vmand vm6, vm4  }
0x4b: {  	v4 =	vnsel vm4, $0xFFFFFFFF, v4  }
.Ltmp3:
0x4c: {  	v5 =	vnsel vm6, $0xFFFFFFFE, v4;
	(pc) =	sbr.rel @p1 .LBB2_3-.Ltmp3, $3  }
0x4d: {  	_ =	sdelay $0x1  }
0x4e: {  	s25 =	sadd.s32 $0xFFFFFFF0, s25;
	s23 =	sadd.s32 $0xFFFFFFF0, s23;
	(ifvalue) =	ssetifvalue $0xFFFFFFFF  }
0x4f: {  	[tilespmem:s23], [sflag:$0x8] =	stream.indirect_vreg.gather [hbm4b:s1+s14], $0x1, v4, vm0, $0x4038;
	[tilespmem:s26+$0x0] =	vst v5  }
0x50: {  	s21 =	sshrl.u32 s21, $0x3  }
0x51: {  	s22 =	sadd.s32 $0x9D40, s22;
	s21 =	sadd.s32 s6, s21  }
0x52: {  	[tilespmem:s22], [sflag:$0x8] =	stream.linear.gather [hbm:s21], $0x1F40, $0x38;
	[tilespmem:$0x11A60] =	vst v63  }
.LBB2_5:
0x53: {  	p1 =	sgt.u32 s19, $0x7  }
.Ltmp4:
0x54: {  	_ = 	snop;
	(pc) =	sbr.rel @p1 .LBB2_7-.Ltmp4, $1  }
0x55: {  	_ =	sdelay $0x3  }
0x56: {  	s21 =	sshll.u32 s3, s19  }
0x57: {  	s21 =	sand.u32 $0x83, s21  }
0x58: {  	p1 =	sne.s32 s21, $0x0  }
.Ltmp5:
0x59: {  	_ = 	snop;
	(pc) =	sbr.rel @p1 .LBB2_10-.Ltmp5, $1  }
0x5a: {  	_ =	sdelay $0x3  }
.LBB2_7:
0x5b: {  	s21 =	sadd.s32 $0xFFFFFFFE, s19  }
0x5c: {  	s22 =	smulhi.u32 $0xAAAAAAAB, s21;
	_ =	sdelay $0x1  }
0x5d: {  	s22 =	sshrl.u32 s22, $0x1  }
0x5e: {  	s22 =	smul.u32 $0x3, s22;
	_ =	sdelay $0x1  }
0x5f: {  	s21 =	ssub.s32 s21, s22  }
0x60: {  	_ =	swait.ge [sflag:s9], $0x3E80;
	s25 =	smul.u32 $0x1F40, s21  }
0x61: {  	p1 =	sne.s32 s19, $0x6;
	[sflag:s9] =	ssyncset.done $0x0  }
0x62: {  	[sflag:s9] =	ssyncadd.s32 $0xFFFFC180;
	s21 =	sadd.s32 @!p1 $0x203F, s25  }
0x63: {  	[spmem:s11] =	stream.linear.scatter @!p1 [tilespmem:s21], [sflag:$0x1], $0x1, $0x38;
	[tilespmem:$0x11A60] =	vst v63  }
0x64: {  	s21 =	simm.s32 @!p1 $0x1  }
0x65: {  	_ =	swait.ge @!p1 [sflag:s21], $0x1  }
0x66: {  	s26 =	sshll.u32 s19, $0x4;
	[sflag:s21] =	ssyncset.done @!p1 $0x0  }
0x67: {  	[sflag:s21] =	ssyncadd.s32 @!p1 $0xFFFFFFFF;
	s21 =	sand.u32 $0x10, s26  }
0x68: {  	v4 =	vld [tilespmem:s21+$0x10];
	s26 =	sxor.u32 $0x10, s21  }
0x69: {  	v5 =	vld [tilespmem:s26+$0x60]  }
0x6a: {  	v3 =	vld [tilespmem:$0x80];
	_ =	sdelay $0x2  }
0x6b: {  	(v2sf) =	vpush v4, $0x0  }
0x6c: {  	(v2sf) =	vpush v5, $0x0  }
0x6d: {  	(v2sf) =	vpush v3, $0x0;
	_ =	sdelay $0xc  }
0x6e: {  	s31 =	spop (v2sf)  }
0x6f: {  	s24 =	spop (v2sf)  }
0x70: {  	s23 =	spop (v2sf)  }
0x71: {  	p2 =	seq.s32 s31, s24;
	p3 =	seq.s32 s23, s31  }
0x72: {  	p3 =	por p2, p3  }
0x73: {  	s31 =	sand.u32 $0x1, s19;
	v4 =	vpsel p3, $0xFFFFFFFF, v4  }
0x74: {  	s24 =	smul.u32 $0x1F40, s31;
	[tilespmem:s21+$0x10] =	vst.msk $0x1, v4  }
0x75: {  	v4 =	vld [tilespmem:$0x30]  }
0x76: {  	v5 =	vld [tilespmem:s24+$0x9D40]  }
0x77: {  	v6 =	vld [tilespmem:s21+$0x40];
	_ =	sdelay $0x3  }
0x78: {  	vm4 =	vmmov vm1;
	v5 =	vadd.f32 v5, v4  }
0x79: {  	vm5 =	vmmov vm2;
	vm4 =	vmmov @p2 vm2;
	s22 =	sshll.u32 s31, $0x4;
	v4 =	vadd.f32 v6, v4  }
0x7a: {  	vm5 =	vmmov @p3 vm1;
	s22 =	sor.u32 $0x11A40, s22;
	[tilespmem:s24+$0x9D40] =	vst.msk vm4, v5  }
0x7b: {  	[tilespmem:s22+$0x0] =	vst.msk vm5, v4  }
0x7c: {  	v4 =	vld [tilespmem:s24+$0x7DF0];
	_ =	sdelay $0x3  }
0x7d: {  	v5 =	vimm.f32 $0.0e+00  }
0x7e: {  	v4 =	vshift.insert v4, v5, s17  }
0x7f: {  	s28 =	sor.u32 $0x40, s26  }
0x80: {  	[tilespmem:s28+$0x0] =	vst.msk $0x1, v4  }
0x81: {  	[tilespmem:s24+$0x7DFF] =	vst.msk $0x1, v5  }
0x82: {  	v4 =	vld [tilespmem:s25+$0x2030];
	_ =	sdelay $0x1  }
0x83: {  	s28 =	smulhi.u32 $0xAAAAAAAB, s16;
	s25 =	simm.s32 $0x1  }
0x84: {  	s25 =	simm.s32 @!p0 $0x0  }
0x85: {  	s28 =	sshrl.u32 s28, $0x1;
	s25 =	smul.u32 $0x7D00, s25  }
0x86: {  	s28 =	smul.u32 $0xFFFE8900, s28;
	v4 =	vshift.insert v4, v1, s17  }
0x87: {  	s29 =	sshrl.u32 s25, $0x2  }
0x88: {  	s28 =	sshra.s32 s28, $0x2;
	s25 =	sadd.s32 $0x9D40, s29;
	[tilespmem:s26+$0x10] =	vst.msk $0x1, v4  }
0x89: {  	s30 =	sadd.s32 s28, s15;
	v6 =	vld [tilespmem:s25+$0x0]  }
0x8a: {  	v7 =	vld [tilespmem:s30+$0x0];
	_ =	sdelay $0x3  }
0x8b: {  	v5 =	vadd.f32 v6, v5  }
0x8c: {  	vm4 =	vne.s32 v7, $0xFFFFFFFF  }
0x8d: {  	(xrf2) =	vadd.seg.scan.f32 vm4, v5;
	_ =	sdelay $0x3  }
0x8e: {  	s26 =	sadd.s32 $0x5EC0, s29;
	v5 =	vperm.xlane v4, v1  }
0x8f: {  	v6 =	vld [tilespmem:s26+$0x0]  }
0x90: {  	vm5 =	veq.s32 v7, v3;
	vm6 =	veq.s32 v7, v5  }
0x91: {  	vm7 =	vgt.u32 v7, $0xFFFFFFFD;
	vm6 =	vmor vm6, vm5  }
0x92: {  	vm6 =	vmor vm6, vm7  }
0x93: {  	v9 =	vld [tilespmem:$0xA0];
	v7 =	vsel vm6, $0xFFFFFFFF, v7  }
0x94: {  	v10 =	vld [tilespmem:$0x90];
	v6 =	vsel vm5, $0x0, v6;
	v8, _, _ =	vpop (xrf2)  }
0x95: {  	v6 =	vadd.f32 v8, v6  }
0x96: {  	s28 =	sadd.s32 $0xDBC0, s29  }
0x97: {  	vm4 =	vmand vm4, vm3;
	[tilespmem:s28+$0x0] =	vst v6;
	(ifvalue) =	ssetifvalue $0xFFFFFFFF  }
0x98: {  	vm6 =	veq.s32 v9, $0x1;
	[hbm4b:s1+s14] =	stream.indirect_vreg.scatter [tilespmem:s28], [sflag:$0x2], $0x1, v7, vm0, $0x4038;
	v7 =	vsel vm4, $0x0, v8;
	[tilespmem:$0x11A60] =	vst v63  }
0x99: {  	s29 =	simm.s32 $0x0;
	s30 =	sadd.s32 $0x10, s30;
	vm4 =	vmor vm6, vm5;
	v6 =	vsel vm5, v8, v10;
	v7 =	vshift.insert v7, v0, s17  }
.LBB2_8:
0x9a: {  	v8 =	vld [tilespmem:s30+$0x0];
	s25 =	sadd.s32 $0x10, s25  }
0x9b: {  	s26 =	sadd.s32 $0x10, s26;
	v9 =	vld [tilespmem:s25+$0x0]  }
0x9c: {  	s29 =	sadd.s32 $0x10, s29;
	v10 =	vld [tilespmem:s26+$0x0]  }
0x9d: {  	p2 =	slt.u32 s29, $0x1F30;
	_ =	sdelay $0x2  }
0x9e: {  	v7 =	vadd.f32 v9, v7  }
0x9f: {  	vm5 =	vne.s32 v8, $0xFFFFFFFF  }
0xa0: {  	vm6 =	vmand vm5, vm3;
	(xrf2) =	vadd.seg.scan.f32 vm5, v7;
	_ =	sdelay $0x5  }
0xa1: {  	vm7 =	veq.s32 v8, v5;
	vm5 =	veq.s32 v8, v3  }
0xa2: {  	vm8 =	vgt.u32 v8, $0xFFFFFFFD;
	vm4 =	vmor vm4, vm5;
	vm7 =	vmor vm7, vm5  }
0xa3: {  	vm7 =	vmor vm7, vm8  }
0xa4: {  	v8 =	vsel vm7, $0xFFFFFFFF, v8  }
.Ltmp6:
0xa5: {  	v7 =	vsel vm5, $0x0, v10;
	v9, _, _ =	vpop (xrf2);
	(pc) =	sbr.rel @p2 .LBB2_8-.Ltmp6, $4  }
0xa6: {  	v6 =	vsel vm5, v9, v6;
	v10 =	vadd.f32 v9, v7;
	v7 =	vsel vm6, $0x0, v9  }
0xa7: {  	s28 =	sadd.s32 $0x10, s28;
	v7 =	vshift.insert v7, v0, s17  }
0xa8: {  	s30 =	sadd.s32 $0x10, s30;
	[tilespmem:s28+$0x0] =	vst v10;
	(ifvalue) =	ssetifvalue $0xFFFFFFFF  }
0xa9: {  	[hbm4b:s1+s14] =	stream.indirect_vreg.scatter [tilespmem:s28], [sflag:$0x2], $0x1, v8, vm0, $0x4038;
	[tilespmem:$0x11A60] =	vst v63  }
0xaa: {  	v3 =	vld [tilespmem:s24+$0xFAF0];
	_ =	sdelay $0x4  }
0xab: {  	v3 =	vshift.insert v3, v0, s17;
	_ =	sdelay $0x1  }
0xac: {  	[tilespmem:s18+$0x0] =	vst.msk $0x1, v3  }
0xad: {  	v3 =	vsel vm4, $0x1, v1;
	[tilespmem:$0x90] =	vst v6  }
0xae: {  	s24 =	sadd.s32 @!p1 $0xFAFF, s24;
	[tilespmem:$0xA0] =	vst v3  }
0xaf: {  	[spmem:s12] =	stream.linear.scatter @!p1 [tilespmem:s24], [sflag:$0x1], $0x1, $0x38;
	[tilespmem:$0x11A60] =	vst v63  }
0xb0: {  	s24 =	simm.s32 @!p1 $0x1  }
0xb1: {  	v3 =	vmctz.xlane @!p1 vm4;
	_ =	swait.ge @!p1 [sflag:s24], $0x1  }
0xb2: {  	(v2sf) =	vpush @!p1 v4, $0x0  }
0xb3: {  	(v2sf) =	vpush @!p1 v3, $0x0;
	_ =	sdelay $0xd  }
0xb4: {  	s25 =	spop @!p1 (v2sf)  }
0xb5: {  	s26 =	spop @!p1 (v2sf)  }
0xb6: {  	p2 =	sne.s32 @!p1 s23, s25;
	p3 =	slt.s32 @!p1 s26, $0xF  }
0xb7: {  	[sflag:s24] =	ssyncset.done @!p1 $0x0;
	p2 =	por p2, p1;
	p3 =	por !p3, p1  }
0xb8: {  	[sflag:s24] =	ssyncadd.s32 @!p1 $0xFFFFFFFF;
	v3 =	vimm.s32 @!p2 $0xFFFFFFFF;
	s26 =	simm.s32 @p3 $0xF  }
0xb9: {  	[tilespmem:$0x80] =	vst @!p2 v3;
	s23 =	sadd.s32 @!p1 $0x90, s26  }
0xba: {  	[spmem:s10] =	stream.linear.scatter @!p1 [tilespmem:s23], [sflag:$0x1], $0x1, $0x38;
	[tilespmem:$0x11A60] =	vst v63  }
0xbb: {  	_ =	swait.ge @!p1 [sflag:s24], $0x1  }
0xbc: {  	[sflag:s24] =	ssyncset.done @!p1 $0x0  }
0xbd: {  	s23 =	simm.s32 @!p1 $0x80;
	[sflag:s24] =	ssyncadd.s32 @!p1 $0xFFFFFFFF  }
0xbe: {  	[spmem:s13] =	stream.linear.scatter @!p1 [tilespmem:s23], [sflag:$0x1], $0x1, $0x38;
	[tilespmem:$0x11A60] =	vst v63  }
0xbf: {  	_ =	swait.ge @!p1 [sflag:s24], $0x1  }
0xc0: {  	[sflag:s24] =	ssyncset.done @!p1 $0x0  }
0xc1: {  	[sflag:s24] =	ssyncadd.s32 @!p1 $0xFFFFFFFF;
	(ifvalue) =	ssetifvalue $0xFFFFFFFF;
	v3 =	vld [tilespmem:s21+$0x10];
	_ =	sdelay $0x3  }
.Ltmp7:
0xc2: {  	_ = 	snop;
	(pc) =	sbr.rel .LBB2_10-.Ltmp7, $3  }
0xc3: {  	_ =	sdelay $0x1  }
0xc4: {  	(ifvalue) =	ssetifvalue $0xFFFFFFFF  }
0xc5: {  	[hbm4b:s1+s14] =	stream.indirect_vreg.scatter [tilespmem:s22], [sflag:$0x9], $0x1, v3, vm0, $0x4038;
	[tilespmem:$0x11A60] =	vst v63  }
.LBB2_11:
0xc6: {  	_ =	sfence.sel $0x180000  }
0xc7: {  	s3 =	simm.s32 $0x7;
	[bflag:$0x0] =	sbarrier.arrive $0xFFFF  }
0xc8: {  	s26 =	simm.s32 $0x8;
	[sflag:s3] =	ssyncpa.u1 $0x1  }
0xc9: {  	s28 =	simm.s32 $0x9;
	[sflag:s26] =	ssyncpa.u1 $0x1  }
0xca: {  	[sflag:s28] =	ssyncpa.u1 $0x1  }
0xcb: {  	_ =	sfence.stream.spmem  }
0xcc: {  	s29 =	simm.s32 $0x3;
	[bflag:$0x0] =	sbarrier.arrive $0xFFFF  }
0xcd: {  	s30 =	simm.s32 $0x4;
	[sflag:s29] =	ssyncpa.u1 $0x1  }
0xce: {  	s31 =	simm.s32 $0x3C;
	[sflag:s30] =	ssyncpa.u1 $0x1  }
0xcf: {  	p0 =	sne.s32 s2, $0x0;
	[sflag:s31] =	ssyncpa.u1 $0x1  }
0xd0: {  	s0 =	simm.s32 @p0 $0x1;
	_ =	sfence @p0  }
0xd1: {  	[sflag:s0] =	ssyncpa.u1 @p0 $0x1;
	s0 =	simm.s32 @p0 $0x2  }
0xd2: {  	[sflag:s0] =	ssyncpa.u1 @p0 $0x1  }
0xd3: {  	_ =	strace @p0 $0x9000004A  }
0xd4: {  	[bflag:$0x2] =	sbarrier.arrive @p0 $0xFFFF  }
0xd5: {  	_ =	shalt @p0  }
.LBB2_12:
0xd6: {  	_ =	sfence.stream.spmem;
	s4 =	simm.s32 $0x5  }
0xd7: {  	s2 =	simm.s32 $0x80;
	s3 =	simm.s32 $0xC0;
	[sflag:s4] =	ssyncpa.u1 $0x0  }
0xd8: {  	[tilespmem:s3], [sflag:$0x5] =	stream.linear.gather [spmem:s2], $0x20, $0x38;
	[tilespmem:$0x11A60] =	vst v63  }
0xd9: {  	s2 =	simm.s32 $0x0;
	s3 =	simm.s32 $0xE0  }
0xda: {  	[tilespmem:s3], [sflag:$0x5] =	stream.linear.gather [spmem:s2], $0x20, $0x38;
	[tilespmem:$0x11A60] =	vst v63  }
.Ltmp8:
0xdb: {  	_ = 	snop;
	(pc) =	sbr.rel .LBB2_13-.Ltmp8, $4  }
0xdc: {  	_ =	swait.ge [sflag:s4], $0x40  }
0xdd: {  	[sflag:s4] =	ssyncset.done $0x0  }
0xde: {  	s31 =	simm.s32 $0x6;
	[sflag:s4] =	ssyncadd.s32 $0xFFFFFFC0  }
0xdf: {  	s4 =	simm.s32 $0x0;
	[sflag:s31] =	ssyncpa.u1 $0x0  }
.LBB2_18:
0xe0: {  	p0 =	sgt.u32 s5, $0x273FF  }
0xe1: {  	s6 =	sshrl.u32 @!p0 s5, $0x3  }
0xe2: {  	s5 =	sand.u32 @!p0 $0x7, s5;
	s7 =	simm.s32 @!p0 $0xB0;
	s6 =	sadd.s32 @!p0 s1, s6  }
0xe3: {  	[tilespmem:s7], [sflag:$0x6] =	stream.linear.gather @!p0 [hbm4b:s6+s5], $0x1, $0x38;
	[tilespmem:$0x11A60] =	vst v63  }
0xe4: {  	s5 =	simm.s32 @!p0 $0x6  }
0xe5: {  	_ =	swait.ge @!p0 [sflag:s5], $0x1  }
0xe6: {  	[sflag:s5] =	ssyncset.done @!p0 $0x0  }
0xe7: {  	[sflag:s5] =	ssyncadd.s32 @!p0 $0xFFFFFFFF  }
0xe8: {  	v2 =	vmov @!p0 s4;
	v1 =	vld.msk @!p0 [tilespmem:$0xB0], $0x1;
	_ =	sdelay $0x3  }
0xe9: {  	s5 =	simm.s32 @!p0 $0xE0  }
0xea: {  	[tilespmem:v2+s5+$0x0], v1 =	vst.idx.ret.add.f32.msk @!p0 $0x1, v1  }
0xeb: {  	[tilespmem:s2+$0xC0] =	vst.msk $0x1, v0  }
0xec: {  	v0 =	vld.msk [tilespmem:s4+$0xE0], $0x1;
	_ =	sdelay $0x4  }
0xed: {  	[tilespmem:s2+$0xE0] =	vst.msk $0x1, v0;
	s2 =	sadd.s32 $0x1, s2  }
.LBB2_20:
0xee: {  	s4 =	sadd.s32 $0x1, s4  }
0xef: {  	p0 =	sne.s32 s4, $0x20  }
.Ltmp9:
0xf0: {  	_ = 	snop;
	(pc) =	sbr.rel @!p0 .LBB2_21-.Ltmp9, $1  }
0xf1: {  	_ =	sdelay $0x3  }
.LBB2_13:
0xf2: {  	v0 =	vld.msk [tilespmem:s4+$0xC0], $0x1;
	_ =	sdelay $0x4  }
0xf3: {  	(v2sf) =	vpush v0, $0x0;
	_ =	sdelay $0xe  }
0xf4: {  	s5 =	spop (v2sf)  }
0xf5: {  	p0 =	seq.s32 s5, $0xFFFFFFFF  }
.Ltmp10:
0xf6: {  	_ = 	snop;
	(pc) =	sbr.rel @p0 .LBB2_20-.Ltmp10, $1  }
0xf7: {  	_ =	sdelay $0x3  }
0xf8: {  	p0 =	slt.s32 s2, $0x1  }
.Ltmp11:
0xf9: {  	_ = 	snop;
	(pc) =	sbr.rel @p0 .LBB2_18-.Ltmp11, $1  }
0xfa: {  	_ =	sdelay $0x3  }
0xfb: {  	s6 =	simm.s32 $0xC0;
	p0 =	por $0x0, $0x0  }
0xfc: {  	v1 =	vld.msk @!p0 [tilespmem:s6+$0x0], $0x1;
	_ =	sdelay $0x4  }
0xfd: {  	(v2sf) =	vpush @!p0 v1, $0x0;
	_ =	sdelay $0xd  }
0xfe: {  	p2 =	sne.s32 s2, $0x1  }
.Ltmp12:
0xff: {  	s7 =	spop @!p0 (v2sf);
	(pc) =	sbr.rel @!p2 .LBB2_17-.Ltmp12, $4  }
0x100: {  	p1 =	seq.s32 @!p0 s5, s7  }
0x101: {  	s7 =	simm.s32 $0x0;
	p1 =	por !p1, p0  }
0x102: {  	s9 =	simm.s32 $0xFFFFFFFF;
	s7 =	simm.s32 @p1 $0xFFFFFFFF  }
0x103: {  	s8 =	simm.s32 $0x1;
	s7 =	smov.u32 @p0 s9  }
.LBB2_16:
0x104: {  	s9 =	smov.u32 s7;
	p0 =	sne.s32 s7, $0xFFFFFFFF  }
0x105: {  	s6 =	sadd.s32 $0x1, s6;
	s7 =	smov.u32 s8;
	s8 =	sadd.s32 $0x1, s8  }
0x106: {  	p1 =	sne.s32 s2, s8;
	v1 =	vld.msk @!p0 [tilespmem:s6+$0x0], $0x1;
	_ =	sdelay $0x4  }
0x107: {  	(v2sf) =	vpush @!p0 v1, $0x0;
	_ =	sdelay $0xe  }
.Ltmp13:
0x108: {  	s10 =	spop @!p0 (v2sf);
	(pc) =	sbr.rel @p1 .LBB2_16-.Ltmp13, $4  }
0x109: {  	p2 =	seq.s32 @!p0 s5, s10  }
0x10a: {  	p2 =	por !p2, p0  }
0x10b: {  	s7 =	simm.s32 @p2 $0xFFFFFFFF  }
0x10c: {  	s7 =	smov.u32 @p0 s9  }
.LBB2_17:
0x10d: {  	p0 =	sne.s32 s7, $0xFFFFFFFF  }
.Ltmp14:
0x10e: {  	_ = 	snop;
	(pc) =	sbr.rel @!p0 .LBB2_18-.Ltmp14, $1  }
0x10f: {  	_ =	sdelay $0x3  }
0x110: {  	v0 =	vld.msk [tilespmem:s4+$0xE0], $0x1;
	v1 =	vmov s7  }
.Ltmp15:
0x111: {  	_ = 	snop;
	(pc) =	sbr.rel .LBB2_20-.Ltmp15, $2  }
0x112: {  	_ =	sdelay $0x2  }
0x113: {  	[tilespmem:v1+s3+$0x0], v0 =	vst.idx.ret.add.f32.msk $0x1, v0  }
.LBB2_21:
0x114: {  	p0 =	slt.s32 s2, $0x1  }
.Ltmp16:
0x115: {  	_ = 	snop;
	(pc) =	sbr.rel @p0 .LBB2_25-.Ltmp16, $3  }
0x116: {  	_ =	sdelay $0x1  }
0x117: {  	s3 =	simm.s32 $0x6  }
0x118: {  	[sflag:s3] =	ssyncpa.u1 $0x1;
	s3 =	simm.s32 $0x0  }
0x119: {  	s4 =	simm.s32 $0xC0  }
0x11a: {  	v0 =	vld.msk [tilespmem:s4+$0x0], $0x1;
	_ =	sdelay $0x4  }
0x11b: {  	(v2sf) =	vpush v0, $0x0;
	_ =	sdelay $0xe  }
0x11c: {  	s2 =	sadd.s32 $0xFFFFFFFF, s2;
	s5 =	spop (v2sf)  }
0x11d: {  	p1 =	sne.s32 s2, $0x0;
	p0 =	sgt.u32 s5, $0x273FF  }
.Ltmp17:
0x11e: {  	s6 =	sshrl.u32 @!p0 s5, $0x3;
	(pc) =	sbr.rel @!p1 .LBB2_24-.Ltmp17, $4  }
0x11f: {  	s4 =	simm.s32 $0xE0;
	s5 =	sand.u32 @!p0 $0x7, s5;
	s6 =	sadd.s32 @!p0 s1, s6  }
0x120: {  	[hbm4b:s6+s5] =	stream.linear.scatter @!p0 [tilespmem:s4], [sflag:$0x5], $0x1, $0x38;
	[tilespmem:$0x11A60] =	vst v63  }
0x121: {  	s6 =	simm.s32 $0x0  }
0x122: {  	s5 =	simm.s32 $0xC1;
	s6 =	simm.s32 @!p0 $0x4  }
.LBB2_23:
0x123: {  	v0 =	vld.msk [tilespmem:s5+$0x0], $0x1;
	s2 =	sadd.s32 $0xFFFFFFFF, s2;
	s3 =	sadd.s32 s3, s6  }
0x124: {  	p0 =	sne.s32 s2, $0x0;
	_ =	sdelay $0x3  }
0x125: {  	(v2sf) =	vpush v0, $0x0;
	_ =	sdelay $0xe  }
.Ltmp18:
0x126: {  	s7 =	spop (v2sf);
	(pc) =	sbr.rel @p0 .LBB2_23-.Ltmp18, $4  }
0x127: {  	s6 =	simm.s32 $0x0;
	p1 =	sgt.u32 s7, $0x273FF  }
0x128: {  	s4 =	sadd.s32 $0x1, s4;
	s6 =	simm.s32 @!p1 $0x4;
	s8 =	sshrl.u32 @!p1 s7, $0x3  }
0x129: {  	s5 =	sadd.s32 $0x1, s5;
	s7 =	sand.u32 @!p1 $0x7, s7;
	s8 =	sadd.s32 @!p1 s1, s8  }
0x12a: {  	[hbm4b:s8+s7] =	stream.linear.scatter @!p1 [tilespmem:s4], [sflag:$0x5], $0x1, $0x38;
	[tilespmem:$0x11A60] =	vst v63  }
.LBB2_24:
0x12b: {  	s1 =	sadd.s32 s3, s6  }
0x12c: {  	s3 =	sshrl.u32 s1, $0x2  }
.LBB2_25:
0x12d: {  	s1 =	simm.s32 $0x5  }
0x12e: {  	_ =	swait.ge [sflag:s1], s3  }
0x12f: {  	s2 =	ssub.s32 $0x0, s3;
	[sflag:s1] =	ssyncset.done $0x0  }
0x130: {  	[sflag:s1] =	ssyncadd.s32 s2  }
0x131: {  	[sflag:s1] =	ssyncpa.u1 $0x1  }
0x132: {  	s30 =	simm.s32 $0x1;
	_ =	sfence  }
0x133: {  	s31 =	simm.s32 $0x2;
	[sflag:s30] =	ssyncpa.u1 $0x1  }
0x134: {  	[sflag:s31] =	ssyncpa.u1 $0x1  }
0x135: {  	_ =	strace $0x9000004A  }
0x136: {  	s0 =	sadd.s32 $0x100000, s0;
	[bflag:$0x2] =	sbarrier.arrive $0xFFFF  }
0x137: {  	[sflag:s0] =	ssyncadd.tile.s32 $0x1;
	_ =	shalt  }
.Lfunc_end2:
_tile_overlayer_lowered:
.L_overlay_start_2:
0x138: {  	(tag) =	ssettag $0x2  }
0x139: {  	s0 =	rddreg [dreg:$0x0];
	s2 =	stileid.u32  }
0x13a: {  	s1 =	rddreg [dreg:$0x1];
	p0 =	sne.s32 s2, $0x0  }
0x13b: {  	s3 =	rddreg [dreg:$0x2];
	[bflag:$0x3] =	sbarrier.arrive $0xFFFF;
	s2 =	simm.s32 @!p0 $0x1C01  }
0x13c: {  	[timem:s3], [sflag:s2] =	dma.local @!p0 [hbm:s0], s1  }
0x13d: {  	s0 =	simm.s32 @!p0 $0x1  }
0x13e: {  	_ =	swait.ge @!p0 [sflag:s0], s1  }
0x13f: {  	s1 =	ssub.s32 @!p0 $0x0, s1;
	[sflag:s0] =	ssyncset.done @!p0 $0x0  }
0x140: {  	[sflag:s0] =	ssyncadd.s32 @!p0 s1  }
0x141: {  	[bflag:$0x3] =	sbarrier.arrive $0xFFFF  }
0x142: {  	_ =	shalt  }

// kernel: scatter_offload_async_start.2
scs
__scs_entry_jumppad:
0x0: {  	(pc) =	sbr.rel $0x88, $3  }
0x1: {  	(tag) =	ssettag $0x0;
	lr =	simm.s32 $0x1  }
0x2: {  	[smem:$0x3F8E] =	sst lr;
	_ =	strace $0xD0000000  }
0x3: {  	_ = 	snop  }
0x4: {  	_ = 	snop  }
0x5: {  	_ = 	snop  }
0x6: {  	_ = 	snop  }
0x7: {  	_ = 	snop  }
__scs_overlays_trampoline_lowered:
0x8: {  	[smem:$0x3F9D] =	sst s0  }
0x9: {  	[smem:$0x3F9E] =	sst s1  }
0xa: {  	[smem:$0x3F9F] =	sst s2  }
0xb: {  	[smem:$0x3FA0] =	sst s3  }
0xc: {  	[smem:$0x3FA1] =	sst s4  }
0xd: {  	[smem:$0x3FA2] =	sst s5  }
0xe: {  	[smem:$0x3FA3] =	sst s6  }
0xf: {  	[smem:$0x3FA4] =	sst s7  }
0x10: {  	[smem:$0x3FA5] =	sst s8  }
0x11: {  	[smem:$0x3FA6] =	sst s9;
	s0 =	simm.s32 @!p0 $0x0  }
0x12: {  	s1 =	sld [smem:$0x3F8C];
	s0 =	simm.s32 @p0 $0x1  }
0x13: {  	[smem:$0x3FA7] =	sst s0;
	s0 =	simm.s32 @!p1 $0x0  }
0x14: {  	s2 =	sld [smem:$0x3F8B];
	s0 =	simm.s32 @p1 $0x1  }
0x15: {  	[smem:$0x3FA8] =	sst s0;
	s0 =	simm.s32 @!p2 $0x0  }
0x16: {  	s3 =	sld [smem:$0x3FDB];
	s0 =	simm.s32 @p2 $0x1  }
0x17: {  	s4 =	simm.s32 $0x1BF5;
	[smem:$0x3FAA] =	sst s0  }
0x18: {  	s0 =	sld [smem:$0x3F8D];
	_ =	swait.ge [sflag:s4], $0x0  }
0x19: {  	s7 =	sld [smem:$0x3F8E]  }
0x1a: {  	s8 =	sadd.s32 $0xFFFFE003, lr  }
0x1b: {  	s9 =	sadd.s32 $0xFFFFFEF7, lr;
	s5 =	simm.s32 $0xFFFFFFFF;
	p2 =	slt.u32 s8, $0xFFFFF086  }
0x1c: {  	p1 =	slt.u32 s9, $0xF7A;
	s5 =	simm.s32 @!p2 $0x0  }
0x1d: {  	s5 =	simm.s32 @p1 $0x1;
	p0 =	seq.s32 s7, s2  }
0x1e: {  	s7 =	smul.u32 @!p0 $0xF7A, s2;
	p2 =	seq.s32 @!p0 s5, $0x0  }
0x1f: {  	s9 =	smul.u32 $0xF7A, s1;
	s8 =	simm.s32 @!p0 $0x1BF5;
	p2 =	por !p2, p0  }
0x20: {  	[sflag:s8] =	ssyncset.s32 @!p0 $0xFFFFF086;
	s6 =	sadd.s32 @!p0 s3, s7;
	s7 =	simm.s32 @!p0 $0x108  }
0x21: {  	s3 =	sadd.s32 s3, s9;
	s6 =	sadd.s32 @!p0 $0x88, s6;
	s7 =	simm.s32 @p2 $0x1082  }
0x22: {  	[simem:s7], [sflag:s8] =	dma.local @!p0 [hbm:s6], $0xF7A  }
0x23: {  	s9 =	sor.u32 $0xD0000000, s2;
	s6 =	simm.s32 $0x108;
	_ =	swait.ge @!p0 [sflag:s8], $0x0  }
0x24: {  	s3 =	sadd.s32 $0x88, s3;
	s6 =	simm.s32 @!p1 $0x1082;
	[sflag:s4] =	ssyncset.s32 $0xFFFFF086  }
0x25: {  	[simem:s6], [sflag:s4] =	dma.local [hbm:s3], $0xF7A  }
0x26: {  	[smem:$0x3F8E] =	sst s1;
	(tag) =	ssettag s2;
	_ =	strace s9  }
0x27: {  	s1 =	sld [smem:$0x3F9E]  }
0x28: {  	s2 =	sld [smem:$0x3F9F]  }
0x29: {  	s4 =	sld [smem:$0x3FA1]  }
0x2a: {  	p0 =	seq.s32 s5, $0x0;
	s5 =	sld [smem:$0x3FA2]  }
0x2b: {  	s6 =	sld [smem:$0x3FA3]  }
0x2c: {  	s7 =	sld [smem:$0x3FA4]  }
0x2d: {  	s3 =	simm.s32 $0x108;
	s8 =	sld [smem:$0x3FA5]  }
0x2e: {  	s3 =	simm.s32 @!p0 $0x1082;
	s9 =	sld [smem:$0x3FA6]  }
0x2f: {  	lr =	sadd.s32 s0, s3;
	s0 =	sld [smem:$0x3F9D]  }
0x30: {  	s3 =	sld [smem:$0x3FA0]  }
0x31: {  	[smem:$0x3FA9] =	sst s10  }
0x32: {  	s10 =	sld [smem:$0x3FA7];
	_ =	sdelay $0x3  }
0x33: {  	p0 =	seq.s32 s10, $0x1;
	s10 =	sld [smem:$0x3FA9];
	_ =	sdelay $0x3  }
0x34: {  	[smem:$0x3FA9] =	sst s10  }
0x35: {  	s10 =	sld [smem:$0x3FA8];
	_ =	sdelay $0x3  }
0x36: {  	p1 =	seq.s32 s10, $0x1;
	s10 =	sld [smem:$0x3FA9];
	_ =	sdelay $0x3  }
0x37: {  	[smem:$0x3FA9] =	sst s10  }
0x38: {  	s10 =	sld [smem:$0x3FAA]  }
0x39: {  	_ = 	snop;
	(pc) =	sbr.ind lr, $3  }
0x3a: {  	_ = 	snop  }
0x3b: {  	_ = 	snop  }
0x3c: {  	p2 =	seq.s32 s10, $0x1;
	s10 =	sld [smem:$0x3FA9]  }
0x3d: {  	_ =	shalt  }
0x3e: {  	_ =	shalt  }
0x3f: {  	_ =	shalt  }
0x40: {  	_ =	shalt  }
0x41: {  	_ =	shalt  }
0x42: {  	_ =	shalt  }
0x43: {  	_ =	shalt  }
0x44: {  	_ =	shalt  }
0x45: {  	_ =	shalt  }
0x46: {  	_ =	shalt  }
0x47: {  	_ =	shalt  }
0x48: {  	_ =	shalt  }
0x49: {  	_ =	shalt  }
0x4a: {  	_ =	shalt  }
0x4b: {  	_ =	shalt  }
0x4c: {  	_ =	shalt  }
0x4d: {  	_ =	shalt  }
0x4e: {  	_ =	shalt  }
0x4f: {  	_ =	shalt  }
0x50: {  	_ =	shalt  }
0x51: {  	_ =	shalt  }
0x52: {  	_ =	shalt  }
0x53: {  	_ =	shalt  }
0x54: {  	_ =	shalt  }
0x55: {  	_ =	shalt  }
0x56: {  	_ =	shalt  }
0x57: {  	_ =	shalt  }
0x58: {  	_ =	shalt  }
0x59: {  	_ =	shalt  }
0x5a: {  	_ =	shalt  }
0x5b: {  	_ =	shalt  }
0x5c: {  	_ =	shalt  }
0x5d: {  	_ =	shalt  }
0x5e: {  	_ =	shalt  }
0x5f: {  	_ =	shalt  }
0x60: {  	_ =	shalt  }
0x61: {  	_ =	shalt  }
0x62: {  	_ =	shalt  }
0x63: {  	_ =	shalt  }
0x64: {  	_ =	shalt  }
0x65: {  	_ =	shalt  }
0x66: {  	_ =	shalt  }
0x67: {  	_ =	shalt  }
0x68: {  	_ =	shalt  }
0x69: {  	_ =	shalt  }
0x6a: {  	_ =	shalt  }
0x6b: {  	_ =	shalt  }
0x6c: {  	_ =	shalt  }
0x6d: {  	_ =	shalt  }
0x6e: {  	_ =	shalt  }
0x6f: {  	_ =	shalt  }
0x70: {  	_ =	shalt  }
0x71: {  	_ =	shalt  }
0x72: {  	_ =	shalt  }
0x73: {  	_ =	shalt  }
0x74: {  	_ =	shalt  }
0x75: {  	_ =	shalt  }
0x76: {  	_ =	shalt  }
0x77: {  	_ =	shalt  }
0x78: {  	_ =	shalt  }
0x79: {  	_ =	shalt  }
0x7a: {  	_ =	shalt  }
0x7b: {  	_ =	shalt  }
0x7c: {  	_ =	shalt  }
0x7d: {  	_ =	shalt  }
0x7e: {  	_ =	shalt  }
0x7f: {  	_ =	shalt  }
0x80: {  	_ =	shalt  }
0x81: {  	_ =	shalt  }
0x82: {  	_ =	shalt  }
0x83: {  	_ =	shalt  }
0x84: {  	_ =	shalt  }
0x85: {  	_ =	shalt  }
0x86: {  	_ =	shalt  }
0x87: {  	_ =	shalt  }
.Lfunc_end0:
.L_simem_size_0:
called_computation.2_lowered:
.L_overlay_start_0:
0x88: {  	s2 =	sld [smem:$0x3FD9]  }
0x89: {  	s3 =	sld [smem:$0x3FFE];
	_ =	sdelay $0x1  }
0x8a: {  	s1 =	srdreg.scid  }
0x8b: {  	s0 =	sand.u32 $0x1, s1  }
0x8c: {  	s17 =	sshll.u32 s0, $0xA;
	s2 =	sadd.s32 s3, s2  }
0x8d: {  	s2 =	sadd.s32 s2, s17  }
0x8e: {  	[smem:$0x3FB5] =	sst s2  }
0x8f: {  	_ = 	snop  }
0x90: {  	s18 =	sld [smem:$0x3FD0];
	(tm) =	ssettm $0x1  }
0x91: {  	s19 =	sld [smem:$0x3FFB];
	_ =	sdelay $0x3  }
0x92: {  	_ =	strace s19  }
0x93: {  	s2 =	sld [smem:$0x3FFC];
	_ =	sdelay $0x3  }
0x94: {  	_ =	strace s2  }
0x95: {  	s2 =	sld [smem:$0x3FFD];
	_ =	sdelay $0x3  }
0x96: {  	_ =	strace s2  }
0x97: {  	_ =	strace $0x8FFFFFFF  }
0x98: {  	s20 =	sld [smem:$0x3FDB];
	_ =	sdelay $0x1  }
0x99: {  	s4 =	simm.s32 $_scs_section_size  }
0x9a: {  	s5 =	simm.s32 $_size__tile_overlayer_lowered;
	s6 =	simm.s32 $_tile_overlayer_lowered  }
0x9b: {  	s7 =	simm.s32 $0x1BFF;
	s21 =	sshll.u32 s6, $0x1;
	s4 =	sadd.s32 s4, s20  }
0x9c: {  	s22 =	simm.s32 $0x0;
	s5 =	sshll.u32 s5, $0x1;
	s6 =	sadd.s32 s21, s4  }
0x9d: {  	[timem:s22], [sflag:s7] =	dma.local [hbm:s6], s5  }
0x9e: {  	_ =	swait.ge [sflag:s7], s5  }
0x9f: {  	s5 =	ssub.s32 $0x0, s5;
	[sflag:s7] =	ssyncset.done $0x0  }
0xa0: {  	[sflag:s7] =	ssyncadd.s32 s5;
	_ =	sdelay $0x1  }
0xa1: {  	s23 =	simm.s32 $0x1B8B  }
0xa2: {  	_ =	swait.ge [sflag:s23], $0x1  }
0xa3: {  	[sflag:s23] =	ssyncset.done $0x0  }
0xa4: {  	[sflag:s23] =	ssyncadd.s32 $0xFFFFFFFF  }
0xa5: {  	s5 =	sld [smem:$0x0]  }
0xa6: {  	s6 =	sand.u32 $0xFFFFFFFE, s1  }
0xa7: {  	p0 =	sne.s32 s1, s6  }
0xa8: {  	s6 =	sshll.u32 @p0 s6, $0xE  }
0xa9: {  	s6 =	sadd.s32 @p0 $0x11B8D, s6;
	s7 =	sshll.u32 @p0 s5, $0x11  }
0xaa: {  	s6 =	sor.u32 @p0 s7, s6  }
0xab: {  	[sflag:s6] =	ssyncadd.remote.s32 @p0 $0x1;
	_ =	sdelay $0x1  }
0xac: {  	s6 =	simm.s32 @p0 $0x1B8D  }
0xad: {  	_ =	swait.eq @p0 [sflag:s6], $0x1  }
0xae: {  	[sflag:s6] =	ssyncadd.s32 @p0 $0xFFFFFFFF  }
0xaf: {  	s7 =	sshll.u32 @!p0 s1, $0xE  }
0xb0: {  	s7 =	sor.u32 @!p0 $0x4000, s7;
	s6 =	simm.s32 @!p0 $0x1B8D  }
0xb1: {  	s8 =	sshll.u32 @!p0 s5, $0x11;
	s7 =	sadd.s32 @!p0 $0x11B8D, s7;
	_ =	swait.eq @!p0 [sflag:s6], $0x1  }
0xb2: {  	[sflag:s6] =	ssyncadd.s32 @!p0 $0xFFFFFFFF;
	s6 =	sor.u32 @!p0 s8, s7  }
0xb3: {  	s25 =	simm.s32 $0x1B8E;
	s24 =	sld [smem:$0x3FFE];
	[sflag:s6] =	ssyncadd.remote.s32 @!p0 $0x1  }
0xb4: {  	s26 =	simm.s32 $execute0_lowered;
	[smem:$0x3FD2] =	sst s25  }
0xb5: {  	s7 =	sshll.u32 s26, $0x1;
	_ =	strace $0x80000052;
	[dreg:$0x1] =	wrdreg $0xFFFFFFFF  }
0xb6: {  	s28 =	simm.s32 $_size_execute0_lowered;
	s4 =	sadd.s32 s4, s7;
	[dreg:$0x0] =	wrdreg $0x0  }
0xb7: {  	s7 =	sshll.u32 s28, $0x1;
	[dreg:$0x2] =	wrdreg s4  }
0xb8: {  	[dreg:$0x3] =	wrdreg s7  }
0xb9: {  	[dreg:$0x4] =	wrdreg $0xC0  }
0xba: {  	_ =	task [dreg:s22], $0x5FFFF  }
0xbb: {  	[dreg:$0x1] =	wrdreg $0xFFFFFFFF  }
0xbc: {  	[dreg:$0x0] =	wrdreg $0x60  }
0xbd: {  	[dreg:$0x2] =	wrdreg s18  }
0xbe: {  	[dreg:$0x3] =	wrdreg s24  }
0xbf: {  	[dreg:$0x4] =	wrdreg s1  }
0xc0: {  	[dreg:$0x5] =	wrdreg s5  }
0xc1: {  	[dreg:$0x6] =	wrdreg $0x9  }
0xc2: {  	_ =	task.clear_ibuf [dreg:s22], $0x7FFFF;
	_ =	strace $0x90000052  }
0xc3: {  	s29 =	simm.s32 $0x9;
	_ =	strace $0x80000054  }
0xc4: {  	_ =	swait.ge [sflag:s29], $0x1  }
0xc5: {  	[sflag:s29] =	ssyncadd.s32 $0xFFFFFFFF  }
0xc6: {  	_ =	strace $0x90000054  }
0xc7: {  	_ =	sfence  }
0xc8: {  	s30 =	sld [smem:$0x0];
	_ =	sdelay $0x2  }
0xc9: {  	s31 =	sshll.u32 s1, $0xD;
	s1 =	sshrl.u32 s1, $0x2  }
0xca: {  	s4 =	sand.u32 $0x4000, s31;
	s1 =	sadd.s32 s1, s30  }
0xcb: {  	s0 =	sor.u32 s4, s0;
	s1 =	sshll.u32 s1, $0x11  }
0xcc: {  	s0 =	sor.u32 s1, s0  }
0xcd: {  	s0 =	sadd.s32 $0x8F2B, s0  }
0xce: {  	[sflag:s0] =	ssyncadd.remote.s32 $0x1  }
0xcf: {  	_ =	sfence.sel $0xFFFF  }
0xd0: {  	[dreg:$0x0] =	wrdreg $0xFFFFFFFF;
	(pc) =	sbr.abs _section_cstart, $3  }
0xd1: {  	[dreg:$0x1] =	wrdreg $0xFFFFFFFF  }
0xd2: {  	_ =	task.clear_ibuf [dreg:s22], $0x2FFFF;
	_ =	strace $0x9FFFFFFF  }
0xd3: {  	(tm) =	ssettm $0x7FFFFFFF  }
tec
execute0_lowered:
.L_overlay_start_1:
0x0: {  	(tag) =	ssettag $0x1  }
0x1: {  	s1 =	rddreg [dreg:$0x0]  }
0x2: {  	s11 =	rddreg [dreg:$0x1]  }
0x3: {  	s3 =	rddreg [dreg:$0x2];
	_ =	strace $0x80000053;
	s12 =	simm.s32 $0x1  }
0x4: {  	v0 =	vimm.s32 $0x0;
	[sflag:s12] =	ssyncpa.u1 $0x0  }
0x5: {  	[tilespmem:$0x28] =	vst v0  }
0x6: {  	[tilespmem:$0x38] =	vst v0  }
0x7: {  	[tilespmem:$0x48] =	vst v0  }
0x8: {  	[tilespmem:$0x58] =	vst v0  }
0x9: {  	[tilespmem:$0x68] =	vst v0  }
0xa: {  	[tilespmem:$0x78] =	vst v0  }
0xb: {  	[tilespmem:$0x88] =	vst v0  }
0xc: {  	[tilespmem:$0x98] =	vst v0  }
0xd: {  	[tilespmem:$0xA8] =	vst v0  }
0xe: {  	[tilespmem:$0xB8] =	vst v0  }
0xf: {  	[tilespmem:$0xC8] =	vst v0  }
0x10: {  	[tilespmem:$0xD8] =	vst v0  }
0x11: {  	[tilespmem:$0xE8] =	vst v0  }
0x12: {  	[tilespmem:$0xF8] =	vst v0  }
0x13: {  	[tilespmem:$0x108] =	vst v0  }
0x14: {  	[tilespmem:$0x118] =	vst v0  }
0x15: {  	[tilespmem:$0x128] =	vst v0  }
0x16: {  	[tilespmem:$0x138] =	vst v0  }
0x17: {  	[tilespmem:$0x148] =	vst v0  }
0x18: {  	[tilespmem:$0x158] =	vst v0  }
0x19: {  	[tilespmem:$0x168] =	vst v0  }
0x1a: {  	[tilespmem:$0x178] =	vst v0  }
0x1b: {  	[tilespmem:$0x188] =	vst v0  }
0x1c: {  	[tilespmem:$0x198] =	vst v0  }
0x1d: {  	[tilespmem:$0x1A8] =	vst v0  }
0x1e: {  	[tilespmem:$0x1B8] =	vst v0  }
0x1f: {  	[tilespmem:$0x1C8] =	vst v0  }
0x20: {  	[tilespmem:$0x1D8] =	vst v0  }
0x21: {  	[tilespmem:$0x1E8] =	vst v0  }
0x22: {  	[tilespmem:$0x1F8] =	vst v0  }
0x23: {  	[tilespmem:$0x208] =	vst v0  }
0x24: {  	[tilespmem:$0x218] =	vst v0  }
0x25: {  	[tilespmem:$0x228] =	vst v0  }
0x26: {  	[tilespmem:$0x238] =	vst v0  }
0x27: {  	[tilespmem:$0x248] =	vst v0  }
0x28: {  	[tilespmem:$0x258] =	vst v0  }
0x29: {  	[tilespmem:$0x268] =	vst v0  }
0x2a: {  	[tilespmem:$0x278] =	vst v0  }
0x2b: {  	[tilespmem:$0x288] =	vst v0  }
0x2c: {  	[tilespmem:$0x298] =	vst v0  }
0x2d: {  	[tilespmem:$0x2A8] =	vst v0  }
0x2e: {  	[tilespmem:$0x2B8] =	vst v0  }
0x2f: {  	[tilespmem:$0x2C8] =	vst v0  }
0x30: {  	[tilespmem:$0x2D8] =	vst v0  }
0x31: {  	[tilespmem:$0x2E8] =	vst v0  }
0x32: {  	[tilespmem:$0x2F8] =	vst v0  }
0x33: {  	[tilespmem:$0x308] =	vst v0  }
0x34: {  	[tilespmem:$0x318] =	vst v0  }
0x35: {  	[tilespmem:$0x328] =	vst v0  }
0x36: {  	[tilespmem:$0x338] =	vst v0  }
0x37: {  	[tilespmem:$0x348] =	vst v0  }
0x38: {  	[tilespmem:$0x358] =	vst v0  }
0x39: {  	[tilespmem:$0x368] =	vst v0  }
0x3a: {  	[tilespmem:$0x378] =	vst v0  }
0x3b: {  	[tilespmem:$0x388] =	vst v0  }
0x3c: {  	[tilespmem:$0x398] =	vst v0  }
0x3d: {  	[tilespmem:$0x3A8] =	vst v0  }
0x3e: {  	[tilespmem:$0x3B8] =	vst v0  }
0x3f: {  	[tilespmem:$0x3C8] =	vst v0  }
0x40: {  	[tilespmem:$0x3D8] =	vst v0  }
0x41: {  	[tilespmem:$0x3E8] =	vst v0  }
0x42: {  	[tilespmem:$0x3F8] =	vst v0  }
0x43: {  	[tilespmem:$0x408] =	vst v0  }
0x44: {  	[tilespmem:$0x418] =	vst v0  }
0x45: {  	[tilespmem:$0x428] =	vst v0  }
0x46: {  	[tilespmem:$0x438] =	vst v0  }
0x47: {  	[tilespmem:$0x448] =	vst v0  }
0x48: {  	[tilespmem:$0x458] =	vst v0  }
0x49: {  	[tilespmem:$0x468] =	vst v0  }
0x4a: {  	[tilespmem:$0x478] =	vst v0  }
0x4b: {  	[tilespmem:$0x488] =	vst v0  }
0x4c: {  	[tilespmem:$0x498] =	vst v0  }
0x4d: {  	[tilespmem:$0x4A8] =	vst v0  }
0x4e: {  	[tilespmem:$0x4B8] =	vst v0  }
0x4f: {  	[tilespmem:$0x4C8] =	vst v0  }
0x50: {  	[tilespmem:$0x4D8] =	vst v0  }
0x51: {  	[tilespmem:$0x4E8] =	vst v0  }
0x52: {  	[tilespmem:$0x4F8] =	vst v0  }
0x53: {  	[tilespmem:$0x508] =	vst v0  }
0x54: {  	[tilespmem:$0x518] =	vst v0  }
0x55: {  	[tilespmem:$0x528] =	vst v0  }
0x56: {  	[tilespmem:$0x538] =	vst v0  }
0x57: {  	[tilespmem:$0x548] =	vst v0  }
0x58: {  	[tilespmem:$0x558] =	vst v0  }
0x59: {  	[tilespmem:$0x568] =	vst v0  }
0x5a: {  	[tilespmem:$0x578] =	vst v0  }
0x5b: {  	[tilespmem:$0x588] =	vst v0  }
0x5c: {  	[tilespmem:$0x598] =	vst v0  }
0x5d: {  	[tilespmem:$0x5A8] =	vst v0  }
0x5e: {  	[tilespmem:$0x5B8] =	vst v0  }
0x5f: {  	[tilespmem:$0x5C8] =	vst v0  }
0x60: {  	[tilespmem:$0x5D8] =	vst v0  }
0x61: {  	[tilespmem:$0x5E8] =	vst v0  }
0x62: {  	[tilespmem:$0x5F8] =	vst v0  }
0x63: {  	[tilespmem:$0x608] =	vst v0  }
0x64: {  	[tilespmem:$0x618] =	vst v0  }
0x65: {  	[tilespmem:$0x628] =	vst v0  }
0x66: {  	[tilespmem:$0x638] =	vst v0  }
0x67: {  	[tilespmem:$0x648] =	vst v0  }
0x68: {  	[tilespmem:$0x658] =	vst v0  }
0x69: {  	[tilespmem:$0x668] =	vst v0  }
0x6a: {  	[tilespmem:$0x678] =	vst v0  }
0x6b: {  	[tilespmem:$0x688] =	vst v0  }
0x6c: {  	[tilespmem:$0x698] =	vst v0  }
0x6d: {  	[tilespmem:$0x6A8] =	vst v0  }
0x6e: {  	[tilespmem:$0x6B8] =	vst v0  }
0x6f: {  	[tilespmem:$0x6C8] =	vst v0  }
0x70: {  	[tilespmem:$0x6D8] =	vst v0  }
0x71: {  	[tilespmem:$0x6E8] =	vst v0  }
0x72: {  	[tilespmem:$0x6F8] =	vst v0  }
0x73: {  	[tilespmem:$0x708] =	vst v0  }
0x74: {  	[tilespmem:$0x718] =	vst v0  }
0x75: {  	[tilespmem:$0x728] =	vst v0  }
0x76: {  	[tilespmem:$0x738] =	vst v0  }
0x77: {  	[tilespmem:$0x748] =	vst v0  }
0x78: {  	[tilespmem:$0x758] =	vst v0  }
0x79: {  	[tilespmem:$0x768] =	vst v0  }
0x7a: {  	[tilespmem:$0x778] =	vst v0  }
0x7b: {  	[tilespmem:$0x788] =	vst v0  }
0x7c: {  	[tilespmem:$0x798] =	vst v0  }
0x7d: {  	[tilespmem:$0x7A8] =	vst v0  }
0x7e: {  	[tilespmem:$0x7B8] =	vst v0  }
0x7f: {  	[tilespmem:$0x7C8] =	vst v0  }
0x80: {  	[tilespmem:$0x7D8] =	vst v0  }
0x81: {  	[tilespmem:$0x7E8] =	vst v0  }
0x82: {  	[tilespmem:$0x7F8] =	vst v0  }
0x83: {  	[tilespmem:$0x808] =	vst v0  }
0x84: {  	[tilespmem:$0x818] =	vst v0  }
0x85: {  	[tilespmem:$0x828] =	vst v0  }
0x86: {  	[tilespmem:$0x838] =	vst v0  }
0x87: {  	[tilespmem:$0x848] =	vst v0  }
0x88: {  	[tilespmem:$0x858] =	vst v0  }
0x89: {  	[tilespmem:$0x868] =	vst v0  }
0x8a: {  	[tilespmem:$0x878] =	vst v0  }
0x8b: {  	[tilespmem:$0x888] =	vst v0  }
0x8c: {  	[tilespmem:$0x898] =	vst v0  }
0x8d: {  	[tilespmem:$0x8A8] =	vst v0  }
0x8e: {  	[tilespmem:$0x8B8] =	vst v0  }
0x8f: {  	[tilespmem:$0x8C8] =	vst v0  }
0x90: {  	[tilespmem:$0x8D8] =	vst v0  }
0x91: {  	[tilespmem:$0x8E8] =	vst v0  }
0x92: {  	[tilespmem:$0x8F8] =	vst v0  }
0x93: {  	[tilespmem:$0x908] =	vst v0  }
0x94: {  	[tilespmem:$0x918] =	vst v0  }
0x95: {  	[tilespmem:$0x928] =	vst v0  }
0x96: {  	[tilespmem:$0x938] =	vst v0  }
0x97: {  	[tilespmem:$0x948] =	vst v0  }
0x98: {  	[tilespmem:$0x958] =	vst v0  }
0x99: {  	[tilespmem:$0x968] =	vst v0  }
0x9a: {  	[tilespmem:$0x978] =	vst v0  }
0x9b: {  	[tilespmem:$0x988] =	vst v0  }
0x9c: {  	[tilespmem:$0x998] =	vst v0  }
0x9d: {  	[tilespmem:$0x9A8] =	vst v0  }
0x9e: {  	[tilespmem:$0x9B8] =	vst v0  }
0x9f: {  	[tilespmem:$0x9C8] =	vst v0  }
0xa0: {  	[tilespmem:$0x9D8] =	vst v0  }
0xa1: {  	[tilespmem:$0x9E8] =	vst v0  }
0xa2: {  	[tilespmem:$0x9F8] =	vst v0  }
0xa3: {  	[tilespmem:$0xA08] =	vst v0  }
0xa4: {  	[tilespmem:$0xA18] =	vst v0  }
0xa5: {  	[tilespmem:$0xA28] =	vst v0  }
0xa6: {  	[tilespmem:$0xA38] =	vst v0  }
0xa7: {  	[tilespmem:$0xA48] =	vst v0  }
0xa8: {  	[tilespmem:$0xA58] =	vst v0  }
0xa9: {  	[tilespmem:$0xA68] =	vst v0  }
0xaa: {  	[tilespmem:$0xA78] =	vst v0  }
0xab: {  	[tilespmem:$0xA88] =	vst v0  }
0xac: {  	[tilespmem:$0xA98] =	vst v0  }
0xad: {  	[tilespmem:$0xAA8] =	vst v0  }
0xae: {  	[tilespmem:$0xAB8] =	vst v0  }
0xaf: {  	[tilespmem:$0xAC8] =	vst v0  }
0xb0: {  	[tilespmem:$0xAD8] =	vst v0  }
0xb1: {  	[tilespmem:$0xAE8] =	vst v0  }
0xb2: {  	[tilespmem:$0xAF8] =	vst v0  }
0xb3: {  	[tilespmem:$0xB08] =	vst v0  }
0xb4: {  	[tilespmem:$0xB18] =	vst v0  }
0xb5: {  	[tilespmem:$0xB28] =	vst v0  }
0xb6: {  	[tilespmem:$0xB38] =	vst v0  }
0xb7: {  	[tilespmem:$0xB48] =	vst v0  }
0xb8: {  	[tilespmem:$0xB58] =	vst v0  }
0xb9: {  	[tilespmem:$0xB68] =	vst v0  }
0xba: {  	[tilespmem:$0xB78] =	vst v0  }
0xbb: {  	[tilespmem:$0xB88] =	vst v0  }
0xbc: {  	[tilespmem:$0xB98] =	vst v0  }
0xbd: {  	[tilespmem:$0xBA8] =	vst v0  }
0xbe: {  	[tilespmem:$0xBB8] =	vst v0  }
0xbf: {  	[tilespmem:$0xBC8] =	vst v0  }
0xc0: {  	[tilespmem:$0xBD8] =	vst v0  }
0xc1: {  	[tilespmem:$0xBE8] =	vst v0  }
0xc2: {  	[tilespmem:$0xBF8] =	vst v0  }
0xc3: {  	[tilespmem:$0xC08] =	vst v0  }
0xc4: {  	[tilespmem:$0xC18] =	vst v0  }
0xc5: {  	[tilespmem:$0xC28] =	vst v0  }
0xc6: {  	[tilespmem:$0xC38] =	vst v0  }
0xc7: {  	[tilespmem:$0xC48] =	vst v0  }
0xc8: {  	[tilespmem:$0xC58] =	vst v0  }
0xc9: {  	[tilespmem:$0xC68] =	vst v0  }
0xca: {  	[tilespmem:$0xC78] =	vst v0  }
0xcb: {  	[tilespmem:$0xC88] =	vst v0  }
0xcc: {  	[tilespmem:$0xC98] =	vst v0  }
0xcd: {  	[tilespmem:$0xCA8] =	vst v0  }
0xce: {  	[tilespmem:$0xCB8] =	vst v0  }
0xcf: {  	[tilespmem:$0xCC8] =	vst v0  }
0xd0: {  	[tilespmem:$0xCD8] =	vst v0  }
0xd1: {  	[tilespmem:$0xCE8] =	vst v0  }
0xd2: {  	[tilespmem:$0xCF8] =	vst v0  }
0xd3: {  	[tilespmem:$0xD08] =	vst v0  }
0xd4: {  	[tilespmem:$0xD18] =	vst v0  }
0xd5: {  	[tilespmem:$0xD28] =	vst v0  }
0xd6: {  	[tilespmem:$0xD38] =	vst v0  }
0xd7: {  	[tilespmem:$0xD48] =	vst v0  }
0xd8: {  	[tilespmem:$0xD58] =	vst v0  }
0xd9: {  	[tilespmem:$0xD68] =	vst v0  }
0xda: {  	[tilespmem:$0xD78] =	vst v0  }
0xdb: {  	[tilespmem:$0xD88] =	vst v0  }
0xdc: {  	[tilespmem:$0xD98] =	vst v0  }
0xdd: {  	[tilespmem:$0xDA8] =	vst v0  }
0xde: {  	[tilespmem:$0xDB8] =	vst v0  }
0xdf: {  	[tilespmem:$0xDC8] =	vst v0  }
0xe0: {  	[tilespmem:$0xDD8] =	vst v0  }
0xe1: {  	[tilespmem:$0xDE8] =	vst v0  }
0xe2: {  	[tilespmem:$0xDF8] =	vst v0  }
0xe3: {  	[tilespmem:$0xE08] =	vst v0  }
0xe4: {  	[tilespmem:$0xE18] =	vst v0  }
0xe5: {  	[tilespmem:$0xE28] =	vst v0  }
0xe6: {  	[tilespmem:$0xE38] =	vst v0  }
0xe7: {  	[tilespmem:$0xE48] =	vst v0  }
0xe8: {  	[tilespmem:$0xE58] =	vst v0  }
0xe9: {  	[tilespmem:$0xE68] =	vst v0  }
0xea: {  	[tilespmem:$0xE78] =	vst v0  }
0xeb: {  	[tilespmem:$0xE88] =	vst v0  }
0xec: {  	[tilespmem:$0xE98] =	vst v0  }
0xed: {  	[tilespmem:$0xEA8] =	vst v0  }
0xee: {  	[tilespmem:$0xEB8] =	vst v0  }
0xef: {  	[tilespmem:$0xEC8] =	vst v0  }
0xf0: {  	[tilespmem:$0xED8] =	vst v0  }
0xf1: {  	[tilespmem:$0xEE8] =	vst v0  }
0xf2: {  	[tilespmem:$0xEF8] =	vst v0  }
0xf3: {  	[tilespmem:$0xF08] =	vst v0  }
0xf4: {  	[tilespmem:$0xF18] =	vst v0  }
0xf5: {  	[tilespmem:$0xF28] =	vst v0  }
0xf6: {  	[tilespmem:$0xF38] =	vst v0  }
0xf7: {  	[tilespmem:$0xF48] =	vst v0  }
0xf8: {  	[tilespmem:$0xF58] =	vst v0  }
0xf9: {  	[tilespmem:$0xF68] =	vst v0  }
0xfa: {  	[tilespmem:$0xF78] =	vst v0  }
0xfb: {  	[tilespmem:$0xF88] =	vst v0  }
0xfc: {  	[tilespmem:$0xF98] =	vst v0  }
0xfd: {  	[tilespmem:$0xFA8] =	vst v0  }
0xfe: {  	[tilespmem:$0xFB8] =	vst v0  }
0xff: {  	[tilespmem:$0xFC8] =	vst v0  }
0x100: {  	[tilespmem:$0xFD8] =	vst v0  }
0x101: {  	[tilespmem:$0xFE8] =	vst v0  }
0x102: {  	[tilespmem:$0xFF8] =	vst v0  }
0x103: {  	[tilespmem:$0x1028] =	vst v0  }
0x104: {  	[tilespmem:$0x10E8] =	vst v0  }
0x105: {  	[tilespmem:$0x1068] =	vst v0  }
0x106: {  	[tilespmem:$0x1058] =	vst v0  }
0x107: {  	[tilespmem:$0x1B28] =	vst v0  }
0x108: {  	[tilespmem:$0x1B18] =	vst v0  }
0x109: {  	[tilespmem:$0x1B08] =	vst v0  }
0x10a: {  	[tilespmem:$0x1AF8] =	vst v0  }
0x10b: {  	[tilespmem:$0x1AE8] =	vst v0  }
0x10c: {  	[tilespmem:$0x1AD8] =	vst v0  }
0x10d: {  	[tilespmem:$0x1AC8] =	vst v0  }
0x10e: {  	[tilespmem:$0x1AB8] =	vst v0  }
0x10f: {  	[tilespmem:$0x1AA8] =	vst v0  }
0x110: {  	[tilespmem:$0x1A98] =	vst v0  }
0x111: {  	[tilespmem:$0x1A88] =	vst v0  }
0x112: {  	[tilespmem:$0x1A78] =	vst v0  }
0x113: {  	[tilespmem:$0x1A68] =	vst v0  }
0x114: {  	[tilespmem:$0x1A58] =	vst v0  }
0x115: {  	[tilespmem:$0x1A48] =	vst v0  }
0x116: {  	[tilespmem:$0x1A38] =	vst v0  }
0x117: {  	[tilespmem:$0x1A28] =	vst v0  }
0x118: {  	[tilespmem:$0x1A18] =	vst v0  }
0x119: {  	[tilespmem:$0x1A08] =	vst v0  }
0x11a: {  	[tilespmem:$0x19F8] =	vst v0  }
0x11b: {  	[tilespmem:$0x19E8] =	vst v0  }
0x11c: {  	[tilespmem:$0x19D8] =	vst v0  }
0x11d: {  	[tilespmem:$0x19C8] =	vst v0  }
0x11e: {  	[tilespmem:$0x19B8] =	vst v0  }
0x11f: {  	[tilespmem:$0x19A8] =	vst v0  }
0x120: {  	[tilespmem:$0x1998] =	vst v0  }
0x121: {  	[tilespmem:$0x1988] =	vst v0  }
0x122: {  	[tilespmem:$0x1978] =	vst v0  }
0x123: {  	[tilespmem:$0x1968] =	vst v0  }
0x124: {  	[tilespmem:$0x1958] =	vst v0  }
0x125: {  	[tilespmem:$0x1948] =	vst v0  }
0x126: {  	[tilespmem:$0x1938] =	vst v0  }
0x127: {  	[tilespmem:$0x1928] =	vst v0  }
0x128: {  	[tilespmem:$0x1918] =	vst v0  }
0x129: {  	[tilespmem:$0x1908] =	vst v0  }
0x12a: {  	[tilespmem:$0x18F8] =	vst v0  }
0x12b: {  	[tilespmem:$0x18E8] =	vst v0  }
0x12c: {  	[tilespmem:$0x18D8] =	vst v0  }
0x12d: {  	[tilespmem:$0x18C8] =	vst v0  }
0x12e: {  	[tilespmem:$0x18B8] =	vst v0  }
0x12f: {  	[tilespmem:$0x18A8] =	vst v0  }
0x130: {  	[tilespmem:$0x1898] =	vst v0  }
0x131: {  	[tilespmem:$0x1888] =	vst v0  }
0x132: {  	[tilespmem:$0x1878] =	vst v0  }
0x133: {  	[tilespmem:$0x1868] =	vst v0  }
0x134: {  	[tilespmem:$0x1858] =	vst v0  }
0x135: {  	[tilespmem:$0x1848] =	vst v0  }
0x136: {  	[tilespmem:$0x1838] =	vst v0  }
0x137: {  	[tilespmem:$0x1828] =	vst v0  }
0x138: {  	[tilespmem:$0x1818] =	vst v0  }
0x139: {  	[tilespmem:$0x1808] =	vst v0  }
0x13a: {  	[tilespmem:$0x17F8] =	vst v0  }
0x13b: {  	[tilespmem:$0x17E8] =	vst v0  }
0x13c: {  	[tilespmem:$0x17D8] =	vst v0  }
0x13d: {  	[tilespmem:$0x17C8] =	vst v0  }
0x13e: {  	[tilespmem:$0x17B8] =	vst v0  }
0x13f: {  	[tilespmem:$0x17A8] =	vst v0  }
0x140: {  	[tilespmem:$0x1798] =	vst v0  }
0x141: {  	[tilespmem:$0x1788] =	vst v0  }
0x142: {  	[tilespmem:$0x1778] =	vst v0  }
0x143: {  	[tilespmem:$0x1768] =	vst v0  }
0x144: {  	[tilespmem:$0x1758] =	vst v0  }
0x145: {  	[tilespmem:$0x1748] =	vst v0  }
0x146: {  	[tilespmem:$0x1738] =	vst v0  }
0x147: {  	[tilespmem:$0x1728] =	vst v0  }
0x148: {  	[tilespmem:$0x1718] =	vst v0  }
0x149: {  	[tilespmem:$0x1708] =	vst v0  }
0x14a: {  	[tilespmem:$0x16F8] =	vst v0  }
0x14b: {  	[tilespmem:$0x16E8] =	vst v0  }
0x14c: {  	[tilespmem:$0x16D8] =	vst v0  }
0x14d: {  	[tilespmem:$0x16C8] =	vst v0  }
0x14e: {  	[tilespmem:$0x16B8] =	vst v0  }
0x14f: {  	[tilespmem:$0x16A8] =	vst v0  }
0x150: {  	[tilespmem:$0x1698] =	vst v0  }
0x151: {  	[tilespmem:$0x1688] =	vst v0  }
0x152: {  	[tilespmem:$0x1678] =	vst v0  }
0x153: {  	[tilespmem:$0x1668] =	vst v0  }
0x154: {  	[tilespmem:$0x1658] =	vst v0  }
0x155: {  	[tilespmem:$0x1648] =	vst v0  }
0x156: {  	[tilespmem:$0x1638] =	vst v0  }
0x157: {  	[tilespmem:$0x1628] =	vst v0  }
0x158: {  	[tilespmem:$0x1618] =	vst v0  }
0x159: {  	[tilespmem:$0x1608] =	vst v0  }
0x15a: {  	[tilespmem:$0x15F8] =	vst v0  }
0x15b: {  	[tilespmem:$0x15E8] =	vst v0  }
0x15c: {  	[tilespmem:$0x15D8] =	vst v0  }
0x15d: {  	[tilespmem:$0x15C8] =	vst v0  }
0x15e: {  	[tilespmem:$0x15B8] =	vst v0  }
0x15f: {  	[tilespmem:$0x15A8] =	vst v0  }
0x160: {  	[tilespmem:$0x1598] =	vst v0  }
0x161: {  	[tilespmem:$0x1588] =	vst v0  }
0x162: {  	[tilespmem:$0x1578] =	vst v0  }
0x163: {  	[tilespmem:$0x1568] =	vst v0  }
0x164: {  	[tilespmem:$0x1558] =	vst v0  }
0x165: {  	[tilespmem:$0x1548] =	vst v0  }
0x166: {  	[tilespmem:$0x1538] =	vst v0  }
0x167: {  	[tilespmem:$0x1528] =	vst v0  }
0x168: {  	[tilespmem:$0x1518] =	vst v0  }
0x169: {  	[tilespmem:$0x1508] =	vst v0  }
0x16a: {  	[tilespmem:$0x14F8] =	vst v0  }
0x16b: {  	[tilespmem:$0x14E8] =	vst v0  }
0x16c: {  	[tilespmem:$0x14D8] =	vst v0  }
0x16d: {  	[tilespmem:$0x14C8] =	vst v0  }
0x16e: {  	[tilespmem:$0x14B8] =	vst v0  }
0x16f: {  	[tilespmem:$0x14A8] =	vst v0  }
0x170: {  	[tilespmem:$0x1498] =	vst v0  }
0x171: {  	[tilespmem:$0x1488] =	vst v0  }
0x172: {  	[tilespmem:$0x1478] =	vst v0  }
0x173: {  	[tilespmem:$0x1468] =	vst v0  }
0x174: {  	[tilespmem:$0x1458] =	vst v0  }
0x175: {  	[tilespmem:$0x1448] =	vst v0  }
0x176: {  	[tilespmem:$0x1438] =	vst v0  }
0x177: {  	[tilespmem:$0x1428] =	vst v0  }
0x178: {  	[tilespmem:$0x1418] =	vst v0  }
0x179: {  	[tilespmem:$0x1408] =	vst v0  }
0x17a: {  	[tilespmem:$0x13F8] =	vst v0  }
0x17b: {  	[tilespmem:$0x13E8] =	vst v0  }
0x17c: {  	[tilespmem:$0x13D8] =	vst v0  }
0x17d: {  	[tilespmem:$0x13C8] =	vst v0  }
0x17e: {  	[tilespmem:$0x13B8] =	vst v0  }
0x17f: {  	[tilespmem:$0x13A8] =	vst v0  }
0x180: {  	[tilespmem:$0x1398] =	vst v0  }
0x181: {  	[tilespmem:$0x1388] =	vst v0  }
0x182: {  	[tilespmem:$0x1378] =	vst v0  }
0x183: {  	[tilespmem:$0x1368] =	vst v0  }
0x184: {  	[tilespmem:$0x1358] =	vst v0  }
0x185: {  	[tilespmem:$0x1348] =	vst v0  }
0x186: {  	[tilespmem:$0x1338] =	vst v0  }
0x187: {  	[tilespmem:$0x1328] =	vst v0  }
0x188: {  	[tilespmem:$0x1318] =	vst v0  }
0x189: {  	[tilespmem:$0x1308] =	vst v0  }
0x18a: {  	[tilespmem:$0x12F8] =	vst v0  }
0x18b: {  	[tilespmem:$0x12E8] =	vst v0  }
0x18c: {  	[tilespmem:$0x12D8] =	vst v0  }
0x18d: {  	[tilespmem:$0x12C8] =	vst v0  }
0x18e: {  	[tilespmem:$0x12B8] =	vst v0  }
0x18f: {  	[tilespmem:$0x12A8] =	vst v0  }
0x190: {  	[tilespmem:$0x1298] =	vst v0  }
0x191: {  	[tilespmem:$0x1288] =	vst v0  }
0x192: {  	[tilespmem:$0x1278] =	vst v0  }
0x193: {  	[tilespmem:$0x1268] =	vst v0  }
0x194: {  	[tilespmem:$0x1258] =	vst v0  }
0x195: {  	[tilespmem:$0x1248] =	vst v0  }
0x196: {  	[tilespmem:$0x1238] =	vst v0  }
0x197: {  	[tilespmem:$0x1228] =	vst v0  }
0x198: {  	[tilespmem:$0x1218] =	vst v0  }
0x199: {  	[tilespmem:$0x1208] =	vst v0  }
0x19a: {  	[tilespmem:$0x11F8] =	vst v0  }
0x19b: {  	[tilespmem:$0x11E8] =	vst v0  }
0x19c: {  	[tilespmem:$0x11D8] =	vst v0  }
0x19d: {  	[tilespmem:$0x11C8] =	vst v0  }
0x19e: {  	[tilespmem:$0x11B8] =	vst v0  }
0x19f: {  	[tilespmem:$0x11A8] =	vst v0  }
0x1a0: {  	[tilespmem:$0x1198] =	vst v0  }
0x1a1: {  	[tilespmem:$0x1188] =	vst v0  }
0x1a2: {  	[tilespmem:$0x1178] =	vst v0  }
0x1a3: {  	[tilespmem:$0x1168] =	vst v0  }
0x1a4: {  	[tilespmem:$0x1158] =	vst v0  }
0x1a5: {  	[tilespmem:$0x1148] =	vst v0  }
0x1a6: {  	[tilespmem:$0x1138] =	vst v0  }
0x1a7: {  	s4 =	stileid.u32;
	[tilespmem:$0x1128] =	vst v0  }
0x1a8: {  	s0 =	smul.u32 $0xB, s4;
	[tilespmem:$0x1118] =	vst v0  }
0x1a9: {  	s2 =	smin.u32 s4, $0xA;
	[tilespmem:$0x1108] =	vst v0  }
0x1aa: {  	[tilespmem:$0x10F8] =	vst v0;
	s0 =	sadd.s32 s2, s0  }
0x1ab: {  	p0 =	slt.u32 s4, $0xA;
	[tilespmem:$0x10C8] =	vst v0;
	s2 =	simm.s32 $0x1440;
	s6 =	smul.u32 $0x1B0, s0  }
0x1ac: {  	s2 =	simm.s32 @!p0 $0x1290;
	[tilespmem:$0x10D8] =	vst v0  }
0x1ad: {  	[tilespmem:$0x10B8] =	vst v0;
	s0 =	sadd.s32 s2, s6  }
0x1ae: {  	s5 =	simm.s32 $0x2;
	[tilespmem:$0x1038] =	vst v0;
	s7 =	smin.u32 s0, $0x13880  }
0x1af: {  	s8 =	simm.s32 $0x9;
	s10 =	simm.s32 $0xA;
	[tilespmem:$0x10A8] =	vst v0;
	s0 =	ssub.s32 s7, s6  }
0x1b0: {  	s30 =	simm.s32 $0xB;
	s16 =	simm.s32 $0x0;
	[tilespmem:$0x1098] =	vst v0;
	p0 =	sgt.s32 s0, $0x0  }
0x1b1: {  	p4 =	por $0x0, $0x0;
	s17 =	simm.s32 $0xC;
	[tilespmem:$0x1088] =	vst v0;
	s0 =	simm.s32 @!p0 $0x0  }
0x1b2: {  	s21 =	simm.s32 $0x0;
	s18 =	simm.s32 $0x0;
	[tilespmem:$0x1078] =	vst v0;
	s28 =	smulhi.u32 $0x4BDA12F7, s0  }
0x1b3: {  	s20 =	simm.s32 $0x0;
	s3 =	sand.u32 $0x1, s3;
	s31 =	sshll.u32 s4, $0x5;
	[tilespmem:$0x1048] =	vst v0  }
0x1b4: {  	s2 =	sshrl.u32 s28, $0x7;
	[tilespmem:$0x1018] =	vst v0;
	[dreg:$0x6] =	wrdreg s3;
	s3 =	smul.u32 $0x2710, s3  }
0x1b5: {  	[tilespmem:$0x1008] =	vst v0;
	[sflag:s5] =	ssyncpa.u1 $0x0;
	v0 =	vimm.s32 $0xFFFFFFFF;
	[dreg:$0x5] =	wrdreg s31;
	s29 =	smul.u32 $0x1B0, s2  }
.Ltmp0:
0x1b6: {  	[tilespmem:$0x3648] =	vst v0;
	[sflag:s8] =	ssyncpa.u1 $0x0;
	s3 =	sadd.s32 s3, s11;
	(pc) =	sbr.rel .LBB2_1-.Ltmp0, $4  }
0x1b7: {  	[sflag:s10] =	ssyncpa.u1 $0x0;
	s11 =	sadd.s32 $0x2CA9400, s11;
	p0 =	sne.s32 s0, s29  }
0x1b8: {  	[sflag:s30] =	ssyncpa.u1 $0x0;
	s14 =	sadd.s32 $0x2CA4400, s3;
	s12 =	simm.s32 @!p0 $0x0  }
0x1b9: {  	s15 =	sadd.s32 $0x2C9F400, s3;
	s19 =	smov.u32 s6;
	s12 =	sadd.s32 s12, s2  }
0x1ba: {  	v0 =	vlaneseq.u32;
	[dreg:$0x7] =	wrdreg s6;
	p0 =	por $0x1, $0x1;
	s4 =	sadd.s32 $0x1, s12  }
.LBB2_18:
0x1bb: {  	s0 =	simm.s32 $0x2  }
0x1bc: {  	_ =	swait.ge [sflag:s0], $0x0  }
0x1bd: {  	[sflag:s0] =	ssyncset.done $0x0;
	s0 =	simm.s32 $0x0  }
.LBB2_19:
0x1be: {  	_ =	swait.ge [sflag:s17], s0  }
0x1bf: {  	s31 =	ssub.s32 $0x0, s0;
	v1 =	vmov s23;
	vm0 =	veq.s32 v0, $0x0;
	[sflag:s17] =	ssyncset.done $0x0  }
0x1c0: {  	vm15 =	veq.s32 v0, $0x2;
	v1 =	vsel vm0, s28, v1;
	[sflag:s17] =	ssyncadd.s32 s31  }
0x1c1: {  	v1 =	vsel vm15, s21, v1;
	[sflag:s17] =	ssyncpa.u1 $0x1  }
0x1c2: {  	[tilespmem:$0x3648] =	vst v1  }
.LBB2_20:
0x1c3: {  	s0 =	sadd.s32 $0x1B0, s19  }
0x1c4: {  	s2 =	smov.u32 s6;
	p1 =	slt.s32 s0, s7  }
0x1c5: {  	s2 =	smov.u32 @p1 s0;
	p1 =	sne.s32 s20, s4  }
.Ltmp1:
0x1c6: {  	_ = 	snop;
	(pc) =	sbr.rel @!p1 .LBB2_21-.Ltmp1, $4  }
0x1c7: {  	_ = 	snop  }
0x1c8: {  	s21 =	smov.u32 s18  }
0x1c9: {  	s31 =	sadd.s32 $0x1, s20;
	s18 =	smov.u32 s19;
	p0 =	por !p0, !p0  }
0x1ca: {  	p4 =	por !p4, !p4;
	s20 =	smov.u32 s31;
	s19 =	smov.u32 s2  }
.LBB2_1:
0x1cb: {  	p2 =	sge.u32 s20, s12  }
0x1cc: {  	s0 =	smulhi.u32 @!p2 $0xAAAAAAAB, s20  }
0x1cd: {  	s2 =	smov.u32 s19;
	p3 =	sgt.s32 @!p2 s19, $0x136D0  }
0x1ce: {  	s3 =	sshra.s32 @!p2 s19, $0x1F;
	p3 =	por !p3, p2;
	s0 =	sshrl.u32 @!p2 s0, $0x1  }
0x1cf: {  	s3 =	sand.u32 @!p2 s3, s19;
	s2 =	simm.s32 @p3 $0x136D0;
	s0 =	smul.u32 @!p2 $0x3, s0  }
0x1d0: {  	s2 =	ssub.s32 @!p2 s2, s3  }
0x1d1: {  	s23 =	sadd.s32 $0xFFFFFFFF, s20;
	s2 =	sadd.s32 @!p2 $0xFFFEC930, s2;
	s0 =	ssub.s32 @!p2 s20, s0  }
0x1d2: {  	s3 =	sshll.u32 @!p2 s2, $0x2;
	p3 =	sgt.s32 @!p2 s2, $0x1AF;
	s0 =	smul.u32 @!p2 $0x6C0, s0  }
0x1d3: {  	s5 =	sand.u32 @!p2 $0x7, s19;
	s2 =	ssub.s32 @!p2 $0x6C0, s3;
	p3 =	por !p3, p2  }
0x1d4: {  	s3 =	sshrl.u32 @!p2 s19, $0x3;
	s2 =	sshrl.u32 @!p2 s2, $0x2;
	s0 =	sshrl.u32 @!p2 s0, $0x2  }
0x1d5: {  	s3 =	sadd.s32 @!p2 s3, s14;
	s2 =	simm.s32 @!p3 $0x0;
	s0 =	sadd.s32 @!p2 $0x3888, s0  }
0x1d6: {  	[tilespmem:s0], [sflag:$0xA] =	stream.linear.gather @!p2 [hbm4b:s3+s5], s2, $0x38;
	[tilespmem:$0x1F0F8] =	vst v63  }
0x1d7: {  	p2 =	sge.u32 s23, s12  }
0x1d8: {  	p3 =	sgt.s32 @!p2 s18, $0x136D0  }
0x1d9: {  	s0 =	smov.u32 s18;
	s2 =	sshra.s32 @!p2 s18, $0x1F;
	p3 =	por !p3, p2  }
0x1da: {  	s2 =	sand.u32 @!p2 s2, s18;
	s0 =	simm.s32 @p3 $0x136D0  }
0x1db: {  	s0 =	ssub.s32 @!p2 s0, s2  }
0x1dc: {  	s0 =	sadd.s32 @!p2 $0xFFFEC930, s0  }
0x1dd: {  	s2 =	sshll.u32 @!p2 s0, $0x2  }
0x1de: {  	p3 =	sgt.s32 @!p2 s0, $0x1AF;
	s0 =	ssub.s32 @!p2 $0x6C0, s2  }
0x1df: {  	s22 =	ssub.s32 @!p2 $0x13880, s18;
	p3 =	por !p3, p2;
	s0 =	sshrl.u32 @!p2 s0, $0x2  }
0x1e0: {  	s2 =	sand.u32 @!p2 $0x1, s23;
	s0 =	simm.s32 @!p3 $0x0;
	p3 =	slt.s32 @!p2 s22, $0x1  }
0x1e1: {  	s3 =	simm.s32 @!p2 $0xA;
	s2 =	smul.u32 @!p2 $0x6C0, s2;
	p3 =	por p2, p3  }
.Ltmp2:
0x1e2: {  	_ =	swait.ge @!p2 [sflag:s3], s0;
	(pc) =	sbr.rel @p3 .LBB2_7-.Ltmp2, $4  }
0x1e3: {  	s5 =	ssub.s32 @!p2 $0x0, s0;
	[sflag:s3] =	ssyncset.done @!p2 $0x0  }
0x1e4: {  	s2 =	sshrl.u32 @!p2 s2, $0x2;
	[sflag:s3] =	ssyncadd.s32 @!p2 s5;
	s3 =	sshrl.u32 @!p2 s18, $0x3  }
0x1e5: {  	s2 =	sadd.s32 @!p2 $0x3D98, s2;
	s5 =	sand.u32 @!p2 $0x7, s18;
	s3 =	sadd.s32 @!p2 s3, s15  }
0x1e6: {  	[tilespmem:s2], [sflag:$0xB] =	stream.linear.gather @!p2 [hbm4b:s3+s5], s0, $0x38;
	[tilespmem:$0x1F0F8] =	vst v63  }
0x1e7: {  	s0 =	smulhi.u32 $0xAAAAAAAB, s23;
	_ =	sdelay $0x1  }
0x1e8: {  	s0 =	sshrl.u32 s0, $0x1  }
0x1e9: {  	s0 =	smul.u32 $0x3, s0;
	_ =	sdelay $0x1  }
0x1ea: {  	s0 =	ssub.s32 s23, s0  }
0x1eb: {  	s2 =	simm.s32 $0x1;
	s0 =	smul.u32 $0x6C0, s0  }
.Ltmp3:
0x1ec: {  	s2 =	simm.s32 @!p0 $0x0;
	(pc) =	sbr.rel .LBB2_4-.Ltmp3, $4  }
0x1ed: {  	s2 =	smul.u32 $0x36000, s2  }
0x1ee: {  	p3 =	slt.s32 @!p2 s22, $0x1B0;
	s0 =	sshrl.u32 s0, $0x2  }
0x1ef: {  	p2 =	por !p3, p2;
	s2 =	sshrl.u32 s2, $0x2;
	s0 =	sadd.s32 $0x3888, s0  }
0x1f0: {  	s24 =	simm.s32 $0x0;
	s22 =	simm.s32 @p2 $0x1B0;
	s23 =	sadd.s32 $0x40F8, s2;
	v1 =	vmov s0  }
.LBB2_3:
0x1f1: {  	p2 =	sge.s32 s24, s22  }
.Ltmp4:
0x1f2: {  	_ = 	snop;
	(pc) =	sbr.rel @p2 .LBB2_7-.Ltmp4, $2  }
0x1f3: {  	_ =	sdelay $0x2  }
0x1f4: {  	s23 =	sadd.s32 $0x800, s23  }
.LBB2_4:
0x1f5: {  	p2 =	sle.s32 s22, s24  }
.Ltmp5:
0x1f6: {  	_ = 	snop;
	(pc) =	sbr.rel @p2 .LBB2_3-.Ltmp5, $2  }
0x1f7: {  	_ =	sdelay $0x2  }
0x1f8: {  	s0 =	smov.u32 s24;
	s24 =	sadd.s32 $0x10, s24  }
0x1f9: {  	s2 =	ssub.s32 s22, s0  }
0x1fa: {  	p2 =	slt.s32 s2, $0x10  }
0x1fb: {  	s2 =	simm.s32 @!p2 $0x10  }
0x1fc: {  	v2 =	vmov s2  }
0x1fd: {  	vm0 =	vgt.s32 v2, v0;
	_ =	sdelay $0x5  }
0x1fe: {  	v2 =	vld.idx.msk [tilespmem:v1+s0+$0x0 ss:$0x1], vm0;
	_ =	sdelay $0x2  }
0x1ff: {  	p2 =	slt.s32 s24, s22;
	s2 =	smov.u32 s22  }
0x200: {  	s3 =	smov.u32 s23;
	s25 =	simm.s32 $0x0;
	s2 =	smov.u32 @p2 s24  }
.LBB2_6:
0x201: {  	(v2sf) =	vpush v2, s25;
	_ =	sdelay $0xc  }
0x202: {  	s25 =	sadd.s32 $0x1, s25  }
0x203: {  	s31 =	sadd.s32 s25, s0  }
0x204: {  	p2 =	slt.s32 s31, s2;
	s5 =	spop (v2sf)  }
.Ltmp6:
0x205: {  	s5 =	sshll.u32 s5, $0x4;
	(pc) =	sbr.rel @p2 .LBB2_6-.Ltmp6, $4  }
0x206: {  	s5 =	sand.u32 $0x1FFFFFF0, s5  }
0x207: {  	s5 =	sadd.s32 s11, s5  }
0x208: {  	[tilespmem:s3], [sflag:$0x9] =	stream.linear.gather [hbm4b:s5+s16], $0x2, $0x38;
	[tilespmem:$0x1F0F8] =	vst v63  }
0x209: {  	s3 =	sadd.s32 $0x80, s3  }
.Ltmp7:
0x20a: {  	_ = 	snop;
	(pc) =	sbr.rel .LBB2_3-.Ltmp7, $1  }
0x20b: {  	_ =	sdelay $0x3  }
.LBB2_7:
0x20c: {  	p2 =	slt.u32 s20, $0x2  }
.Ltmp8:
0x20d: {  	_ = 	snop;
	(pc) =	sbr.rel @p2 .LBB2_20-.Ltmp8, $1  }
0x20e: {  	_ =	sdelay $0x3  }
0x20f: {  	p2 =	sgt.s32 s21, $0x136D0  }
0x210: {  	s0 =	smov.u32 s21;
	s2 =	sshra.s32 s21, $0x1F;
	s3 =	ssub.s32 $0x13880, s21  }
0x211: {  	s0 =	simm.s32 @!p2 $0x136D0;
	s2 =	sand.u32 s2, s21;
	p2 =	slt.s32 s3, $0x1B0  }
0x212: {  	s0 =	ssub.s32 s0, s2;
	s3 =	simm.s32 @!p2 $0x1B0  }
0x213: {  	s0 =	sadd.s32 $0xFFFEC930, s0;
	s24 =	sshll.u32 s3, $0x1  }
0x214: {  	s28 =	simm.s32 $0x9;
	s25 =	sshll.u32 s0, $0x2;
	s2 =	sand.u32 $0x3FFFFFFE, s24  }
0x215: {  	p2 =	sgt.s32 s0, $0x1AF;
	s26 =	ssub.s32 $0x6C0, s25;
	_ =	swait.ge [sflag:s28], s2  }
0x216: {  	s2 =	ssub.s32 $0x0, s2;
	[sflag:s28] =	ssyncset.done $0x0;
	s0 =	sshrl.u32 s26, $0x2  }
0x217: {  	s30 =	simm.s32 $0xB;
	[sflag:s28] =	ssyncadd.s32 s2;
	s0 =	simm.s32 @p2 $0x0  }
0x218: {  	_ =	swait.ge [sflag:s30], s0  }
0x219: {  	s0 =	ssub.s32 $0x0, s0;
	[sflag:s30] =	ssyncset.done $0x0  }
0x21a: {  	[sflag:s30] =	ssyncadd.s32 s0  }
0x21b: {  	v1 =	vld [tilespmem:$0x3648];
	_ =	sdelay $0x4  }
0x21c: {  	(v2sf) =	vpush v1, $0x0  }
0x21d: {  	(v2sf) =	vpush v1, $0x1  }
0x21e: {  	(v2sf) =	vpush v1, $0x2;
	_ =	sdelay $0x3  }
0x21f: {  	s0 =	sadd.s32 $0x1B0, s21  }
0x220: {  	s2 =	ssub.s32 $0x27100, s21;
	p2 =	slt.s32 s7, s0  }
0x221: {  	s0 =	smov.u32 @p2 s7;
	p2 =	sgt.s32 s2, $0x0  }
0x222: {  	s25 =	ssub.s32 s0, s21;
	s2 =	simm.s32 @!p2 $0x0  }
0x223: {  	p2 =	slt.s32 s2, s25  }
0x224: {  	s25 =	smov.u32 @p2 s2  }
0x225: {  	s24 =	simm.s32 $0x1;
	p2 =	slt.s32 s25, $0x1  }
.Ltmp9:
0x226: {  	s24 =	simm.s32 @!p4 $0x0;
	(pc) =	sbr.rel @p2 .LBB2_12-.Ltmp9, $4  }
0x227: {  	s31 =	smul.u32 $0x6C0, s24  }
0x228: {  	s26 =	spop (v2sf)  }
0x229: {  	s0 =	sshrl.u32 s31, $0x2;
	s29 =	spop (v2sf)  }
0x22a: {  	s22 =	sadd.s32 $0x3D98, s0;
	s21 =	spop (v2sf)  }
0x22b: {  	s0 =	smin.u32 s25, $0x10  }
0x22c: {  	v1 =	vmov s0  }
0x22d: {  	p3 =	sgt.s32 s25, $0x10;
	vm1 =	vgt.u32 v1, v0  }
.Ltmp10:
0x22e: {  	_ = 	snop;
	(pc) =	sbr.rel @!p3 .LBB2_11-.Ltmp10, $2  }
0x22f: {  	_ =	sdelay $0x2  }
0x230: {  	s23 =	simm.s32 $0x10;
	s28 =	sadd.s32 $0xFFFFFFF0, s25;
	s0 =	smov.u32 s22;
	vm0 =	vmmov vm1  }
.LBB2_10:
0x231: {  	s2 =	smin.u32 s28, $0x10;
	s23 =	sadd.s32 $0x10, s23;
	v1 =	vld.msk [tilespmem:s0+$0x0 ss:$0x1], vm1  }
0x232: {  	v2 =	vmov s2;
	p3 =	slt.s32 s23, s25  }
0x233: {  	vm1 =	vgt.u32 v2, v0  }
.Ltmp11:
0x234: {  	(pc) =	sbr.rel @p3 .LBB2_10-.Ltmp11, $3  }
0x235: {  	_ =	sdelay $0x1  }
0x236: {  	v1 =	vshll.u32 v1, $0x4  }
0x237: {  	s28 =	sadd.s32 $0xFFFFFFF0, s28;
	[tilespmem:s0+$0x0] =	vst.msk vm0, v1;
	s0 =	sadd.s32 $0x10, s0;
	vm0 =	vmmov vm1  }
.LBB2_11:
0x238: {  	_ =	sdelay $0x4  }
0x239: {  	v1 =	vld.msk [tilespmem:s0+$0x0 ss:$0x1], vm1;
	_ =	sdelay $0x4  }
0x23a: {  	v1 =	vshll.u32 v1, $0x4  }
0x23b: {  	[tilespmem:s0+$0x0] =	vst.msk vm0, v1  }
.LBB2_12:
0x23c: {  	s0 =	sand.u32 $0x1, s20  }
0x23d: {  	s0 =	smul.u32 $0x1B0, s0  }
0x23e: {  	p3 =	sne.s32 s29, $0xFFFFFFFF  }
0x23f: {  	v1 =	vld.msk @!p3 [tilespmem:s0+$0x3D98], $0x1;
	_ =	sdelay $0x4  }
0x240: {  	(v2sf) =	vpush @!p3 v1, $0x0;
	_ =	sdelay $0xc  }
.Ltmp12:
0x241: {  	_ = 	snop;
	(pc) =	sbr.rel @p2 .LBB2_18-.Ltmp12, $4  }
0x242: {  	_ = 	snop  }
0x243: {  	s28 =	spop @!p3 (v2sf)  }
0x244: {  	s21 =	simm.s32 @!p3 $0x0;
	s23 =	smov.u32 s28  }
0x245: {  	[sflag:s17] =	ssyncpa.u1 $0x0;
	s28 =	smov.u32 @p3 s26;
	s23 =	smov.u32 @p3 s29  }
0x246: {  	v1 =	vld.msk [tilespmem:s22+$0x0], $0x1;
	_ =	sdelay $0x4  }
0x247: {  	(v2sf) =	vpush v1, $0x0;
	_ =	sdelay $0xe  }
0x248: {  	s0 =	simm.s32 @!p4 $0x0;
	s26 =	smul.u32 $0x36000, s24;
	s31 =	spop (v2sf)  }
0x249: {  	s29 =	ssub.s32 $0x0, s25;
	s0 =	simm.s32 @p4 $0x1;
	p2 =	seq.s32 s28, s31  }
0x24a: {  	s2 =	smov.u32 s28;
	[smem:$0x7FD] =	sst s0;
	p3 =	sgt.s32 @!p2 s28, $0x0  }
0x24b: {  	s0 =	sshrl.u32 s26, $0x2;
	s26 =	sadd.s32 $0x1, s29;
	p3 =	por !p3, p2  }
0x24c: {  	s2 =	simm.s32 @p3 $0x0;
	p3 =	seq.s32 s26, $0x0  }
.Ltmp13:
0x24d: {  	_ = 	snop;
	(pc) =	sbr.rel @p3 .LBB2_15-.Ltmp13, $4  }
0x24e: {  	s6 =	smov.u32 s4;
	s25 =	simm.s32 $0x0  }
0x24f: {  	s24 =	sadd.s32 $0x40F8, s0;
	s0 =	simm.s32 @!p2 $0x1;
	s3 =	smin.u32 @!p2 s2, $0x270FF  }
0x250: {  	s30 =	sadd.s32 $0x1, s22;
	s0 =	smov.u32 @p2 s25;
	s5 =	sand.u32 @!p2 $0x3FFF8, s3  }
0x251: {  	s2 =	simm.s32 @!p2 $0x1B38;
	s3 =	sand.u32 @!p2 $0x7, s3;
	s5 =	sadd.s32 @!p2 s1, s5  }
.LBB2_14:
0x252: {  	s4 =	smov.u32 s0  }
0x253: {  	[tilespmem:s2], [sflag:$0x2] =	stream.linear.gather @!p2 [hbm4b:s5+s3], $0x2, $0x38;
	[tilespmem:$0x1F0F8] =	vst v63  }
0x254: {  	s26 =	sadd.s32 $0x1, s26;
	s3 =	smov.u32 s31;
	v1 =	vld.msk [tilespmem:s30+$0x0], $0x1  }
0x255: {  	p3 =	seq.s32 s26, $0x0;
	_ =	sdelay $0x3  }
0x256: {  	(v2sf) =	vpush v1, $0x0;
	_ =	sdelay $0xe  }
0x257: {  	s31 =	spop (v2sf)  }
0x258: {  	p2 =	seq.s32 s3, s31  }
0x259: {  	p4 =	sgt.s32 @!p2 s3, $0x0;
	s2 =	sshll.u32 @!p2 s0, $0x6;
	s0 =	sadd.s32 @!p2 $0x1, s0  }
.Ltmp14:
0x25a: {  	p4 =	por !p4, p2;
	s2 =	sshra.s32 @!p2 s2, $0x2;
	(pc) =	sbr.rel @!p3 .LBB2_14-.Ltmp14, $4  }
0x25b: {  	s0 =	smov.u32 @p2 s4;
	s3 =	simm.s32 @p4 $0x0;
	s2 =	sadd.s32 @!p2 $0x1B38, s2  }
0x25c: {  	s3 =	smin.u32 @!p2 s3, $0x270FF  }
0x25d: {  	s4 =	sand.u32 @!p2 $0x3FFF8, s3;
	s3 =	sand.u32 @!p2 $0x7, s3  }
0x25e: {  	s30 =	sadd.s32 $0x1, s30;
	s5 =	sadd.s32 @!p2 s1, s4  }
.LBB2_15:
0x25f: {  	[tilespmem:s2], [sflag:$0x2] =	stream.linear.gather @!p2 [hbm4b:s5+s3], $0x2, $0x38;
	[tilespmem:$0x1F0F8] =	vst v63  }
0x260: {  	s0 =	sshll.u32 s0, $0x1  }
0x261: {  	s31 =	simm.s32 $0x2;
	s0 =	sand.u32 $0x3FFFFFFE, s0  }
0x262: {  	_ =	swait.ge [sflag:s31], s0  }
0x263: {  	s0 =	ssub.s32 $0x0, s0;
	[sflag:s31] =	ssyncset.done $0x0  }
0x264: {  	[sflag:s31] =	ssyncadd.s32 s0  }
0x265: {  	v1 =	vld.msk [tilespmem:s22+$0x0], $0x1;
	_ =	sdelay $0x4  }
0x266: {  	(v2sf) =	vpush v1, $0x0;
	_ =	sdelay $0xe  }
0x267: {  	s26 =	spop (v2sf)  }
0x268: {  	p2 =	sne.s32 s28, s26  }
0x269: {  	p4 =	sne.s32 @p2 s28, s23  }
0x26a: {  	p3 =	por !p4, !p2  }
0x26b: {  	s0 =	simm.s32 @!p3 $0x0  }
0x26c: {  	v1 =	vld.msk @!p3 [tilespmem:s0+$0x1B38], $0x3  }
0x26d: {  	p5 =	sgt.u32 @!p3 s28, $0x270FF  }
0x26e: {  	s2 =	sshll.u32 @!p3 s21, $0x6;
	p6 =	por @p2 p5, !p4  }
0x26f: {  	s2 =	sshra.s32 @!p3 s2, $0x2;
	p1 =	por p6, !p2;
	p6 =	por p4, !p2  }
0x270: {  	s3 =	sadd.s32 @!p3 $0x28, s2;
	s4 =	sand.u32 @!p1 $0x3FFF8, s28;
	s5 =	sshll.u32 @!p6 s21, $0x6  }
0x271: {  	s28 =	sand.u32 @!p1 $0x7, s28;
	[tilespmem:s2+$0x28] =	vst.add.f32.msk @!p3 $0x3, v1;
	s2 =	sadd.s32 @!p1 s1, s4;
	s4 =	sshra.s32 @!p6 s5, $0x2  }
0x272: {  	[hbm4b:s2+s28] =	stream.linear.scatter @!p1 [tilespmem:s3], [sflag:$0xC], $0x2, $0x38;
	[tilespmem:$0x1F0F8] =	vst v63  }
0x273: {  	s0 =	rddreg [dreg:$0x5];
	s2 =	sadd.s32 @!p6 $0x28, s4;
	s3 =	simm.s32 @!p6 $0x1  }
0x274: {  	[spmem:s0] =	stream.linear.scatter @!p6 [tilespmem:s2], [sflag:$0x1], $0x2, $0x38;
	[tilespmem:$0x1F0F8] =	vst v63  }
0x275: {  	s0 =	sadd.s32 @p2 $0x1, s21;
	_ =	swait.ge @!p6 [sflag:s3], $0x2  }
0x276: {  	s2 =	sshrl.u32 @p2 s0, $0x4;
	[sflag:s3] =	ssyncset.done @!p6 $0x0  }
0x277: {  	s2 =	smulhi.u32 @p2 $0x97B425F, s2;
	[sflag:s3] =	ssyncadd.s32 @!p6 $0xFFFFFFFE  }
0x278: {  	s28 =	sadd.s32 $0x1, s29;
	v1 =	vld.msk @p2 [tilespmem:s24+$0x0], $0x3  }
0x279: {  	p1 =	por @p2 !p5, !p4;
	p4 =	seq.s32 s28, $0x0;
	s2 =	smul.u32 @p2 $0x1B0, s2  }
.Ltmp15:
0x27a: {  	p1 =	por !p1, !p2;
	s3 =	simm.s32 @!p3 $0x0;
	(pc) =	sbr.rel @p4 .LBB2_17-.Ltmp15, $4  }
0x27b: {  	s4 =	sshll.u32 @!p2 s21, $0x6;
	s3 =	simm.s32 @!p1 $0x8;
	s0 =	ssub.s32 @p2 s0, s2  }
0x27c: {  	s29 =	simm.s32 $0x0;
	s3 =	sadd.s32 @!p3 $0x0, s3;
	s5 =	sshll.u32 @p2 s0, $0x4  }
0x27d: {  	s30 =	sshra.s32 @!p2 s4, $0x2;
	s2 =	simm.s32 @p2 $0x1;
	s3 =	smov.u32 @p3 s25;
	[tilespmem:s5+$0x28] =	vst.msk @p2 $0x3, v1  }
0x27e: {  	s21 =	smov.u32 @p2 s0;
	s29 =	smov.u32 @p2 s3;
	s25 =	smov.u32 @p2 s2;
	v1 =	vld.msk @!p2 [tilespmem:s24+$0x0], $0x3  }
.LBB2_16:
0x27f: {  	_ =	sdelay $0x3  }
0x280: {  	s22 =	sadd.s32 $0x1, s22;
	[tilespmem:s30+$0x28] =	vst.add.f32.msk @!p2 $0x3, v1  }
0x281: {  	v1 =	vld.msk [tilespmem:s22+$0x0], $0x1;
	_ =	sdelay $0x4  }
0x282: {  	(v2sf) =	vpush v1, $0x0;
	_ =	sdelay $0xe  }
0x283: {  	s0 =	smov.u32 s26;
	s26 =	spop (v2sf)  }
0x284: {  	p2 =	sne.s32 s0, s26  }
0x285: {  	p5 =	sne.s32 @p2 s0, s23  }
0x286: {  	s4 =	sshll.u32 @!p2 s21, $0x6;
	p4 =	por !p5, !p2  }
0x287: {  	s30 =	sshra.s32 @!p2 s4, $0x2;
	s4 =	sshll.u32 @!p4 s25, $0x6  }
0x288: {  	s4 =	sshra.s32 @!p4 s4, $0x2  }
0x289: {  	p1 =	sgt.u32 @!p4 s0, $0x270FF;
	v1 =	vld.msk @!p4 [tilespmem:s4+$0x1B38], $0x3  }
0x28a: {  	s31 =	sshll.u32 @!p4 s21, $0x6;
	p6 =	por @p2 p1, !p5;
	p1 =	por @p2 !p1, !p5  }
0x28b: {  	s8 =	simm.s32 @!p4 $0x0;
	s31 =	sshra.s32 @!p4 s31, $0x2;
	p1 =	por !p1, !p2  }
0x28c: {  	p5 =	por p5, !p2;
	s8 =	simm.s32 @!p1 $0x8;
	p1 =	por p6, !p2  }
0x28d: {  	s4 =	sadd.s32 @!p4 $0x28, s31;
	s13 =	sshll.u32 @!p5 s21, $0x6;
	s10 =	sand.u32 @!p1 $0x3FFF8, s0  }
0x28e: {  	s13 =	sshra.s32 @!p5 s13, $0x2;
	s0 =	sand.u32 @!p1 $0x7, s0;
	s10 =	sadd.s32 @!p1 s1, s10;
	[tilespmem:s31+$0x28] =	vst.add.f32.msk @!p4 $0x3, v1  }
0x28f: {  	[hbm4b:s10+s0] =	stream.linear.scatter @!p1 [tilespmem:s4], [sflag:$0xC], $0x2, $0x38;
	[tilespmem:$0x1F0F8] =	vst v63  }
0x290: {  	s2 =	rddreg [dreg:$0x5];
	s0 =	sadd.s32 @!p5 $0x28, s13;
	s4 =	simm.s32 @!p5 $0x1  }
0x291: {  	[spmem:s2] =	stream.linear.scatter @!p5 [tilespmem:s0], [sflag:$0x1], $0x2, $0x38;
	[tilespmem:$0x1F0F8] =	vst v63  }
0x292: {  	s3 =	sadd.s32 @p2 $0x1, s21;
	_ =	swait.ge @!p5 [sflag:s4], $0x2  }
0x293: {  	s5 =	sshrl.u32 @p2 s3, $0x4;
	[sflag:s4] =	ssyncset.done @!p5 $0x0  }
0x294: {  	s24 =	sadd.s32 $0x80, s24;
	s5 =	smulhi.u32 @p2 $0x97B425F, s5;
	[sflag:s4] =	ssyncadd.s32 @!p5 $0xFFFFFFFE  }
0x295: {  	s28 =	sadd.s32 $0x1, s28;
	v1 =	vld.msk @p2 [tilespmem:s24+$0x0], $0x3  }
0x296: {  	p3 =	seq.s32 s28, $0x0;
	s5 =	smul.u32 @p2 $0x1B0, s5  }
.Ltmp16:
0x297: {  	_ = 	snop;
	(pc) =	sbr.rel @!p3 .LBB2_16-.Ltmp16, $4  }
0x298: {  	s3 =	ssub.s32 @p2 s3, s5  }
0x299: {  	s8 =	sadd.s32 @!p4 s8, s29;
	s5 =	sshll.u32 @p2 s3, $0x4  }
0x29a: {  	s9 =	sadd.s32 @p2 $0x1, s25;
	s8 =	smov.u32 @p4 s29;
	[tilespmem:s5+$0x28] =	vst.msk @p2 $0x3, v1  }
0x29b: {  	s25 =	smov.u32 @p2 s9;
	s21 =	smov.u32 @p2 s3;
	s29 =	smov.u32 @p2 s8;
	v1 =	vld.msk @!p2 [tilespmem:s24+$0x0], $0x3  }
.LBB2_17:
.Ltmp17:
0x29c: {  	_ = 	snop;
	(pc) =	sbr.rel .LBB2_19-.Ltmp17, $3  }
0x29d: {  	s2 =	sld [smem:$0x7FD];
	_ =	sdelay $0x1  }
0x29e: {  	s0 =	sshrl.u32 s29, $0x2;
	s28 =	smov.u32 s26  }
0x29f: {  	s4 =	smov.u32 s6;
	s6 =	rddreg [dreg:$0x7];
	p4 =	seq.s32 s2, $0x1;
	[tilespmem:s30+$0x28] =	vst.add.f32.msk @!p2 $0x3, v1  }
.LBB2_21:
0x2a0: {  	_ =	sfence.sel $0x180000  }
0x2a1: {  	s0 =	simm.s32 $0x9;
	[bflag:$0x0] =	sbarrier.arrive $0xFFFF  }
0x2a2: {  	s24 =	simm.s32 $0xA;
	[sflag:s0] =	ssyncpa.u1 $0x1  }
0x2a3: {  	s25 =	simm.s32 $0xB;
	[sflag:s24] =	ssyncpa.u1 $0x1  }
0x2a4: {  	s26 =	simm.s32 $0x2;
	[sflag:s25] =	ssyncpa.u1 $0x1  }
0x2a5: {  	[sflag:s26] =	ssyncpa.u1 $0x1  }
0x2a6: {  	v0 =	vld [tilespmem:$0x3648];
	_ =	sdelay $0x4  }
0x2a7: {  	(v2sf) =	vpush v0, $0x0  }
0x2a8: {  	(v2sf) =	vpush v0, $0x1;
	_ =	sdelay $0x1  }
0x2a9: {  	(v2sf) =	vpush v0, $0x2;
	_ =	sdelay $0xb  }
0x2aa: {  	s0 =	spop (v2sf)  }
0x2ab: {  	s2 =	spop (v2sf)  }
0x2ac: {  	s3 =	smov.u32 s0;
	p0 =	sne.s32 s0, s2  }
0x2ad: {  	s4 =	spop (v2sf);
	s3 =	simm.s32 @!p0 $0xFFFFFFFF  }
0x2ae: {  	v2 =	vimm.s32 $0x1;
	v3 =	vlaneseq.u32;
	p0 =	seq.s32 s4, $0xFFFFFFFF;
	v1 =	vmov s3  }
0x2af: {  	s16 =	stileid.u32;
	v0 =	vperm.xlane v0, v2;
	p1 =	sne.s32 @!p0 s0, s2;
	v1 =	vperm.xlane v1, v3  }
0x2b0: {  	vm0 =	vcmask $0x3F04;
	s6 =	simm.s32 $0x3648;
	s0 =	simm.s32 @!p0 $0x1;
	p1 =	por !p1, p0  }
0x2b1: {  	s3 =	sshll.u32 s16, $0x1;
	s2 =	sshll.u32 @!p0 s4, $0x6;
	s0 =	simm.s32 @p1 $0x0;
	v0 =	vsel vm0, v1, v0  }
0x2b2: {  	s5 =	sor.u32 $0x200, s3;
	s2 =	sshra.s32 @!p0 s2, $0x2;
	s0 =	sor.u32 @!p0 s0, s3;
	[tilespmem:$0x3648] =	vst v0  }
0x2b3: {  	[spmem:s5] =	stream.linear.scatter [tilespmem:s6], [sflag:$0x1], $0x2, $0x38;
	[tilespmem:$0x1F0F8] =	vst v63  }
0x2b4: {  	s2 =	sadd.s32 @!p0 $0x28, s2;
	s0 =	sshll.u32 @!p0 s0, $0x4  }
0x2b5: {  	[spmem:s0] =	stream.linear.scatter @!p0 [tilespmem:s2], [sflag:$0x1], $0x10, $0x38;
	[tilespmem:$0x1F0F8] =	vst v63  }
0x2b6: {  	s0 =	simm.s32 @!p0 $0x12  }
0x2b7: {  	s28 =	simm.s32 $0x1;
	s0 =	simm.s32 @p0 $0x2  }
0x2b8: {  	_ =	swait.ge [sflag:s28], s0  }
0x2b9: {  	s0 =	ssub.s32 $0x0, s0;
	[sflag:s28] =	ssyncset.done $0x0  }
0x2ba: {  	p0 =	sne.s32 s16, $0x0;
	[sflag:s28] =	ssyncadd.s32 s0  }
.Ltmp18:
0x2bb: {  	_ =	sfence.stream.spmem;
	(pc) =	sbr.rel @p0 .LBB2_38-.Ltmp18, $4  }
0x2bc: {  	s29 =	simm.s32 $0x3;
	[bflag:$0x0] =	sbarrier.arrive $0xFFFF  }
0x2bd: {  	s30 =	simm.s32 $0x4;
	[sflag:s29] =	ssyncpa.u1 $0x1  }
0x2be: {  	s31 =	simm.s32 $0x3C;
	[sflag:s30] =	ssyncpa.u1 $0x1  }
0x2bf: {  	s17 =	rddreg [dreg:$0x6];
	[sflag:s31] =	ssyncpa.u1 $0x1  }
0x2c0: {  	_ =	sfence.stream.spmem;
	s0 =	simm.s32 $0x5  }
0x2c1: {  	s2 =	simm.s32 $0x200;
	s3 =	simm.s32 $0x3658;
	[sflag:s0] =	ssyncpa.u1 $0x0  }
0x2c2: {  	[tilespmem:s3], [sflag:$0x5] =	stream.linear.gather [spmem:s2], $0x20, $0x38;
	[tilespmem:$0x1F0F8] =	vst v63  }
0x2c3: {  	s26 =	simm.s32 $0x0;
	s28 =	simm.s32 $0x3678  }
0x2c4: {  	[tilespmem:s28], [sflag:$0x5] =	stream.linear.gather [spmem:s26], $0x200, $0x38;
	[tilespmem:$0x1F0F8] =	vst v63  }
0x2c5: {  	_ =	swait.ge [sflag:s0], $0x220  }
0x2c6: {  	[sflag:s0] =	ssyncset.done $0x0  }
0x2c7: {  	s29 =	simm.s32 $0x0;
	[sflag:s0] =	ssyncadd.s32 $0xFFFFFDE0  }
0x2c8: {  	v0 =	vld.msk [tilespmem:s29+$0x3658], $0x1;
	_ =	sdelay $0x1  }
0x2c9: {  	s30 =	simm.s32 $0x1  }
0x2ca: {  	v1 =	vld.msk [tilespmem:s30+$0x3658], $0x1;
	_ =	sdelay $0x1  }
0x2cb: {  	(v2sf) =	vpush v0, $0x0;
	_ =	sdelay $0x2  }
0x2cc: {  	(v2sf) =	vpush v1, $0x0;
	_ =	sdelay $0x2  }
0x2cd: {  	s31 =	simm.s32 $0x2  }
0x2ce: {  	v0 =	vld.msk [tilespmem:s31+$0x3658], $0x1;
	_ =	sdelay $0x2  }
0x2cf: {  	s6 =	simm.s32 $0xFFFFFFFF;
	s2 =	simm.s32 $0xFFFFFFFF;
	s0 =	simm.s32 $0xC  }
.LBB2_23:
0x2d0: {  	s3 =	smov.u32 s6;
	s4 =	smov.u32 s2  }
0x2d1: {  	s2 =	sshra.s32 s0, $0x2;
	p1 =	sne.s32 s0, $0x7C;
	s0 =	sadd.s32 $0x4, s0;
	(v2sf) =	vpush v0, $0x0  }
0x2d2: {  	v0 =	vld.msk [tilespmem:s2+$0x3658], $0x1  }
.Ltmp19:
0x2d3: {  	(pc) =	sbr.rel @p1 .LBB2_23-.Ltmp19, $4  }
0x2d4: {  	s6 =	spop (v2sf)  }
0x2d5: {  	p2 =	sne.s32 s4, $0xFFFFFFFF;
	s2 =	smov.u32 s6  }
0x2d6: {  	p3 =	seq.s32 s6, $0xFFFFFFFF;
	s2 =	smov.u32 @p2 s4  }
0x2d7: {  	s6 =	smov.u32 @p3 s3;
	s2 =	smov.u32 @p3 s4  }
0x2d8: {  	(v2sf) =	vpush v0, $0x0;
	_ =	sdelay $0x8  }
0x2d9: {  	s0 =	spop (v2sf)  }
0x2da: {  	p1 =	sne.s32 s2, $0xFFFFFFFF;
	s3 =	smov.u32 s0  }
0x2db: {  	s9 =	simm.s32 $0x6;
	p2 =	seq.s32 s0, $0xFFFFFFFF;
	s3 =	smov.u32 @p1 s2  }
0x2dc: {  	s10 =	simm.s32 $0x3638;
	s3 =	smov.u32 @p2 s2;
	s2 =	spop (v2sf)  }
0x2dd: {  	s0 =	smov.u32 @p2 s6;
	p1 =	sne.s32 s3, $0xFFFFFFFF;
	s4 =	smov.u32 s2  }
.Ltmp20:
0x2de: {  	p2 =	seq.s32 s2, $0xFFFFFFFF;
	s4 =	smov.u32 @p1 s3;
	(pc) =	sbr.rel .LBB2_25-.Ltmp20, $4  }
0x2df: {  	s11 =	simm.s32 $0x0;
	s4 =	smov.u32 @p2 s3;
	s7 =	spop (v2sf)  }
0x2e0: {  	[sflag:s9] =	ssyncpa.u1 $0x0;
	p1 =	sne.s32 s4, $0xFFFFFFFF;
	s8 =	smov.u32 s7  }
0x2e1: {  	s2 =	smov.u32 @p2 s0;
	p2 =	seq.s32 s7, $0xFFFFFFFF;
	s8 =	smov.u32 @p1 s4  }
0x2e2: {  	s6 =	simm.s32 $0x0;
	s7 =	smov.u32 @p2 s2;
	s8 =	smov.u32 @p2 s4  }
.LBB2_30:
0x2e3: {  	p1 =	sgt.u32 s12, $0x270FF  }
0x2e4: {  	p2 =	seq.s32 @!p1 s12, s8  }
0x2e5: {  	p1 =	por p1, p2  }
0x2e6: {  	p2 =	sne.s32 @!p1 s12, s7  }
0x2e7: {  	p1 =	por p1, !p2  }
0x2e8: {  	s0 =	sshll.u32 @p1 s11, $0x6  }
0x2e9: {  	s0 =	sand.u32 @!p1 $0x3FFF8, s12  }
0x2ea: {  	s2 =	sand.u32 @!p1 $0x7, s12;
	s0 =	sadd.s32 @!p1 s1, s0  }
0x2eb: {  	[tilespmem:s10], [sflag:$0x6] =	stream.linear.gather @!p1 [hbm4b:s0+s2], $0x2, $0x38;
	[tilespmem:$0x1F0F8] =	vst v63  }
0x2ec: {  	_ =	swait.ge @!p1 [sflag:s9], $0x2  }
0x2ed: {  	[sflag:s9] =	ssyncset.done @!p1 $0x0  }
0x2ee: {  	[sflag:s9] =	ssyncadd.s32 @!p1 $0xFFFFFFFE  }
0x2ef: {  	v1 =	vld @!p1 [tilespmem:$0x3638];
	_ =	sdelay $0x2  }
0x2f0: {  	s0 =	sshll.u32 @!p1 s11, $0x6  }
0x2f1: {  	s2 =	sshrl.u32 @!p1 s0, $0x2  }
0x2f2: {  	[tilespmem:s2+$0x3678] =	vst.add.f32.msk @!p1 $0xffff, v1  }
0x2f3: {  	s0 =	sshrl.u32 s0, $0x2;
	[tilespmem:s6+$0x3658] =	vst.msk $0x1, v0  }
0x2f4: {  	v0 =	vld [tilespmem:s0+$0x3678];
	_ =	sdelay $0x2  }
0x2f5: {  	s31 =	sshll.u32 s6, $0x6  }
0x2f6: {  	s0 =	sshra.s32 s31, $0x2  }
0x2f7: {  	s6 =	sadd.s32 $0x1, s6;
	[tilespmem:s0+$0x3678] =	vst v0  }
.LBB2_32:
0x2f8: {  	s11 =	sadd.s32 $0x1, s11  }
0x2f9: {  	p1 =	sne.s32 s11, $0x20  }
.Ltmp21:
0x2fa: {  	_ = 	snop;
	(pc) =	sbr.rel @!p1 .LBB2_33-.Ltmp21, $1  }
0x2fb: {  	_ =	sdelay $0x3  }
.LBB2_25:
0x2fc: {  	v0 =	vld.msk [tilespmem:s11+$0x3658], $0x1;
	_ =	sdelay $0x4  }
0x2fd: {  	(v2sf) =	vpush v0, $0x0;
	_ =	sdelay $0xe  }
0x2fe: {  	s12 =	spop (v2sf)  }
0x2ff: {  	p1 =	seq.s32 s12, $0xFFFFFFFF  }
.Ltmp22:
0x300: {  	_ = 	snop;
	(pc) =	sbr.rel @p1 .LBB2_32-.Ltmp22, $1  }
0x301: {  	_ =	sdelay $0x3  }
0x302: {  	p1 =	slt.s32 s6, $0x1  }
.Ltmp23:
0x303: {  	_ = 	snop;
	(pc) =	sbr.rel @p1 .LBB2_30-.Ltmp23, $1  }
0x304: {  	_ =	sdelay $0x3  }
0x305: {  	s13 =	simm.s32 $0x3658;
	p1 =	por $0x0, $0x0  }
0x306: {  	v1 =	vld.msk @!p1 [tilespmem:s13+$0x0], $0x1;
	_ =	sdelay $0x4  }
0x307: {  	(v2sf) =	vpush @!p1 v1, $0x0;
	_ =	sdelay $0xd  }
0x308: {  	p3 =	sne.s32 s6, $0x1  }
.Ltmp24:
0x309: {  	s0 =	spop @!p1 (v2sf);
	(pc) =	sbr.rel @!p3 .LBB2_29-.Ltmp24, $4  }
0x30a: {  	p2 =	seq.s32 @!p1 s12, s0  }
0x30b: {  	s14 =	simm.s32 $0x0;
	p2 =	por !p2, p1  }
0x30c: {  	s0 =	simm.s32 $0xFFFFFFFF;
	s14 =	simm.s32 @p2 $0xFFFFFFFF  }
0x30d: {  	s15 =	simm.s32 $0x1;
	s14 =	smov.u32 @p1 s0  }
.LBB2_28:
0x30e: {  	s0 =	smov.u32 s14;
	p1 =	sne.s32 s14, $0xFFFFFFFF  }
0x30f: {  	s13 =	sadd.s32 $0x1, s13;
	s14 =	smov.u32 s15;
	s15 =	sadd.s32 $0x1, s15  }
0x310: {  	p2 =	sne.s32 s6, s15;
	v1 =	vld.msk @!p1 [tilespmem:s13+$0x0], $0x1;
	_ =	sdelay $0x4  }
0x311: {  	(v2sf) =	vpush @!p1 v1, $0x0;
	_ =	sdelay $0xe  }
.Ltmp25:
0x312: {  	s2 =	spop @!p1 (v2sf);
	(pc) =	sbr.rel @p2 .LBB2_28-.Ltmp25, $4  }
0x313: {  	p3 =	seq.s32 @!p1 s12, s2  }
0x314: {  	p3 =	por !p3, p1  }
0x315: {  	s14 =	simm.s32 @p3 $0xFFFFFFFF  }
0x316: {  	s14 =	smov.u32 @p1 s0  }
.LBB2_29:
0x317: {  	p1 =	sne.s32 s14, $0xFFFFFFFF  }
.Ltmp26:
0x318: {  	_ = 	snop;
	(pc) =	sbr.rel @!p1 .LBB2_30-.Ltmp26, $1  }
0x319: {  	_ =	sdelay $0x3  }
0x31a: {  	s0 =	sshll.u32 s11, $0x4  }
0x31b: {  	s0 =	sand.u32 $0x3FFFFFF0, s0  }
0x31c: {  	v0 =	vld [tilespmem:s0+$0x3678]  }
.Ltmp27:
0x31d: {  	_ = 	snop;
	(pc) =	sbr.rel .LBB2_32-.Ltmp27, $4  }
0x31e: {  	_ = 	snop  }
0x31f: {  	s31 =	sshll.u32 s14, $0x6  }
0x320: {  	s0 =	sshra.s32 s31, $0x2  }
0x321: {  	[tilespmem:s0+$0x3678] =	vst.add.f32.msk $0xffff, v0  }
.LBB2_33:
0x322: {  	s0 =	simm.s32 $0x6;
	p1 =	seq.s32 s6, $0x0  }
0x323: {  	[sflag:s0] =	ssyncpa.u1 $0x1;
	v0 =	vimm.s32 @p1 $0xFFFFFFFF  }
0x324: {  	s9 =	sadd.s32 $0xFFFFFFFF, s6;
	[tilespmem:$0x3878] =	vst @p1 v0  }
0x325: {  	v0 =	vld.msk @!p1 [tilespmem:s9+$0x3658], $0x1;
	_ =	sdelay $0x1  }
0x326: {  	v1 =	vld.msk @!p1 [tilespmem:$0x3658], $0x1;
	_ =	sdelay $0x2  }
0x327: {  	p2 =	seq.s32 @!p1 s9, $0x0;
	v0 =	vbroadcast @!p1 v0, $0x0  }
0x328: {  	vm0 =	vmmov @!p1 $0x1;
	p2 =	por !p2, p1  }
0x329: {  	v1 =	vnsel @!p1 vm0, $0xFFFFFFFF, v1;
	vm0 =	vcmask @!p1 $0x308;
	v0 =	vpsel !p2, $0xFFFFFFFF, v0  }
0x32a: {  	p2 =	sne.s32 @!p1 s8, s7;
	v0 =	vsel @!p1 vm0, v1, v0  }
0x32b: {  	s0 =	simm.s32 @!p1 $0x3678;
	s2 =	simm.s32 @!p1 $0x0;
	p3 =	por !p2, p1;
	[tilespmem:$0x3878] =	vst @!p1 v0  }
0x32c: {  	[spmem:s2] =	stream.linear.scatter @!p1 [tilespmem:s0], [sflag:$0x1], $0x10, $0x38;
	[tilespmem:$0x1F0F8] =	vst v63  }
0x32d: {  	s0 =	sshll.u32 @!p3 s9, $0x6  }
0x32e: {  	s0 =	sshra.s32 @!p3 s0, $0x2  }
0x32f: {  	s2 =	simm.s32 @!p3 $0x10;
	s0 =	sadd.s32 @!p3 $0x3678, s0  }
0x330: {  	[spmem:s2] =	stream.linear.scatter @!p3 [tilespmem:s0], [sflag:$0x1], $0x10, $0x38;
	[tilespmem:$0x1F0F8] =	vst v63  }
0x331: {  	s0 =	simm.s32 @!p3 $0x1  }
0x332: {  	_ =	swait.ge @!p3 [sflag:s0], $0x20  }
0x333: {  	p1 =	por p2, p1;
	[sflag:s0] =	ssyncset.done @!p3 $0x0  }
0x334: {  	[sflag:s0] =	ssyncadd.s32 @!p3 $0xFFFFFFE0;
	s0 =	simm.s32 @!p1 $0x1  }
0x335: {  	_ =	swait.ge @!p1 [sflag:s0], $0x10  }
0x336: {  	s29 =	simm.s32 $0x3878;
	[sflag:s0] =	ssyncset.done @!p1 $0x0  }
0x337: {  	s30 =	simm.s32 $0x200;
	s31 =	simm.s32 $0x1;
	[sflag:s0] =	ssyncadd.s32 @!p1 $0xFFFFFFF0  }
0x338: {  	[spmem:s30] =	stream.linear.scatter [tilespmem:s29], [sflag:$0x1], $0x10, $0x38;
	[tilespmem:$0x1F0F8] =	vst v63  }
0x339: {  	_ =	swait.ge [sflag:s31], $0x10  }
0x33a: {  	[sflag:s31] =	ssyncset.done $0x0  }
0x33b: {  	p1 =	seq.s32 s17, $0x0;
	s8 =	rddreg [dreg:$0x2];
	[sflag:s31] =	ssyncadd.s32 $0xFFFFFFF0  }
0x33c: {  	s2 =	sshll.u32 @p1 s8, $0xE;
	s7 =	rddreg [dreg:$0x3]  }
0x33d: {  	s0 =	sadd.s32 @p1 $0x15C3C, s2;
	s2 =	sshll.u32 @p1 s7, $0x11  }
0x33e: {  	_ =	sfence.stream.spmem;
	s0 =	sor.u32 @p1 s2, s0  }
0x33f: {  	[sflag:s0] =	ssyncadd.remote.s32 @p1 $0x1;
	s0 =	simm.s32 @p1 $0x4  }
0x340: {  	s3 =	simm.s32 @!p1 $0x3C;
	s2 =	sand.u32 $0xFFFFFFFE, s8;
	_ =	swait.ge @p1 [sflag:s0], $0x6  }
0x341: {  	s4 =	simm.s32 @!p1 $0x0;
	s2 =	sadd.s32 @!p1 $0x4, s2;
	[sflag:s0] =	ssyncset.done @p1 $0x0  }
0x342: {  	s5 =	simm.s32 @!p1 $0x20;
	[sflag:s0] =	ssyncadd.s32 @p1 $0xFFFFFFFA;
	s0 =	sshll.u32 @!p1 s2, $0x1A  }
0x343: {  	s2 =	sshll.u32 @!p1 s2, $0xD;
	s0 =	sor.u32 @!p1 s0, s7;
	_ =	swait.eq @!p1 [sflag:s3], $0x1  }
0x344: {  	s2 =	sor.u32 @!p1 $0x1C04, s2;
	s3 =	simm.s32 @!p1 $0x1C03;
	s0 =	sor.u32 @!p1 $0x80004000, s0  }
0x345: {  	[spmem:s5], [sflag:s2] =	dma.general @!p1 [spmem:s4], [sflag:s3], length:$0x4, [dreg:$0x0], stride_count:$0x0, ici_dest:s0, dma_misc:DstOpCode:WRITE  }
0x346: {  	p2 =	slt.s32 s9, $0x2;
	s4 =	simm.s32 @!p1 $0x40;
	s5 =	simm.s32 @!p1 $0x42  }
0x347: {  	[spmem:s5], [sflag:s2] =	dma.general @!p1 [spmem:s4], [sflag:s3], length:$0x2, [dreg:$0x0], stride_count:$0x0, ici_dest:s0, dma_misc:DstOpCode:WRITE  }
.Ltmp28:
0x348: {  	s0 =	simm.s32 @!p1 $0x3;
	(pc) =	sbr.rel @p2 .LBB2_37-.Ltmp28, $4  }
0x349: {  	s2 =	sshll.u32 @!p1 s8, $0xE;
	_ =	swait.ge @!p1 [sflag:s0], $0x6  }
0x34a: {  	s3 =	sshll.u32 @!p1 s7, $0x11;
	s2 =	sadd.s32 @!p1 $0x11C3C, s2;
	[sflag:s0] =	ssyncset.done @!p1 $0x0  }
0x34b: {  	[sflag:s0] =	ssyncadd.s32 @!p1 $0xFFFFFFFA;
	s0 =	sor.u32 @!p1 s3, s2  }
0x34c: {  	[sflag:s0] =	ssyncadd.remote.s32 @!p1 $0xFFFFFFFF;
	s0 =	simm.s32 $0x0  }
0x34d: {  	s0 =	simm.s32 $0x3659  }
0x34e: {  	v0 =	vld.msk [tilespmem:s0+$0x0], $0x1;
	_ =	sdelay $0x4  }
0x34f: {  	(v2sf) =	vpush v0, $0x0;
	_ =	sdelay $0xd  }
0x350: {  	s3 =	sadd.s32 $0xFFFFFFFE, s6  }
0x351: {  	s3 =	sadd.s32 $0xFFFFFFFF, s3;
	s0 =	spop (v2sf)  }
0x352: {  	p2 =	sne.s32 s3, $0x0;
	p1 =	sgt.u32 s0, $0x270FF  }
.Ltmp29:
0x353: {  	s4 =	sand.u32 @!p1 $0x3FFF8, s0;
	(pc) =	sbr.rel @!p2 .LBB2_36-.Ltmp29, $4  }
0x354: {  	s2 =	simm.s32 $0x3688;
	s0 =	sand.u32 @!p1 $0x7, s0;
	s4 =	sadd.s32 @!p1 s1, s4  }
0x355: {  	[hbm4b:s4+s0] =	stream.linear.scatter @!p1 [tilespmem:s2], [sflag:$0x5], $0x2, $0x38;
	[tilespmem:$0x1F0F8] =	vst v63  }
0x356: {  	s0 =	simm.s32 $0x0  }
0x357: {  	s6 =	simm.s32 $0x0;
	s7 =	simm.s32 $0x365A;
	s0 =	simm.s32 @!p1 $0x8  }
.LBB2_35:
0x358: {  	v0 =	vld.msk [tilespmem:s7+$0x0], $0x1;
	s3 =	sadd.s32 $0xFFFFFFFF, s3;
	s6 =	sadd.s32 s6, s0  }
0x359: {  	p1 =	sne.s32 s3, $0x0;
	_ =	sdelay $0x3  }
0x35a: {  	(v2sf) =	vpush v0, $0x0;
	_ =	sdelay $0xe  }
.Ltmp30:
0x35b: {  	s4 =	spop (v2sf);
	(pc) =	sbr.rel @p1 .LBB2_35-.Ltmp30, $4  }
0x35c: {  	s0 =	simm.s32 $0x0;
	p2 =	sgt.u32 s4, $0x270FF  }
0x35d: {  	s2 =	sadd.s32 $0x10, s2;
	s0 =	simm.s32 @!p2 $0x8;
	s5 =	sand.u32 @!p2 $0x3FFF8, s4  }
0x35e: {  	s7 =	sadd.s32 $0x1, s7;
	s4 =	sand.u32 @!p2 $0x7, s4;
	s5 =	sadd.s32 @!p2 s1, s5  }
0x35f: {  	[hbm4b:s5+s4] =	stream.linear.scatter @!p2 [tilespmem:s2], [sflag:$0x5], $0x2, $0x38;
	[tilespmem:$0x1F0F8] =	vst v63  }
.LBB2_36:
0x360: {  	s0 =	sadd.s32 s6, s0  }
0x361: {  	s0 =	sshrl.u32 s0, $0x2  }
.LBB2_37:
0x362: {  	s2 =	simm.s32 $0x5  }
0x363: {  	_ =	swait.ge [sflag:s2], s0  }
0x364: {  	s31 =	ssub.s32 $0x0, s0;
	[sflag:s2] =	ssyncset.done $0x0  }
0x365: {  	[sflag:s2] =	ssyncadd.s32 s31  }
0x366: {  	[sflag:s2] =	ssyncpa.u1 $0x1  }
.LBB2_38:
0x367: {  	s0 =	sor.u32 s17, s16  }
0x368: {  	p1 =	sne.s32 s0, $0x0  }
.Ltmp31:
0x369: {  	_ = 	snop;
	(pc) =	sbr.rel @p1 .LBB2_53-.Ltmp31, $3  }
0x36a: {  	_ =	sdelay $0x1  }
0x36b: {  	[bflag:$0x0] =	sbarrier.arrive $0xFFFF  }
0x36c: {  	_ =	sfence  }
0x36d: {  	s0 =	simm.s32 $0x7  }
0x36e: {  	s2 =	simm.s32 $0x200;
	s3 =	simm.s32 $0x3658;
	[sflag:s0] =	ssyncpa.u1 $0x0  }
0x36f: {  	[tilespmem:s3], [sflag:$0x7] =	stream.linear.gather [spmem:s2], $0x20, $0x38;
	[tilespmem:$0x1F0F8] =	vst v63  }
0x370: {  	s30 =	simm.s32 $0x3678;
	s2 =	simm.s32 $0x0  }
0x371: {  	[tilespmem:s30], [sflag:$0x7] =	stream.linear.gather [spmem:s2], $0x200, $0x38;
	[tilespmem:$0x1F0F8] =	vst v63  }
.Ltmp32:
0x372: {  	_ = 	snop;
	(pc) =	sbr.rel .LBB2_40-.Ltmp32, $4  }
0x373: {  	_ =	swait.ge [sflag:s0], $0x220  }
0x374: {  	[sflag:s0] =	ssyncset.done $0x0  }
0x375: {  	s31 =	simm.s32 $0x8;
	[sflag:s0] =	ssyncadd.s32 $0xFFFFFDE0  }
0x376: {  	s3 =	simm.s32 $0x0;
	[sflag:s31] =	ssyncpa.u1 $0x0  }
.LBB2_45:
0x377: {  	p1 =	slt.u32 s4, $0x27100  }
0x378: {  	s0 =	sand.u32 @p1 $0x3FFF8, s4  }
0x379: {  	s4 =	sand.u32 @p1 $0x7, s4;
	s5 =	simm.s32 @p1 $0x3638;
	s0 =	sadd.s32 @p1 s1, s0  }
0x37a: {  	[tilespmem:s5], [sflag:$0x8] =	stream.linear.gather @p1 [hbm4b:s0+s4], $0x2, $0x38;
	[tilespmem:$0x1F0F8] =	vst v63  }
0x37b: {  	s0 =	simm.s32 @p1 $0x8  }
0x37c: {  	_ =	swait.ge @p1 [sflag:s0], $0x2  }
0x37d: {  	[sflag:s0] =	ssyncset.done @p1 $0x0  }
0x37e: {  	[sflag:s0] =	ssyncadd.s32 @p1 $0xFFFFFFFE  }
0x37f: {  	v1 =	vld @p1 [tilespmem:$0x3638];
	_ =	sdelay $0x2  }
0x380: {  	s0 =	sshll.u32 @p1 s3, $0x6  }
0x381: {  	s5 =	sshll.u32 @!p1 s3, $0x6;
	s4 =	sshrl.u32 @p1 s0, $0x2  }
0x382: {  	s5 =	smov.u32 @p1 s0;
	[tilespmem:s4+$0x3678] =	vst.add.f32.msk @p1 $0xffff, v1  }
0x383: {  	s0 =	sshrl.u32 s5, $0x2;
	[tilespmem:s2+$0x3658] =	vst.msk $0x1, v0  }
0x384: {  	v0 =	vld [tilespmem:s0+$0x3678];
	_ =	sdelay $0x2  }
0x385: {  	s31 =	sshll.u32 s2, $0x6  }
0x386: {  	s0 =	sshra.s32 s31, $0x2  }
0x387: {  	s2 =	sadd.s32 $0x1, s2;
	[tilespmem:s0+$0x3678] =	vst v0  }
.LBB2_47:
0x388: {  	s3 =	sadd.s32 $0x1, s3  }
0x389: {  	p1 =	sne.s32 s3, $0x20  }
.Ltmp33:
0x38a: {  	_ = 	snop;
	(pc) =	sbr.rel @!p1 .LBB2_48-.Ltmp33, $1  }
0x38b: {  	_ =	sdelay $0x3  }
.LBB2_40:
0x38c: {  	v0 =	vld.msk [tilespmem:s3+$0x3658], $0x1;
	_ =	sdelay $0x4  }
0x38d: {  	(v2sf) =	vpush v0, $0x0;
	_ =	sdelay $0xe  }
0x38e: {  	s4 =	spop (v2sf)  }
0x38f: {  	p1 =	seq.s32 s4, $0xFFFFFFFF  }
.Ltmp34:
0x390: {  	_ = 	snop;
	(pc) =	sbr.rel @p1 .LBB2_47-.Ltmp34, $1  }
0x391: {  	_ =	sdelay $0x3  }
0x392: {  	p1 =	slt.s32 s2, $0x1  }
.Ltmp35:
0x393: {  	_ = 	snop;
	(pc) =	sbr.rel @p1 .LBB2_45-.Ltmp35, $1  }
0x394: {  	_ =	sdelay $0x3  }
0x395: {  	s5 =	simm.s32 $0x3658;
	p1 =	por $0x0, $0x0  }
0x396: {  	v1 =	vld.msk @!p1 [tilespmem:s5+$0x0], $0x1;
	_ =	sdelay $0x4  }
0x397: {  	(v2sf) =	vpush @!p1 v1, $0x0;
	_ =	sdelay $0xd  }
0x398: {  	p3 =	sne.s32 s2, $0x1  }
.Ltmp36:
0x399: {  	s0 =	spop @!p1 (v2sf);
	(pc) =	sbr.rel @!p3 .LBB2_44-.Ltmp36, $4  }
0x39a: {  	p2 =	seq.s32 @!p1 s4, s0  }
0x39b: {  	s6 =	simm.s32 $0x0;
	p2 =	por !p2, p1  }
0x39c: {  	s0 =	simm.s32 $0xFFFFFFFF;
	s6 =	simm.s32 @p2 $0xFFFFFFFF  }
0x39d: {  	s7 =	simm.s32 $0x1;
	s6 =	smov.u32 @p1 s0  }
.LBB2_43:
0x39e: {  	s0 =	smov.u32 s6;
	p1 =	sne.s32 s6, $0xFFFFFFFF  }
0x39f: {  	s5 =	sadd.s32 $0x1, s5;
	s6 =	smov.u32 s7;
	s7 =	sadd.s32 $0x1, s7  }
0x3a0: {  	p2 =	sne.s32 s2, s7;
	v1 =	vld.msk @!p1 [tilespmem:s5+$0x0], $0x1;
	_ =	sdelay $0x4  }
0x3a1: {  	(v2sf) =	vpush @!p1 v1, $0x0;
	_ =	sdelay $0xe  }
.Ltmp37:
0x3a2: {  	s8 =	spop @!p1 (v2sf);
	(pc) =	sbr.rel @p2 .LBB2_43-.Ltmp37, $4  }
0x3a3: {  	p3 =	seq.s32 @!p1 s4, s8  }
0x3a4: {  	p3 =	por !p3, p1  }
0x3a5: {  	s6 =	simm.s32 @p3 $0xFFFFFFFF  }
0x3a6: {  	s6 =	smov.u32 @p1 s0  }
.LBB2_44:
0x3a7: {  	p1 =	sne.s32 s6, $0xFFFFFFFF  }
.Ltmp38:
0x3a8: {  	_ = 	snop;
	(pc) =	sbr.rel @!p1 .LBB2_45-.Ltmp38, $1  }
0x3a9: {  	_ =	sdelay $0x3  }
0x3aa: {  	s0 =	sshll.u32 s3, $0x4  }
0x3ab: {  	s0 =	sand.u32 $0x3FFFFFF0, s0  }
0x3ac: {  	v0 =	vld [tilespmem:s0+$0x3678]  }
.Ltmp39:
0x3ad: {  	_ = 	snop;
	(pc) =	sbr.rel .LBB2_47-.Ltmp39, $4  }
0x3ae: {  	_ = 	snop  }
0x3af: {  	s31 =	sshll.u32 s6, $0x6  }
0x3b0: {  	s0 =	sshra.s32 s31, $0x2  }
0x3b1: {  	[tilespmem:s0+$0x3678] =	vst.add.f32.msk $0xffff, v0  }
.LBB2_48:
0x3b2: {  	p1 =	slt.s32 s2, $0x1  }
.Ltmp40:
0x3b3: {  	_ = 	snop;
	(pc) =	sbr.rel @p1 .LBB2_52-.Ltmp40, $3  }
0x3b4: {  	_ =	sdelay $0x1  }
0x3b5: {  	s0 =	simm.s32 $0x8  }
0x3b6: {  	s3 =	simm.s32 $0x0;
	[sflag:s0] =	ssyncpa.u1 $0x1  }
0x3b7: {  	s0 =	simm.s32 $0x3658  }
0x3b8: {  	v0 =	vld.msk [tilespmem:s0+$0x0], $0x1;
	_ =	sdelay $0x4  }
0x3b9: {  	(v2sf) =	vpush v0, $0x0;
	_ =	sdelay $0xe  }
0x3ba: {  	s2 =	sadd.s32 $0xFFFFFFFF, s2;
	s0 =	spop (v2sf)  }
0x3bb: {  	p2 =	sne.s32 s2, $0x0;
	p1 =	sgt.u32 s0, $0x270FF  }
.Ltmp41:
0x3bc: {  	s5 =	sand.u32 @!p1 $0x3FFF8, s0;
	(pc) =	sbr.rel @!p2 .LBB2_51-.Ltmp41, $4  }
0x3bd: {  	s4 =	simm.s32 $0x3678;
	s0 =	sand.u32 @!p1 $0x7, s0;
	s5 =	sadd.s32 @!p1 s1, s5  }
0x3be: {  	[hbm4b:s5+s0] =	stream.linear.scatter @!p1 [tilespmem:s4], [sflag:$0x7], $0x2, $0x38;
	[tilespmem:$0x1F0F8] =	vst v63  }
0x3bf: {  	s0 =	simm.s32 $0x0  }
0x3c0: {  	s5 =	simm.s32 $0x3659;
	s0 =	simm.s32 @!p1 $0x8  }
.LBB2_50:
0x3c1: {  	v0 =	vld.msk [tilespmem:s5+$0x0], $0x1;
	s2 =	sadd.s32 $0xFFFFFFFF, s2;
	s3 =	sadd.s32 s3, s0  }
0x3c2: {  	p1 =	sne.s32 s2, $0x0;
	_ =	sdelay $0x3  }
0x3c3: {  	(v2sf) =	vpush v0, $0x0;
	_ =	sdelay $0xe  }
.Ltmp42:
0x3c4: {  	s6 =	spop (v2sf);
	(pc) =	sbr.rel @p1 .LBB2_50-.Ltmp42, $4  }
0x3c5: {  	s0 =	simm.s32 $0x0;
	p2 =	sgt.u32 s6, $0x270FF  }
0x3c6: {  	s4 =	sadd.s32 $0x10, s4;
	s0 =	simm.s32 @!p2 $0x8;
	s7 =	sand.u32 @!p2 $0x3FFF8, s6  }
0x3c7: {  	s5 =	sadd.s32 $0x1, s5;
	s6 =	sand.u32 @!p2 $0x7, s6;
	s7 =	sadd.s32 @!p2 s1, s7  }
0x3c8: {  	[hbm4b:s7+s6] =	stream.linear.scatter @!p2 [tilespmem:s4], [sflag:$0x7], $0x2, $0x38;
	[tilespmem:$0x1F0F8] =	vst v63  }
.LBB2_51:
0x3c9: {  	s0 =	sadd.s32 s3, s0  }
0x3ca: {  	s3 =	sshrl.u32 s0, $0x2  }
.LBB2_52:
0x3cb: {  	s0 =	simm.s32 $0x7  }
0x3cc: {  	_ =	swait.ge [sflag:s0], s3  }
0x3cd: {  	s1 =	ssub.s32 $0x0, s3;
	[sflag:s0] =	ssyncset.done $0x0  }
0x3ce: {  	[sflag:s0] =	ssyncadd.s32 s1  }
0x3cf: {  	[sflag:s0] =	ssyncpa.u1 $0x1  }
.LBB2_53:
0x3d0: {  	_ =	sfence;
	s0 =	simm.s32 $0x1  }
0x3d1: {  	[sflag:s0] =	ssyncpa.u1 $0x1  }
0x3d2: {  	_ =	strace $0x90000053  }
0x3d3: {  	[bflag:$0x2] =	sbarrier.arrive $0xFFFF  }
0x3d4: {  	s0 =	rddreg [dreg:$0x4]  }
0x3d5: {  	s0 =	sadd.s32 @!p0 $0x100000, s0  }
0x3d6: {  	[sflag:s0] =	ssyncadd.tile.s32 @!p0 $0x1;
	_ =	shalt  }
.Lfunc_end2:
_tile_overlayer_lowered:
.L_overlay_start_2:
0x3d7: {  	(tag) =	ssettag $0x2  }
0x3d8: {  	s0 =	rddreg [dreg:$0x0];
	s2 =	stileid.u32  }
0x3d9: {  	s1 =	rddreg [dreg:$0x1];
	p0 =	sne.s32 s2, $0x0  }
0x3da: {  	s3 =	rddreg [dreg:$0x2];
	[bflag:$0x3] =	sbarrier.arrive $0xFFFF;
	s2 =	simm.s32 @!p0 $0x1C01  }
0x3db: {  	[timem:s3], [sflag:s2] =	dma.local @!p0 [hbm:s0], s1  }
0x3dc: {  	s0 =	simm.s32 @!p0 $0x1  }
0x3dd: {  	_ =	swait.ge @!p0 [sflag:s0], s1  }
0x3de: {  	s1 =	ssub.s32 @!p0 $0x0, s1;
	[sflag:s0] =	ssyncset.done @!p0 $0x0  }
0x3df: {  	[sflag:s0] =	ssyncadd.s32 @!p0 s1  }
0x3e0: {  	[bflag:$0x3] =	sbarrier.arrive $0xFFFF  }
0x3e1: {  	_ =	shalt  }

// kernel: scatter_offload_async_start.3
scs
__scs_entry_jumppad:
0x0: {  	(pc) =	sbr.rel $0x88, $3  }
0x1: {  	(tag) =	ssettag $0x0;
	lr =	simm.s32 $0x1  }
0x2: {  	[smem:$0x3F8E] =	sst lr;
	_ =	strace $0xD0000000  }
0x3: {  	_ = 	snop  }
0x4: {  	_ = 	snop  }
0x5: {  	_ = 	snop  }
0x6: {  	_ = 	snop  }
0x7: {  	_ = 	snop  }
__scs_overlays_trampoline_lowered:
0x8: {  	[smem:$0x3F9D] =	sst s0  }
0x9: {  	[smem:$0x3F9E] =	sst s1  }
0xa: {  	[smem:$0x3F9F] =	sst s2  }
0xb: {  	[smem:$0x3FA0] =	sst s3  }
0xc: {  	[smem:$0x3FA1] =	sst s4  }
0xd: {  	[smem:$0x3FA2] =	sst s5  }
0xe: {  	[smem:$0x3FA3] =	sst s6  }
0xf: {  	[smem:$0x3FA4] =	sst s7  }
0x10: {  	[smem:$0x3FA5] =	sst s8  }
0x11: {  	[smem:$0x3FA6] =	sst s9;
	s0 =	simm.s32 @!p0 $0x0  }
0x12: {  	s1 =	sld [smem:$0x3F8C];
	s0 =	simm.s32 @p0 $0x1  }
0x13: {  	[smem:$0x3FA7] =	sst s0;
	s0 =	simm.s32 @!p1 $0x0  }
0x14: {  	s2 =	sld [smem:$0x3F8B];
	s0 =	simm.s32 @p1 $0x1  }
0x15: {  	[smem:$0x3FA8] =	sst s0;
	s0 =	simm.s32 @!p2 $0x0  }
0x16: {  	s3 =	sld [smem:$0x3FDB];
	s0 =	simm.s32 @p2 $0x1  }
0x17: {  	s4 =	simm.s32 $0x1BF5;
	[smem:$0x3FAA] =	sst s0  }
0x18: {  	s0 =	sld [smem:$0x3F8D];
	_ =	swait.ge [sflag:s4], $0x0  }
0x19: {  	s7 =	sld [smem:$0x3F8E]  }
0x1a: {  	s8 =	sadd.s32 $0xFFFFE003, lr  }
0x1b: {  	s9 =	sadd.s32 $0xFFFFFEF7, lr;
	s5 =	simm.s32 $0xFFFFFFFF;
	p2 =	slt.u32 s8, $0xFFFFF086  }
0x1c: {  	p1 =	slt.u32 s9, $0xF7A;
	s5 =	simm.s32 @!p2 $0x0  }
0x1d: {  	s5 =	simm.s32 @p1 $0x1;
	p0 =	seq.s32 s7, s2  }
0x1e: {  	s7 =	smul.u32 @!p0 $0xF7A, s2;
	p2 =	seq.s32 @!p0 s5, $0x0  }
0x1f: {  	s9 =	smul.u32 $0xF7A, s1;
	s8 =	simm.s32 @!p0 $0x1BF5;
	p2 =	por !p2, p0  }
0x20: {  	[sflag:s8] =	ssyncset.s32 @!p0 $0xFFFFF086;
	s6 =	sadd.s32 @!p0 s3, s7;
	s7 =	simm.s32 @!p0 $0x108  }
0x21: {  	s3 =	sadd.s32 s3, s9;
	s6 =	sadd.s32 @!p0 $0x88, s6;
	s7 =	simm.s32 @p2 $0x1082  }
0x22: {  	[simem:s7], [sflag:s8] =	dma.local @!p0 [hbm:s6], $0xF7A  }
0x23: {  	s9 =	sor.u32 $0xD0000000, s2;
	s6 =	simm.s32 $0x108;
	_ =	swait.ge @!p0 [sflag:s8], $0x0  }
0x24: {  	s3 =	sadd.s32 $0x88, s3;
	s6 =	simm.s32 @!p1 $0x1082;
	[sflag:s4] =	ssyncset.s32 $0xFFFFF086  }
0x25: {  	[simem:s6], [sflag:s4] =	dma.local [hbm:s3], $0xF7A  }
0x26: {  	[smem:$0x3F8E] =	sst s1;
	(tag) =	ssettag s2;
	_ =	strace s9  }
0x27: {  	s1 =	sld [smem:$0x3F9E]  }
0x28: {  	s2 =	sld [smem:$0x3F9F]  }
0x29: {  	s4 =	sld [smem:$0x3FA1]  }
0x2a: {  	p0 =	seq.s32 s5, $0x0;
	s5 =	sld [smem:$0x3FA2]  }
0x2b: {  	s6 =	sld [smem:$0x3FA3]  }
0x2c: {  	s7 =	sld [smem:$0x3FA4]  }
0x2d: {  	s3 =	simm.s32 $0x108;
	s8 =	sld [smem:$0x3FA5]  }
0x2e: {  	s3 =	simm.s32 @!p0 $0x1082;
	s9 =	sld [smem:$0x3FA6]  }
0x2f: {  	lr =	sadd.s32 s0, s3;
	s0 =	sld [smem:$0x3F9D]  }
0x30: {  	s3 =	sld [smem:$0x3FA0]  }
0x31: {  	[smem:$0x3FA9] =	sst s10  }
0x32: {  	s10 =	sld [smem:$0x3FA7];
	_ =	sdelay $0x3  }
0x33: {  	p0 =	seq.s32 s10, $0x1;
	s10 =	sld [smem:$0x3FA9];
	_ =	sdelay $0x3  }
0x34: {  	[smem:$0x3FA9] =	sst s10  }
0x35: {  	s10 =	sld [smem:$0x3FA8];
	_ =	sdelay $0x3  }
0x36: {  	p1 =	seq.s32 s10, $0x1;
	s10 =	sld [smem:$0x3FA9];
	_ =	sdelay $0x3  }
0x37: {  	[smem:$0x3FA9] =	sst s10  }
0x38: {  	s10 =	sld [smem:$0x3FAA]  }
0x39: {  	_ = 	snop;
	(pc) =	sbr.ind lr, $3  }
0x3a: {  	_ = 	snop  }
0x3b: {  	_ = 	snop  }
0x3c: {  	p2 =	seq.s32 s10, $0x1;
	s10 =	sld [smem:$0x3FA9]  }
0x3d: {  	_ =	shalt  }
0x3e: {  	_ =	shalt  }
0x3f: {  	_ =	shalt  }
0x40: {  	_ =	shalt  }
0x41: {  	_ =	shalt  }
0x42: {  	_ =	shalt  }
0x43: {  	_ =	shalt  }
0x44: {  	_ =	shalt  }
0x45: {  	_ =	shalt  }
0x46: {  	_ =	shalt  }
0x47: {  	_ =	shalt  }
0x48: {  	_ =	shalt  }
0x49: {  	_ =	shalt  }
0x4a: {  	_ =	shalt  }
0x4b: {  	_ =	shalt  }
0x4c: {  	_ =	shalt  }
0x4d: {  	_ =	shalt  }
0x4e: {  	_ =	shalt  }
0x4f: {  	_ =	shalt  }
0x50: {  	_ =	shalt  }
0x51: {  	_ =	shalt  }
0x52: {  	_ =	shalt  }
0x53: {  	_ =	shalt  }
0x54: {  	_ =	shalt  }
0x55: {  	_ =	shalt  }
0x56: {  	_ =	shalt  }
0x57: {  	_ =	shalt  }
0x58: {  	_ =	shalt  }
0x59: {  	_ =	shalt  }
0x5a: {  	_ =	shalt  }
0x5b: {  	_ =	shalt  }
0x5c: {  	_ =	shalt  }
0x5d: {  	_ =	shalt  }
0x5e: {  	_ =	shalt  }
0x5f: {  	_ =	shalt  }
0x60: {  	_ =	shalt  }
0x61: {  	_ =	shalt  }
0x62: {  	_ =	shalt  }
0x63: {  	_ =	shalt  }
0x64: {  	_ =	shalt  }
0x65: {  	_ =	shalt  }
0x66: {  	_ =	shalt  }
0x67: {  	_ =	shalt  }
0x68: {  	_ =	shalt  }
0x69: {  	_ =	shalt  }
0x6a: {  	_ =	shalt  }
0x6b: {  	_ =	shalt  }
0x6c: {  	_ =	shalt  }
0x6d: {  	_ =	shalt  }
0x6e: {  	_ =	shalt  }
0x6f: {  	_ =	shalt  }
0x70: {  	_ =	shalt  }
0x71: {  	_ =	shalt  }
0x72: {  	_ =	shalt  }
0x73: {  	_ =	shalt  }
0x74: {  	_ =	shalt  }
0x75: {  	_ =	shalt  }
0x76: {  	_ =	shalt  }
0x77: {  	_ =	shalt  }
0x78: {  	_ =	shalt  }
0x79: {  	_ =	shalt  }
0x7a: {  	_ =	shalt  }
0x7b: {  	_ =	shalt  }
0x7c: {  	_ =	shalt  }
0x7d: {  	_ =	shalt  }
0x7e: {  	_ =	shalt  }
0x7f: {  	_ =	shalt  }
0x80: {  	_ =	shalt  }
0x81: {  	_ =	shalt  }
0x82: {  	_ =	shalt  }
0x83: {  	_ =	shalt  }
0x84: {  	_ =	shalt  }
0x85: {  	_ =	shalt  }
0x86: {  	_ =	shalt  }
0x87: {  	_ =	shalt  }
.Lfunc_end0:
.L_simem_size_0:
called_computation.3_lowered:
.L_overlay_start_0:
0x88: {  	s2 =	sld [smem:$0x3FD9]  }
0x89: {  	s3 =	sld [smem:$0x3FFE];
	_ =	sdelay $0x1  }
0x8a: {  	s1 =	srdreg.scid  }
0x8b: {  	s0 =	sand.u32 $0x1, s1  }
0x8c: {  	s17 =	sshll.u32 s0, $0xA;
	s2 =	sadd.s32 s3, s2  }
0x8d: {  	s2 =	sadd.s32 s2, s17  }
0x8e: {  	[smem:$0x3FB5] =	sst s2  }
0x8f: {  	_ = 	snop  }
0x90: {  	(tm) =	ssettm $0x1  }
0x91: {  	s18 =	sld [smem:$0x3FFB];
	_ =	sdelay $0x3  }
0x92: {  	_ =	strace s18  }
0x93: {  	s2 =	sld [smem:$0x3FFC];
	_ =	sdelay $0x3  }
0x94: {  	_ =	strace s2  }
0x95: {  	s2 =	sld [smem:$0x3FFD];
	_ =	sdelay $0x3  }
0x96: {  	_ =	strace s2  }
0x97: {  	_ =	strace $0x8FFFFFFF  }
0x98: {  	s19 =	sld [smem:$0x3FDB];
	_ =	sdelay $0x1  }
0x99: {  	s20 =	simm.s32 $_scs_section_size  }
0x9a: {  	s4 =	simm.s32 $_size__tile_overlayer_lowered;
	s5 =	simm.s32 $_tile_overlayer_lowered  }
0x9b: {  	s6 =	simm.s32 $0x1BFF;
	s21 =	sshll.u32 s5, $0x1;
	s3 =	sadd.s32 s20, s19  }
0x9c: {  	s22 =	simm.s32 $0x0;
	s4 =	sshll.u32 s4, $0x1;
	s5 =	sadd.s32 s21, s3  }
0x9d: {  	[timem:s22], [sflag:s6] =	dma.local [hbm:s5], s4  }
0x9e: {  	_ =	swait.ge [sflag:s6], s4  }
0x9f: {  	s4 =	ssub.s32 $0x0, s4;
	[sflag:s6] =	ssyncset.done $0x0  }
0xa0: {  	[sflag:s6] =	ssyncadd.s32 s4;
	_ =	sdelay $0x1  }
0xa1: {  	s23 =	simm.s32 $0x1B8B  }
0xa2: {  	_ =	swait.ge [sflag:s23], $0x1  }
0xa3: {  	[sflag:s23] =	ssyncset.done $0x0  }
0xa4: {  	[sflag:s23] =	ssyncadd.s32 $0xFFFFFFFF  }
0xa5: {  	s4 =	sld [smem:$0x0]  }
0xa6: {  	s5 =	sand.u32 $0xFFFFFFFE, s1  }
0xa7: {  	p0 =	sne.s32 s1, s5  }
0xa8: {  	s5 =	sshll.u32 @p0 s5, $0xE  }
0xa9: {  	s5 =	sadd.s32 @p0 $0x11B8D, s5;
	s6 =	sshll.u32 @p0 s4, $0x11  }
0xaa: {  	s5 =	sor.u32 @p0 s6, s5  }
0xab: {  	[sflag:s5] =	ssyncadd.remote.s32 @p0 $0x1;
	_ =	sdelay $0x1  }
0xac: {  	s5 =	simm.s32 @p0 $0x1B8D  }
0xad: {  	_ =	swait.eq @p0 [sflag:s5], $0x1  }
0xae: {  	[sflag:s5] =	ssyncadd.s32 @p0 $0xFFFFFFFF  }
0xaf: {  	s6 =	sshll.u32 @!p0 s1, $0xE  }
0xb0: {  	s6 =	sor.u32 @!p0 $0x4000, s6;
	s5 =	simm.s32 @!p0 $0x1B8D  }
0xb1: {  	s7 =	sshll.u32 @!p0 s4, $0x11;
	s6 =	sadd.s32 @!p0 $0x11B8D, s6;
	_ =	swait.eq @!p0 [sflag:s5], $0x1  }
0xb2: {  	[sflag:s5] =	ssyncadd.s32 @!p0 $0xFFFFFFFF;
	s5 =	sor.u32 @!p0 s7, s6  }
0xb3: {  	s25 =	simm.s32 $0x1B8E;
	s24 =	sld [smem:$0x3FFE];
	[sflag:s5] =	ssyncadd.remote.s32 @!p0 $0x1  }
0xb4: {  	s26 =	simm.s32 $execute0_lowered;
	[smem:$0x3FD2] =	sst s25  }
0xb5: {  	s6 =	sshll.u32 s26, $0x1;
	_ =	strace $0x8000004C;
	[dreg:$0x1] =	wrdreg $0xFFFFFFFF  }
0xb6: {  	s28 =	simm.s32 $_size_execute0_lowered;
	s3 =	sadd.s32 s3, s6;
	[dreg:$0x0] =	wrdreg $0x0  }
0xb7: {  	s6 =	sshll.u32 s28, $0x1;
	[dreg:$0x2] =	wrdreg s3  }
0xb8: {  	[dreg:$0x3] =	wrdreg s6  }
0xb9: {  	[dreg:$0x4] =	wrdreg $0xC0  }
0xba: {  	_ =	task [dreg:s22], $0x5FFFF  }
0xbb: {  	[dreg:$0x1] =	wrdreg $0xFFFFFFFF  }
0xbc: {  	[dreg:$0x0] =	wrdreg $0x60  }
0xbd: {  	[dreg:$0x2] =	wrdreg s24  }
0xbe: {  	[dreg:$0x3] =	wrdreg s1  }
0xbf: {  	[dreg:$0x4] =	wrdreg s4  }
0xc0: {  	[dreg:$0x5] =	wrdreg $0xC  }
0xc1: {  	_ =	task.clear_ibuf [dreg:s22], $0x6FFFF;
	_ =	strace $0x9000004C  }
0xc2: {  	s29 =	simm.s32 $0xC;
	_ =	strace $0x8000004E  }
0xc3: {  	_ =	swait.ge [sflag:s29], $0x1  }
0xc4: {  	[sflag:s29] =	ssyncadd.s32 $0xFFFFFFFF  }
0xc5: {  	_ =	strace $0x9000004E  }
0xc6: {  	_ =	sfence  }
0xc7: {  	s30 =	sld [smem:$0x0];
	_ =	sdelay $0x2  }
0xc8: {  	s31 =	sshll.u32 s1, $0xD;
	s1 =	sshrl.u32 s1, $0x2  }
0xc9: {  	s4 =	sand.u32 $0x4000, s31;
	s1 =	sadd.s32 s1, s30  }
0xca: {  	s0 =	sor.u32 s4, s0;
	s1 =	sshll.u32 s1, $0x11  }
0xcb: {  	s0 =	sor.u32 s1, s0  }
0xcc: {  	s0 =	sadd.s32 $0x8F2B, s0  }
0xcd: {  	[sflag:s0] =	ssyncadd.remote.s32 $0x1  }
0xce: {  	_ =	sfence.sel $0xFFFF  }
0xcf: {  	[dreg:$0x0] =	wrdreg $0xFFFFFFFF;
	(pc) =	sbr.abs _section_cstart, $3  }
0xd0: {  	[dreg:$0x1] =	wrdreg $0xFFFFFFFF  }
0xd1: {  	_ =	task.clear_ibuf [dreg:s22], $0x2FFFF;
	_ =	strace $0x9FFFFFFF  }
0xd2: {  	(tm) =	ssettm $0x7FFFFFFF  }
0xd3: {  	_ =	shalt  }
tec
execute0_lowered:
.L_overlay_start_1:
0x0: {  	(tag) =	ssettag $0x1  }
0x1: {  	s2 =	rddreg [dreg:$0x0]  }
0x2: {  	s4 =	rddreg [dreg:$0x1];
	_ =	strace $0x8000004D;
	s0 =	simm.s32 $0x1  }
0x3: {  	s3 =	simm.s32 $0x88;
	v0 =	vimm.s32 $0x0;
	[sflag:s0] =	ssyncpa.u1 $0x0  }
0x4: {  	s1 =	sadd.s32 $0x16A6400, s2;
	[tilespmem:s3+$0x30] =	vst v0  }
0x5: {  	s0 =	sadd.s32 $0x1652C00, s2;
	s6 =	sadd.s32 $0xC67800, s2;
	[tilespmem:s3+$0x20] =	vst v0  }
0x6: {  	s2 =	sadd.s32 $0x1666600, s2;
	s7 =	sand.u32 $0x1, s4;
	s4 =	simm.s32 $0x40;
	[tilespmem:s3+$0x10] =	vst v0  }
.LBB2_1:
0x7: {  	s4 =	sadd.s32 $0x40, s4  }
0x8: {  	[tilespmem:s3+$0x0] =	vst v0;
	s3 =	sadd.s32 $0x40, s3;
	p0 =	slt.u32 s4, $0x5040  }
.Ltmp0:
0x9: {  	(pc) =	sbr.rel @p0 .LBB2_1-.Ltmp0, $4  }
0xa: {  	_ = 	snop  }
0xb: {  	[tilespmem:s3+$0x30] =	vst v0  }
0xc: {  	[tilespmem:s3+$0x20] =	vst v0  }
0xd: {  	[tilespmem:s3+$0x10] =	vst v0  }
0xe: {  	s8 =	stileid.u32  }
0xf: {  	s4 =	smul.u32 $0x3E, s8  }
0x10: {  	s5 =	smin.u32 s8, $0x8  }
0x11: {  	s4 =	sadd.s32 s5, s4  }
0x12: {  	p0 =	slt.u32 s8, $0x8;
	s12 =	smul.u32 $0x140, s4;
	s4 =	simm.s32 $0x4EC0  }
0x13: {  	s4 =	simm.s32 @!p0 $0x4D80  }
0x14: {  	s25 =	simm.s32 $0x2;
	s4 =	sadd.s32 s4, s12  }
0x15: {  	s28 =	simm.s32 $0x9;
	s9 =	simm.s32 $0xA;
	s14 =	smin.u32 s4, $0x4E200  }
0x16: {  	s30 =	simm.s32 $0xB;
	[dreg:$0x4] =	wrdreg s7;
	s4 =	ssub.s32 s14, s12  }
0x17: {  	s31 =	smul.u32 $0x9C40, s7;
	s13 =	simm.s32 $0x1;
	p0 =	sgt.s32 s4, $0x0  }
0x18: {  	s19 =	simm.s32 $0x0;
	s20 =	simm.s32 $0xA808;
	s4 =	simm.s32 @!p0 $0x0  }
0x19: {  	s21 =	simm.s32 $0xFFFFFFFF;
	p1 =	por $0x0, $0x0;
	s26 =	smulhi.u32 $0x66666667, s4  }
0x1a: {  	[tilespmem:s3+$0x0] =	vst v0;
	s23 =	simm.s32 $0x0;
	[sflag:s25] =	ssyncpa.u1 $0x0;
	s18 =	sshll.u32 s8, $0x7  }
0x1b: {  	s0 =	sadd.s32 s31, s0;
	[dreg:$0xa] =	wrdreg s18;
	s3 =	sshrl.u32 s26, $0x7  }
0x1c: {  	v0 =	vimm.s32 $0xFFFFFFFF;
	s17 =	sadd.s32 s31, s2;
	[dreg:$0x9] =	wrdreg s0;
	s29 =	smul.u32 $0x140, s3  }
0x1d: {  	s25 =	simm.s32 $0x0;
	[tilespmem:$0xA108] =	vst v0;
	[sflag:s28] =	ssyncpa.u1 $0x0;
	[dreg:$0x8] =	wrdreg s17  }
.Ltmp1:
0x1e: {  	p0 =	sne.s32 s4, s29;
	s4 =	simm.s32 $0x1;
	(pc) =	sbr.rel .LBB2_3-.Ltmp1, $4  }
0x1f: {  	[sflag:s9] =	ssyncpa.u1 $0x0;
	[dreg:$0x5] =	wrdreg s12;
	s4 =	simm.s32 @!p0 $0x0  }
0x20: {  	[sflag:s30] =	ssyncpa.u1 $0x0;
	[dreg:$0x6] =	wrdreg s14;
	s15 =	sadd.s32 s4, s3  }
0x21: {  	s24 =	smov.u32 s12;
	s22 =	sadd.s32 $0x1, s15;
	[dreg:$0x7] =	wrdreg s15  }
0x22: {  	v0 =	vlaneseq.u32;
	s26 =	simm.s32 $0x0;
	p0 =	por $0x1, $0x1;
	[dreg:$0xb] =	wrdreg s22  }
.LBB2_22:
0x23: {  	s0 =	sshrl.u32 s3, $0x2  }
.LBB2_24:
0x24: {  	s3 =	simm.s32 $0xC  }
0x25: {  	_ =	swait.ge [sflag:s3], s0  }
0x26: {  	s31 =	ssub.s32 $0x0, s0;
	v1 =	vmov s4;
	vm0 =	veq.s32 v0, $0x0;
	[sflag:s3] =	ssyncset.done $0x0  }
0x27: {  	vm15 =	veq.s32 v0, $0x2;
	v1 =	vsel vm0, s2, v1;
	[sflag:s3] =	ssyncadd.s32 s31  }
0x28: {  	v1 =	vsel vm15, s26, v1;
	[sflag:s3] =	ssyncpa.u1 $0x1  }
0x29: {  	[tilespmem:$0xA108] =	vst v1  }
.LBB2_25:
0x2a: {  	s0 =	sadd.s32 $0x140, s24  }
0x2b: {  	s2 =	smov.u32 s12;
	p2 =	slt.s32 s0, s14  }
0x2c: {  	s2 =	smov.u32 @p2 s0;
	p2 =	sne.s32 s25, s22  }
.Ltmp2:
0x2d: {  	_ = 	snop;
	(pc) =	sbr.rel @!p2 .LBB2_26-.Ltmp2, $4  }
0x2e: {  	_ = 	snop  }
0x2f: {  	s26 =	smov.u32 s23;
	s31 =	sadd.s32 $0x1, s25;
	p0 =	por !p0, !p0  }
0x30: {  	s23 =	smov.u32 s24;
	s20 =	sadd.s32 $0x140, s20;
	s21 =	sadd.s32 $0x1, s21  }
0x31: {  	p1 =	por !p1, !p1;
	s25 =	smov.u32 s31;
	s24 =	smov.u32 s2  }
.LBB2_3:
0x32: {  	p2 =	sge.u32 s25, s15  }
0x33: {  	s0 =	smulhi.u32 @!p2 $0xAAAAAAAB, s25  }
0x34: {  	s2 =	smov.u32 s24;
	p3 =	sgt.s32 @!p2 s24, $0x4E0C0  }
0x35: {  	s3 =	sshra.s32 @!p2 s24, $0x1F;
	p3 =	por !p3, p2;
	s0 =	sshrl.u32 @!p2 s0, $0x1  }
0x36: {  	s3 =	sand.u32 @!p2 s3, s24;
	s2 =	simm.s32 @p3 $0x4E0C0;
	s0 =	smul.u32 @!p2 $0x3, s0  }
0x37: {  	s2 =	ssub.s32 @!p2 s2, s3  }
0x38: {  	s2 =	sadd.s32 @!p2 $0xFFFB1F40, s2;
	s0 =	ssub.s32 @!p2 s25, s0  }
0x39: {  	s3 =	sshll.u32 @!p2 s2, $0x2;
	p3 =	sgt.s32 @!p2 s2, $0x13F;
	s0 =	smul.u32 @!p2 $0x500, s0  }
0x3a: {  	s4 =	sand.u32 @!p2 $0x7, s24;
	s2 =	ssub.s32 @!p2 $0x500, s3;
	p3 =	por !p3, p2  }
0x3b: {  	s3 =	sshrl.u32 @!p2 s24, $0x3;
	s2 =	sshrl.u32 @!p2 s2, $0x2;
	s0 =	sshrl.u32 @!p2 s0, $0x2  }
0x3c: {  	s3 =	sadd.s32 @!p2 s3, s17;
	s2 =	simm.s32 @!p3 $0x0;
	s0 =	sadd.s32 @!p2 $0xA948, s0  }
0x3d: {  	[tilespmem:s0], [sflag:$0xA] =	stream.linear.gather @!p2 [hbm4b:s3+s4], s2, $0x38;
	[tilespmem:$0x1EF88] =	vst v63  }
0x3e: {  	s0 =	sadd.s32 $0xFFFFFFFF, s25  }
0x3f: {  	p2 =	sge.u32 s0, s15  }
.Ltmp3:
0x40: {  	_ = 	snop;
	(pc) =	sbr.rel @p2 .LBB2_7-.Ltmp3, $1  }
0x41: {  	_ =	sdelay $0x3  }
0x42: {  	p2 =	sgt.s32 s23, $0x4E0C0;
	s2 =	smov.u32 s23;
	s3 =	sshra.s32 s23, $0x1F  }
0x43: {  	s2 =	simm.s32 @!p2 $0x4E0C0;
	s3 =	sand.u32 s3, s23  }
0x44: {  	s17 =	smulhi.u32 $0xAAAAAAAB, s21;
	s2 =	ssub.s32 s2, s3  }
0x45: {  	s0 =	sand.u32 $0x1, s0;
	s2 =	sadd.s32 $0xFFFB1F40, s2  }
0x46: {  	s5 =	simm.s32 $0xA;
	s3 =	sshrl.u32 s17, $0x1;
	s4 =	sshll.u32 s2, $0x2  }
0x47: {  	s7 =	sshrl.u32 s23, $0x3;
	s3 =	smul.u32 $0xFFFFF100, s3;
	s4 =	ssub.s32 $0x500, s4  }
0x48: {  	s18 =	smul.u32 $0x500, s0;
	p2 =	sgt.s32 s2, $0x13F;
	s2 =	sshrl.u32 s4, $0x2  }
0x49: {  	s9 =	sand.u32 $0x7, s23;
	s3 =	sshra.s32 s3, $0x2;
	s2 =	simm.s32 @p2 $0x0  }
0x4a: {  	s0 =	sadd.s32 s3, s20;
	s4 =	sshrl.u32 s18, $0x2;
	_ =	swait.ge [sflag:s5], s2  }
0x4b: {  	s22 =	ssub.s32 $0x0, s2;
	[sflag:s5] =	ssyncset.done $0x0;
	s8 =	rddreg [dreg:$0x9]  }
0x4c: {  	s4 =	sadd.s32 $0xAD08, s4;
	[sflag:s5] =	ssyncadd.s32 s22;
	s3 =	sadd.s32 s7, s8  }
0x4d: {  	[tilespmem:s4], [sflag:$0xB] =	stream.linear.gather [hbm4b:s3+s9], s2, $0x38;
	[tilespmem:$0x1EF88] =	vst v63  }
0x4e: {  	v1 =	vld.msk [tilespmem:s0+$0x0], $0xffff;
	_ =	sdelay $0x4  }
0x4f: {  	v1 =	vshll.u32 v1, $0x4  }
0x50: {  	(v2sf) =	vpush v1, $0x0  }
0x51: {  	(v2sf) =	vpush v1, $0x1  }
0x52: {  	(v2sf) =	vpush v1, $0x2;
	_ =	sdelay $0x3  }
0x53: {  	(v2sf) =	vpush v1, $0x3;
	_ =	sdelay $0x1  }
0x54: {  	(v2sf) =	vpush v1, $0x4  }
0x55: {  	s2 =	simm.s32 $0x1;
	(v2sf) =	vpush v1, $0x5  }
0x56: {  	s2 =	simm.s32 @!p0 $0x0  }
0x57: {  	s2 =	smul.u32 $0x28000, s2;
	(v2sf) =	vpush v1, $0x6;
	_ =	sdelay $0x1  }
0x58: {  	s2 =	sshrl.u32 s2, $0x2  }
0x59: {  	s28 =	sadd.s32 $0xB708, s2  }
0x5a: {  	s12 =	sadd.s32 $0xFFFFF880, s28;
	s17 =	sadd.s32 $0xFFFFF900, s28;
	s10 =	spop (v2sf);
	(v2sf) =	vpush v1, $0x7  }
0x5b: {  	s18 =	sadd.s32 $0xFFFFF980, s28;
	s11 =	sand.u32 $0x1FFFFFF0, s10;
	s14 =	spop (v2sf)  }
0x5c: {  	(v2sf) =	vpush v1, $0x8;
	s2 =	sadd.s32 s6, s11;
	s15 =	sand.u32 $0x1FFFFFF0, s14;
	s16 =	spop (v2sf)  }
0x5d: {  	[tilespmem:s12], [sflag:$0x9] =	stream.linear.gather [hbm4b:s2+s19], $0x40, $0x38;
	[tilespmem:$0x1EF88] =	vst v63  }
0x5e: {  	s5 =	sadd.s32 $0xFFFFFA00, s28;
	s2 =	sadd.s32 s6, s15;
	s3 =	sand.u32 $0x1FFFFFF0, s16  }
0x5f: {  	(v2sf) =	vpush v1, $0x9;
	[tilespmem:s17], [sflag:$0x9] =	stream.linear.gather [hbm4b:s2+s19], $0x40, $0x38;
	[tilespmem:$0x1EF88] =	vst v63  }
0x60: {  	s7 =	sadd.s32 $0xFFFFFA80, s28;
	s22 =	spop (v2sf);
	s3 =	sadd.s32 s6, s3  }
0x61: {  	(v2sf) =	vpush v1, $0xA;
	[tilespmem:s18], [sflag:$0x9] =	stream.linear.gather [hbm4b:s3+s19], $0x40, $0x38;
	[tilespmem:$0x1EF88] =	vst v63  }
0x62: {  	s11 =	sadd.s32 $0xFFFFFB00, s28;
	s4 =	spop (v2sf);
	(v2sf) =	vpush v1, $0xB;
	s3 =	sand.u32 $0x1FFFFFF0, s22  }
0x63: {  	s8 =	spop (v2sf);
	s2 =	sadd.s32 s6, s3;
	s3 =	sand.u32 $0x1FFFFFF0, s4  }
0x64: {  	(v2sf) =	vpush v1, $0xC;
	[tilespmem:s5], [sflag:$0x9] =	stream.linear.gather [hbm4b:s2+s19], $0x40, $0x38;
	[tilespmem:$0x1EF88] =	vst v63  }
0x65: {  	s9 =	sand.u32 $0x1FFFFFF0, s8;
	s10 =	spop (v2sf);
	s3 =	sadd.s32 s6, s3  }
0x66: {  	(v2sf) =	vpush v1, $0xD;
	[tilespmem:s7], [sflag:$0x9] =	stream.linear.gather [hbm4b:s3+s19], $0x40, $0x38;
	[tilespmem:$0x1EF88] =	vst v63  }
0x67: {  	s12 =	sadd.s32 $0xFFFFFB80, s28;
	s2 =	sadd.s32 s6, s9;
	s3 =	sand.u32 $0x1FFFFFF0, s10  }
0x68: {  	[tilespmem:s11], [sflag:$0x9] =	stream.linear.gather [hbm4b:s2+s19], $0x40, $0x38;
	[tilespmem:$0x1EF88] =	vst v63  }
0x69: {  	s17 =	sadd.s32 $0xFFFFFC00, s28;
	s3 =	sadd.s32 s6, s3;
	s14 =	spop (v2sf)  }
0x6a: {  	[tilespmem:s12], [sflag:$0x9] =	stream.linear.gather [hbm4b:s3+s19], $0x40, $0x38;
	(v2sf) =	vpush v1, $0xE;
	[tilespmem:$0x1EF88] =	vst v63  }
0x6b: {  	s18 =	sadd.s32 $0xFFFFFC80, s28;
	s15 =	sand.u32 $0x1FFFFFF0, s14;
	s16 =	spop (v2sf)  }
0x6c: {  	s5 =	sadd.s32 $0xFFFFFD00, s28;
	(v2sf) =	vpush v1, $0xF;
	s2 =	sadd.s32 s6, s15;
	s3 =	sand.u32 $0x1FFFFFF0, s16  }
0x6d: {  	[tilespmem:s17], [sflag:$0x9] =	stream.linear.gather [hbm4b:s2+s19], $0x40, $0x38;
	[tilespmem:$0x1EF88] =	vst v63  }
0x6e: {  	s7 =	sadd.s32 $0xFFFFFD80, s28;
	s22 =	spop (v2sf);
	s3 =	sadd.s32 s6, s3  }
0x6f: {  	[tilespmem:s18], [sflag:$0x9] =	stream.linear.gather [hbm4b:s3+s19], $0x40, $0x38;
	[tilespmem:$0x1EF88] =	vst v63  }
0x70: {  	s11 =	sadd.s32 $0xFFFFFE00, s28;
	s4 =	spop (v2sf);
	s3 =	sand.u32 $0x1FFFFFF0, s22  }
0x71: {  	s8 =	spop (v2sf);
	s2 =	sadd.s32 s6, s3;
	s3 =	sand.u32 $0x1FFFFFF0, s4  }
0x72: {  	[tilespmem:s5], [sflag:$0x9] =	stream.linear.gather [hbm4b:s2+s19], $0x40, $0x38;
	[tilespmem:$0x1EF88] =	vst v63  }
0x73: {  	s9 =	sand.u32 $0x1FFFFFF0, s8;
	s10 =	spop (v2sf);
	s3 =	sadd.s32 s6, s3  }
0x74: {  	[tilespmem:s7], [sflag:$0x9] =	stream.linear.gather [hbm4b:s3+s19], $0x40, $0x38;
	[tilespmem:$0x1EF88] =	vst v63  }
0x75: {  	s14 =	spop (v2sf);
	s2 =	sadd.s32 s6, s9;
	s3 =	sand.u32 $0x1FFFFFF0, s10  }
0x76: {  	[tilespmem:s11], [sflag:$0x9] =	stream.linear.gather [hbm4b:s2+s19], $0x40, $0x38;
	[tilespmem:$0x1EF88] =	vst v63  }
0x77: {  	s12 =	sadd.s32 $0xFFFFFE80, s28;
	s15 =	sand.u32 $0x1FFFFFF0, s14;
	s3 =	sadd.s32 s6, s3  }
0x78: {  	[tilespmem:s12], [sflag:$0x9] =	stream.linear.gather [hbm4b:s3+s19], $0x40, $0x38;
	[tilespmem:$0x1EF88] =	vst v63  }
0x79: {  	s17 =	sadd.s32 $0xFFFFFF00, s28;
	s2 =	sadd.s32 s6, s15;
	s16 =	spop (v2sf)  }
0x7a: {  	[tilespmem:s17], [sflag:$0x9] =	stream.linear.gather [hbm4b:s2+s19], $0x40, $0x38;
	[tilespmem:$0x1EF88] =	vst v63  }
0x7b: {  	s29 =	simm.s32 $0x0;
	s3 =	sand.u32 $0x1FFFFFF0, s16;
	s18 =	spop (v2sf)  }
0x7c: {  	s22 =	sadd.s32 $0xFFFFFF80, s28;
	s3 =	sadd.s32 s6, s3;
	s2 =	sand.u32 $0x1FFFFFF0, s18  }
0x7d: {  	[tilespmem:s22], [sflag:$0x9] =	stream.linear.gather [hbm4b:s3+s19], $0x40, $0x38;
	[tilespmem:$0x1EF88] =	vst v63  }
0x7e: {  	s31 =	sadd.s32 $0x10, s0;
	s30 =	sadd.s32 $0x800, s28;
	s2 =	sadd.s32 s6, s2  }
.LBB2_5:
0x7f: {  	[tilespmem:s28], [sflag:$0x9] =	stream.linear.gather [hbm4b:s2+s19], $0x40, $0x38;
	[tilespmem:$0x1EF88] =	vst v63  }
0x80: {  	s29 =	sadd.s32 $0x10, s29;
	s28 =	smov.u32 s30  }
0x81: {  	p2 =	slt.u32 s29, $0x130;
	v1 =	vld.msk [tilespmem:s31+$0x0], $0xffff;
	_ =	sdelay $0x4  }
0x82: {  	v1 =	vshll.u32 v1, $0x4  }
0x83: {  	(v2sf) =	vpush v1, $0x0  }
0x84: {  	(v2sf) =	vpush v1, $0x1  }
0x85: {  	(v2sf) =	vpush v1, $0x2;
	_ =	sdelay $0x1  }
0x86: {  	(v2sf) =	vpush v1, $0x3;
	_ =	sdelay $0x1  }
0x87: {  	(v2sf) =	vpush v1, $0x4;
	_ =	sdelay $0x1  }
0x88: {  	(v2sf) =	vpush v1, $0x5;
	_ =	sdelay $0x1  }
0x89: {  	(v2sf) =	vpush v1, $0x6  }
0x8a: {  	s4 =	sadd.s32 $0xFFFFFE80, s30;
	s0 =	sadd.s32 $0xFFFFFF00, s30  }
0x8b: {  	s3 =	sadd.s32 $0xFFFFFD00, s30;
	s2 =	sadd.s32 $0xFFFFFD80, s30;
	s5 =	sadd.s32 $0xFFFFFE00, s30;
	(v2sf) =	vpush v1, $0x7  }
0x8c: {  	s10 =	sadd.s32 $0xFFFFFB80, s30;
	s9 =	sadd.s32 $0xFFFFFC00, s30;
	s16 =	sadd.s32 $0xFFFFFC80, s30  }
0x8d: {  	s11 =	sadd.s32 $0xFFFFFA00, s30;
	s12 =	sadd.s32 $0xFFFFFA80, s30;
	s15 =	sadd.s32 $0xFFFFFB00, s30;
	(v2sf) =	vpush v1, $0x8  }
0x8e: {  	s18 =	sadd.s32 $0xFFFFF900, s30;
	s7 =	sadd.s32 $0xFFFFF980, s30;
	s22 =	spop (v2sf)  }
0x8f: {  	s8 =	sadd.s32 $0xFFFFF880, s30;
	s22 =	sand.u32 $0x1FFFFFF0, s22;
	s14 =	spop (v2sf);
	(v2sf) =	vpush v1, $0x9  }
0x90: {  	s22 =	sadd.s32 s6, s22;
	s14 =	sand.u32 $0x1FFFFFF0, s14;
	s17 =	spop (v2sf)  }
0x91: {  	[tilespmem:s8], [sflag:$0x9] =	stream.linear.gather [hbm4b:s22+s19], $0x40, $0x38;
	(v2sf) =	vpush v1, $0xA;
	[tilespmem:$0x1EF88] =	vst v63  }
0x92: {  	s8 =	sadd.s32 s6, s14;
	s14 =	sand.u32 $0x1FFFFFF0, s17;
	s17 =	spop (v2sf)  }
0x93: {  	[tilespmem:s18], [sflag:$0x9] =	stream.linear.gather [hbm4b:s8+s19], $0x40, $0x38;
	(v2sf) =	vpush v1, $0xB;
	[tilespmem:$0x1EF88] =	vst v63  }
0x94: {  	s8 =	sadd.s32 s6, s14;
	s14 =	sand.u32 $0x1FFFFFF0, s17;
	s17 =	spop (v2sf)  }
0x95: {  	[tilespmem:s7], [sflag:$0x9] =	stream.linear.gather [hbm4b:s8+s19], $0x40, $0x38;
	(v2sf) =	vpush v1, $0xC;
	[tilespmem:$0x1EF88] =	vst v63  }
0x96: {  	s7 =	sadd.s32 s6, s14;
	s8 =	sand.u32 $0x1FFFFFF0, s17;
	s14 =	spop (v2sf)  }
0x97: {  	[tilespmem:s11], [sflag:$0x9] =	stream.linear.gather [hbm4b:s7+s19], $0x40, $0x38;
	(v2sf) =	vpush v1, $0xD;
	[tilespmem:$0x1EF88] =	vst v63  }
0x98: {  	s7 =	sadd.s32 s6, s8;
	s8 =	sand.u32 $0x1FFFFFF0, s14;
	s11 =	spop (v2sf)  }
0x99: {  	[tilespmem:s12], [sflag:$0x9] =	stream.linear.gather [hbm4b:s7+s19], $0x40, $0x38;
	(v2sf) =	vpush v1, $0xE;
	[tilespmem:$0x1EF88] =	vst v63  }
0x9a: {  	s7 =	sadd.s32 s6, s8;
	s8 =	sand.u32 $0x1FFFFFF0, s11;
	s11 =	spop (v2sf)  }
0x9b: {  	[tilespmem:s15], [sflag:$0x9] =	stream.linear.gather [hbm4b:s7+s19], $0x40, $0x38;
	(v2sf) =	vpush v1, $0xF;
	[tilespmem:$0x1EF88] =	vst v63  }
0x9c: {  	s7 =	sadd.s32 s6, s8;
	s8 =	sand.u32 $0x1FFFFFF0, s11;
	s11 =	spop (v2sf)  }
0x9d: {  	[tilespmem:s10], [sflag:$0x9] =	stream.linear.gather [hbm4b:s7+s19], $0x40, $0x38;
	[tilespmem:$0x1EF88] =	vst v63  }
0x9e: {  	s7 =	sadd.s32 s6, s8;
	s8 =	sand.u32 $0x1FFFFFF0, s11;
	s10 =	spop (v2sf)  }
0x9f: {  	[tilespmem:s9], [sflag:$0x9] =	stream.linear.gather [hbm4b:s7+s19], $0x40, $0x38;
	[tilespmem:$0x1EF88] =	vst v63  }
0xa0: {  	s7 =	sadd.s32 s6, s8;
	s8 =	sand.u32 $0x1FFFFFF0, s10;
	s9 =	spop (v2sf)  }
0xa1: {  	[tilespmem:s16], [sflag:$0x9] =	stream.linear.gather [hbm4b:s7+s19], $0x40, $0x38;
	[tilespmem:$0x1EF88] =	vst v63  }
0xa2: {  	s7 =	sadd.s32 s6, s8;
	s8 =	sand.u32 $0x1FFFFFF0, s9;
	s9 =	spop (v2sf)  }
0xa3: {  	[tilespmem:s3], [sflag:$0x9] =	stream.linear.gather [hbm4b:s7+s19], $0x40, $0x38;
	[tilespmem:$0x1EF88] =	vst v63  }
0xa4: {  	s3 =	sadd.s32 s6, s8;
	s7 =	sand.u32 $0x1FFFFFF0, s9;
	s8 =	spop (v2sf)  }
0xa5: {  	[tilespmem:s2], [sflag:$0x9] =	stream.linear.gather [hbm4b:s3+s19], $0x40, $0x38;
	[tilespmem:$0x1EF88] =	vst v63  }
0xa6: {  	s2 =	sadd.s32 s6, s7;
	s3 =	sand.u32 $0x1FFFFFF0, s8;
	s7 =	spop (v2sf)  }
0xa7: {  	[tilespmem:s5], [sflag:$0x9] =	stream.linear.gather [hbm4b:s2+s19], $0x40, $0x38;
	[tilespmem:$0x1EF88] =	vst v63  }
0xa8: {  	s2 =	sadd.s32 s6, s3;
	s3 =	sand.u32 $0x1FFFFFF0, s7;
	s5 =	spop (v2sf)  }
0xa9: {  	[tilespmem:s4], [sflag:$0x9] =	stream.linear.gather [hbm4b:s2+s19], $0x40, $0x38;
	[tilespmem:$0x1EF88] =	vst v63  }
0xaa: {  	s2 =	sadd.s32 s6, s3  }
.Ltmp4:
0xab: {  	s3 =	sand.u32 $0x1FFFFFF0, s5;
	s4 =	spop (v2sf);
	(pc) =	sbr.rel @p2 .LBB2_5-.Ltmp4, $4  }
0xac: {  	[tilespmem:s0], [sflag:$0x9] =	stream.linear.gather [hbm4b:s2+s19], $0x40, $0x38;
	[tilespmem:$0x1EF88] =	vst v63  }
0xad: {  	s0 =	sadd.s32 s6, s3;
	s2 =	sadd.s32 $0xFFFFFF80, s30;
	s3 =	sand.u32 $0x1FFFFFF0, s4  }
0xae: {  	[tilespmem:s2], [sflag:$0x9] =	stream.linear.gather [hbm4b:s0+s19], $0x40, $0x38;
	[tilespmem:$0x1EF88] =	vst v63  }
0xaf: {  	s31 =	sadd.s32 $0x10, s31;
	s30 =	sadd.s32 $0x800, s30;
	s2 =	sadd.s32 s6, s3  }
0xb0: {  	[tilespmem:s28], [sflag:$0x9] =	stream.linear.gather [hbm4b:s2+s19], $0x40, $0x38;
	[tilespmem:$0x1EF88] =	vst v63  }
0xb1: {  	s12 =	rddreg [dreg:$0x5]  }
0xb2: {  	s14 =	rddreg [dreg:$0x6]  }
0xb3: {  	s15 =	rddreg [dreg:$0x7]  }
0xb4: {  	s17 =	rddreg [dreg:$0x8]  }
0xb5: {  	s18 =	rddreg [dreg:$0xa]  }
0xb6: {  	s22 =	rddreg [dreg:$0xb]  }
.LBB2_7:
0xb7: {  	p2 =	slt.u32 s25, $0x2  }
.Ltmp5:
0xb8: {  	_ = 	snop;
	(pc) =	sbr.rel @p2 .LBB2_25-.Ltmp5, $1  }
0xb9: {  	_ =	sdelay $0x3  }
0xba: {  	p2 =	sgt.s32 s26, $0x4E0C0;
	s0 =	smov.u32 s26;
	s2 =	sshra.s32 s26, $0x1F  }
0xbb: {  	s0 =	simm.s32 @!p2 $0x4E0C0;
	s2 =	sand.u32 s2, s26  }
0xbc: {  	s0 =	ssub.s32 s0, s2  }
0xbd: {  	s0 =	sadd.s32 $0xFFFB1F40, s0  }
0xbe: {  	s3 =	simm.s32 $0x9;
	s29 =	sshll.u32 s0, $0x2  }
0xbf: {  	_ =	swait.ge [sflag:s3], $0x5000;
	s2 =	ssub.s32 $0x500, s29  }
0xc0: {  	[sflag:s3] =	ssyncset.done $0x0;
	p2 =	sgt.s32 s0, $0x13F;
	s0 =	sshrl.u32 s2, $0x2  }
0xc1: {  	s30 =	simm.s32 $0xB;
	[sflag:s3] =	ssyncadd.s32 $0xFFFFB000;
	s0 =	simm.s32 @p2 $0x0  }
0xc2: {  	_ =	swait.ge [sflag:s30], s0  }
0xc3: {  	s0 =	ssub.s32 $0x0, s0;
	[sflag:s30] =	ssyncset.done $0x0  }
0xc4: {  	[sflag:s30] =	ssyncadd.s32 s0  }
0xc5: {  	v1 =	vld [tilespmem:$0xA108];
	_ =	sdelay $0x4  }
0xc6: {  	(v2sf) =	vpush v1, $0x0  }
0xc7: {  	(v2sf) =	vpush v1, $0x1  }
0xc8: {  	(v2sf) =	vpush v1, $0x2;
	_ =	sdelay $0x3  }
0xc9: {  	s0 =	sadd.s32 $0x140, s26  }
0xca: {  	s4 =	ssub.s32 $0x9C400, s26;
	p2 =	slt.s32 s14, s0  }
0xcb: {  	s0 =	smov.u32 @p2 s14;
	p2 =	sgt.s32 s4, $0x0  }
0xcc: {  	s0 =	ssub.s32 s0, s26;
	s4 =	simm.s32 @!p2 $0x0  }
0xcd: {  	p2 =	slt.s32 s4, s0  }
0xce: {  	s0 =	smov.u32 @p2 s4  }
0xcf: {  	s2 =	simm.s32 $0x1;
	p2 =	slt.s32 s0, $0x1  }
.Ltmp6:
0xd0: {  	s2 =	simm.s32 @!p1 $0x0;
	(pc) =	sbr.rel @p2 .LBB2_12-.Ltmp6, $4  }
0xd1: {  	s7 =	smul.u32 $0x500, s2  }
0xd2: {  	s3 =	spop (v2sf)  }
0xd3: {  	s31 =	sshrl.u32 s7, $0x2;
	s5 =	spop (v2sf)  }
0xd4: {  	s28 =	sadd.s32 $0xAD08, s31;
	s26 =	spop (v2sf)  }
0xd5: {  	s4 =	smin.u32 s0, $0x10  }
0xd6: {  	v1 =	vmov s4  }
0xd7: {  	p3 =	sgt.s32 s0, $0x10;
	vm1 =	vgt.u32 v1, v0  }
.Ltmp7:
0xd8: {  	_ = 	snop;
	(pc) =	sbr.rel @!p3 .LBB2_11-.Ltmp7, $2  }
0xd9: {  	_ =	sdelay $0x2  }
0xda: {  	s9 =	simm.s32 $0x10;
	s10 =	sadd.s32 $0xFFFFFFF0, s0;
	s4 =	smov.u32 s28;
	vm0 =	vmmov vm1  }
.LBB2_10:
0xdb: {  	s7 =	smin.u32 s10, $0x10;
	s9 =	sadd.s32 $0x10, s9;
	v1 =	vld.msk [tilespmem:s4+$0x0 ss:$0x1], vm1  }
0xdc: {  	v2 =	vmov s7;
	p3 =	slt.s32 s9, s0  }
0xdd: {  	vm1 =	vgt.u32 v2, v0  }
.Ltmp8:
0xde: {  	(pc) =	sbr.rel @p3 .LBB2_10-.Ltmp8, $3  }
0xdf: {  	_ =	sdelay $0x1  }
0xe0: {  	v1 =	vshll.u32 v1, $0x4  }
0xe1: {  	s10 =	sadd.s32 $0xFFFFFFF0, s10;
	[tilespmem:s4+$0x0] =	vst.msk vm0, v1;
	s4 =	sadd.s32 $0x10, s4;
	vm0 =	vmmov vm1  }
.LBB2_11:
0xe2: {  	_ =	sdelay $0x4  }
0xe3: {  	v1 =	vld.msk [tilespmem:s4+$0x0 ss:$0x1], vm1;
	_ =	sdelay $0x4  }
0xe4: {  	v1 =	vshll.u32 v1, $0x4  }
0xe5: {  	[tilespmem:s4+$0x0] =	vst.msk vm0, v1  }
.LBB2_12:
0xe6: {  	s4 =	sand.u32 $0x1, s25  }
0xe7: {  	s4 =	smul.u32 $0x140, s4  }
0xe8: {  	p3 =	sne.s32 s5, $0xFFFFFFFF  }
0xe9: {  	v1 =	vld.msk @!p3 [tilespmem:s4+$0xAD08], $0x1;
	_ =	sdelay $0x4  }
0xea: {  	(v2sf) =	vpush @!p3 v1, $0x0;
	_ =	sdelay $0xc  }
.Ltmp9:
0xeb: {  	_ = 	snop;
	(pc) =	sbr.rel @p2 .LBB2_23-.Ltmp9, $4  }
0xec: {  	_ = 	snop  }
0xed: {  	s29 =	spop @!p3 (v2sf)  }
0xee: {  	s31 =	simm.s32 $0xC;
	s26 =	simm.s32 @!p3 $0x0;
	s4 =	smov.u32 s29  }
0xef: {  	[sflag:s31] =	ssyncpa.u1 $0x0;
	s29 =	smov.u32 @p3 s3;
	s4 =	smov.u32 @p3 s5  }
0xf0: {  	v1 =	vld.msk [tilespmem:s28+$0x0], $0x1;
	_ =	sdelay $0x4  }
0xf1: {  	(v2sf) =	vpush v1, $0x0;
	_ =	sdelay $0xe  }
0xf2: {  	s2 =	smul.u32 $0x28000, s2;
	s5 =	spop (v2sf)  }
0xf3: {  	s31 =	ssub.s32 $0x0, s0;
	p2 =	seq.s32 s29, s5  }
0xf4: {  	s3 =	smov.u32 s29;
	s2 =	sshrl.u32 s2, $0x2;
	p3 =	sgt.s32 @!p2 s29, $0x0  }
0xf5: {  	s30 =	sadd.s32 $0xAFA8, s2;
	s2 =	sadd.s32 $0x1, s31;
	p3 =	por !p3, p2  }
0xf6: {  	s3 =	simm.s32 @p3 $0x0;
	p3 =	seq.s32 s2, $0x0  }
.Ltmp10:
0xf7: {  	_ = 	snop;
	(pc) =	sbr.rel @p3 .LBB2_15-.Ltmp10, $4  }
0xf8: {  	_ = 	snop  }
0xf9: {  	s0 =	simm.s32 $0x0;
	s9 =	simm.s32 @!p2 $0x1;
	s3 =	smin.u32 @!p2 s3, $0x270FF8  }
0xfa: {  	s10 =	simm.s32 @!p2 $0x50C8;
	s9 =	smov.u32 @p2 s0;
	s7 =	sand.u32 @!p2 $0x3FFFF8, s3  }
0xfb: {  	s16 =	sand.u32 @!p2 $0x7, s3;
	s3 =	sadd.s32 $0x1, s28;
	s11 =	sadd.s32 @!p2 s1, s7  }
.LBB2_14:
0xfc: {  	s7 =	smov.u32 s9  }
0xfd: {  	[tilespmem:s10], [sflag:$0x2] =	stream.linear.gather @!p2 [hbm4b:s11+s16], $0x40, $0x38;
	[tilespmem:$0x1EF88] =	vst v63  }
0xfe: {  	s2 =	sadd.s32 $0x1, s2;
	s8 =	smov.u32 s5;
	v1 =	vld.msk [tilespmem:s3+$0x0], $0x1  }
0xff: {  	p3 =	seq.s32 s2, $0x0;
	_ =	sdelay $0x3  }
0x100: {  	(v2sf) =	vpush v1, $0x0;
	_ =	sdelay $0xe  }
0x101: {  	s5 =	spop (v2sf)  }
0x102: {  	p2 =	seq.s32 s8, s5  }
0x103: {  	p4 =	sgt.s32 @!p2 s8, $0x0;
	s10 =	sshll.u32 @!p2 s9, $0x8;
	s9 =	sadd.s32 @!p2 $0x1, s9  }
.Ltmp11:
0x104: {  	p4 =	por !p4, p2;
	s10 =	sshra.s32 @!p2 s10, $0x2;
	(pc) =	sbr.rel @!p3 .LBB2_14-.Ltmp11, $4  }
0x105: {  	s9 =	smov.u32 @p2 s7;
	s8 =	simm.s32 @p4 $0x0;
	s10 =	sadd.s32 @!p2 $0x50C8, s10  }
0x106: {  	s7 =	smin.u32 @!p2 s8, $0x270FF8  }
0x107: {  	s8 =	sand.u32 @!p2 $0x3FFFF8, s7;
	s16 =	sand.u32 @!p2 $0x7, s7  }
0x108: {  	s3 =	sadd.s32 $0x1, s3;
	s11 =	sadd.s32 @!p2 s1, s8  }
.LBB2_15:
0x109: {  	[tilespmem:s10], [sflag:$0x2] =	stream.linear.gather @!p2 [hbm4b:s11+s16], $0x40, $0x38;
	[tilespmem:$0x1EF88] =	vst v63  }
.Ltmp12:
0x10a: {  	s2 =	sshll.u32 s9, $0x6;
	(pc) =	sbr.rel .LBB2_16-.Ltmp12, $4  }
0x10b: {  	s3 =	simm.s32 $0x2;
	s2 =	sand.u32 $0x3FFFFFC0, s2  }
0x10c: {  	_ =	swait.ge [sflag:s3], s2  }
0x10d: {  	s2 =	ssub.s32 $0x0, s2;
	[sflag:s3] =	ssyncset.done $0x0  }
0x10e: {  	[sflag:s3] =	ssyncadd.s32 s2;
	s3 =	simm.s32 $0x0  }
.LBB2_17:
0x10f: {  	v1 =	vld [tilespmem:s30+$0xFFFFFFE0];
	_ =	sdelay $0x4  }
0x110: {  	[tilespmem:s5+$0x88] =	vst.add.f32.msk $0xffff, v1  }
0x111: {  	v1 =	vld [tilespmem:s30+$0xFFFFFFF0];
	_ =	sdelay $0x4  }
0x112: {  	[tilespmem:s5+$0x98] =	vst.add.f32.msk $0xffff, v1  }
0x113: {  	v1 =	vld [tilespmem:s30+$0x0];
	_ =	sdelay $0x4  }
0x114: {  	[tilespmem:s5+$0xA8] =	vst.add.f32.msk $0xffff, v1  }
0x115: {  	v1 =	vld [tilespmem:s30+$0x10];
	_ =	sdelay $0x4  }
0x116: {  	[tilespmem:s5+$0xB8] =	vst.add.f32.msk $0xffff, v1  }
.LBB2_21:
0x117: {  	s31 =	sadd.s32 $0x1, s31  }
0x118: {  	p2 =	seq.s32 s31, $0x0  }
.Ltmp13:
0x119: {  	_ = 	snop;
	(pc) =	sbr.rel @p2 .LBB2_22-.Ltmp13, $2  }
0x11a: {  	_ =	sdelay $0x2  }
0x11b: {  	s30 =	sadd.s32 $0x80, s30;
	s28 =	sadd.s32 $0x1, s28;
	s29 =	smov.u32 s2  }
.LBB2_16:
0x11c: {  	v1 =	vld.msk [tilespmem:s28+$0x0], $0x1;
	_ =	sdelay $0x4  }
0x11d: {  	(v2sf) =	vpush v1, $0x0;
	_ =	sdelay $0xe  }
0x11e: {  	s2 =	spop (v2sf)  }
0x11f: {  	p2 =	sne.s32 s29, s2  }
.Ltmp14:
0x120: {  	_ = 	snop;
	(pc) =	sbr.rel @!p2 .LBB2_17-.Ltmp14, $3  }
0x121: {  	_ =	sdelay $0x1  }
0x122: {  	s5 =	sshll.u32 s26, $0x8  }
0x123: {  	s5 =	sshra.s32 s5, $0x2  }
0x124: {  	p2 =	seq.s32 s29, s4  }
.Ltmp15:
0x125: {  	_ = 	snop;
	(pc) =	sbr.rel @!p2 .LBB2_19-.Ltmp15, $1  }
0x126: {  	_ =	sdelay $0x3  }
.Ltmp16:
0x127: {  	s5 =	sadd.s32 $0x88, s5;
	(pc) =	sbr.rel .LBB2_20-.Ltmp16, $4  }
0x128: {  	[spmem:s18] =	stream.linear.scatter [tilespmem:s5], [sflag:$0x1], $0x40, $0x38;
	[tilespmem:$0x1EF88] =	vst v63  }
0x129: {  	_ =	swait.ge [sflag:s13], $0x40  }
0x12a: {  	[sflag:s13] =	ssyncset.done $0x0  }
0x12b: {  	[sflag:s13] =	ssyncadd.s32 $0xFFFFFFC0  }
.LBB2_19:
0x12c: {  	s7 =	sshll.u32 s0, $0x8  }
0x12d: {  	s7 =	sshra.s32 s7, $0x2  }
0x12e: {  	v1 =	vld [tilespmem:s7+$0x50C8];
	_ =	sdelay $0x4  }
0x12f: {  	[tilespmem:s5+$0x88] =	vst.add.f32.msk $0xffff, v1  }
0x130: {  	v1 =	vld [tilespmem:s7+$0x50D8];
	_ =	sdelay $0x4  }
0x131: {  	[tilespmem:s5+$0x98] =	vst.add.f32.msk $0xffff, v1  }
0x132: {  	v1 =	vld [tilespmem:s7+$0x50E8];
	_ =	sdelay $0x4  }
0x133: {  	[tilespmem:s5+$0xA8] =	vst.add.f32.msk $0xffff, v1  }
0x134: {  	v1 =	vld [tilespmem:s7+$0x50F8];
	_ =	sdelay $0x2  }
0x135: {  	p2 =	sgt.u32 s29, $0x270FF8  }
0x136: {  	s7 =	sand.u32 @!p2 $0x3FFFF8, s29  }
0x137: {  	s8 =	sadd.s32 $0x88, s5;
	[tilespmem:s5+$0xB8] =	vst.add.f32.msk $0xffff, v1;
	s5 =	sadd.s32 @!p2 s1, s7;
	s7 =	sand.u32 @!p2 $0x7, s29  }
0x138: {  	[hbm4b:s5+s7] =	stream.linear.scatter @!p2 [tilespmem:s8], [sflag:$0xC], $0x40, $0x38;
	[tilespmem:$0x1EF88] =	vst v63  }
0x139: {  	s5 =	simm.s32 $0x0  }
0x13a: {  	s5 =	simm.s32 @!p2 $0x100  }
0x13b: {  	s3 =	sadd.s32 s5, s3  }
.LBB2_20:
0x13c: {  	s5 =	sadd.s32 $0x1, s26  }
0x13d: {  	s7 =	smulhi.u32 $0xCCCCCCCD, s5;
	_ =	sdelay $0x1  }
0x13e: {  	v1 =	vld [tilespmem:s30+$0xFFFFFFE0];
	s7 =	sshrl.u32 s7, $0x8  }
0x13f: {  	s7 =	smul.u32 $0x140, s7;
	_ =	sdelay $0x1  }
0x140: {  	s26 =	ssub.s32 s5, s7  }
0x141: {  	s5 =	sshll.u32 s26, $0x6  }
0x142: {  	[tilespmem:s5+$0x88] =	vst v1  }
0x143: {  	v1 =	vld [tilespmem:s30+$0xFFFFFFF0];
	_ =	sdelay $0x4  }
0x144: {  	[tilespmem:s5+$0x98] =	vst v1  }
0x145: {  	v1 =	vld [tilespmem:s30+$0x0];
	_ =	sdelay $0x4  }
0x146: {  	[tilespmem:s5+$0xA8] =	vst v1  }
0x147: {  	v1 =	vld [tilespmem:s30+$0x10]  }
.Ltmp17:
0x148: {  	_ = 	snop;
	(pc) =	sbr.rel .LBB2_21-.Ltmp17, $2  }
0x149: {  	_ =	sdelay $0x2  }
0x14a: {  	s0 =	sadd.s32 $0x1, s0;
	[tilespmem:s5+$0xB8] =	vst v1  }
.LBB2_23:
.Ltmp18:
0x14b: {  	(pc) =	sbr.rel .LBB2_24-.Ltmp18, $4  }
0x14c: {  	_ = 	snop  }
0x14d: {  	s0 =	simm.s32 $0x2  }
0x14e: {  	_ =	swait.ge [sflag:s0], $0x0  }
0x14f: {  	s2 =	smov.u32 s29;
	[sflag:s0] =	ssyncset.done $0x0;
	s0 =	simm.s32 $0x0  }
.LBB2_26:
0x150: {  	_ =	sfence.sel $0x180000  }
0x151: {  	s0 =	simm.s32 $0x9;
	[bflag:$0x0] =	sbarrier.arrive $0xFFFF  }
0x152: {  	s24 =	simm.s32 $0xA;
	[sflag:s0] =	ssyncpa.u1 $0x1  }
0x153: {  	s25 =	simm.s32 $0xB;
	[sflag:s24] =	ssyncpa.u1 $0x1  }
0x154: {  	s26 =	simm.s32 $0x2;
	[sflag:s25] =	ssyncpa.u1 $0x1  }
0x155: {  	[sflag:s26] =	ssyncpa.u1 $0x1  }
0x156: {  	v0 =	vld [tilespmem:$0xA108];
	_ =	sdelay $0x4  }
0x157: {  	(v2sf) =	vpush v0, $0x0  }
0x158: {  	(v2sf) =	vpush v0, $0x1;
	_ =	sdelay $0x1  }
0x159: {  	(v2sf) =	vpush v0, $0x2;
	_ =	sdelay $0xb  }
0x15a: {  	s0 =	spop (v2sf)  }
0x15b: {  	s2 =	spop (v2sf)  }
0x15c: {  	s3 =	smov.u32 s0;
	p0 =	sne.s32 s0, s2  }
0x15d: {  	s4 =	spop (v2sf);
	s3 =	simm.s32 @!p0 $0xFFFFFFFF  }
0x15e: {  	v2 =	vimm.s32 $0x1;
	v3 =	vlaneseq.u32;
	p0 =	seq.s32 s4, $0xFFFFFFFF;
	v1 =	vmov s3  }
0x15f: {  	s14 =	stileid.u32;
	v0 =	vperm.xlane v0, v2;
	p1 =	sne.s32 @!p0 s0, s2;
	v1 =	vperm.xlane v1, v3  }
0x160: {  	vm0 =	vcmask $0x3F04;
	s6 =	simm.s32 $0xA108;
	s0 =	simm.s32 @!p0 $0x1;
	p1 =	por !p1, p0  }
0x161: {  	s3 =	sshll.u32 s14, $0x1;
	s2 =	sshll.u32 @!p0 s4, $0x8;
	s0 =	simm.s32 @p1 $0x0;
	v0 =	vsel vm0, v1, v0  }
0x162: {  	s5 =	sor.u32 $0x800, s3;
	s2 =	sshra.s32 @!p0 s2, $0x2;
	s0 =	sor.u32 @!p0 s0, s3;
	[tilespmem:$0xA108] =	vst v0  }
0x163: {  	[spmem:s5] =	stream.linear.scatter [tilespmem:s6], [sflag:$0x1], $0x2, $0x38;
	[tilespmem:$0x1EF88] =	vst v63  }
0x164: {  	s2 =	sadd.s32 @!p0 $0x88, s2;
	s0 =	sshll.u32 @!p0 s0, $0x6  }
0x165: {  	[spmem:s0] =	stream.linear.scatter @!p0 [tilespmem:s2], [sflag:$0x1], $0x40, $0x38;
	[tilespmem:$0x1EF88] =	vst v63  }
0x166: {  	s0 =	simm.s32 @!p0 $0x42  }
0x167: {  	s28 =	simm.s32 $0x1;
	s0 =	simm.s32 @p0 $0x2  }
0x168: {  	_ =	swait.ge [sflag:s28], s0  }
0x169: {  	s0 =	ssub.s32 $0x0, s0;
	[sflag:s28] =	ssyncset.done $0x0  }
0x16a: {  	p0 =	sne.s32 s14, $0x0;
	[sflag:s28] =	ssyncadd.s32 s0  }
.Ltmp19:
0x16b: {  	_ =	sfence.stream.spmem;
	(pc) =	sbr.rel @p0 .LBB2_43-.Ltmp19, $4  }
0x16c: {  	s29 =	simm.s32 $0x3;
	[bflag:$0x0] =	sbarrier.arrive $0xFFFF  }
0x16d: {  	s30 =	simm.s32 $0x4;
	[sflag:s29] =	ssyncpa.u1 $0x1  }
0x16e: {  	s31 =	simm.s32 $0x3C;
	[sflag:s30] =	ssyncpa.u1 $0x1  }
0x16f: {  	s13 =	rddreg [dreg:$0x4];
	[sflag:s31] =	ssyncpa.u1 $0x1  }
0x170: {  	_ =	sfence.stream.spmem;
	s0 =	simm.s32 $0x5  }
0x171: {  	s2 =	simm.s32 $0x800;
	s3 =	simm.s32 $0xA118;
	[sflag:s0] =	ssyncpa.u1 $0x0  }
0x172: {  	[tilespmem:s3], [sflag:$0x5] =	stream.linear.gather [spmem:s2], $0x20, $0x38;
	[tilespmem:$0x1EF88] =	vst v63  }
0x173: {  	s26 =	simm.s32 $0x0;
	s28 =	simm.s32 $0xA138  }
0x174: {  	[tilespmem:s28], [sflag:$0x5] =	stream.linear.gather [spmem:s26], $0x800, $0x38;
	[tilespmem:$0x1EF88] =	vst v63  }
0x175: {  	_ =	swait.ge [sflag:s0], $0x820  }
0x176: {  	[sflag:s0] =	ssyncset.done $0x0  }
0x177: {  	s29 =	simm.s32 $0x0;
	[sflag:s0] =	ssyncadd.s32 $0xFFFFF7E0  }
0x178: {  	v0 =	vld.msk [tilespmem:s29+$0xA118], $0x1;
	_ =	sdelay $0x1  }
0x179: {  	s30 =	simm.s32 $0x1  }
0x17a: {  	v1 =	vld.msk [tilespmem:s30+$0xA118], $0x1;
	_ =	sdelay $0x1  }
0x17b: {  	(v2sf) =	vpush v0, $0x0;
	_ =	sdelay $0x2  }
0x17c: {  	(v2sf) =	vpush v1, $0x0;
	_ =	sdelay $0x2  }
0x17d: {  	s31 =	simm.s32 $0x2  }
0x17e: {  	v0 =	vld.msk [tilespmem:s31+$0xA118], $0x1;
	_ =	sdelay $0x2  }
0x17f: {  	s2 =	simm.s32 $0xFFFFFFFF;
	s3 =	simm.s32 $0xFFFFFFFF;
	s0 =	simm.s32 $0xC  }
.LBB2_28:
0x180: {  	s4 =	smov.u32 s3;
	s5 =	smov.u32 s2  }
0x181: {  	s2 =	sshra.s32 s0, $0x2;
	p1 =	sne.s32 s0, $0x7C;
	s0 =	sadd.s32 $0x4, s0;
	(v2sf) =	vpush v0, $0x0  }
0x182: {  	v0 =	vld.msk [tilespmem:s2+$0xA118], $0x1  }
.Ltmp20:
0x183: {  	(pc) =	sbr.rel @p1 .LBB2_28-.Ltmp20, $4  }
0x184: {  	s3 =	spop (v2sf)  }
0x185: {  	p2 =	sne.s32 s5, $0xFFFFFFFF;
	s2 =	smov.u32 s3  }
0x186: {  	p3 =	seq.s32 s3, $0xFFFFFFFF;
	s2 =	smov.u32 @p2 s5  }
0x187: {  	s3 =	smov.u32 @p3 s4;
	s2 =	smov.u32 @p3 s5  }
0x188: {  	(v2sf) =	vpush v0, $0x0;
	_ =	sdelay $0x8  }
0x189: {  	s0 =	spop (v2sf)  }
0x18a: {  	p1 =	sne.s32 s2, $0xFFFFFFFF;
	s4 =	smov.u32 s0  }
0x18b: {  	s6 =	simm.s32 $0x0;
	p2 =	seq.s32 s0, $0xFFFFFFFF;
	s4 =	smov.u32 @p1 s2  }
0x18c: {  	s9 =	simm.s32 $0xA0C8;
	s4 =	smov.u32 @p2 s2;
	s2 =	spop (v2sf)  }
0x18d: {  	s0 =	smov.u32 @p2 s3;
	p1 =	sne.s32 s4, $0xFFFFFFFF;
	s5 =	smov.u32 s2  }
.Ltmp21:
0x18e: {  	p2 =	seq.s32 s2, $0xFFFFFFFF;
	s5 =	smov.u32 @p1 s4;
	(pc) =	sbr.rel .LBB2_30-.Ltmp21, $4  }
0x18f: {  	s10 =	simm.s32 $0x0;
	s5 =	smov.u32 @p2 s4;
	s7 =	spop (v2sf)  }
0x190: {  	s2 =	smov.u32 @p2 s0;
	p1 =	sne.s32 s5, $0xFFFFFFFF;
	s8 =	smov.u32 s7  }
0x191: {  	s0 =	simm.s32 $0x6;
	p2 =	seq.s32 s7, $0xFFFFFFFF;
	s8 =	smov.u32 @p1 s5  }
0x192: {  	[sflag:s0] =	ssyncpa.u1 $0x0;
	s7 =	smov.u32 @p2 s2;
	s8 =	smov.u32 @p2 s5  }
.LBB2_36:
0x193: {  	p1 =	sgt.u32 s2, $0x270FF8  }
0x194: {  	p2 =	seq.s32 @!p1 s2, s8  }
0x195: {  	p1 =	por p1, p2  }
0x196: {  	p2 =	sne.s32 @!p1 s2, s7  }
0x197: {  	p1 =	por p1, !p2  }
0x198: {  	s2 =	sshll.u32 @p1 s10, $0x8  }
0x199: {  	s3 =	sand.u32 @!p1 $0x3FFFF8, s2  }
0x19a: {  	s2 =	sand.u32 @!p1 $0x7, s2;
	s3 =	sadd.s32 @!p1 s1, s3  }
0x19b: {  	[tilespmem:s9], [sflag:$0x6] =	stream.linear.gather @!p1 [hbm4b:s3+s2], $0x40, $0x38;
	[tilespmem:$0x1EF88] =	vst v63  }
0x19c: {  	_ =	swait.ge @!p1 [sflag:s0], $0x40  }
0x19d: {  	[sflag:s0] =	ssyncset.done @!p1 $0x0  }
0x19e: {  	[sflag:s0] =	ssyncadd.s32 @!p1 $0xFFFFFFC0  }
0x19f: {  	v1 =	vld @!p1 [tilespmem:$0xA0C8];
	_ =	sdelay $0x2  }
0x1a0: {  	s2 =	sshll.u32 @!p1 s10, $0x8  }
0x1a1: {  	s3 =	sshrl.u32 @!p1 s2, $0x2  }
0x1a2: {  	[tilespmem:s3+$0xA138] =	vst.add.f32.msk @!p1 $0xffff, v1  }
0x1a3: {  	v1 =	vld @!p1 [tilespmem:$0xA0D8];
	_ =	sdelay $0x4  }
0x1a4: {  	[tilespmem:s3+$0xA148] =	vst.add.f32.msk @!p1 $0xffff, v1  }
0x1a5: {  	v1 =	vld @!p1 [tilespmem:$0xA0E8];
	_ =	sdelay $0x4  }
0x1a6: {  	[tilespmem:s3+$0xA158] =	vst.add.f32.msk @!p1 $0xffff, v1  }
0x1a7: {  	v1 =	vld @!p1 [tilespmem:$0xA0F8];
	_ =	sdelay $0x4  }
0x1a8: {  	[tilespmem:s3+$0xA168] =	vst.add.f32.msk @!p1 $0xffff, v1  }
0x1a9: {  	s2 =	sshrl.u32 s2, $0x2;
	[tilespmem:s6+$0xA118] =	vst.msk $0x1, v0  }
0x1aa: {  	v0 =	vld [tilespmem:s2+$0xA138];
	_ =	sdelay $0x2  }
0x1ab: {  	s31 =	sshll.u32 s6, $0x8  }
0x1ac: {  	s3 =	sshra.s32 s31, $0x2  }
0x1ad: {  	[tilespmem:s3+$0xA138] =	vst v0  }
0x1ae: {  	v0 =	vld [tilespmem:s2+$0xA148];
	_ =	sdelay $0x4  }
0x1af: {  	[tilespmem:s3+$0xA148] =	vst v0  }
0x1b0: {  	v0 =	vld [tilespmem:s2+$0xA158];
	_ =	sdelay $0x4  }
0x1b1: {  	[tilespmem:s3+$0xA158] =	vst v0  }
0x1b2: {  	v0 =	vld [tilespmem:s2+$0xA168];
	_ =	sdelay $0x4  }
0x1b3: {  	s6 =	sadd.s32 $0x1, s6;
	[tilespmem:s3+$0xA168] =	vst v0  }
.LBB2_37:
0x1b4: {  	s10 =	sadd.s32 $0x1, s10  }
0x1b5: {  	p1 =	sne.s32 s10, $0x20  }
.Ltmp22:
0x1b6: {  	_ = 	snop;
	(pc) =	sbr.rel @!p1 .LBB2_38-.Ltmp22, $1  }
0x1b7: {  	_ =	sdelay $0x3  }
.LBB2_30:
0x1b8: {  	v0 =	vld.msk [tilespmem:s10+$0xA118], $0x1;
	_ =	sdelay $0x4  }
0x1b9: {  	(v2sf) =	vpush v0, $0x0;
	_ =	sdelay $0xe  }
0x1ba: {  	s2 =	spop (v2sf)  }
0x1bb: {  	p1 =	seq.s32 s2, $0xFFFFFFFF  }
.Ltmp23:
0x1bc: {  	_ = 	snop;
	(pc) =	sbr.rel @p1 .LBB2_37-.Ltmp23, $1  }
0x1bd: {  	_ =	sdelay $0x3  }
0x1be: {  	p1 =	slt.s32 s6, $0x1  }
.Ltmp24:
0x1bf: {  	_ = 	snop;
	(pc) =	sbr.rel @p1 .LBB2_36-.Ltmp24, $1  }
0x1c0: {  	_ =	sdelay $0x3  }
0x1c1: {  	s3 =	simm.s32 $0xA118;
	p1 =	por $0x0, $0x0  }
0x1c2: {  	v1 =	vld.msk @!p1 [tilespmem:s3+$0x0], $0x1;
	_ =	sdelay $0x4  }
0x1c3: {  	(v2sf) =	vpush @!p1 v1, $0x0;
	_ =	sdelay $0xd  }
0x1c4: {  	p3 =	sne.s32 s6, $0x1  }
.Ltmp25:
0x1c5: {  	s4 =	spop @!p1 (v2sf);
	(pc) =	sbr.rel @!p3 .LBB2_34-.Ltmp25, $4  }
0x1c6: {  	p2 =	seq.s32 @!p1 s2, s4  }
0x1c7: {  	s4 =	simm.s32 $0x0;
	p2 =	por !p2, p1  }
0x1c8: {  	s11 =	simm.s32 $0xFFFFFFFF;
	s4 =	simm.s32 @p2 $0xFFFFFFFF  }
0x1c9: {  	s5 =	simm.s32 $0x1;
	s4 =	smov.u32 @p1 s11  }
.LBB2_33:
0x1ca: {  	s11 =	smov.u32 s4;
	p1 =	sne.s32 s4, $0xFFFFFFFF  }
0x1cb: {  	s3 =	sadd.s32 $0x1, s3;
	s4 =	smov.u32 s5;
	s5 =	sadd.s32 $0x1, s5  }
0x1cc: {  	p2 =	sne.s32 s6, s5;
	v1 =	vld.msk @!p1 [tilespmem:s3+$0x0], $0x1;
	_ =	sdelay $0x4  }
0x1cd: {  	(v2sf) =	vpush @!p1 v1, $0x0;
	_ =	sdelay $0xe  }
.Ltmp26:
0x1ce: {  	s12 =	spop @!p1 (v2sf);
	(pc) =	sbr.rel @p2 .LBB2_33-.Ltmp26, $4  }
0x1cf: {  	p3 =	seq.s32 @!p1 s2, s12  }
0x1d0: {  	p3 =	por !p3, p1  }
0x1d1: {  	s4 =	simm.s32 @p3 $0xFFFFFFFF  }
0x1d2: {  	s4 =	smov.u32 @p1 s11  }
.LBB2_34:
0x1d3: {  	p1 =	seq.s32 s4, $0xFFFFFFFF  }
.Ltmp27:
0x1d4: {  	_ = 	snop;
	(pc) =	sbr.rel @p1 .LBB2_36-.Ltmp27, $1  }
0x1d5: {  	_ =	sdelay $0x3  }
0x1d6: {  	s2 =	sshll.u32 s10, $0x6  }
0x1d7: {  	s2 =	sand.u32 $0x3FFFFFC0, s2  }
0x1d8: {  	v0 =	vld [tilespmem:s2+$0xA138];
	_ =	sdelay $0x2  }
0x1d9: {  	s3 =	sshll.u32 s4, $0x8  }
0x1da: {  	s3 =	sshra.s32 s3, $0x2  }
0x1db: {  	[tilespmem:s3+$0xA138] =	vst.add.f32.msk $0xffff, v0  }
0x1dc: {  	v0 =	vld [tilespmem:s2+$0xA148];
	_ =	sdelay $0x4  }
0x1dd: {  	[tilespmem:s3+$0xA148] =	vst.add.f32.msk $0xffff, v0  }
0x1de: {  	v0 =	vld [tilespmem:s2+$0xA158];
	_ =	sdelay $0x4  }
0x1df: {  	[tilespmem:s3+$0xA158] =	vst.add.f32.msk $0xffff, v0  }
0x1e0: {  	v0 =	vld [tilespmem:s2+$0xA168]  }
.Ltmp28:
0x1e1: {  	_ = 	snop;
	(pc) =	sbr.rel .LBB2_37-.Ltmp28, $2  }
0x1e2: {  	_ =	sdelay $0x2  }
0x1e3: {  	[tilespmem:s3+$0xA168] =	vst.add.f32.msk $0xffff, v0  }
.LBB2_38:
0x1e4: {  	s0 =	simm.s32 $0x6;
	p1 =	seq.s32 s6, $0x0  }
0x1e5: {  	[sflag:s0] =	ssyncpa.u1 $0x1;
	v0 =	vimm.s32 @p1 $0xFFFFFFFF  }
0x1e6: {  	s0 =	sadd.s32 $0xFFFFFFFF, s6;
	[tilespmem:$0xA938] =	vst @p1 v0  }
0x1e7: {  	v0 =	vld.msk @!p1 [tilespmem:s0+$0xA118], $0x1;
	_ =	sdelay $0x1  }
0x1e8: {  	v1 =	vld.msk @!p1 [tilespmem:$0xA118], $0x1;
	_ =	sdelay $0x2  }
0x1e9: {  	p2 =	seq.s32 @!p1 s0, $0x0;
	v0 =	vbroadcast @!p1 v0, $0x0  }
0x1ea: {  	vm0 =	vmmov @!p1 $0x1;
	p2 =	por !p2, p1  }
0x1eb: {  	v1 =	vnsel @!p1 vm0, $0xFFFFFFFF, v1;
	vm0 =	vcmask @!p1 $0x308;
	v0 =	vpsel !p2, $0xFFFFFFFF, v0  }
0x1ec: {  	p2 =	sne.s32 @!p1 s8, s7;
	v0 =	vsel @!p1 vm0, v1, v0  }
0x1ed: {  	s2 =	simm.s32 @!p1 $0xA138;
	s3 =	simm.s32 @!p1 $0x0;
	p3 =	por !p2, p1;
	[tilespmem:$0xA938] =	vst @!p1 v0  }
0x1ee: {  	[spmem:s3] =	stream.linear.scatter @!p1 [tilespmem:s2], [sflag:$0x1], $0x40, $0x38;
	[tilespmem:$0x1EF88] =	vst v63  }
0x1ef: {  	s2 =	sshll.u32 @!p3 s0, $0x8  }
0x1f0: {  	s2 =	sshra.s32 @!p3 s2, $0x2  }
0x1f1: {  	s3 =	simm.s32 @!p3 $0x40;
	s2 =	sadd.s32 @!p3 $0xA138, s2  }
0x1f2: {  	[spmem:s3] =	stream.linear.scatter @!p3 [tilespmem:s2], [sflag:$0x1], $0x40, $0x38;
	[tilespmem:$0x1EF88] =	vst v63  }
0x1f3: {  	s2 =	simm.s32 @!p3 $0x1  }
0x1f4: {  	_ =	swait.ge @!p3 [sflag:s2], $0x80  }
0x1f5: {  	p1 =	por p2, p1;
	[sflag:s2] =	ssyncset.done @!p3 $0x0  }
0x1f6: {  	[sflag:s2] =	ssyncadd.s32 @!p3 $0xFFFFFF80;
	s2 =	simm.s32 @!p1 $0x1  }
0x1f7: {  	_ =	swait.ge @!p1 [sflag:s2], $0x40  }
0x1f8: {  	s29 =	simm.s32 $0xA938;
	[sflag:s2] =	ssyncset.done @!p1 $0x0  }
0x1f9: {  	s30 =	simm.s32 $0x800;
	s31 =	simm.s32 $0x1;
	[sflag:s2] =	ssyncadd.s32 @!p1 $0xFFFFFFC0  }
0x1fa: {  	[spmem:s30] =	stream.linear.scatter [tilespmem:s29], [sflag:$0x1], $0x10, $0x38;
	[tilespmem:$0x1EF88] =	vst v63  }
0x1fb: {  	_ =	swait.ge [sflag:s31], $0x10  }
0x1fc: {  	[sflag:s31] =	ssyncset.done $0x0  }
0x1fd: {  	p1 =	seq.s32 s13, $0x0;
	s9 =	rddreg [dreg:$0x1];
	[sflag:s31] =	ssyncadd.s32 $0xFFFFFFF0  }
0x1fe: {  	s3 =	sshll.u32 @p1 s9, $0xE;
	s8 =	rddreg [dreg:$0x2]  }
0x1ff: {  	s2 =	sadd.s32 @p1 $0x15C3C, s3;
	s3 =	sshll.u32 @p1 s8, $0x11  }
0x200: {  	_ =	sfence.stream.spmem;
	s2 =	sor.u32 @p1 s3, s2  }
0x201: {  	[sflag:s2] =	ssyncadd.remote.s32 @p1 $0x1;
	s2 =	simm.s32 @p1 $0x4  }
0x202: {  	s4 =	simm.s32 @!p1 $0x3C;
	s3 =	sand.u32 $0xFFFFFFFE, s9;
	_ =	swait.ge @p1 [sflag:s2], $0x12  }
0x203: {  	s5 =	simm.s32 @!p1 $0x0;
	s3 =	sadd.s32 @!p1 $0x4, s3;
	[sflag:s2] =	ssyncset.done @p1 $0x0  }
0x204: {  	s7 =	simm.s32 @!p1 $0x80;
	[sflag:s2] =	ssyncadd.s32 @p1 $0xFFFFFFEE;
	s2 =	sshll.u32 @!p1 s3, $0x1A  }
0x205: {  	s3 =	sshll.u32 @!p1 s3, $0xD;
	s2 =	sor.u32 @!p1 s2, s8;
	_ =	swait.eq @!p1 [sflag:s4], $0x1  }
0x206: {  	s3 =	sor.u32 @!p1 $0x1C04, s3;
	s4 =	simm.s32 @!p1 $0x1C03;
	s2 =	sor.u32 @!p1 $0x80004000, s2  }
0x207: {  	[spmem:s7], [sflag:s3] =	dma.general @!p1 [spmem:s5], [sflag:s4], length:$0x10, [dreg:$0x0], stride_count:$0x0, ici_dest:s2, dma_misc:DstOpCode:WRITE  }
0x208: {  	p2 =	slt.s32 s0, $0x2;
	s5 =	simm.s32 @!p1 $0x100;
	s7 =	simm.s32 @!p1 $0x102  }
0x209: {  	[spmem:s7], [sflag:s3] =	dma.general @!p1 [spmem:s5], [sflag:s4], length:$0x2, [dreg:$0x0], stride_count:$0x0, ici_dest:s2, dma_misc:DstOpCode:WRITE  }
.Ltmp29:
0x20a: {  	s2 =	simm.s32 @!p1 $0x3;
	(pc) =	sbr.rel @p2 .LBB2_42-.Ltmp29, $4  }
0x20b: {  	s3 =	sshll.u32 @!p1 s9, $0xE;
	_ =	swait.ge @!p1 [sflag:s2], $0x12  }
0x20c: {  	s4 =	sshll.u32 @!p1 s8, $0x11;
	s3 =	sadd.s32 @!p1 $0x11C3C, s3;
	[sflag:s2] =	ssyncset.done @!p1 $0x0  }
0x20d: {  	[sflag:s2] =	ssyncadd.s32 @!p1 $0xFFFFFFEE;
	s2 =	sor.u32 @!p1 s4, s3  }
0x20e: {  	s0 =	simm.s32 $0x0;
	[sflag:s2] =	ssyncadd.remote.s32 @!p1 $0xFFFFFFFF  }
0x20f: {  	s0 =	simm.s32 $0xA119  }
0x210: {  	v0 =	vld.msk [tilespmem:s0+$0x0], $0x1;
	_ =	sdelay $0x4  }
0x211: {  	(v2sf) =	vpush v0, $0x0;
	_ =	sdelay $0xc  }
0x212: {  	s2 =	sadd.s32 $0xFFFFFFFE, s6  }
0x213: {  	s2 =	sadd.s32 $0xFFFFFFFF, s2  }
0x214: {  	p2 =	sne.s32 s2, $0x0;
	s3 =	spop (v2sf)  }
.Ltmp30:
0x215: {  	p1 =	sgt.u32 s3, $0x270FF8;
	(pc) =	sbr.rel @!p2 .LBB2_41-.Ltmp30, $4  }
0x216: {  	s5 =	simm.s32 $0x0;
	s4 =	sand.u32 @!p1 $0x3FFFF8, s3  }
0x217: {  	s0 =	simm.s32 $0xA178;
	s3 =	sand.u32 @!p1 $0x7, s3;
	s4 =	sadd.s32 @!p1 s1, s4  }
0x218: {  	[hbm4b:s4+s3] =	stream.linear.scatter @!p1 [tilespmem:s0], [sflag:$0x5], $0x40, $0x38;
	[tilespmem:$0x1EF88] =	vst v63  }
0x219: {  	s5 =	simm.s32 @!p1 $0x100;
	s3 =	simm.s32 $0x0;
	s4 =	simm.s32 $0xA11A  }
.LBB2_40:
0x21a: {  	v0 =	vld.msk [tilespmem:s4+$0x0], $0x1;
	s2 =	sadd.s32 $0xFFFFFFFF, s2;
	s3 =	sadd.s32 s3, s5  }
0x21b: {  	p1 =	sne.s32 s2, $0x0;
	_ =	sdelay $0x3  }
0x21c: {  	(v2sf) =	vpush v0, $0x0;
	_ =	sdelay $0xe  }
.Ltmp31:
0x21d: {  	s6 =	spop (v2sf);
	(pc) =	sbr.rel @p1 .LBB2_40-.Ltmp31, $4  }
0x21e: {  	s5 =	simm.s32 $0x0;
	p2 =	sgt.u32 s6, $0x270FF8  }
0x21f: {  	s0 =	sadd.s32 $0x40, s0;
	s5 =	simm.s32 @!p2 $0x100;
	s7 =	sand.u32 @!p2 $0x3FFFF8, s6  }
0x220: {  	s4 =	sadd.s32 $0x1, s4;
	s6 =	sand.u32 @!p2 $0x7, s6;
	s7 =	sadd.s32 @!p2 s1, s7  }
0x221: {  	[hbm4b:s7+s6] =	stream.linear.scatter @!p2 [tilespmem:s0], [sflag:$0x5], $0x40, $0x38;
	[tilespmem:$0x1EF88] =	vst v63  }
.LBB2_41:
0x222: {  	s0 =	sadd.s32 s3, s5  }
0x223: {  	s0 =	sshrl.u32 s0, $0x2  }
.LBB2_42:
0x224: {  	s2 =	simm.s32 $0x5  }
0x225: {  	_ =	swait.ge [sflag:s2], s0  }
0x226: {  	s31 =	ssub.s32 $0x0, s0;
	[sflag:s2] =	ssyncset.done $0x0  }
0x227: {  	[sflag:s2] =	ssyncadd.s32 s31  }
0x228: {  	[sflag:s2] =	ssyncpa.u1 $0x1  }
.LBB2_43:
0x229: {  	s0 =	sor.u32 s13, s14  }
0x22a: {  	p1 =	sne.s32 s0, $0x0  }
.Ltmp32:
0x22b: {  	_ = 	snop;
	(pc) =	sbr.rel @p1 .LBB2_58-.Ltmp32, $3  }
0x22c: {  	_ =	sdelay $0x1  }
0x22d: {  	[bflag:$0x0] =	sbarrier.arrive $0xFFFF  }
0x22e: {  	_ =	sfence  }
0x22f: {  	s2 =	simm.s32 $0x7  }
0x230: {  	s0 =	simm.s32 $0x800;
	s3 =	simm.s32 $0xA118;
	[sflag:s2] =	ssyncpa.u1 $0x0  }
0x231: {  	[tilespmem:s3], [sflag:$0x7] =	stream.linear.gather [spmem:s0], $0x20, $0x38;
	[tilespmem:$0x1EF88] =	vst v63  }
0x232: {  	s30 =	simm.s32 $0xA138;
	s0 =	simm.s32 $0x0  }
0x233: {  	[tilespmem:s30], [sflag:$0x7] =	stream.linear.gather [spmem:s0], $0x800, $0x38;
	[tilespmem:$0x1EF88] =	vst v63  }
.Ltmp33:
0x234: {  	_ = 	snop;
	(pc) =	sbr.rel .LBB2_45-.Ltmp33, $4  }
0x235: {  	_ =	swait.ge [sflag:s2], $0x820  }
0x236: {  	[sflag:s2] =	ssyncset.done $0x0  }
0x237: {  	s31 =	simm.s32 $0x8;
	[sflag:s2] =	ssyncadd.s32 $0xFFFFF7E0  }
0x238: {  	s2 =	simm.s32 $0x0;
	[sflag:s31] =	ssyncpa.u1 $0x0  }
.LBB2_51:
0x239: {  	p1 =	slt.u32 s3, $0x270FF9  }
0x23a: {  	s4 =	sand.u32 @p1 $0x3FFFF8, s3  }
0x23b: {  	s3 =	sand.u32 @p1 $0x7, s3;
	s5 =	simm.s32 @p1 $0xA0C8;
	s4 =	sadd.s32 @p1 s1, s4  }
0x23c: {  	[tilespmem:s5], [sflag:$0x8] =	stream.linear.gather @p1 [hbm4b:s4+s3], $0x40, $0x38;
	[tilespmem:$0x1EF88] =	vst v63  }
0x23d: {  	s3 =	simm.s32 @p1 $0x8  }
0x23e: {  	_ =	swait.ge @p1 [sflag:s3], $0x40  }
0x23f: {  	[sflag:s3] =	ssyncset.done @p1 $0x0  }
0x240: {  	[sflag:s3] =	ssyncadd.s32 @p1 $0xFFFFFFC0  }
0x241: {  	v1 =	vld @p1 [tilespmem:$0xA0C8];
	_ =	sdelay $0x2  }
0x242: {  	s3 =	sshll.u32 @p1 s2, $0x8  }
0x243: {  	s4 =	sshrl.u32 @p1 s3, $0x2  }
0x244: {  	[tilespmem:s4+$0xA138] =	vst.add.f32.msk @p1 $0xffff, v1  }
0x245: {  	v1 =	vld @p1 [tilespmem:$0xA0D8];
	_ =	sdelay $0x4  }
0x246: {  	[tilespmem:s4+$0xA148] =	vst.add.f32.msk @p1 $0xffff, v1  }
0x247: {  	v1 =	vld @p1 [tilespmem:$0xA0E8];
	_ =	sdelay $0x4  }
0x248: {  	[tilespmem:s4+$0xA158] =	vst.add.f32.msk @p1 $0xffff, v1  }
0x249: {  	v1 =	vld @p1 [tilespmem:$0xA0F8];
	_ =	sdelay $0x3  }
0x24a: {  	s5 =	sshll.u32 @!p1 s2, $0x8  }
0x24b: {  	s5 =	smov.u32 @p1 s3;
	[tilespmem:s4+$0xA168] =	vst.add.f32.msk @p1 $0xffff, v1  }
0x24c: {  	s3 =	sshrl.u32 s5, $0x2;
	[tilespmem:s0+$0xA118] =	vst.msk $0x1, v0  }
0x24d: {  	v0 =	vld [tilespmem:s3+$0xA138];
	_ =	sdelay $0x2  }
0x24e: {  	s31 =	sshll.u32 s0, $0x8  }
0x24f: {  	s4 =	sshra.s32 s31, $0x2  }
0x250: {  	[tilespmem:s4+$0xA138] =	vst v0  }
0x251: {  	v0 =	vld [tilespmem:s3+$0xA148];
	_ =	sdelay $0x4  }
0x252: {  	[tilespmem:s4+$0xA148] =	vst v0  }
0x253: {  	v0 =	vld [tilespmem:s3+$0xA158];
	_ =	sdelay $0x4  }
0x254: {  	[tilespmem:s4+$0xA158] =	vst v0  }
0x255: {  	v0 =	vld [tilespmem:s3+$0xA168];
	_ =	sdelay $0x4  }
0x256: {  	s0 =	sadd.s32 $0x1, s0;
	[tilespmem:s4+$0xA168] =	vst v0  }
.LBB2_52:
0x257: {  	s2 =	sadd.s32 $0x1, s2  }
0x258: {  	p1 =	sne.s32 s2, $0x20  }
.Ltmp34:
0x259: {  	_ = 	snop;
	(pc) =	sbr.rel @!p1 .LBB2_53-.Ltmp34, $1  }
0x25a: {  	_ =	sdelay $0x3  }
.LBB2_45:
0x25b: {  	v0 =	vld.msk [tilespmem:s2+$0xA118], $0x1;
	_ =	sdelay $0x4  }
0x25c: {  	(v2sf) =	vpush v0, $0x0;
	_ =	sdelay $0xe  }
0x25d: {  	s3 =	spop (v2sf)  }
0x25e: {  	p1 =	seq.s32 s3, $0xFFFFFFFF  }
.Ltmp35:
0x25f: {  	_ = 	snop;
	(pc) =	sbr.rel @p1 .LBB2_52-.Ltmp35, $1  }
0x260: {  	_ =	sdelay $0x3  }
0x261: {  	p1 =	slt.s32 s0, $0x1  }
.Ltmp36:
0x262: {  	_ = 	snop;
	(pc) =	sbr.rel @p1 .LBB2_51-.Ltmp36, $1  }
0x263: {  	_ =	sdelay $0x3  }
0x264: {  	s4 =	simm.s32 $0xA118;
	p1 =	por $0x0, $0x0  }
0x265: {  	v1 =	vld.msk @!p1 [tilespmem:s4+$0x0], $0x1;
	_ =	sdelay $0x4  }
0x266: {  	(v2sf) =	vpush @!p1 v1, $0x0;
	_ =	sdelay $0xd  }
0x267: {  	p3 =	sne.s32 s0, $0x1  }
.Ltmp37:
0x268: {  	s5 =	spop @!p1 (v2sf);
	(pc) =	sbr.rel @!p3 .LBB2_49-.Ltmp37, $4  }
0x269: {  	p2 =	seq.s32 @!p1 s3, s5  }
0x26a: {  	s5 =	simm.s32 $0x0;
	p2 =	por !p2, p1  }
0x26b: {  	s7 =	simm.s32 $0xFFFFFFFF;
	s5 =	simm.s32 @p2 $0xFFFFFFFF  }
0x26c: {  	s6 =	simm.s32 $0x1;
	s5 =	smov.u32 @p1 s7  }
.LBB2_48:
0x26d: {  	s7 =	smov.u32 s5;
	p1 =	sne.s32 s5, $0xFFFFFFFF  }
0x26e: {  	s4 =	sadd.s32 $0x1, s4;
	s5 =	smov.u32 s6;
	s6 =	sadd.s32 $0x1, s6  }
0x26f: {  	p2 =	sne.s32 s0, s6;
	v1 =	vld.msk @!p1 [tilespmem:s4+$0x0], $0x1;
	_ =	sdelay $0x4  }
0x270: {  	(v2sf) =	vpush @!p1 v1, $0x0;
	_ =	sdelay $0xe  }
.Ltmp38:
0x271: {  	s8 =	spop @!p1 (v2sf);
	(pc) =	sbr.rel @p2 .LBB2_48-.Ltmp38, $4  }
0x272: {  	p3 =	seq.s32 @!p1 s3, s8  }
0x273: {  	p3 =	por !p3, p1  }
0x274: {  	s5 =	simm.s32 @p3 $0xFFFFFFFF  }
0x275: {  	s5 =	smov.u32 @p1 s7  }
.LBB2_49:
0x276: {  	p1 =	seq.s32 s5, $0xFFFFFFFF  }
.Ltmp39:
0x277: {  	_ = 	snop;
	(pc) =	sbr.rel @p1 .LBB2_51-.Ltmp39, $1  }
0x278: {  	_ =	sdelay $0x3  }
0x279: {  	s3 =	sshll.u32 s2, $0x6  }
0x27a: {  	s3 =	sand.u32 $0x3FFFFFC0, s3  }
0x27b: {  	v0 =	vld [tilespmem:s3+$0xA138];
	_ =	sdelay $0x2  }
0x27c: {  	s4 =	sshll.u32 s5, $0x8  }
0x27d: {  	s4 =	sshra.s32 s4, $0x2  }
0x27e: {  	[tilespmem:s4+$0xA138] =	vst.add.f32.msk $0xffff, v0  }
0x27f: {  	v0 =	vld [tilespmem:s3+$0xA148];
	_ =	sdelay $0x4  }
0x280: {  	[tilespmem:s4+$0xA148] =	vst.add.f32.msk $0xffff, v0  }
0x281: {  	v0 =	vld [tilespmem:s3+$0xA158];
	_ =	sdelay $0x4  }
0x282: {  	[tilespmem:s4+$0xA158] =	vst.add.f32.msk $0xffff, v0  }
0x283: {  	v0 =	vld [tilespmem:s3+$0xA168]  }
.Ltmp40:
0x284: {  	_ = 	snop;
	(pc) =	sbr.rel .LBB2_52-.Ltmp40, $2  }
0x285: {  	_ =	sdelay $0x2  }
0x286: {  	[tilespmem:s4+$0xA168] =	vst.add.f32.msk $0xffff, v0  }
.LBB2_53:
0x287: {  	p1 =	slt.s32 s0, $0x1  }
.Ltmp41:
0x288: {  	_ = 	snop;
	(pc) =	sbr.rel @p1 .LBB2_57-.Ltmp41, $3  }
0x289: {  	_ =	sdelay $0x1  }
0x28a: {  	s2 =	simm.s32 $0x8  }
0x28b: {  	[sflag:s2] =	ssyncpa.u1 $0x1;
	s2 =	simm.s32 $0x0  }
0x28c: {  	s3 =	simm.s32 $0xA118  }
0x28d: {  	v0 =	vld.msk [tilespmem:s3+$0x0], $0x1;
	_ =	sdelay $0x4  }
0x28e: {  	(v2sf) =	vpush v0, $0x0;
	_ =	sdelay $0xe  }
0x28f: {  	s0 =	sadd.s32 $0xFFFFFFFF, s0;
	s4 =	spop (v2sf)  }
0x290: {  	p2 =	sne.s32 s0, $0x0;
	p1 =	sgt.u32 s4, $0x270FF8  }
.Ltmp42:
0x291: {  	s5 =	sand.u32 @!p1 $0x3FFFF8, s4;
	(pc) =	sbr.rel @!p2 .LBB2_56-.Ltmp42, $4  }
0x292: {  	s3 =	simm.s32 $0xA138;
	s4 =	sand.u32 @!p1 $0x7, s4;
	s5 =	sadd.s32 @!p1 s1, s5  }
0x293: {  	[hbm4b:s5+s4] =	stream.linear.scatter @!p1 [tilespmem:s3], [sflag:$0x7], $0x40, $0x38;
	[tilespmem:$0x1EF88] =	vst v63  }
0x294: {  	s5 =	simm.s32 $0x0  }
0x295: {  	s4 =	simm.s32 $0xA119;
	s5 =	simm.s32 @!p1 $0x100  }
.LBB2_55:
0x296: {  	v0 =	vld.msk [tilespmem:s4+$0x0], $0x1;
	s0 =	sadd.s32 $0xFFFFFFFF, s0;
	s2 =	sadd.s32 s2, s5  }
0x297: {  	p1 =	sne.s32 s0, $0x0;
	_ =	sdelay $0x3  }
0x298: {  	(v2sf) =	vpush v0, $0x0;
	_ =	sdelay $0xe  }
.Ltmp43:
0x299: {  	s6 =	spop (v2sf);
	(pc) =	sbr.rel @p1 .LBB2_55-.Ltmp43, $4  }
0x29a: {  	s5 =	simm.s32 $0x0;
	p2 =	sgt.u32 s6, $0x270FF8  }
0x29b: {  	s3 =	sadd.s32 $0x40, s3;
	s5 =	simm.s32 @!p2 $0x100;
	s7 =	sand.u32 @!p2 $0x3FFFF8, s6  }
0x29c: {  	s4 =	sadd.s32 $0x1, s4;
	s6 =	sand.u32 @!p2 $0x7, s6;
	s7 =	sadd.s32 @!p2 s1, s7  }
0x29d: {  	[hbm4b:s7+s6] =	stream.linear.scatter @!p2 [tilespmem:s3], [sflag:$0x7], $0x40, $0x38;
	[tilespmem:$0x1EF88] =	vst v63  }
.LBB2_56:
0x29e: {  	s0 =	sadd.s32 s2, s5  }
0x29f: {  	s2 =	sshrl.u32 s0, $0x2  }
.LBB2_57:
0x2a0: {  	s0 =	simm.s32 $0x7  }
0x2a1: {  	_ =	swait.ge [sflag:s0], s2  }
0x2a2: {  	s1 =	ssub.s32 $0x0, s2;
	[sflag:s0] =	ssyncset.done $0x0  }
0x2a3: {  	[sflag:s0] =	ssyncadd.s32 s1  }
0x2a4: {  	[sflag:s0] =	ssyncpa.u1 $0x1  }
.LBB2_58:
0x2a5: {  	_ =	sfence;
	s0 =	simm.s32 $0x1  }
0x2a6: {  	[sflag:s0] =	ssyncpa.u1 $0x1  }
0x2a7: {  	_ =	strace $0x9000004D  }
0x2a8: {  	[bflag:$0x2] =	sbarrier.arrive $0xFFFF  }
0x2a9: {  	s0 =	rddreg [dreg:$0x3]  }
0x2aa: {  	s0 =	sadd.s32 @!p0 $0x100000, s0  }
0x2ab: {  	[sflag:s0] =	ssyncadd.tile.s32 @!p0 $0x1;
	_ =	shalt  }
.Lfunc_end2:
_tile_overlayer_lowered:
.L_overlay_start_2:
0x2ac: {  	(tag) =	ssettag $0x2  }
0x2ad: {  	s0 =	rddreg [dreg:$0x0];
	s2 =	stileid.u32  }
0x2ae: {  	s1 =	rddreg [dreg:$0x1];
	p0 =	sne.s32 s2, $0x0  }
0x2af: {  	s3 =	rddreg [dreg:$0x2];
	[bflag:$0x3] =	sbarrier.arrive $0xFFFF;
	s2 =	simm.s32 @!p0 $0x1C01  }
0x2b0: {  	[timem:s3], [sflag:s2] =	dma.local @!p0 [hbm:s0], s1  }
0x2b1: {  	s0 =	simm.s32 @!p0 $0x1  }
0x2b2: {  	_ =	swait.ge @!p0 [sflag:s0], s1  }
0x2b3: {  	s1 =	ssub.s32 @!p0 $0x0, s1;
	[sflag:s0] =	ssyncset.done @!p0 $0x0  }
0x2b4: {  	[sflag:s0] =	ssyncadd.s32 @!p0 s1  }
0x2b5: {  	[bflag:$0x3] =	sbarrier.arrive $0xFFFF  }
0x2b6: {  	_ =	shalt  }

// kernel: scatter_offload_async_start.4
scs
__scs_entry_jumppad:
0x0: {  	(pc) =	sbr.rel $0x88, $3  }
0x1: {  	(tag) =	ssettag $0x0;
	lr =	simm.s32 $0x1  }
0x2: {  	[smem:$0x3F8E] =	sst lr;
	_ =	strace $0xD0000000  }
0x3: {  	_ = 	snop  }
0x4: {  	_ = 	snop  }
0x5: {  	_ = 	snop  }
0x6: {  	_ = 	snop  }
0x7: {  	_ = 	snop  }
__scs_overlays_trampoline_lowered:
0x8: {  	[smem:$0x3F9D] =	sst s0  }
0x9: {  	[smem:$0x3F9E] =	sst s1  }
0xa: {  	[smem:$0x3F9F] =	sst s2  }
0xb: {  	[smem:$0x3FA0] =	sst s3  }
0xc: {  	[smem:$0x3FA1] =	sst s4  }
0xd: {  	[smem:$0x3FA2] =	sst s5  }
0xe: {  	[smem:$0x3FA3] =	sst s6  }
0xf: {  	[smem:$0x3FA4] =	sst s7  }
0x10: {  	[smem:$0x3FA5] =	sst s8  }
0x11: {  	[smem:$0x3FA6] =	sst s9;
	s0 =	simm.s32 @!p0 $0x0  }
0x12: {  	s1 =	sld [smem:$0x3F8C];
	s0 =	simm.s32 @p0 $0x1  }
0x13: {  	[smem:$0x3FA7] =	sst s0;
	s0 =	simm.s32 @!p1 $0x0  }
0x14: {  	s2 =	sld [smem:$0x3F8B];
	s0 =	simm.s32 @p1 $0x1  }
0x15: {  	[smem:$0x3FA8] =	sst s0;
	s0 =	simm.s32 @!p2 $0x0  }
0x16: {  	s3 =	sld [smem:$0x3FDB];
	s0 =	simm.s32 @p2 $0x1  }
0x17: {  	s4 =	simm.s32 $0x1BF5;
	[smem:$0x3FAA] =	sst s0  }
0x18: {  	s0 =	sld [smem:$0x3F8D];
	_ =	swait.ge [sflag:s4], $0x0  }
0x19: {  	s7 =	sld [smem:$0x3F8E]  }
0x1a: {  	s8 =	sadd.s32 $0xFFFFE003, lr  }
0x1b: {  	s9 =	sadd.s32 $0xFFFFFEF7, lr;
	s5 =	simm.s32 $0xFFFFFFFF;
	p2 =	slt.u32 s8, $0xFFFFF086  }
0x1c: {  	p1 =	slt.u32 s9, $0xF7A;
	s5 =	simm.s32 @!p2 $0x0  }
0x1d: {  	s5 =	simm.s32 @p1 $0x1;
	p0 =	seq.s32 s7, s2  }
0x1e: {  	s7 =	smul.u32 @!p0 $0xF7A, s2;
	p2 =	seq.s32 @!p0 s5, $0x0  }
0x1f: {  	s9 =	smul.u32 $0xF7A, s1;
	s8 =	simm.s32 @!p0 $0x1BF5;
	p2 =	por !p2, p0  }
0x20: {  	[sflag:s8] =	ssyncset.s32 @!p0 $0xFFFFF086;
	s6 =	sadd.s32 @!p0 s3, s7;
	s7 =	simm.s32 @!p0 $0x108  }
0x21: {  	s3 =	sadd.s32 s3, s9;
	s6 =	sadd.s32 @!p0 $0x88, s6;
	s7 =	simm.s32 @p2 $0x1082  }
0x22: {  	[simem:s7], [sflag:s8] =	dma.local @!p0 [hbm:s6], $0xF7A  }
0x23: {  	s9 =	sor.u32 $0xD0000000, s2;
	s6 =	simm.s32 $0x108;
	_ =	swait.ge @!p0 [sflag:s8], $0x0  }
0x24: {  	s3 =	sadd.s32 $0x88, s3;
	s6 =	simm.s32 @!p1 $0x1082;
	[sflag:s4] =	ssyncset.s32 $0xFFFFF086  }
0x25: {  	[simem:s6], [sflag:s4] =	dma.local [hbm:s3], $0xF7A  }
0x26: {  	[smem:$0x3F8E] =	sst s1;
	(tag) =	ssettag s2;
	_ =	strace s9  }
0x27: {  	s1 =	sld [smem:$0x3F9E]  }
0x28: {  	s2 =	sld [smem:$0x3F9F]  }
0x29: {  	s4 =	sld [smem:$0x3FA1]  }
0x2a: {  	p0 =	seq.s32 s5, $0x0;
	s5 =	sld [smem:$0x3FA2]  }
0x2b: {  	s6 =	sld [smem:$0x3FA3]  }
0x2c: {  	s7 =	sld [smem:$0x3FA4]  }
0x2d: {  	s3 =	simm.s32 $0x108;
	s8 =	sld [smem:$0x3FA5]  }
0x2e: {  	s3 =	simm.s32 @!p0 $0x1082;
	s9 =	sld [smem:$0x3FA6]  }
0x2f: {  	lr =	sadd.s32 s0, s3;
	s0 =	sld [smem:$0x3F9D]  }
0x30: {  	s3 =	sld [smem:$0x3FA0]  }
0x31: {  	[smem:$0x3FA9] =	sst s10  }
0x32: {  	s10 =	sld [smem:$0x3FA7];
	_ =	sdelay $0x3  }
0x33: {  	p0 =	seq.s32 s10, $0x1;
	s10 =	sld [smem:$0x3FA9];
	_ =	sdelay $0x3  }
0x34: {  	[smem:$0x3FA9] =	sst s10  }
0x35: {  	s10 =	sld [smem:$0x3FA8];
	_ =	sdelay $0x3  }
0x36: {  	p1 =	seq.s32 s10, $0x1;
	s10 =	sld [smem:$0x3FA9];
	_ =	sdelay $0x3  }
0x37: {  	[smem:$0x3FA9] =	sst s10  }
0x38: {  	s10 =	sld [smem:$0x3FAA]  }
0x39: {  	_ = 	snop;
	(pc) =	sbr.ind lr, $3  }
0x3a: {  	_ = 	snop  }
0x3b: {  	_ = 	snop  }
0x3c: {  	p2 =	seq.s32 s10, $0x1;
	s10 =	sld [smem:$0x3FA9]  }
0x3d: {  	_ =	shalt  }
0x3e: {  	_ =	shalt  }
0x3f: {  	_ =	shalt  }
0x40: {  	_ =	shalt  }
0x41: {  	_ =	shalt  }
0x42: {  	_ =	shalt  }
0x43: {  	_ =	shalt  }
0x44: {  	_ =	shalt  }
0x45: {  	_ =	shalt  }
0x46: {  	_ =	shalt  }
0x47: {  	_ =	shalt  }
0x48: {  	_ =	shalt  }
0x49: {  	_ =	shalt  }
0x4a: {  	_ =	shalt  }
0x4b: {  	_ =	shalt  }
0x4c: {  	_ =	shalt  }
0x4d: {  	_ =	shalt  }
0x4e: {  	_ =	shalt  }
0x4f: {  	_ =	shalt  }
0x50: {  	_ =	shalt  }
0x51: {  	_ =	shalt  }
0x52: {  	_ =	shalt  }
0x53: {  	_ =	shalt  }
0x54: {  	_ =	shalt  }
0x55: {  	_ =	shalt  }
0x56: {  	_ =	shalt  }
0x57: {  	_ =	shalt  }
0x58: {  	_ =	shalt  }
0x59: {  	_ =	shalt  }
0x5a: {  	_ =	shalt  }
0x5b: {  	_ =	shalt  }
0x5c: {  	_ =	shalt  }
0x5d: {  	_ =	shalt  }
0x5e: {  	_ =	shalt  }
0x5f: {  	_ =	shalt  }
0x60: {  	_ =	shalt  }
0x61: {  	_ =	shalt  }
0x62: {  	_ =	shalt  }
0x63: {  	_ =	shalt  }
0x64: {  	_ =	shalt  }
0x65: {  	_ =	shalt  }
0x66: {  	_ =	shalt  }
0x67: {  	_ =	shalt  }
0x68: {  	_ =	shalt  }
0x69: {  	_ =	shalt  }
0x6a: {  	_ =	shalt  }
0x6b: {  	_ =	shalt  }
0x6c: {  	_ =	shalt  }
0x6d: {  	_ =	shalt  }
0x6e: {  	_ =	shalt  }
0x6f: {  	_ =	shalt  }
0x70: {  	_ =	shalt  }
0x71: {  	_ =	shalt  }
0x72: {  	_ =	shalt  }
0x73: {  	_ =	shalt  }
0x74: {  	_ =	shalt  }
0x75: {  	_ =	shalt  }
0x76: {  	_ =	shalt  }
0x77: {  	_ =	shalt  }
0x78: {  	_ =	shalt  }
0x79: {  	_ =	shalt  }
0x7a: {  	_ =	shalt  }
0x7b: {  	_ =	shalt  }
0x7c: {  	_ =	shalt  }
0x7d: {  	_ =	shalt  }
0x7e: {  	_ =	shalt  }
0x7f: {  	_ =	shalt  }
0x80: {  	_ =	shalt  }
0x81: {  	_ =	shalt  }
0x82: {  	_ =	shalt  }
0x83: {  	_ =	shalt  }
0x84: {  	_ =	shalt  }
0x85: {  	_ =	shalt  }
0x86: {  	_ =	shalt  }
0x87: {  	_ =	shalt  }
.Lfunc_end0:
.L_simem_size_0:
called_computation.4_lowered:
.L_overlay_start_0:
0x88: {  	s2 =	sld [smem:$0x3FD9]  }
0x89: {  	s3 =	sld [smem:$0x3FFE];
	_ =	sdelay $0x1  }
0x8a: {  	s1 =	srdreg.scid  }
0x8b: {  	s0 =	sand.u32 $0x1, s1  }
0x8c: {  	s17 =	sshll.u32 s0, $0xA;
	s2 =	sadd.s32 s3, s2  }
0x8d: {  	s2 =	sadd.s32 s2, s17  }
0x8e: {  	[smem:$0x3FB5] =	sst s2  }
0x8f: {  	_ = 	snop  }
0x90: {  	(tm) =	ssettm $0x1  }
0x91: {  	s18 =	sld [smem:$0x3FFB];
	_ =	sdelay $0x3  }
0x92: {  	_ =	strace s18  }
0x93: {  	s2 =	sld [smem:$0x3FFC];
	_ =	sdelay $0x3  }
0x94: {  	_ =	strace s2  }
0x95: {  	s2 =	sld [smem:$0x3FFD];
	_ =	sdelay $0x3  }
0x96: {  	_ =	strace s2  }
0x97: {  	_ =	strace $0x8FFFFFFF  }
0x98: {  	s19 =	sld [smem:$0x3FDB];
	_ =	sdelay $0x1  }
0x99: {  	s20 =	simm.s32 $_scs_section_size  }
0x9a: {  	s4 =	simm.s32 $_size__tile_overlayer_lowered;
	s5 =	simm.s32 $_tile_overlayer_lowered  }
0x9b: {  	s6 =	simm.s32 $0x1BFF;
	s21 =	sshll.u32 s5, $0x1;
	s3 =	sadd.s32 s20, s19  }
0x9c: {  	s22 =	simm.s32 $0x0;
	s4 =	sshll.u32 s4, $0x1;
	s5 =	sadd.s32 s21, s3  }
0x9d: {  	[timem:s22], [sflag:s6] =	dma.local [hbm:s5], s4  }
0x9e: {  	_ =	swait.ge [sflag:s6], s4  }
0x9f: {  	s4 =	ssub.s32 $0x0, s4;
	[sflag:s6] =	ssyncset.done $0x0  }
0xa0: {  	[sflag:s6] =	ssyncadd.s32 s4;
	_ =	sdelay $0x1  }
0xa1: {  	s23 =	simm.s32 $0x1B8B  }
0xa2: {  	_ =	swait.ge [sflag:s23], $0x1  }
0xa3: {  	[sflag:s23] =	ssyncset.done $0x0  }
0xa4: {  	[sflag:s23] =	ssyncadd.s32 $0xFFFFFFFF  }
0xa5: {  	s4 =	sld [smem:$0x0]  }
0xa6: {  	s5 =	sand.u32 $0xFFFFFFFE, s1  }
0xa7: {  	p0 =	sne.s32 s1, s5  }
0xa8: {  	s5 =	sshll.u32 @p0 s5, $0xE  }
0xa9: {  	s5 =	sadd.s32 @p0 $0x11B8D, s5;
	s6 =	sshll.u32 @p0 s4, $0x11  }
0xaa: {  	s5 =	sor.u32 @p0 s6, s5  }
0xab: {  	[sflag:s5] =	ssyncadd.remote.s32 @p0 $0x1;
	_ =	sdelay $0x1  }
0xac: {  	s5 =	simm.s32 @p0 $0x1B8D  }
0xad: {  	_ =	swait.eq @p0 [sflag:s5], $0x1  }
0xae: {  	[sflag:s5] =	ssyncadd.s32 @p0 $0xFFFFFFFF  }
0xaf: {  	s6 =	sshll.u32 @!p0 s1, $0xE  }
0xb0: {  	s6 =	sor.u32 @!p0 $0x4000, s6;
	s5 =	simm.s32 @!p0 $0x1B8D  }
0xb1: {  	s7 =	sshll.u32 @!p0 s4, $0x11;
	s6 =	sadd.s32 @!p0 $0x11B8D, s6;
	_ =	swait.eq @!p0 [sflag:s5], $0x1  }
0xb2: {  	[sflag:s5] =	ssyncadd.s32 @!p0 $0xFFFFFFFF;
	s5 =	sor.u32 @!p0 s7, s6  }
0xb3: {  	s25 =	simm.s32 $0x1B8E;
	s24 =	sld [smem:$0x3FFE];
	[sflag:s5] =	ssyncadd.remote.s32 @!p0 $0x1  }
0xb4: {  	s26 =	simm.s32 $execute0_lowered;
	[smem:$0x3FD2] =	sst s25  }
0xb5: {  	s6 =	sshll.u32 s26, $0x1;
	_ =	strace $0x8000005E;
	[dreg:$0x1] =	wrdreg $0xFFFFFFFF  }
0xb6: {  	s28 =	simm.s32 $_size_execute0_lowered;
	s3 =	sadd.s32 s3, s6;
	[dreg:$0x0] =	wrdreg $0x0  }
0xb7: {  	s6 =	sshll.u32 s28, $0x1;
	[dreg:$0x2] =	wrdreg s3  }
0xb8: {  	[dreg:$0x3] =	wrdreg s6  }
0xb9: {  	[dreg:$0x4] =	wrdreg $0xC0  }
0xba: {  	_ =	task [dreg:s22], $0x5FFFF  }
0xbb: {  	[dreg:$0x1] =	wrdreg $0xFFFFFFFF  }
0xbc: {  	[dreg:$0x0] =	wrdreg $0x60  }
0xbd: {  	[dreg:$0x2] =	wrdreg s24  }
0xbe: {  	[dreg:$0x3] =	wrdreg s1  }
0xbf: {  	[dreg:$0x4] =	wrdreg s4  }
0xc0: {  	[dreg:$0x5] =	wrdreg $0xB  }
0xc1: {  	_ =	task.clear_ibuf [dreg:s22], $0x6FFFF;
	_ =	strace $0x9000005E  }
0xc2: {  	s29 =	simm.s32 $0xB;
	_ =	strace $0x80000060  }
0xc3: {  	_ =	swait.ge [sflag:s29], $0x1  }
0xc4: {  	[sflag:s29] =	ssyncadd.s32 $0xFFFFFFFF  }
0xc5: {  	_ =	strace $0x90000060  }
0xc6: {  	_ =	sfence  }
0xc7: {  	s30 =	sld [smem:$0x0];
	_ =	sdelay $0x2  }
0xc8: {  	s31 =	sshll.u32 s1, $0xD;
	s1 =	sshrl.u32 s1, $0x2  }
0xc9: {  	s4 =	sand.u32 $0x4000, s31;
	s1 =	sadd.s32 s1, s30  }
0xca: {  	s0 =	sor.u32 s4, s0;
	s1 =	sshll.u32 s1, $0x11  }
0xcb: {  	s0 =	sor.u32 s1, s0  }
0xcc: {  	s0 =	sadd.s32 $0x8F2B, s0  }
0xcd: {  	[sflag:s0] =	ssyncadd.remote.s32 $0x1  }
0xce: {  	_ =	sfence.sel $0xFFFF  }
0xcf: {  	[dreg:$0x0] =	wrdreg $0xFFFFFFFF;
	(pc) =	sbr.abs _section_cstart, $3  }
0xd0: {  	[dreg:$0x1] =	wrdreg $0xFFFFFFFF  }
0xd1: {  	_ =	task.clear_ibuf [dreg:s22], $0x2FFFF;
	_ =	strace $0x9FFFFFFF  }
0xd2: {  	(tm) =	ssettm $0x7FFFFFFF  }
0xd3: {  	_ =	shalt  }
tec
execute0_lowered:
.L_overlay_start_1:
0x0: {  	(tag) =	ssettag $0x1  }
0x1: {  	s2 =	rddreg [dreg:$0x0]  }
0x2: {  	s3 =	rddreg [dreg:$0x1];
	_ =	strace $0x8000005F;
	s0 =	simm.s32 $0x1  }
0x3: {  	v0 =	vimm.s32 $0x0;
	[sflag:s0] =	ssyncpa.u1 $0x0;
	s0 =	simm.s32 $0x108  }
0x4: {  	[tilespmem:s0+$0x70] =	vst v0  }
0x5: {  	[tilespmem:s0+$0x60] =	vst v0  }
0x6: {  	[tilespmem:s0+$0x50] =	vst v0  }
0x7: {  	[tilespmem:s0+$0x40] =	vst v0  }
0x8: {  	[tilespmem:s0+$0x30] =	vst v0  }
0x9: {  	s1 =	sadd.s32 $0x167A000, s2;
	s15 =	sadd.s32 $0x1652C00, s2;
	s6 =	sadd.s32 $0xAE00, s2;
	[tilespmem:s0+$0x20] =	vst v0  }
0xa: {  	s14 =	sadd.s32 $0x1666600, s2;
	s5 =	sand.u32 $0x1, s3;
	s3 =	simm.s32 $0x40;
	[tilespmem:s0+$0x10] =	vst v0  }
.LBB2_1:
0xb: {  	s3 =	sadd.s32 $0x40, s3;
	[tilespmem:s0+$0x0] =	vst v0;
	s0 =	sadd.s32 $0x80, s0  }
0xc: {  	p0 =	slt.u32 s3, $0x3C40;
	[tilespmem:s0+$0x70] =	vst v0  }
0xd: {  	[tilespmem:s0+$0x60] =	vst v0  }
.Ltmp0:
0xe: {  	[tilespmem:s0+$0x50] =	vst v0;
	(pc) =	sbr.rel @p0 .LBB2_1-.Ltmp0, $4  }
0xf: {  	[tilespmem:s0+$0x40] =	vst v0  }
0x10: {  	[tilespmem:s0+$0x30] =	vst v0  }
0x11: {  	[tilespmem:s0+$0x20] =	vst v0  }
0x12: {  	[tilespmem:s0+$0x10] =	vst v0  }
0x13: {  	s9 =	stileid.u32  }
0x14: {  	s2 =	smul.u32 $0x53, s9  }
0x15: {  	s3 =	smin.u32 s9, $0x6  }
0x16: {  	s2 =	sadd.s32 s3, s2  }
0x17: {  	p0 =	slt.u32 s9, $0x6;
	s7 =	smul.u32 $0xF0, s2;
	s2 =	simm.s32 $0x4EC0  }
0x18: {  	s2 =	simm.s32 @!p0 $0x4DD0  }
0x19: {  	s2 =	sadd.s32 s2, s7  }
0x1a: {  	s8 =	smin.u32 s2, $0x4E200  }
0x1b: {  	s2 =	ssub.s32 s8, s7  }
0x1c: {  	p0 =	sgt.s32 s2, $0x0  }
0x1d: {  	s29 =	simm.s32 $0x2;
	s10 =	simm.s32 $0x9;
	s2 =	simm.s32 @!p0 $0x0  }
0x1e: {  	s4 =	simm.s32 $0xA;
	s11 =	simm.s32 $0xB;
	s28 =	smulhi.u32 $0x88888889, s2  }
0x1f: {  	[dreg:$0x4] =	wrdreg s5;
	s31 =	smul.u32 $0x9C40, s5;
	s12 =	simm.s32 $0x1  }
0x20: {  	s22 =	simm.s32 $0x0;
	s18 =	simm.s32 $0xC;
	s30 =	sshrl.u32 s28, $0x7  }
0x21: {  	s20 =	simm.s32 $0x0;
	s21 =	simm.s32 $0x0;
	s3 =	smul.u32 $0xF0, s30  }
.Ltmp1:
0x22: {  	[tilespmem:s0+$0x0] =	vst v0;
	v0 =	vimm.s32 $0xFFFFFFFF;
	[sflag:s29] =	ssyncpa.u1 $0x0;
	s16 =	sshll.u32 s9, $0x8;
	(pc) =	sbr.rel .LBB2_3-.Ltmp1, $4  }
0x23: {  	[tilespmem:$0xF208] =	vst v0;
	[sflag:s10] =	ssyncpa.u1 $0x0;
	p0 =	sne.s32 s2, s3;
	s2 =	simm.s32 $0x1  }
0x24: {  	s14 =	sadd.s32 s31, s14;
	[sflag:s4] =	ssyncpa.u1 $0x0;
	s2 =	simm.s32 @!p0 $0x0  }
0x25: {  	s15 =	sadd.s32 s31, s15;
	[sflag:s11] =	ssyncpa.u1 $0x0;
	s13 =	sadd.s32 s2, s30  }
0x26: {  	v0 =	vlaneseq.u32;
	s19 =	smov.u32 s7;
	p0 =	por $0x0, $0x0;
	s17 =	sadd.s32 $0x1, s13  }
.LBB2_18:
0x27: {  	s0 =	sshrl.u32 s31, $0x2  }
.LBB2_20:
0x28: {  	_ =	swait.ge [sflag:s18], s0  }
0x29: {  	s31 =	ssub.s32 $0x0, s0;
	v1 =	vmov s24;
	vm0 =	veq.s32 v0, $0x0;
	[sflag:s18] =	ssyncset.done $0x0  }
0x2a: {  	vm15 =	veq.s32 v0, $0x2;
	v1 =	vsel vm0, s30, v1;
	[sflag:s18] =	ssyncadd.s32 s31  }
0x2b: {  	v1 =	vsel vm15, s22, v1;
	[sflag:s18] =	ssyncpa.u1 $0x1  }
0x2c: {  	[tilespmem:$0xF208] =	vst v1  }
.LBB2_21:
0x2d: {  	s0 =	sadd.s32 $0xF0, s19  }
0x2e: {  	s2 =	smov.u32 s7;
	p1 =	slt.s32 s0, s8  }
0x2f: {  	s2 =	smov.u32 @p1 s0;
	p1 =	sne.s32 s21, s17  }
.Ltmp2:
0x30: {  	_ = 	snop;
	(pc) =	sbr.rel @!p1 .LBB2_22-.Ltmp2, $3  }
0x31: {  	_ =	sdelay $0x1  }
0x32: {  	s22 =	smov.u32 s20;
	s31 =	sadd.s32 $0x1, s21;
	s20 =	smov.u32 s19  }
0x33: {  	p0 =	por !p0, !p0;
	s21 =	smov.u32 s31;
	s19 =	smov.u32 s2  }
.LBB2_3:
0x34: {  	p1 =	sge.u32 s21, s13  }
0x35: {  	s0 =	smulhi.u32 @!p1 $0xAAAAAAAB, s21  }
0x36: {  	s2 =	smov.u32 s19;
	p2 =	sgt.s32 @!p1 s19, $0x4E110  }
0x37: {  	s3 =	sshra.s32 @!p1 s19, $0x1F;
	p2 =	por !p2, p1;
	s0 =	sshrl.u32 @!p1 s0, $0x1  }
0x38: {  	s3 =	sand.u32 @!p1 s3, s19;
	s2 =	simm.s32 @p2 $0x4E110;
	s0 =	smul.u32 @!p1 $0x3, s0  }
0x39: {  	s2 =	ssub.s32 @!p1 s2, s3  }
0x3a: {  	s2 =	sadd.s32 @!p1 $0xFFFB1EF0, s2;
	s0 =	ssub.s32 @!p1 s21, s0  }
0x3b: {  	s3 =	sshll.u32 @!p1 s2, $0x2;
	p2 =	sgt.s32 @!p1 s2, $0xEF;
	s0 =	smul.u32 @!p1 $0x3C0, s0  }
0x3c: {  	s4 =	sand.u32 @!p1 $0x7, s19;
	s2 =	ssub.s32 @!p1 $0x3C0, s3;
	p2 =	por !p2, p1  }
0x3d: {  	s3 =	sshrl.u32 @!p1 s19, $0x3;
	s2 =	sshrl.u32 @!p1 s2, $0x2;
	s0 =	sshrl.u32 @!p1 s0, $0x2  }
0x3e: {  	s3 =	sadd.s32 @!p1 s3, s14;
	s2 =	simm.s32 @!p2 $0x0;
	s0 =	sadd.s32 @!p1 $0x10248, s0  }
0x3f: {  	[tilespmem:s0], [sflag:$0xA] =	stream.linear.gather @!p1 [hbm4b:s3+s4], s2, $0x38;
	[tilespmem:$0x1F6F8] =	vst v63  }
0x40: {  	s0 =	sadd.s32 $0xFFFFFFFF, s21  }
0x41: {  	p1 =	sge.u32 s0, s13  }
0x42: {  	p2 =	sgt.s32 @!p1 s20, $0x4E110  }
0x43: {  	s2 =	smov.u32 s20;
	s3 =	sshra.s32 @!p1 s20, $0x1F;
	p2 =	por !p2, p1  }
0x44: {  	s3 =	sand.u32 @!p1 s3, s20;
	s2 =	simm.s32 @p2 $0x4E110  }
0x45: {  	s2 =	ssub.s32 @!p1 s2, s3  }
0x46: {  	s2 =	sadd.s32 @!p1 $0xFFFB1EF0, s2  }
0x47: {  	s4 =	sand.u32 @!p1 $0x1, s0;
	s3 =	sshll.u32 @!p1 s2, $0x2  }
0x48: {  	p2 =	sgt.s32 @!p1 s2, $0xEF;
	s2 =	ssub.s32 @!p1 $0x3C0, s3;
	s3 =	smulhi.u32 @!p1 $0xAAAAAAAB, s0  }
0x49: {  	s23 =	smul.u32 @!p1 $0x3C0, s4;
	p2 =	por !p2, p1;
	s2 =	sshrl.u32 @!p1 s2, $0x2  }
0x4a: {  	s5 =	simm.s32 @!p1 $0xA;
	s2 =	simm.s32 @!p2 $0x0;
	s3 =	sshrl.u32 @!p1 s3, $0x1  }
0x4b: {  	s23 =	sshrl.u32 @!p1 s23, $0x2;
	_ =	swait.ge @!p1 [sflag:s5], s2;
	s3 =	smul.u32 @!p1 $0x3, s3  }
0x4c: {  	s23 =	sadd.s32 @!p1 $0x10518, s23;
	s24 =	ssub.s32 @!p1 $0x0, s2;
	[sflag:s5] =	ssyncset.done @!p1 $0x0  }
0x4d: {  	[sflag:s5] =	ssyncadd.s32 @!p1 s24;
	s5 =	sshrl.u32 @!p1 s20, $0x3;
	s0 =	ssub.s32 @!p1 s0, s3  }
0x4e: {  	s24 =	sand.u32 @!p1 $0x7, s20;
	s5 =	sadd.s32 @!p1 s5, s15;
	s0 =	smul.u32 @!p1 $0x3C0, s0  }
0x4f: {  	[tilespmem:s23], [sflag:$0xB] =	stream.linear.gather @!p1 [hbm4b:s5+s24], s2, $0x38;
	[tilespmem:$0x1F6F8] =	vst v63  }
0x50: {  	s3 =	ssub.s32 @!p1 $0x4E200, s20;
	s2 =	smul.u32 @!p1 $0x1E000, s4  }
0x51: {  	p2 =	slt.s32 @!p1 s3, $0xF0  }
0x52: {  	p2 =	por !p2, p1;
	s0 =	sshrl.u32 @!p1 s0, $0x2;
	s2 =	sshrl.u32 @!p1 s2, $0x2  }
0x53: {  	s3 =	simm.s32 @p2 $0xF0;
	s0 =	sadd.s32 @!p1 $0x10248, s0;
	s2 =	sor.u32 @!p1 $0x106F8, s2  }
0x54: {  	[tilespmem:s2], [sflag:$0x9] =	stream.indirect.gather @!p1 [hbm4b:s6+s3], $0x80, s0, s3, $0xb8;
	[tilespmem:$0x1F6F8] =	vst v63  }
0x55: {  	p1 =	slt.u32 s21, $0x2  }
.Ltmp3:
0x56: {  	_ = 	snop;
	(pc) =	sbr.rel @p1 .LBB2_21-.Ltmp3, $1  }
0x57: {  	_ =	sdelay $0x3  }
0x58: {  	p1 =	sgt.s32 s22, $0x4E110  }
0x59: {  	s0 =	smov.u32 s22;
	s2 =	sshra.s32 s22, $0x1F;
	s3 =	ssub.s32 $0x4E200, s22  }
0x5a: {  	s0 =	simm.s32 @!p1 $0x4E110;
	s2 =	sand.u32 s2, s22;
	p1 =	slt.s32 s3, $0xF0  }
0x5b: {  	s0 =	ssub.s32 s0, s2;
	s3 =	simm.s32 @!p1 $0xF0  }
0x5c: {  	s0 =	sadd.s32 $0xFFFB1EF0, s0;
	s25 =	sshll.u32 s3, $0x7  }
0x5d: {  	s26 =	sshll.u32 s0, $0x2;
	s2 =	sand.u32 $0x3FFFFF80, s25  }
0x5e: {  	p1 =	sgt.s32 s0, $0xEF;
	s29 =	ssub.s32 $0x3C0, s26;
	_ =	swait.ge [sflag:s10], s2  }
0x5f: {  	s2 =	ssub.s32 $0x0, s2;
	[sflag:s10] =	ssyncset.done $0x0;
	s0 =	sshrl.u32 s29, $0x2  }
0x60: {  	[sflag:s10] =	ssyncadd.s32 s2;
	s0 =	simm.s32 @p1 $0x0  }
0x61: {  	_ =	swait.ge [sflag:s11], s0  }
0x62: {  	s0 =	ssub.s32 $0x0, s0;
	[sflag:s11] =	ssyncset.done $0x0  }
0x63: {  	[sflag:s11] =	ssyncadd.s32 s0  }
0x64: {  	v1 =	vld [tilespmem:$0xF208];
	_ =	sdelay $0x4  }
0x65: {  	(v2sf) =	vpush v1, $0x0  }
0x66: {  	(v2sf) =	vpush v1, $0x1  }
0x67: {  	(v2sf) =	vpush v1, $0x2;
	_ =	sdelay $0x3  }
0x68: {  	s0 =	sadd.s32 $0xF0, s22  }
0x69: {  	s2 =	ssub.s32 $0x9C400, s22;
	p1 =	slt.s32 s8, s0  }
0x6a: {  	s0 =	smov.u32 @p1 s8;
	p1 =	sgt.s32 s2, $0x0  }
0x6b: {  	s26 =	ssub.s32 s0, s22;
	s2 =	simm.s32 @!p1 $0x0  }
0x6c: {  	p1 =	slt.s32 s2, s26  }
0x6d: {  	s26 =	smov.u32 @p1 s2  }
0x6e: {  	s25 =	simm.s32 $0x1;
	p1 =	slt.s32 s26, $0x1  }
.Ltmp4:
0x6f: {  	s25 =	simm.s32 @!p0 $0x0;
	(pc) =	sbr.rel @p1 .LBB2_8-.Ltmp4, $4  }
0x70: {  	s31 =	smul.u32 $0x3C0, s25  }
0x71: {  	s28 =	spop (v2sf)  }
0x72: {  	s0 =	sshrl.u32 s31, $0x2;
	s30 =	spop (v2sf)  }
0x73: {  	s23 =	sadd.s32 $0x10518, s0;
	s22 =	spop (v2sf)  }
0x74: {  	s0 =	smin.u32 s26, $0x10  }
0x75: {  	v1 =	vmov s0  }
0x76: {  	p2 =	sgt.s32 s26, $0x10;
	vm1 =	vgt.u32 v1, v0  }
.Ltmp5:
0x77: {  	_ = 	snop;
	(pc) =	sbr.rel @!p2 .LBB2_7-.Ltmp5, $2  }
0x78: {  	_ =	sdelay $0x2  }
0x79: {  	s4 =	simm.s32 $0x10;
	s24 =	sadd.s32 $0xFFFFFFF0, s26;
	s0 =	smov.u32 s23;
	vm0 =	vmmov vm1  }
.LBB2_6:
0x7a: {  	s2 =	smin.u32 s24, $0x10;
	s4 =	sadd.s32 $0x10, s4;
	v1 =	vld.msk [tilespmem:s0+$0x0 ss:$0x1], vm1  }
0x7b: {  	v2 =	vmov s2;
	p2 =	slt.s32 s4, s26  }
0x7c: {  	vm1 =	vgt.u32 v2, v0  }
.Ltmp6:
0x7d: {  	(pc) =	sbr.rel @p2 .LBB2_6-.Ltmp6, $3  }
0x7e: {  	_ =	sdelay $0x1  }
0x7f: {  	v1 =	vshll.u32 v1, $0x4  }
0x80: {  	s24 =	sadd.s32 $0xFFFFFFF0, s24;
	[tilespmem:s0+$0x0] =	vst.msk vm0, v1;
	s0 =	sadd.s32 $0x10, s0;
	vm0 =	vmmov vm1  }
.LBB2_7:
0x81: {  	_ =	sdelay $0x4  }
0x82: {  	v1 =	vld.msk [tilespmem:s0+$0x0 ss:$0x1], vm1;
	_ =	sdelay $0x4  }
0x83: {  	v1 =	vshll.u32 v1, $0x4  }
0x84: {  	[tilespmem:s0+$0x0] =	vst.msk vm0, v1  }
.LBB2_8:
0x85: {  	s0 =	sand.u32 $0x1, s21  }
0x86: {  	s0 =	smul.u32 $0xF0, s0  }
0x87: {  	p2 =	sne.s32 s30, $0xFFFFFFFF  }
0x88: {  	v1 =	vld.msk @!p2 [tilespmem:s0+$0x10518], $0x1;
	_ =	sdelay $0x4  }
0x89: {  	(v2sf) =	vpush @!p2 v1, $0x0;
	_ =	sdelay $0xc  }
.Ltmp7:
0x8a: {  	_ = 	snop;
	(pc) =	sbr.rel @p1 .LBB2_19-.Ltmp7, $4  }
0x8b: {  	_ = 	snop  }
0x8c: {  	s29 =	spop @!p2 (v2sf)  }
0x8d: {  	s22 =	simm.s32 @!p2 $0x0;
	s24 =	smov.u32 s29  }
0x8e: {  	[sflag:s18] =	ssyncpa.u1 $0x0;
	s29 =	smov.u32 @p2 s28;
	s24 =	smov.u32 @p2 s30  }
0x8f: {  	v1 =	vld.msk [tilespmem:s23+$0x0], $0x1;
	_ =	sdelay $0x4  }
0x90: {  	(v2sf) =	vpush v1, $0x0;
	_ =	sdelay $0xe  }
0x91: {  	s2 =	smul.u32 $0x1E000, s25;
	s0 =	spop (v2sf)  }
0x92: {  	s26 =	ssub.s32 $0x0, s26;
	p1 =	seq.s32 s29, s0  }
0x93: {  	s30 =	sadd.s32 $0x1, s26;
	s2 =	sshrl.u32 s2, $0x2;
	p2 =	sgt.s32 @!p1 s29, $0x0  }
0x94: {  	s25 =	sor.u32 $0x10738, s2;
	s2 =	smov.u32 s29;
	p2 =	por !p2, p1  }
0x95: {  	s2 =	simm.s32 @p2 $0x0;
	p2 =	seq.s32 s30, $0x0  }
.Ltmp8:
0x96: {  	_ = 	snop;
	(pc) =	sbr.rel @p2 .LBB2_11-.Ltmp8, $4  }
0x97: {  	_ = 	snop  }
0x98: {  	s28 =	simm.s32 $0x0;
	s31 =	sadd.s32 $0x1, s23;
	s2 =	smin.u32 @!p1 s2, $0x270FF0  }
0x99: {  	s4 =	simm.s32 @!p1 $0x1;
	s5 =	simm.s32 @!p1 $0x7988;
	s3 =	sand.u32 @!p1 $0x3FFFF8, s2  }
0x9a: {  	s4 =	smov.u32 @p1 s28;
	s2 =	sand.u32 @!p1 $0x7, s2;
	s3 =	sadd.s32 @!p1 s1, s3  }
.LBB2_10:
0x9b: {  	s9 =	smov.u32 s4  }
0x9c: {  	[tilespmem:s5], [sflag:$0x2] =	stream.linear.gather @!p1 [hbm4b:s3+s2], $0x80, $0x38;
	[tilespmem:$0x1F6F8] =	vst v63  }
0x9d: {  	s30 =	sadd.s32 $0x1, s30;
	s2 =	smov.u32 s0;
	v1 =	vld.msk [tilespmem:s31+$0x0], $0x1  }
0x9e: {  	p2 =	seq.s32 s30, $0x0;
	_ =	sdelay $0x3  }
0x9f: {  	(v2sf) =	vpush v1, $0x0;
	_ =	sdelay $0xe  }
0xa0: {  	s0 =	spop (v2sf)  }
0xa1: {  	p1 =	seq.s32 s2, s0  }
0xa2: {  	p3 =	sgt.s32 @!p1 s2, $0x0;
	s3 =	sshll.u32 @!p1 s4, $0x9;
	s4 =	sadd.s32 @!p1 $0x1, s4  }
.Ltmp9:
0xa3: {  	p3 =	por !p3, p1;
	s3 =	sshra.s32 @!p1 s3, $0x2;
	(pc) =	sbr.rel @!p2 .LBB2_10-.Ltmp9, $4  }
0xa4: {  	s4 =	smov.u32 @p1 s9;
	s2 =	simm.s32 @p3 $0x0;
	s5 =	sadd.s32 @!p1 $0x7988, s3  }
0xa5: {  	s2 =	smin.u32 @!p1 s2, $0x270FF0  }
0xa6: {  	s3 =	sand.u32 @!p1 $0x3FFFF8, s2;
	s2 =	sand.u32 @!p1 $0x7, s2  }
0xa7: {  	s31 =	sadd.s32 $0x1, s31;
	s3 =	sadd.s32 @!p1 s1, s3  }
.LBB2_11:
0xa8: {  	[tilespmem:s5], [sflag:$0x2] =	stream.linear.gather @!p1 [hbm4b:s3+s2], $0x80, $0x38;
	[tilespmem:$0x1F6F8] =	vst v63  }
.Ltmp10:
0xa9: {  	s0 =	sshll.u32 s4, $0x7;
	(pc) =	sbr.rel .LBB2_12-.Ltmp10, $4  }
0xaa: {  	s30 =	simm.s32 $0x2;
	s0 =	sand.u32 $0x3FFFFF80, s0  }
0xab: {  	_ =	swait.ge [sflag:s30], s0  }
0xac: {  	s0 =	ssub.s32 $0x0, s0;
	[sflag:s30] =	ssyncset.done $0x0  }
0xad: {  	s31 =	simm.s32 $0x0;
	[sflag:s30] =	ssyncadd.s32 s0  }
.LBB2_13:
0xae: {  	v1 =	vld [tilespmem:s25+$0xFFFFFFC0];
	_ =	sdelay $0x3  }
0xaf: {  	s0 =	sshra.s32 s0, $0x2  }
0xb0: {  	[tilespmem:s0+$0x108] =	vst.add.f32.msk $0xffff, v1  }
0xb1: {  	v1 =	vld [tilespmem:s25+$0xFFFFFFD0];
	_ =	sdelay $0x4  }
0xb2: {  	[tilespmem:s0+$0x118] =	vst.add.f32.msk $0xffff, v1  }
0xb3: {  	v1 =	vld [tilespmem:s25+$0xFFFFFFE0];
	_ =	sdelay $0x4  }
0xb4: {  	[tilespmem:s0+$0x128] =	vst.add.f32.msk $0xffff, v1  }
0xb5: {  	v1 =	vld [tilespmem:s25+$0xFFFFFFF0];
	_ =	sdelay $0x4  }
0xb6: {  	[tilespmem:s0+$0x138] =	vst.add.f32.msk $0xffff, v1  }
0xb7: {  	v1 =	vld [tilespmem:s25+$0x0];
	_ =	sdelay $0x4  }
0xb8: {  	[tilespmem:s0+$0x148] =	vst.add.f32.msk $0xffff, v1  }
0xb9: {  	v1 =	vld [tilespmem:s25+$0x10];
	_ =	sdelay $0x4  }
0xba: {  	[tilespmem:s0+$0x158] =	vst.add.f32.msk $0xffff, v1  }
0xbb: {  	v1 =	vld [tilespmem:s25+$0x20];
	_ =	sdelay $0x4  }
0xbc: {  	[tilespmem:s0+$0x168] =	vst.add.f32.msk $0xffff, v1  }
0xbd: {  	v1 =	vld [tilespmem:s25+$0x30];
	_ =	sdelay $0x4  }
0xbe: {  	[tilespmem:s0+$0x178] =	vst.add.f32.msk $0xffff, v1  }
.LBB2_17:
0xbf: {  	s26 =	sadd.s32 $0x1, s26  }
0xc0: {  	p1 =	seq.s32 s26, $0x0  }
.Ltmp11:
0xc1: {  	_ = 	snop;
	(pc) =	sbr.rel @p1 .LBB2_18-.Ltmp11, $2  }
0xc2: {  	_ =	sdelay $0x2  }
0xc3: {  	s23 =	sadd.s32 $0x1, s23;
	s25 =	sadd.s32 $0x80, s25;
	s29 =	smov.u32 s30  }
.LBB2_12:
0xc4: {  	v1 =	vld.msk [tilespmem:s23+$0x0], $0x1;
	_ =	sdelay $0x4  }
0xc5: {  	(v2sf) =	vpush v1, $0x0;
	_ =	sdelay $0xe  }
0xc6: {  	s30 =	spop (v2sf)  }
0xc7: {  	p1 =	sne.s32 s29, s30  }
.Ltmp12:
0xc8: {  	_ = 	snop;
	(pc) =	sbr.rel @!p1 .LBB2_13-.Ltmp12, $2  }
0xc9: {  	_ =	sdelay $0x2  }
0xca: {  	s0 =	sshll.u32 s22, $0x9  }
0xcb: {  	p1 =	seq.s32 s29, s24  }
.Ltmp13:
0xcc: {  	_ = 	snop;
	(pc) =	sbr.rel @!p1 .LBB2_15-.Ltmp13, $1  }
0xcd: {  	_ =	sdelay $0x3  }
0xce: {  	s0 =	sshra.s32 s0, $0x2  }
.Ltmp14:
0xcf: {  	s0 =	sadd.s32 $0x108, s0;
	(pc) =	sbr.rel .LBB2_16-.Ltmp14, $4  }
0xd0: {  	[spmem:s16] =	stream.linear.scatter [tilespmem:s0], [sflag:$0x1], $0x80, $0x38;
	[tilespmem:$0x1F6F8] =	vst v63  }
0xd1: {  	_ =	swait.ge [sflag:s12], $0x80  }
0xd2: {  	[sflag:s12] =	ssyncset.done $0x0  }
0xd3: {  	[sflag:s12] =	ssyncadd.s32 $0xFFFFFF80  }
.LBB2_15:
0xd4: {  	s2 =	sshll.u32 s28, $0x9  }
0xd5: {  	s2 =	sshra.s32 s2, $0x2  }
0xd6: {  	v1 =	vld [tilespmem:s2+$0x7988];
	_ =	sdelay $0x3  }
0xd7: {  	s0 =	sshra.s32 s0, $0x2  }
0xd8: {  	[tilespmem:s0+$0x108] =	vst.add.f32.msk $0xffff, v1  }
0xd9: {  	v1 =	vld [tilespmem:s2+$0x7998];
	_ =	sdelay $0x4  }
0xda: {  	[tilespmem:s0+$0x118] =	vst.add.f32.msk $0xffff, v1  }
0xdb: {  	v1 =	vld [tilespmem:s2+$0x79A8];
	_ =	sdelay $0x4  }
0xdc: {  	[tilespmem:s0+$0x128] =	vst.add.f32.msk $0xffff, v1  }
0xdd: {  	v1 =	vld [tilespmem:s2+$0x79B8];
	_ =	sdelay $0x4  }
0xde: {  	[tilespmem:s0+$0x138] =	vst.add.f32.msk $0xffff, v1  }
0xdf: {  	v1 =	vld [tilespmem:s2+$0x79C8];
	_ =	sdelay $0x4  }
0xe0: {  	[tilespmem:s0+$0x148] =	vst.add.f32.msk $0xffff, v1  }
0xe1: {  	v1 =	vld [tilespmem:s2+$0x79D8];
	_ =	sdelay $0x4  }
0xe2: {  	[tilespmem:s0+$0x158] =	vst.add.f32.msk $0xffff, v1  }
0xe3: {  	v1 =	vld [tilespmem:s2+$0x79E8];
	_ =	sdelay $0x4  }
0xe4: {  	[tilespmem:s0+$0x168] =	vst.add.f32.msk $0xffff, v1  }
0xe5: {  	v1 =	vld [tilespmem:s2+$0x79F8];
	_ =	sdelay $0x2  }
0xe6: {  	p1 =	sgt.u32 s29, $0x270FF0  }
0xe7: {  	s2 =	sand.u32 @!p1 $0x3FFFF8, s29  }
0xe8: {  	s3 =	sadd.s32 $0x108, s0;
	[tilespmem:s0+$0x178] =	vst.add.f32.msk $0xffff, v1;
	s0 =	sadd.s32 @!p1 s1, s2;
	s2 =	sand.u32 @!p1 $0x7, s29  }
0xe9: {  	[hbm4b:s0+s2] =	stream.linear.scatter @!p1 [tilespmem:s3], [sflag:$0xC], $0x80, $0x38;
	[tilespmem:$0x1F6F8] =	vst v63  }
0xea: {  	s0 =	simm.s32 $0x0  }
0xeb: {  	s0 =	simm.s32 @!p1 $0x200  }
0xec: {  	s31 =	sadd.s32 s0, s31  }
.LBB2_16:
0xed: {  	s0 =	sadd.s32 $0x1, s22  }
0xee: {  	s2 =	smulhi.u32 $0x88888889, s0;
	_ =	sdelay $0x1  }
0xef: {  	v1 =	vld [tilespmem:s25+$0xFFFFFFC0];
	s2 =	sshrl.u32 s2, $0x7  }
0xf0: {  	s2 =	smul.u32 $0xF0, s2;
	_ =	sdelay $0x1  }
0xf1: {  	s22 =	ssub.s32 s0, s2  }
0xf2: {  	s0 =	sshll.u32 s22, $0x7  }
0xf3: {  	[tilespmem:s0+$0x108] =	vst v1  }
0xf4: {  	v1 =	vld [tilespmem:s25+$0xFFFFFFD0];
	_ =	sdelay $0x4  }
0xf5: {  	[tilespmem:s0+$0x118] =	vst v1  }
0xf6: {  	v1 =	vld [tilespmem:s25+$0xFFFFFFE0];
	_ =	sdelay $0x4  }
0xf7: {  	[tilespmem:s0+$0x128] =	vst v1  }
0xf8: {  	v1 =	vld [tilespmem:s25+$0xFFFFFFF0];
	_ =	sdelay $0x4  }
0xf9: {  	[tilespmem:s0+$0x138] =	vst v1  }
0xfa: {  	v1 =	vld [tilespmem:s25+$0x0];
	_ =	sdelay $0x4  }
0xfb: {  	[tilespmem:s0+$0x148] =	vst v1  }
0xfc: {  	v1 =	vld [tilespmem:s25+$0x10];
	_ =	sdelay $0x4  }
0xfd: {  	[tilespmem:s0+$0x158] =	vst v1  }
0xfe: {  	v1 =	vld [tilespmem:s25+$0x20];
	_ =	sdelay $0x4  }
0xff: {  	[tilespmem:s0+$0x168] =	vst v1  }
0x100: {  	v1 =	vld [tilespmem:s25+$0x30]  }
.Ltmp15:
0x101: {  	_ = 	snop;
	(pc) =	sbr.rel .LBB2_17-.Ltmp15, $2  }
0x102: {  	_ =	sdelay $0x2  }
0x103: {  	s28 =	sadd.s32 $0x1, s28;
	[tilespmem:s0+$0x178] =	vst v1  }
.LBB2_19:
.Ltmp16:
0x104: {  	(pc) =	sbr.rel .LBB2_20-.Ltmp16, $4  }
0x105: {  	_ = 	snop  }
0x106: {  	s0 =	simm.s32 $0x2  }
0x107: {  	_ =	swait.ge [sflag:s0], $0x0  }
0x108: {  	s30 =	smov.u32 s29;
	[sflag:s0] =	ssyncset.done $0x0;
	s0 =	simm.s32 $0x0  }
.LBB2_22:
0x109: {  	_ =	sfence.sel $0x180000  }
0x10a: {  	s0 =	simm.s32 $0x9;
	[bflag:$0x0] =	sbarrier.arrive $0xFFFF  }
0x10b: {  	s24 =	simm.s32 $0xA;
	[sflag:s0] =	ssyncpa.u1 $0x1  }
0x10c: {  	s25 =	simm.s32 $0xB;
	[sflag:s24] =	ssyncpa.u1 $0x1  }
0x10d: {  	s26 =	simm.s32 $0x2;
	[sflag:s25] =	ssyncpa.u1 $0x1  }
0x10e: {  	[sflag:s26] =	ssyncpa.u1 $0x1  }
0x10f: {  	v0 =	vld [tilespmem:$0xF208];
	_ =	sdelay $0x4  }
0x110: {  	(v2sf) =	vpush v0, $0x0  }
0x111: {  	(v2sf) =	vpush v0, $0x1;
	_ =	sdelay $0x1  }
0x112: {  	(v2sf) =	vpush v0, $0x2;
	_ =	sdelay $0xb  }
0x113: {  	s0 =	spop (v2sf)  }
0x114: {  	s2 =	spop (v2sf)  }
0x115: {  	s3 =	smov.u32 s0;
	p0 =	sne.s32 s0, s2  }
0x116: {  	s4 =	spop (v2sf);
	s3 =	simm.s32 @!p0 $0xFFFFFFFF  }
0x117: {  	v2 =	vimm.s32 $0x1;
	v3 =	vlaneseq.u32;
	p0 =	seq.s32 s4, $0xFFFFFFFF;
	v1 =	vmov s3  }
0x118: {  	s16 =	stileid.u32;
	v0 =	vperm.xlane v0, v2;
	p1 =	sne.s32 @!p0 s0, s2;
	v1 =	vperm.xlane v1, v3  }
0x119: {  	vm0 =	vcmask $0x3F04;
	s6 =	simm.s32 $0xF208;
	s0 =	simm.s32 @!p0 $0x1;
	p1 =	por !p1, p0  }
0x11a: {  	s3 =	sshll.u32 s16, $0x1;
	s2 =	sshll.u32 @!p0 s4, $0x9;
	s0 =	simm.s32 @p1 $0x0;
	v0 =	vsel vm0, v1, v0  }
0x11b: {  	s5 =	sor.u32 $0x1000, s3;
	s2 =	sshra.s32 @!p0 s2, $0x2;
	s0 =	sor.u32 @!p0 s0, s3;
	[tilespmem:$0xF208] =	vst v0  }
0x11c: {  	[spmem:s5] =	stream.linear.scatter [tilespmem:s6], [sflag:$0x1], $0x2, $0x38;
	[tilespmem:$0x1F6F8] =	vst v63  }
0x11d: {  	s2 =	sadd.s32 @!p0 $0x108, s2;
	s0 =	sshll.u32 @!p0 s0, $0x7  }
0x11e: {  	[spmem:s0] =	stream.linear.scatter @!p0 [tilespmem:s2], [sflag:$0x1], $0x80, $0x38;
	[tilespmem:$0x1F6F8] =	vst v63  }
0x11f: {  	s0 =	simm.s32 @!p0 $0x82  }
0x120: {  	s28 =	simm.s32 $0x1;
	s0 =	simm.s32 @p0 $0x2  }
0x121: {  	_ =	swait.ge [sflag:s28], s0  }
0x122: {  	s0 =	ssub.s32 $0x0, s0;
	[sflag:s28] =	ssyncset.done $0x0  }
0x123: {  	p0 =	sne.s32 s16, $0x0;
	[sflag:s28] =	ssyncadd.s32 s0  }
.Ltmp17:
0x124: {  	_ =	sfence.stream.spmem;
	(pc) =	sbr.rel @p0 .LBB2_39-.Ltmp17, $4  }
0x125: {  	s29 =	simm.s32 $0x3;
	[bflag:$0x0] =	sbarrier.arrive $0xFFFF  }
0x126: {  	s30 =	simm.s32 $0x4;
	[sflag:s29] =	ssyncpa.u1 $0x1  }
0x127: {  	s31 =	simm.s32 $0x3C;
	[sflag:s30] =	ssyncpa.u1 $0x1  }
0x128: {  	s15 =	rddreg [dreg:$0x4];
	[sflag:s31] =	ssyncpa.u1 $0x1  }
0x129: {  	_ =	sfence.stream.spmem;
	s0 =	simm.s32 $0x5  }
0x12a: {  	s2 =	simm.s32 $0x1000;
	s3 =	simm.s32 $0xF218;
	[sflag:s0] =	ssyncpa.u1 $0x0  }
0x12b: {  	[tilespmem:s3], [sflag:$0x5] =	stream.linear.gather [spmem:s2], $0x20, $0x38;
	[tilespmem:$0x1F6F8] =	vst v63  }
0x12c: {  	s26 =	simm.s32 $0x0;
	s28 =	simm.s32 $0xF238  }
0x12d: {  	[tilespmem:s28], [sflag:$0x5] =	stream.linear.gather [spmem:s26], $0x1000, $0x38;
	[tilespmem:$0x1F6F8] =	vst v63  }
0x12e: {  	_ =	swait.ge [sflag:s0], $0x1020  }
0x12f: {  	[sflag:s0] =	ssyncset.done $0x0  }
0x130: {  	s29 =	simm.s32 $0x0;
	[sflag:s0] =	ssyncadd.s32 $0xFFFFEFE0  }
0x131: {  	v0 =	vld.msk [tilespmem:s29+$0xF218], $0x1;
	_ =	sdelay $0x1  }
0x132: {  	s30 =	simm.s32 $0x1  }
0x133: {  	v1 =	vld.msk [tilespmem:s30+$0xF218], $0x1;
	_ =	sdelay $0x1  }
0x134: {  	(v2sf) =	vpush v0, $0x0;
	_ =	sdelay $0x2  }
0x135: {  	(v2sf) =	vpush v1, $0x0;
	_ =	sdelay $0x2  }
0x136: {  	s31 =	simm.s32 $0x2  }
0x137: {  	v0 =	vld.msk [tilespmem:s31+$0xF218], $0x1;
	_ =	sdelay $0x2  }
0x138: {  	s4 =	simm.s32 $0xFFFFFFFF;
	s5 =	simm.s32 $0xFFFFFFFF;
	s0 =	simm.s32 $0xC  }
.LBB2_24:
0x139: {  	s2 =	smov.u32 s5;
	s3 =	smov.u32 s4  }
0x13a: {  	s4 =	sshra.s32 s0, $0x2;
	p1 =	sne.s32 s0, $0x7C;
	s0 =	sadd.s32 $0x4, s0;
	(v2sf) =	vpush v0, $0x0  }
0x13b: {  	v0 =	vld.msk [tilespmem:s4+$0xF218], $0x1  }
.Ltmp18:
0x13c: {  	(pc) =	sbr.rel @p1 .LBB2_24-.Ltmp18, $4  }
0x13d: {  	s5 =	spop (v2sf)  }
0x13e: {  	p2 =	sne.s32 s3, $0xFFFFFFFF;
	s4 =	smov.u32 s5  }
0x13f: {  	p3 =	seq.s32 s5, $0xFFFFFFFF;
	s4 =	smov.u32 @p2 s3  }
0x140: {  	s5 =	smov.u32 @p3 s2;
	s4 =	smov.u32 @p3 s3  }
0x141: {  	(v2sf) =	vpush v0, $0x0;
	_ =	sdelay $0x8  }
0x142: {  	s0 =	spop (v2sf)  }
0x143: {  	p1 =	sne.s32 s4, $0xFFFFFFFF;
	s2 =	smov.u32 s0  }
0x144: {  	s9 =	simm.s32 $0x6;
	p2 =	seq.s32 s0, $0xFFFFFFFF;
	s2 =	smov.u32 @p1 s4  }
0x145: {  	s6 =	simm.s32 $0x0;
	s2 =	smov.u32 @p2 s4;
	s3 =	spop (v2sf)  }
0x146: {  	s0 =	smov.u32 @p2 s5;
	p1 =	sne.s32 s2, $0xFFFFFFFF;
	s4 =	smov.u32 s3  }
.Ltmp19:
0x147: {  	p2 =	seq.s32 s3, $0xFFFFFFFF;
	s4 =	smov.u32 @p1 s2;
	(pc) =	sbr.rel .LBB2_26-.Ltmp19, $4  }
0x148: {  	s10 =	simm.s32 $0xF188;
	s4 =	smov.u32 @p2 s2;
	s7 =	spop (v2sf)  }
0x149: {  	s11 =	simm.s32 $0x0;
	p1 =	sne.s32 s4, $0xFFFFFFFF;
	s8 =	smov.u32 s7  }
0x14a: {  	s3 =	smov.u32 @p2 s0;
	p2 =	seq.s32 s7, $0xFFFFFFFF;
	s8 =	smov.u32 @p1 s4  }
0x14b: {  	[sflag:s9] =	ssyncpa.u1 $0x0;
	s7 =	smov.u32 @p2 s3;
	s8 =	smov.u32 @p2 s4  }
.LBB2_32:
0x14c: {  	p1 =	sgt.u32 s12, $0x270FF0  }
0x14d: {  	p2 =	seq.s32 @!p1 s12, s8  }
0x14e: {  	p1 =	por p1, p2  }
0x14f: {  	p2 =	sne.s32 @!p1 s12, s7  }
0x150: {  	p1 =	por p1, !p2  }
0x151: {  	s0 =	sshll.u32 @p1 s11, $0x9  }
0x152: {  	s0 =	sand.u32 @!p1 $0x3FFFF8, s12  }
0x153: {  	s2 =	sand.u32 @!p1 $0x7, s12;
	s0 =	sadd.s32 @!p1 s1, s0  }
0x154: {  	[tilespmem:s10], [sflag:$0x6] =	stream.linear.gather @!p1 [hbm4b:s0+s2], $0x80, $0x38;
	[tilespmem:$0x1F6F8] =	vst v63  }
0x155: {  	_ =	swait.ge @!p1 [sflag:s9], $0x80  }
0x156: {  	[sflag:s9] =	ssyncset.done @!p1 $0x0  }
0x157: {  	[sflag:s9] =	ssyncadd.s32 @!p1 $0xFFFFFF80  }
0x158: {  	v1 =	vld @!p1 [tilespmem:$0xF188];
	_ =	sdelay $0x2  }
0x159: {  	s0 =	sshll.u32 @!p1 s11, $0x9  }
0x15a: {  	s2 =	sshrl.u32 @!p1 s0, $0x2  }
0x15b: {  	[tilespmem:s2+$0xF238] =	vst.add.f32.msk @!p1 $0xffff, v1  }
0x15c: {  	v1 =	vld @!p1 [tilespmem:$0xF198];
	_ =	sdelay $0x4  }
0x15d: {  	[tilespmem:s2+$0xF248] =	vst.add.f32.msk @!p1 $0xffff, v1  }
0x15e: {  	v1 =	vld @!p1 [tilespmem:$0xF1A8];
	_ =	sdelay $0x4  }
0x15f: {  	[tilespmem:s2+$0xF258] =	vst.add.f32.msk @!p1 $0xffff, v1  }
0x160: {  	v1 =	vld @!p1 [tilespmem:$0xF1B8];
	_ =	sdelay $0x4  }
0x161: {  	[tilespmem:s2+$0xF268] =	vst.add.f32.msk @!p1 $0xffff, v1  }
0x162: {  	v1 =	vld @!p1 [tilespmem:$0xF1C8];
	_ =	sdelay $0x4  }
0x163: {  	[tilespmem:s2+$0xF278] =	vst.add.f32.msk @!p1 $0xffff, v1  }
0x164: {  	v1 =	vld @!p1 [tilespmem:$0xF1D8];
	_ =	sdelay $0x4  }
0x165: {  	[tilespmem:s2+$0xF288] =	vst.add.f32.msk @!p1 $0xffff, v1  }
0x166: {  	v1 =	vld @!p1 [tilespmem:$0xF1E8];
	_ =	sdelay $0x4  }
0x167: {  	[tilespmem:s2+$0xF298] =	vst.add.f32.msk @!p1 $0xffff, v1  }
0x168: {  	v1 =	vld @!p1 [tilespmem:$0xF1F8];
	_ =	sdelay $0x4  }
0x169: {  	[tilespmem:s2+$0xF2A8] =	vst.add.f32.msk @!p1 $0xffff, v1  }
0x16a: {  	s0 =	sshrl.u32 s0, $0x2;
	[tilespmem:s6+$0xF218] =	vst.msk $0x1, v0  }
0x16b: {  	v0 =	vld [tilespmem:s0+$0xF238];
	_ =	sdelay $0x2  }
0x16c: {  	s31 =	sshll.u32 s6, $0x9  }
0x16d: {  	s2 =	sshra.s32 s31, $0x2  }
0x16e: {  	[tilespmem:s2+$0xF238] =	vst v0  }
0x16f: {  	v0 =	vld [tilespmem:s0+$0xF248];
	_ =	sdelay $0x4  }
0x170: {  	[tilespmem:s2+$0xF248] =	vst v0  }
0x171: {  	v0 =	vld [tilespmem:s0+$0xF258];
	_ =	sdelay $0x4  }
0x172: {  	[tilespmem:s2+$0xF258] =	vst v0  }
0x173: {  	v0 =	vld [tilespmem:s0+$0xF268];
	_ =	sdelay $0x4  }
0x174: {  	[tilespmem:s2+$0xF268] =	vst v0  }
0x175: {  	v0 =	vld [tilespmem:s0+$0xF278];
	_ =	sdelay $0x4  }
0x176: {  	[tilespmem:s2+$0xF278] =	vst v0  }
0x177: {  	v0 =	vld [tilespmem:s0+$0xF288];
	_ =	sdelay $0x4  }
0x178: {  	[tilespmem:s2+$0xF288] =	vst v0  }
0x179: {  	v0 =	vld [tilespmem:s0+$0xF298];
	_ =	sdelay $0x4  }
0x17a: {  	[tilespmem:s2+$0xF298] =	vst v0  }
0x17b: {  	v0 =	vld [tilespmem:s0+$0xF2A8];
	_ =	sdelay $0x4  }
0x17c: {  	s6 =	sadd.s32 $0x1, s6;
	[tilespmem:s2+$0xF2A8] =	vst v0  }
.LBB2_33:
0x17d: {  	s11 =	sadd.s32 $0x1, s11  }
0x17e: {  	p1 =	sne.s32 s11, $0x20  }
.Ltmp20:
0x17f: {  	_ = 	snop;
	(pc) =	sbr.rel @!p1 .LBB2_34-.Ltmp20, $1  }
0x180: {  	_ =	sdelay $0x3  }
.LBB2_26:
0x181: {  	v0 =	vld.msk [tilespmem:s11+$0xF218], $0x1;
	_ =	sdelay $0x4  }
0x182: {  	(v2sf) =	vpush v0, $0x0;
	_ =	sdelay $0xe  }
0x183: {  	s12 =	spop (v2sf)  }
0x184: {  	p1 =	seq.s32 s12, $0xFFFFFFFF  }
.Ltmp21:
0x185: {  	_ = 	snop;
	(pc) =	sbr.rel @p1 .LBB2_33-.Ltmp21, $1  }
0x186: {  	_ =	sdelay $0x3  }
0x187: {  	p1 =	slt.s32 s6, $0x1  }
.Ltmp22:
0x188: {  	_ = 	snop;
	(pc) =	sbr.rel @p1 .LBB2_32-.Ltmp22, $1  }
0x189: {  	_ =	sdelay $0x3  }
0x18a: {  	s13 =	simm.s32 $0xF218;
	p1 =	por $0x0, $0x0  }
0x18b: {  	v1 =	vld.msk @!p1 [tilespmem:s13+$0x0], $0x1;
	_ =	sdelay $0x4  }
0x18c: {  	(v2sf) =	vpush @!p1 v1, $0x0;
	_ =	sdelay $0xd  }
0x18d: {  	p3 =	sne.s32 s6, $0x1  }
.Ltmp23:
0x18e: {  	s0 =	spop @!p1 (v2sf);
	(pc) =	sbr.rel @!p3 .LBB2_30-.Ltmp23, $4  }
0x18f: {  	p2 =	seq.s32 @!p1 s12, s0  }
0x190: {  	s14 =	simm.s32 $0x0;
	p2 =	por !p2, p1  }
0x191: {  	s2 =	simm.s32 $0xFFFFFFFF;
	s14 =	simm.s32 @p2 $0xFFFFFFFF  }
0x192: {  	s0 =	simm.s32 $0x1;
	s14 =	smov.u32 @p1 s2  }
.LBB2_29:
0x193: {  	s2 =	smov.u32 s14;
	p1 =	sne.s32 s14, $0xFFFFFFFF  }
0x194: {  	s13 =	sadd.s32 $0x1, s13;
	s14 =	smov.u32 s0;
	s0 =	sadd.s32 $0x1, s0  }
0x195: {  	p2 =	sne.s32 s6, s0;
	v1 =	vld.msk @!p1 [tilespmem:s13+$0x0], $0x1;
	_ =	sdelay $0x4  }
0x196: {  	(v2sf) =	vpush @!p1 v1, $0x0;
	_ =	sdelay $0xe  }
.Ltmp24:
0x197: {  	s3 =	spop @!p1 (v2sf);
	(pc) =	sbr.rel @p2 .LBB2_29-.Ltmp24, $4  }
0x198: {  	p3 =	seq.s32 @!p1 s12, s3  }
0x199: {  	p3 =	por !p3, p1  }
0x19a: {  	s14 =	simm.s32 @p3 $0xFFFFFFFF  }
0x19b: {  	s14 =	smov.u32 @p1 s2  }
.LBB2_30:
0x19c: {  	p1 =	seq.s32 s14, $0xFFFFFFFF  }
.Ltmp25:
0x19d: {  	_ = 	snop;
	(pc) =	sbr.rel @p1 .LBB2_32-.Ltmp25, $1  }
0x19e: {  	_ =	sdelay $0x3  }
0x19f: {  	s0 =	sshll.u32 s11, $0x7  }
0x1a0: {  	s0 =	sand.u32 $0x3FFFFF80, s0  }
0x1a1: {  	v0 =	vld [tilespmem:s0+$0xF238];
	_ =	sdelay $0x2  }
0x1a2: {  	s2 =	sshll.u32 s14, $0x9  }
0x1a3: {  	s2 =	sshra.s32 s2, $0x2  }
0x1a4: {  	[tilespmem:s2+$0xF238] =	vst.add.f32.msk $0xffff, v0  }
0x1a5: {  	v0 =	vld [tilespmem:s0+$0xF248];
	_ =	sdelay $0x4  }
0x1a6: {  	[tilespmem:s2+$0xF248] =	vst.add.f32.msk $0xffff, v0  }
0x1a7: {  	v0 =	vld [tilespmem:s0+$0xF258];
	_ =	sdelay $0x4  }
0x1a8: {  	[tilespmem:s2+$0xF258] =	vst.add.f32.msk $0xffff, v0  }
0x1a9: {  	v0 =	vld [tilespmem:s0+$0xF268];
	_ =	sdelay $0x4  }
0x1aa: {  	[tilespmem:s2+$0xF268] =	vst.add.f32.msk $0xffff, v0  }
0x1ab: {  	v0 =	vld [tilespmem:s0+$0xF278];
	_ =	sdelay $0x4  }
0x1ac: {  	[tilespmem:s2+$0xF278] =	vst.add.f32.msk $0xffff, v0  }
0x1ad: {  	v0 =	vld [tilespmem:s0+$0xF288];
	_ =	sdelay $0x4  }
0x1ae: {  	[tilespmem:s2+$0xF288] =	vst.add.f32.msk $0xffff, v0  }
0x1af: {  	v0 =	vld [tilespmem:s0+$0xF298];
	_ =	sdelay $0x4  }
0x1b0: {  	[tilespmem:s2+$0xF298] =	vst.add.f32.msk $0xffff, v0  }
0x1b1: {  	v0 =	vld [tilespmem:s0+$0xF2A8]  }
.Ltmp26:
0x1b2: {  	_ = 	snop;
	(pc) =	sbr.rel .LBB2_33-.Ltmp26, $2  }
0x1b3: {  	_ =	sdelay $0x2  }
0x1b4: {  	[tilespmem:s2+$0xF2A8] =	vst.add.f32.msk $0xffff, v0  }
.LBB2_34:
0x1b5: {  	s0 =	simm.s32 $0x6;
	p1 =	seq.s32 s6, $0x0  }
0x1b6: {  	[sflag:s0] =	ssyncpa.u1 $0x1;
	v0 =	vimm.s32 @p1 $0xFFFFFFFF  }
0x1b7: {  	s9 =	sadd.s32 $0xFFFFFFFF, s6;
	[tilespmem:$0x10238] =	vst @p1 v0  }
0x1b8: {  	v0 =	vld.msk @!p1 [tilespmem:s9+$0xF218], $0x1;
	_ =	sdelay $0x1  }
0x1b9: {  	v1 =	vld.msk @!p1 [tilespmem:$0xF218], $0x1;
	_ =	sdelay $0x2  }
0x1ba: {  	p2 =	seq.s32 @!p1 s9, $0x0;
	v0 =	vbroadcast @!p1 v0, $0x0  }
0x1bb: {  	vm0 =	vmmov @!p1 $0x1;
	p2 =	por !p2, p1  }
0x1bc: {  	v1 =	vnsel @!p1 vm0, $0xFFFFFFFF, v1;
	vm0 =	vcmask @!p1 $0x308;
	v0 =	vpsel !p2, $0xFFFFFFFF, v0  }
0x1bd: {  	p2 =	sne.s32 @!p1 s8, s7;
	v0 =	vsel @!p1 vm0, v1, v0  }
0x1be: {  	s0 =	simm.s32 @!p1 $0xF238;
	s2 =	simm.s32 @!p1 $0x0;
	p3 =	por !p2, p1;
	[tilespmem:$0x10238] =	vst @!p1 v0  }
0x1bf: {  	[spmem:s2] =	stream.linear.scatter @!p1 [tilespmem:s0], [sflag:$0x1], $0x80, $0x38;
	[tilespmem:$0x1F6F8] =	vst v63  }
0x1c0: {  	s0 =	sshll.u32 @!p3 s9, $0x9  }
0x1c1: {  	s0 =	sshra.s32 @!p3 s0, $0x2  }
0x1c2: {  	s2 =	simm.s32 @!p3 $0x80;
	s0 =	sadd.s32 @!p3 $0xF238, s0  }
0x1c3: {  	[spmem:s2] =	stream.linear.scatter @!p3 [tilespmem:s0], [sflag:$0x1], $0x80, $0x38;
	[tilespmem:$0x1F6F8] =	vst v63  }
0x1c4: {  	s0 =	simm.s32 @!p3 $0x1  }
0x1c5: {  	_ =	swait.ge @!p3 [sflag:s0], $0x100  }
0x1c6: {  	p1 =	por p2, p1;
	[sflag:s0] =	ssyncset.done @!p3 $0x0  }
0x1c7: {  	[sflag:s0] =	ssyncadd.s32 @!p3 $0xFFFFFF00;
	s0 =	simm.s32 @!p1 $0x1  }
0x1c8: {  	_ =	swait.ge @!p1 [sflag:s0], $0x80  }
0x1c9: {  	s29 =	simm.s32 $0x10238;
	[sflag:s0] =	ssyncset.done @!p1 $0x0  }
0x1ca: {  	s30 =	simm.s32 $0x1000;
	s31 =	simm.s32 $0x1;
	[sflag:s0] =	ssyncadd.s32 @!p1 $0xFFFFFF80  }
0x1cb: {  	[spmem:s30] =	stream.linear.scatter [tilespmem:s29], [sflag:$0x1], $0x10, $0x38;
	[tilespmem:$0x1F6F8] =	vst v63  }
0x1cc: {  	_ =	swait.ge [sflag:s31], $0x10  }
0x1cd: {  	[sflag:s31] =	ssyncset.done $0x0  }
0x1ce: {  	p1 =	seq.s32 s15, $0x0;
	s8 =	rddreg [dreg:$0x1];
	[sflag:s31] =	ssyncadd.s32 $0xFFFFFFF0  }
0x1cf: {  	s2 =	sshll.u32 @p1 s8, $0xE;
	s7 =	rddreg [dreg:$0x2]  }
0x1d0: {  	s0 =	sadd.s32 @p1 $0x15C3C, s2;
	s2 =	sshll.u32 @p1 s7, $0x11  }
0x1d1: {  	_ =	sfence.stream.spmem;
	s0 =	sor.u32 @p1 s2, s0  }
0x1d2: {  	[sflag:s0] =	ssyncadd.remote.s32 @p1 $0x1;
	s0 =	simm.s32 @p1 $0x4  }
0x1d3: {  	s3 =	simm.s32 @!p1 $0x3C;
	s2 =	sand.u32 $0xFFFFFFFE, s8;
	_ =	swait.ge @p1 [sflag:s0], $0x22  }
0x1d4: {  	s4 =	simm.s32 @!p1 $0x0;
	s2 =	sadd.s32 @!p1 $0x4, s2;
	[sflag:s0] =	ssyncset.done @p1 $0x0  }
0x1d5: {  	s5 =	simm.s32 @!p1 $0x100;
	[sflag:s0] =	ssyncadd.s32 @p1 $0xFFFFFFDE;
	s0 =	sshll.u32 @!p1 s2, $0x1A  }
0x1d6: {  	s2 =	sshll.u32 @!p1 s2, $0xD;
	s0 =	sor.u32 @!p1 s0, s7;
	_ =	swait.eq @!p1 [sflag:s3], $0x1  }
0x1d7: {  	s2 =	sor.u32 @!p1 $0x1C04, s2;
	s3 =	simm.s32 @!p1 $0x1C03;
	s0 =	sor.u32 @!p1 $0x80004000, s0  }
0x1d8: {  	[spmem:s5], [sflag:s2] =	dma.general @!p1 [spmem:s4], [sflag:s3], length:$0x20, [dreg:$0x0], stride_count:$0x0, ici_dest:s0, dma_misc:DstOpCode:WRITE  }
0x1d9: {  	p2 =	slt.s32 s9, $0x2;
	s4 =	simm.s32 @!p1 $0x200;
	s5 =	simm.s32 @!p1 $0x202  }
0x1da: {  	[spmem:s5], [sflag:s2] =	dma.general @!p1 [spmem:s4], [sflag:s3], length:$0x2, [dreg:$0x0], stride_count:$0x0, ici_dest:s0, dma_misc:DstOpCode:WRITE  }
.Ltmp27:
0x1db: {  	s0 =	simm.s32 @!p1 $0x3;
	(pc) =	sbr.rel @p2 .LBB2_38-.Ltmp27, $4  }
0x1dc: {  	s2 =	sshll.u32 @!p1 s8, $0xE;
	_ =	swait.ge @!p1 [sflag:s0], $0x22  }
0x1dd: {  	s3 =	sshll.u32 @!p1 s7, $0x11;
	s2 =	sadd.s32 @!p1 $0x11C3C, s2;
	[sflag:s0] =	ssyncset.done @!p1 $0x0  }
0x1de: {  	[sflag:s0] =	ssyncadd.s32 @!p1 $0xFFFFFFDE;
	s0 =	sor.u32 @!p1 s3, s2  }
0x1df: {  	[sflag:s0] =	ssyncadd.remote.s32 @!p1 $0xFFFFFFFF;
	s0 =	simm.s32 $0x0  }
0x1e0: {  	s0 =	simm.s32 $0xF219  }
0x1e1: {  	v0 =	vld.msk [tilespmem:s0+$0x0], $0x1;
	_ =	sdelay $0x4  }
0x1e2: {  	(v2sf) =	vpush v0, $0x0;
	_ =	sdelay $0xb  }
0x1e3: {  	s31 =	sadd.s32 $0xFFFFFFFE, s6  }
0x1e4: {  	s0 =	sadd.s32 $0xFFFFFFFF, s31  }
0x1e5: {  	p2 =	sne.s32 s0, $0x0  }
.Ltmp28:
0x1e6: {  	s2 =	spop (v2sf);
	(pc) =	sbr.rel @!p2 .LBB2_37-.Ltmp28, $4  }
0x1e7: {  	s4 =	simm.s32 $0xF2B8;
	s7 =	simm.s32 $0x0;
	p1 =	sgt.u32 s2, $0x270FF0  }
0x1e8: {  	s5 =	simm.s32 $0x0;
	s6 =	simm.s32 $0xF21A;
	s3 =	sand.u32 @!p1 $0x3FFFF8, s2  }
0x1e9: {  	s2 =	sand.u32 @!p1 $0x7, s2;
	s7 =	simm.s32 @!p1 $0x200;
	s3 =	sadd.s32 @!p1 s1, s3  }
0x1ea: {  	[hbm4b:s3+s2] =	stream.linear.scatter @!p1 [tilespmem:s4], [sflag:$0x5], $0x80, $0x38;
	[tilespmem:$0x1F6F8] =	vst v63  }
.LBB2_36:
0x1eb: {  	v0 =	vld.msk [tilespmem:s6+$0x0], $0x1;
	s0 =	sadd.s32 $0xFFFFFFFF, s0;
	s5 =	sadd.s32 s5, s7  }
0x1ec: {  	p1 =	sne.s32 s0, $0x0;
	_ =	sdelay $0x3  }
0x1ed: {  	(v2sf) =	vpush v0, $0x0;
	_ =	sdelay $0xe  }
.Ltmp29:
0x1ee: {  	s2 =	spop (v2sf);
	(pc) =	sbr.rel @p1 .LBB2_36-.Ltmp29, $4  }
0x1ef: {  	s7 =	simm.s32 $0x0;
	p2 =	sgt.u32 s2, $0x270FF0  }
0x1f0: {  	s4 =	sadd.s32 $0x80, s4;
	s7 =	simm.s32 @!p2 $0x200;
	s3 =	sand.u32 @!p2 $0x3FFFF8, s2  }
0x1f1: {  	s6 =	sadd.s32 $0x1, s6;
	s2 =	sand.u32 @!p2 $0x7, s2;
	s3 =	sadd.s32 @!p2 s1, s3  }
0x1f2: {  	[hbm4b:s3+s2] =	stream.linear.scatter @!p2 [tilespmem:s4], [sflag:$0x5], $0x80, $0x38;
	[tilespmem:$0x1F6F8] =	vst v63  }
.LBB2_37:
0x1f3: {  	s0 =	sadd.s32 s5, s7  }
0x1f4: {  	s0 =	sshrl.u32 s0, $0x2  }
.LBB2_38:
0x1f5: {  	s2 =	simm.s32 $0x5  }
0x1f6: {  	_ =	swait.ge [sflag:s2], s0  }
0x1f7: {  	s31 =	ssub.s32 $0x0, s0;
	[sflag:s2] =	ssyncset.done $0x0  }
0x1f8: {  	[sflag:s2] =	ssyncadd.s32 s31  }
0x1f9: {  	[sflag:s2] =	ssyncpa.u1 $0x1  }
.LBB2_39:
0x1fa: {  	s0 =	sor.u32 s15, s16  }
0x1fb: {  	p1 =	sne.s32 s0, $0x0  }
.Ltmp30:
0x1fc: {  	_ = 	snop;
	(pc) =	sbr.rel @p1 .LBB2_54-.Ltmp30, $3  }
0x1fd: {  	_ =	sdelay $0x1  }
0x1fe: {  	[bflag:$0x0] =	sbarrier.arrive $0xFFFF  }
0x1ff: {  	_ =	sfence  }
0x200: {  	s0 =	simm.s32 $0x7  }
0x201: {  	s2 =	simm.s32 $0x1000;
	s3 =	simm.s32 $0xF218;
	[sflag:s0] =	ssyncpa.u1 $0x0  }
0x202: {  	[tilespmem:s3], [sflag:$0x7] =	stream.linear.gather [spmem:s2], $0x20, $0x38;
	[tilespmem:$0x1F6F8] =	vst v63  }
0x203: {  	s30 =	simm.s32 $0xF238;
	s2 =	simm.s32 $0x0  }
0x204: {  	[tilespmem:s30], [sflag:$0x7] =	stream.linear.gather [spmem:s2], $0x1000, $0x38;
	[tilespmem:$0x1F6F8] =	vst v63  }
.Ltmp31:
0x205: {  	_ = 	snop;
	(pc) =	sbr.rel .LBB2_41-.Ltmp31, $4  }
0x206: {  	_ =	swait.ge [sflag:s0], $0x1020  }
0x207: {  	[sflag:s0] =	ssyncset.done $0x0  }
0x208: {  	s31 =	simm.s32 $0x8;
	[sflag:s0] =	ssyncadd.s32 $0xFFFFEFE0  }
0x209: {  	s3 =	simm.s32 $0x0;
	[sflag:s31] =	ssyncpa.u1 $0x0  }
.LBB2_47:
0x20a: {  	p1 =	slt.u32 s4, $0x270FF1  }
0x20b: {  	s0 =	sand.u32 @p1 $0x3FFFF8, s4  }
0x20c: {  	s4 =	sand.u32 @p1 $0x7, s4;
	s5 =	simm.s32 @p1 $0xF188;
	s0 =	sadd.s32 @p1 s1, s0  }
0x20d: {  	[tilespmem:s5], [sflag:$0x8] =	stream.linear.gather @p1 [hbm4b:s0+s4], $0x80, $0x38;
	[tilespmem:$0x1F6F8] =	vst v63  }
0x20e: {  	s0 =	simm.s32 @p1 $0x8  }
0x20f: {  	_ =	swait.ge @p1 [sflag:s0], $0x80  }
0x210: {  	[sflag:s0] =	ssyncset.done @p1 $0x0  }
0x211: {  	[sflag:s0] =	ssyncadd.s32 @p1 $0xFFFFFF80  }
0x212: {  	v1 =	vld @p1 [tilespmem:$0xF188];
	_ =	sdelay $0x2  }
0x213: {  	s0 =	sshll.u32 @p1 s3, $0x9  }
0x214: {  	s4 =	sshrl.u32 @p1 s0, $0x2  }
0x215: {  	[tilespmem:s4+$0xF238] =	vst.add.f32.msk @p1 $0xffff, v1  }
0x216: {  	v1 =	vld @p1 [tilespmem:$0xF198];
	_ =	sdelay $0x4  }
0x217: {  	[tilespmem:s4+$0xF248] =	vst.add.f32.msk @p1 $0xffff, v1  }
0x218: {  	v1 =	vld @p1 [tilespmem:$0xF1A8];
	_ =	sdelay $0x4  }
0x219: {  	[tilespmem:s4+$0xF258] =	vst.add.f32.msk @p1 $0xffff, v1  }
0x21a: {  	v1 =	vld @p1 [tilespmem:$0xF1B8];
	_ =	sdelay $0x4  }
0x21b: {  	[tilespmem:s4+$0xF268] =	vst.add.f32.msk @p1 $0xffff, v1  }
0x21c: {  	v1 =	vld @p1 [tilespmem:$0xF1C8];
	_ =	sdelay $0x4  }
0x21d: {  	[tilespmem:s4+$0xF278] =	vst.add.f32.msk @p1 $0xffff, v1  }
0x21e: {  	v1 =	vld @p1 [tilespmem:$0xF1D8];
	_ =	sdelay $0x4  }
0x21f: {  	[tilespmem:s4+$0xF288] =	vst.add.f32.msk @p1 $0xffff, v1  }
0x220: {  	v1 =	vld @p1 [tilespmem:$0xF1E8];
	_ =	sdelay $0x4  }
0x221: {  	[tilespmem:s4+$0xF298] =	vst.add.f32.msk @p1 $0xffff, v1  }
0x222: {  	v1 =	vld @p1 [tilespmem:$0xF1F8];
	_ =	sdelay $0x3  }
0x223: {  	s5 =	sshll.u32 @!p1 s3, $0x9  }
0x224: {  	s5 =	smov.u32 @p1 s0;
	[tilespmem:s4+$0xF2A8] =	vst.add.f32.msk @p1 $0xffff, v1  }
0x225: {  	s0 =	sshrl.u32 s5, $0x2;
	[tilespmem:s2+$0xF218] =	vst.msk $0x1, v0  }
0x226: {  	v0 =	vld [tilespmem:s0+$0xF238];
	_ =	sdelay $0x2  }
0x227: {  	s31 =	sshll.u32 s2, $0x9  }
0x228: {  	s4 =	sshra.s32 s31, $0x2  }
0x229: {  	[tilespmem:s4+$0xF238] =	vst v0  }
0x22a: {  	v0 =	vld [tilespmem:s0+$0xF248];
	_ =	sdelay $0x4  }
0x22b: {  	[tilespmem:s4+$0xF248] =	vst v0  }
0x22c: {  	v0 =	vld [tilespmem:s0+$0xF258];
	_ =	sdelay $0x4  }
0x22d: {  	[tilespmem:s4+$0xF258] =	vst v0  }
0x22e: {  	v0 =	vld [tilespmem:s0+$0xF268];
	_ =	sdelay $0x4  }
0x22f: {  	[tilespmem:s4+$0xF268] =	vst v0  }
0x230: {  	v0 =	vld [tilespmem:s0+$0xF278];
	_ =	sdelay $0x4  }
0x231: {  	[tilespmem:s4+$0xF278] =	vst v0  }
0x232: {  	v0 =	vld [tilespmem:s0+$0xF288];
	_ =	sdelay $0x4  }
0x233: {  	[tilespmem:s4+$0xF288] =	vst v0  }
0x234: {  	v0 =	vld [tilespmem:s0+$0xF298];
	_ =	sdelay $0x4  }
0x235: {  	[tilespmem:s4+$0xF298] =	vst v0  }
0x236: {  	v0 =	vld [tilespmem:s0+$0xF2A8];
	_ =	sdelay $0x4  }
0x237: {  	s2 =	sadd.s32 $0x1, s2;
	[tilespmem:s4+$0xF2A8] =	vst v0  }
.LBB2_48:
0x238: {  	s3 =	sadd.s32 $0x1, s3  }
0x239: {  	p1 =	sne.s32 s3, $0x20  }
.Ltmp32:
0x23a: {  	_ = 	snop;
	(pc) =	sbr.rel @!p1 .LBB2_49-.Ltmp32, $1  }
0x23b: {  	_ =	sdelay $0x3  }
.LBB2_41:
0x23c: {  	v0 =	vld.msk [tilespmem:s3+$0xF218], $0x1;
	_ =	sdelay $0x4  }
0x23d: {  	(v2sf) =	vpush v0, $0x0;
	_ =	sdelay $0xe  }
0x23e: {  	s4 =	spop (v2sf)  }
0x23f: {  	p1 =	seq.s32 s4, $0xFFFFFFFF  }
.Ltmp33:
0x240: {  	_ = 	snop;
	(pc) =	sbr.rel @p1 .LBB2_48-.Ltmp33, $1  }
0x241: {  	_ =	sdelay $0x3  }
0x242: {  	p1 =	slt.s32 s2, $0x1  }
.Ltmp34:
0x243: {  	_ = 	snop;
	(pc) =	sbr.rel @p1 .LBB2_47-.Ltmp34, $1  }
0x244: {  	_ =	sdelay $0x3  }
0x245: {  	s5 =	simm.s32 $0xF218;
	p1 =	por $0x0, $0x0  }
0x246: {  	v1 =	vld.msk @!p1 [tilespmem:s5+$0x0], $0x1;
	_ =	sdelay $0x4  }
0x247: {  	(v2sf) =	vpush @!p1 v1, $0x0;
	_ =	sdelay $0xd  }
0x248: {  	p3 =	sne.s32 s2, $0x1  }
.Ltmp35:
0x249: {  	s0 =	spop @!p1 (v2sf);
	(pc) =	sbr.rel @!p3 .LBB2_45-.Ltmp35, $4  }
0x24a: {  	p2 =	seq.s32 @!p1 s4, s0  }
0x24b: {  	s6 =	simm.s32 $0x0;
	p2 =	por !p2, p1  }
0x24c: {  	s7 =	simm.s32 $0xFFFFFFFF;
	s6 =	simm.s32 @p2 $0xFFFFFFFF  }
0x24d: {  	s0 =	simm.s32 $0x1;
	s6 =	smov.u32 @p1 s7  }
.LBB2_44:
0x24e: {  	s7 =	smov.u32 s6;
	p1 =	sne.s32 s6, $0xFFFFFFFF  }
0x24f: {  	s5 =	sadd.s32 $0x1, s5;
	s6 =	smov.u32 s0;
	s0 =	sadd.s32 $0x1, s0  }
0x250: {  	p2 =	sne.s32 s2, s0;
	v1 =	vld.msk @!p1 [tilespmem:s5+$0x0], $0x1;
	_ =	sdelay $0x4  }
0x251: {  	(v2sf) =	vpush @!p1 v1, $0x0;
	_ =	sdelay $0xe  }
.Ltmp36:
0x252: {  	s8 =	spop @!p1 (v2sf);
	(pc) =	sbr.rel @p2 .LBB2_44-.Ltmp36, $4  }
0x253: {  	p3 =	seq.s32 @!p1 s4, s8  }
0x254: {  	p3 =	por !p3, p1  }
0x255: {  	s6 =	simm.s32 @p3 $0xFFFFFFFF  }
0x256: {  	s6 =	smov.u32 @p1 s7  }
.LBB2_45:
0x257: {  	p1 =	seq.s32 s6, $0xFFFFFFFF  }
.Ltmp37:
0x258: {  	_ = 	snop;
	(pc) =	sbr.rel @p1 .LBB2_47-.Ltmp37, $1  }
0x259: {  	_ =	sdelay $0x3  }
0x25a: {  	s0 =	sshll.u32 s3, $0x7  }
0x25b: {  	s0 =	sand.u32 $0x3FFFFF80, s0  }
0x25c: {  	v0 =	vld [tilespmem:s0+$0xF238];
	_ =	sdelay $0x2  }
0x25d: {  	s4 =	sshll.u32 s6, $0x9  }
0x25e: {  	s4 =	sshra.s32 s4, $0x2  }
0x25f: {  	[tilespmem:s4+$0xF238] =	vst.add.f32.msk $0xffff, v0  }
0x260: {  	v0 =	vld [tilespmem:s0+$0xF248];
	_ =	sdelay $0x4  }
0x261: {  	[tilespmem:s4+$0xF248] =	vst.add.f32.msk $0xffff, v0  }
0x262: {  	v0 =	vld [tilespmem:s0+$0xF258];
	_ =	sdelay $0x4  }
0x263: {  	[tilespmem:s4+$0xF258] =	vst.add.f32.msk $0xffff, v0  }
0x264: {  	v0 =	vld [tilespmem:s0+$0xF268];
	_ =	sdelay $0x4  }
0x265: {  	[tilespmem:s4+$0xF268] =	vst.add.f32.msk $0xffff, v0  }
0x266: {  	v0 =	vld [tilespmem:s0+$0xF278];
	_ =	sdelay $0x4  }
0x267: {  	[tilespmem:s4+$0xF278] =	vst.add.f32.msk $0xffff, v0  }
0x268: {  	v0 =	vld [tilespmem:s0+$0xF288];
	_ =	sdelay $0x4  }
0x269: {  	[tilespmem:s4+$0xF288] =	vst.add.f32.msk $0xffff, v0  }
0x26a: {  	v0 =	vld [tilespmem:s0+$0xF298];
	_ =	sdelay $0x4  }
0x26b: {  	[tilespmem:s4+$0xF298] =	vst.add.f32.msk $0xffff, v0  }
0x26c: {  	v0 =	vld [tilespmem:s0+$0xF2A8]  }
.Ltmp38:
0x26d: {  	_ = 	snop;
	(pc) =	sbr.rel .LBB2_48-.Ltmp38, $2  }
0x26e: {  	_ =	sdelay $0x2  }
0x26f: {  	[tilespmem:s4+$0xF2A8] =	vst.add.f32.msk $0xffff, v0  }
.LBB2_49:
0x270: {  	p1 =	slt.s32 s2, $0x1  }
.Ltmp39:
0x271: {  	_ = 	snop;
	(pc) =	sbr.rel @p1 .LBB2_53-.Ltmp39, $3  }
0x272: {  	_ =	sdelay $0x1  }
0x273: {  	s0 =	simm.s32 $0x8  }
0x274: {  	s3 =	simm.s32 $0x0;
	[sflag:s0] =	ssyncpa.u1 $0x1  }
0x275: {  	s0 =	simm.s32 $0xF218  }
0x276: {  	v0 =	vld.msk [tilespmem:s0+$0x0], $0x1;
	_ =	sdelay $0x4  }
0x277: {  	(v2sf) =	vpush v0, $0x0;
	_ =	sdelay $0xe  }
0x278: {  	s0 =	sadd.s32 $0xFFFFFFFF, s2;
	s5 =	spop (v2sf)  }
0x279: {  	p2 =	sne.s32 s0, $0x0;
	p1 =	sgt.u32 s5, $0x270FF0  }
.Ltmp40:
0x27a: {  	s6 =	sand.u32 @!p1 $0x3FFFF8, s5;
	(pc) =	sbr.rel @!p2 .LBB2_52-.Ltmp40, $4  }
0x27b: {  	s4 =	simm.s32 $0xF238;
	s5 =	sand.u32 @!p1 $0x7, s5;
	s2 =	sadd.s32 @!p1 s1, s6  }
0x27c: {  	[hbm4b:s2+s5] =	stream.linear.scatter @!p1 [tilespmem:s4], [sflag:$0x7], $0x80, $0x38;
	[tilespmem:$0x1F6F8] =	vst v63  }
0x27d: {  	s5 =	simm.s32 $0x0  }
0x27e: {  	s2 =	simm.s32 $0xF219;
	s5 =	simm.s32 @!p1 $0x200  }
.LBB2_51:
0x27f: {  	v0 =	vld.msk [tilespmem:s2+$0x0], $0x1;
	s0 =	sadd.s32 $0xFFFFFFFF, s0;
	s3 =	sadd.s32 s3, s5  }
0x280: {  	p1 =	sne.s32 s0, $0x0;
	_ =	sdelay $0x3  }
0x281: {  	(v2sf) =	vpush v0, $0x0;
	_ =	sdelay $0xe  }
.Ltmp41:
0x282: {  	s6 =	spop (v2sf);
	(pc) =	sbr.rel @p1 .LBB2_51-.Ltmp41, $4  }
0x283: {  	s5 =	simm.s32 $0x0;
	p2 =	sgt.u32 s6, $0x270FF0  }
0x284: {  	s4 =	sadd.s32 $0x80, s4;
	s5 =	simm.s32 @!p2 $0x200;
	s7 =	sand.u32 @!p2 $0x3FFFF8, s6  }
0x285: {  	s2 =	sadd.s32 $0x1, s2;
	s6 =	sand.u32 @!p2 $0x7, s6;
	s7 =	sadd.s32 @!p2 s1, s7  }
0x286: {  	[hbm4b:s7+s6] =	stream.linear.scatter @!p2 [tilespmem:s4], [sflag:$0x7], $0x80, $0x38;
	[tilespmem:$0x1F6F8] =	vst v63  }
.LBB2_52:
0x287: {  	s0 =	sadd.s32 s3, s5  }
0x288: {  	s3 =	sshrl.u32 s0, $0x2  }
.LBB2_53:
0x289: {  	s0 =	simm.s32 $0x7  }
0x28a: {  	_ =	swait.ge [sflag:s0], s3  }
0x28b: {  	s1 =	ssub.s32 $0x0, s3;
	[sflag:s0] =	ssyncset.done $0x0  }
0x28c: {  	[sflag:s0] =	ssyncadd.s32 s1  }
0x28d: {  	[sflag:s0] =	ssyncpa.u1 $0x1  }
.LBB2_54:
0x28e: {  	_ =	sfence;
	s0 =	simm.s32 $0x1  }
0x28f: {  	[sflag:s0] =	ssyncpa.u1 $0x1  }
0x290: {  	_ =	strace $0x9000005F  }
0x291: {  	[bflag:$0x2] =	sbarrier.arrive $0xFFFF  }
0x292: {  	s0 =	rddreg [dreg:$0x3]  }
0x293: {  	s0 =	sadd.s32 @!p0 $0x100000, s0  }
0x294: {  	[sflag:s0] =	ssyncadd.tile.s32 @!p0 $0x1;
	_ =	shalt  }
.Lfunc_end2:
_tile_overlayer_lowered:
.L_overlay_start_2:
0x295: {  	(tag) =	ssettag $0x2  }
0x296: {  	s0 =	rddreg [dreg:$0x0];
	s2 =	stileid.u32  }
0x297: {  	s1 =	rddreg [dreg:$0x1];
	p0 =	sne.s32 s2, $0x0  }
0x298: {  	s3 =	rddreg [dreg:$0x2];
	[bflag:$0x3] =	sbarrier.arrive $0xFFFF;
	s2 =	simm.s32 @!p0 $0x1C01  }
0x299: {  	[timem:s3], [sflag:s2] =	dma.local @!p0 [hbm:s0], s1  }
0x29a: {  	s0 =	simm.s32 @!p0 $0x1  }
0x29b: {  	_ =	swait.ge @!p0 [sflag:s0], s1  }
0x29c: {  	s1 =	ssub.s32 @!p0 $0x0, s1;
	[sflag:s0] =	ssyncset.done @!p0 $0x0  }
0x29d: {  	[sflag:s0] =	ssyncadd.s32 @!p0 s1  }
0x29e: {  	[bflag:$0x3] =	sbarrier.arrive $0xFFFF  }
0x29f: {  	_ =	shalt  }

// kernel: scatter_offload_async_start
scs
__scs_entry_jumppad:
0x0: {  	(pc) =	sbr.rel $0x88, $3  }
0x1: {  	(tag) =	ssettag $0x0;
	lr =	simm.s32 $0x1  }
0x2: {  	[smem:$0x3F8E] =	sst lr;
	_ =	strace $0xD0000000  }
0x3: {  	_ = 	snop  }
0x4: {  	_ = 	snop  }
0x5: {  	_ = 	snop  }
0x6: {  	_ = 	snop  }
0x7: {  	_ = 	snop  }
__scs_overlays_trampoline_lowered:
0x8: {  	[smem:$0x3F9D] =	sst s0  }
0x9: {  	[smem:$0x3F9E] =	sst s1  }
0xa: {  	[smem:$0x3F9F] =	sst s2  }
0xb: {  	[smem:$0x3FA0] =	sst s3  }
0xc: {  	[smem:$0x3FA1] =	sst s4  }
0xd: {  	[smem:$0x3FA2] =	sst s5  }
0xe: {  	[smem:$0x3FA3] =	sst s6  }
0xf: {  	[smem:$0x3FA4] =	sst s7  }
0x10: {  	[smem:$0x3FA5] =	sst s8  }
0x11: {  	[smem:$0x3FA6] =	sst s9;
	s0 =	simm.s32 @!p0 $0x0  }
0x12: {  	s1 =	sld [smem:$0x3F8C];
	s0 =	simm.s32 @p0 $0x1  }
0x13: {  	[smem:$0x3FA7] =	sst s0;
	s0 =	simm.s32 @!p1 $0x0  }
0x14: {  	s2 =	sld [smem:$0x3F8B];
	s0 =	simm.s32 @p1 $0x1  }
0x15: {  	[smem:$0x3FA8] =	sst s0;
	s0 =	simm.s32 @!p2 $0x0  }
0x16: {  	s3 =	sld [smem:$0x3FDB];
	s0 =	simm.s32 @p2 $0x1  }
0x17: {  	s4 =	simm.s32 $0x1BF5;
	[smem:$0x3FAA] =	sst s0  }
0x18: {  	s0 =	sld [smem:$0x3F8D];
	_ =	swait.ge [sflag:s4], $0x0  }
0x19: {  	s7 =	sld [smem:$0x3F8E]  }
0x1a: {  	s8 =	sadd.s32 $0xFFFFE003, lr  }
0x1b: {  	s9 =	sadd.s32 $0xFFFFFEF7, lr;
	s5 =	simm.s32 $0xFFFFFFFF;
	p2 =	slt.u32 s8, $0xFFFFF086  }
0x1c: {  	p1 =	slt.u32 s9, $0xF7A;
	s5 =	simm.s32 @!p2 $0x0  }
0x1d: {  	s5 =	simm.s32 @p1 $0x1;
	p0 =	seq.s32 s7, s2  }
0x1e: {  	s7 =	smul.u32 @!p0 $0xF7A, s2;
	p2 =	seq.s32 @!p0 s5, $0x0  }
0x1f: {  	s9 =	smul.u32 $0xF7A, s1;
	s8 =	simm.s32 @!p0 $0x1BF5;
	p2 =	por !p2, p0  }
0x20: {  	[sflag:s8] =	ssyncset.s32 @!p0 $0xFFFFF086;
	s6 =	sadd.s32 @!p0 s3, s7;
	s7 =	simm.s32 @!p0 $0x108  }
0x21: {  	s3 =	sadd.s32 s3, s9;
	s6 =	sadd.s32 @!p0 $0x88, s6;
	s7 =	simm.s32 @p2 $0x1082  }
0x22: {  	[simem:s7], [sflag:s8] =	dma.local @!p0 [hbm:s6], $0xF7A  }
0x23: {  	s9 =	sor.u32 $0xD0000000, s2;
	s6 =	simm.s32 $0x108;
	_ =	swait.ge @!p0 [sflag:s8], $0x0  }
0x24: {  	s3 =	sadd.s32 $0x88, s3;
	s6 =	simm.s32 @!p1 $0x1082;
	[sflag:s4] =	ssyncset.s32 $0xFFFFF086  }
0x25: {  	[simem:s6], [sflag:s4] =	dma.local [hbm:s3], $0xF7A  }
0x26: {  	[smem:$0x3F8E] =	sst s1;
	(tag) =	ssettag s2;
	_ =	strace s9  }
0x27: {  	s1 =	sld [smem:$0x3F9E]  }
0x28: {  	s2 =	sld [smem:$0x3F9F]  }
0x29: {  	s4 =	sld [smem:$0x3FA1]  }
0x2a: {  	p0 =	seq.s32 s5, $0x0;
	s5 =	sld [smem:$0x3FA2]  }
0x2b: {  	s6 =	sld [smem:$0x3FA3]  }
0x2c: {  	s7 =	sld [smem:$0x3FA4]  }
0x2d: {  	s3 =	simm.s32 $0x108;
	s8 =	sld [smem:$0x3FA5]  }
0x2e: {  	s3 =	simm.s32 @!p0 $0x1082;
	s9 =	sld [smem:$0x3FA6]  }
0x2f: {  	lr =	sadd.s32 s0, s3;
	s0 =	sld [smem:$0x3F9D]  }
0x30: {  	s3 =	sld [smem:$0x3FA0]  }
0x31: {  	[smem:$0x3FA9] =	sst s10  }
0x32: {  	s10 =	sld [smem:$0x3FA7];
	_ =	sdelay $0x3  }
0x33: {  	p0 =	seq.s32 s10, $0x1;
	s10 =	sld [smem:$0x3FA9];
	_ =	sdelay $0x3  }
0x34: {  	[smem:$0x3FA9] =	sst s10  }
0x35: {  	s10 =	sld [smem:$0x3FA8];
	_ =	sdelay $0x3  }
0x36: {  	p1 =	seq.s32 s10, $0x1;
	s10 =	sld [smem:$0x3FA9];
	_ =	sdelay $0x3  }
0x37: {  	[smem:$0x3FA9] =	sst s10  }
0x38: {  	s10 =	sld [smem:$0x3FAA]  }
0x39: {  	_ = 	snop;
	(pc) =	sbr.ind lr, $3  }
0x3a: {  	_ = 	snop  }
0x3b: {  	_ = 	snop  }
0x3c: {  	p2 =	seq.s32 s10, $0x1;
	s10 =	sld [smem:$0x3FA9]  }
0x3d: {  	_ =	shalt  }
0x3e: {  	_ =	shalt  }
0x3f: {  	_ =	shalt  }
0x40: {  	_ =	shalt  }
0x41: {  	_ =	shalt  }
0x42: {  	_ =	shalt  }
0x43: {  	_ =	shalt  }
0x44: {  	_ =	shalt  }
0x45: {  	_ =	shalt  }
0x46: {  	_ =	shalt  }
0x47: {  	_ =	shalt  }
0x48: {  	_ =	shalt  }
0x49: {  	_ =	shalt  }
0x4a: {  	_ =	shalt  }
0x4b: {  	_ =	shalt  }
0x4c: {  	_ =	shalt  }
0x4d: {  	_ =	shalt  }
0x4e: {  	_ =	shalt  }
0x4f: {  	_ =	shalt  }
0x50: {  	_ =	shalt  }
0x51: {  	_ =	shalt  }
0x52: {  	_ =	shalt  }
0x53: {  	_ =	shalt  }
0x54: {  	_ =	shalt  }
0x55: {  	_ =	shalt  }
0x56: {  	_ =	shalt  }
0x57: {  	_ =	shalt  }
0x58: {  	_ =	shalt  }
0x59: {  	_ =	shalt  }
0x5a: {  	_ =	shalt  }
0x5b: {  	_ =	shalt  }
0x5c: {  	_ =	shalt  }
0x5d: {  	_ =	shalt  }
0x5e: {  	_ =	shalt  }
0x5f: {  	_ =	shalt  }
0x60: {  	_ =	shalt  }
0x61: {  	_ =	shalt  }
0x62: {  	_ =	shalt  }
0x63: {  	_ =	shalt  }
0x64: {  	_ =	shalt  }
0x65: {  	_ =	shalt  }
0x66: {  	_ =	shalt  }
0x67: {  	_ =	shalt  }
0x68: {  	_ =	shalt  }
0x69: {  	_ =	shalt  }
0x6a: {  	_ =	shalt  }
0x6b: {  	_ =	shalt  }
0x6c: {  	_ =	shalt  }
0x6d: {  	_ =	shalt  }
0x6e: {  	_ =	shalt  }
0x6f: {  	_ =	shalt  }
0x70: {  	_ =	shalt  }
0x71: {  	_ =	shalt  }
0x72: {  	_ =	shalt  }
0x73: {  	_ =	shalt  }
0x74: {  	_ =	shalt  }
0x75: {  	_ =	shalt  }
0x76: {  	_ =	shalt  }
0x77: {  	_ =	shalt  }
0x78: {  	_ =	shalt  }
0x79: {  	_ =	shalt  }
0x7a: {  	_ =	shalt  }
0x7b: {  	_ =	shalt  }
0x7c: {  	_ =	shalt  }
0x7d: {  	_ =	shalt  }
0x7e: {  	_ =	shalt  }
0x7f: {  	_ =	shalt  }
0x80: {  	_ =	shalt  }
0x81: {  	_ =	shalt  }
0x82: {  	_ =	shalt  }
0x83: {  	_ =	shalt  }
0x84: {  	_ =	shalt  }
0x85: {  	_ =	shalt  }
0x86: {  	_ =	shalt  }
0x87: {  	_ =	shalt  }
.Lfunc_end0:
.L_simem_size_0:
called_computation_lowered:
.L_overlay_start_0:
0x88: {  	s2 =	sld [smem:$0x3FD9]  }
0x89: {  	s3 =	sld [smem:$0x3FFE];
	_ =	sdelay $0x1  }
0x8a: {  	s1 =	srdreg.scid  }
0x8b: {  	s0 =	sand.u32 $0x1, s1  }
0x8c: {  	s17 =	sshll.u32 s0, $0xA;
	s2 =	sadd.s32 s3, s2  }
0x8d: {  	s2 =	sadd.s32 s2, s17  }
0x8e: {  	[smem:$0x3FB5] =	sst s2  }
0x8f: {  	_ = 	snop  }
0x90: {  	(tm) =	ssettm $0x1  }
0x91: {  	s18 =	sld [smem:$0x3FFB];
	_ =	sdelay $0x3  }
0x92: {  	_ =	strace s18  }
0x93: {  	s2 =	sld [smem:$0x3FFC];
	_ =	sdelay $0x3  }
0x94: {  	_ =	strace s2  }
0x95: {  	s2 =	sld [smem:$0x3FFD];
	_ =	sdelay $0x3  }
0x96: {  	_ =	strace s2  }
0x97: {  	_ =	strace $0x8FFFFFFF  }
0x98: {  	s19 =	sld [smem:$0x3FDB];
	_ =	sdelay $0x1  }
0x99: {  	s20 =	simm.s32 $_scs_section_size  }
0x9a: {  	s4 =	simm.s32 $_size__tile_overlayer_lowered;
	s5 =	simm.s32 $_tile_overlayer_lowered  }
0x9b: {  	s6 =	simm.s32 $0x1BFF;
	s21 =	sshll.u32 s5, $0x1;
	s3 =	sadd.s32 s20, s19  }
0x9c: {  	s22 =	simm.s32 $0x0;
	s4 =	sshll.u32 s4, $0x1;
	s5 =	sadd.s32 s21, s3  }
0x9d: {  	[timem:s22], [sflag:s6] =	dma.local [hbm:s5], s4  }
0x9e: {  	_ =	swait.ge [sflag:s6], s4  }
0x9f: {  	s4 =	ssub.s32 $0x0, s4;
	[sflag:s6] =	ssyncset.done $0x0  }
0xa0: {  	[sflag:s6] =	ssyncadd.s32 s4;
	_ =	sdelay $0x1  }
0xa1: {  	s23 =	simm.s32 $0x1B8B  }
0xa2: {  	_ =	swait.ge [sflag:s23], $0x1  }
0xa3: {  	[sflag:s23] =	ssyncset.done $0x0  }
0xa4: {  	[sflag:s23] =	ssyncadd.s32 $0xFFFFFFFF  }
0xa5: {  	s4 =	sld [smem:$0x0]  }
0xa6: {  	s5 =	sand.u32 $0xFFFFFFFE, s1  }
0xa7: {  	p0 =	sne.s32 s1, s5  }
0xa8: {  	s5 =	sshll.u32 @p0 s5, $0xE  }
0xa9: {  	s5 =	sadd.s32 @p0 $0x11B8D, s5;
	s6 =	sshll.u32 @p0 s4, $0x11  }
0xaa: {  	s5 =	sor.u32 @p0 s6, s5  }
0xab: {  	[sflag:s5] =	ssyncadd.remote.s32 @p0 $0x1;
	_ =	sdelay $0x1  }
0xac: {  	s5 =	simm.s32 @p0 $0x1B8D  }
0xad: {  	_ =	swait.eq @p0 [sflag:s5], $0x1  }
0xae: {  	[sflag:s5] =	ssyncadd.s32 @p0 $0xFFFFFFFF  }
0xaf: {  	s6 =	sshll.u32 @!p0 s1, $0xE  }
0xb0: {  	s6 =	sor.u32 @!p0 $0x4000, s6;
	s5 =	simm.s32 @!p0 $0x1B8D  }
0xb1: {  	s7 =	sshll.u32 @!p0 s4, $0x11;
	s6 =	sadd.s32 @!p0 $0x11B8D, s6;
	_ =	swait.eq @!p0 [sflag:s5], $0x1  }
0xb2: {  	[sflag:s5] =	ssyncadd.s32 @!p0 $0xFFFFFFFF;
	s5 =	sor.u32 @!p0 s7, s6  }
0xb3: {  	s25 =	simm.s32 $0x1B8E;
	s24 =	sld [smem:$0x3FFE];
	[sflag:s5] =	ssyncadd.remote.s32 @!p0 $0x1  }
0xb4: {  	s26 =	simm.s32 $execute0_lowered;
	[smem:$0x3FD2] =	sst s25  }
0xb5: {  	s6 =	sshll.u32 s26, $0x1;
	_ =	strace $0x80000058;
	[dreg:$0x1] =	wrdreg $0xFFFFFFFF  }
0xb6: {  	s28 =	simm.s32 $_size_execute0_lowered;
	s3 =	sadd.s32 s3, s6;
	[dreg:$0x0] =	wrdreg $0x0  }
0xb7: {  	s6 =	sshll.u32 s28, $0x1;
	[dreg:$0x2] =	wrdreg s3  }
0xb8: {  	[dreg:$0x3] =	wrdreg s6  }
0xb9: {  	[dreg:$0x4] =	wrdreg $0xC0  }
0xba: {  	_ =	task [dreg:s22], $0x5FFFF  }
0xbb: {  	[dreg:$0x1] =	wrdreg $0xFFFFFFFF  }
0xbc: {  	[dreg:$0x0] =	wrdreg $0x60  }
0xbd: {  	[dreg:$0x2] =	wrdreg s24  }
0xbe: {  	[dreg:$0x3] =	wrdreg s1  }
0xbf: {  	[dreg:$0x4] =	wrdreg s4  }
0xc0: {  	[dreg:$0x5] =	wrdreg $0xA  }
0xc1: {  	_ =	task.clear_ibuf [dreg:s22], $0x6FFFF;
	_ =	strace $0x90000058  }
0xc2: {  	s29 =	simm.s32 $0xA;
	_ =	strace $0x8000005A  }
0xc3: {  	_ =	swait.ge [sflag:s29], $0x1  }
0xc4: {  	[sflag:s29] =	ssyncadd.s32 $0xFFFFFFFF  }
0xc5: {  	_ =	strace $0x9000005A  }
0xc6: {  	_ =	sfence  }
0xc7: {  	s30 =	sld [smem:$0x0];
	_ =	sdelay $0x2  }
0xc8: {  	s31 =	sshll.u32 s1, $0xD;
	s1 =	sshrl.u32 s1, $0x2  }
0xc9: {  	s4 =	sand.u32 $0x4000, s31;
	s1 =	sadd.s32 s1, s30  }
0xca: {  	s0 =	sor.u32 s4, s0;
	s1 =	sshll.u32 s1, $0x11  }
0xcb: {  	s0 =	sor.u32 s1, s0  }
0xcc: {  	s0 =	sadd.s32 $0x8F2B, s0  }
0xcd: {  	[sflag:s0] =	ssyncadd.remote.s32 $0x1  }
0xce: {  	_ =	sfence.sel $0xFFFF  }
0xcf: {  	[dreg:$0x0] =	wrdreg $0xFFFFFFFF;
	(pc) =	sbr.abs _section_cstart, $3  }
0xd0: {  	[dreg:$0x1] =	wrdreg $0xFFFFFFFF  }
0xd1: {  	_ =	task.clear_ibuf [dreg:s22], $0x2FFFF;
	_ =	strace $0x9FFFFFFF  }
0xd2: {  	(tm) =	ssettm $0x7FFFFFFF  }
0xd3: {  	_ =	shalt  }
tec
execute0_lowered:
.L_overlay_start_1:
0x0: {  	(tag) =	ssettag $0x1  }
0x1: {  	s11 =	rddreg [dreg:$0x0]  }
0x2: {  	s2 =	rddreg [dreg:$0x1];
	_ =	strace $0x80000059;
	s12 =	simm.s32 $0x1  }
0x3: {  	v0 =	vimm.s32 $0x0;
	[sflag:s12] =	ssyncpa.u1 $0x0  }
0x4: {  	[tilespmem:$0x28] =	vst v0  }
0x5: {  	[tilespmem:$0x38] =	vst v0  }
0x6: {  	[tilespmem:$0x48] =	vst v0  }
0x7: {  	[tilespmem:$0x58] =	vst v0  }
0x8: {  	[tilespmem:$0x68] =	vst v0  }
0x9: {  	[tilespmem:$0x78] =	vst v0  }
0xa: {  	[tilespmem:$0x88] =	vst v0  }
0xb: {  	[tilespmem:$0x98] =	vst v0  }
0xc: {  	[tilespmem:$0xA8] =	vst v0  }
0xd: {  	[tilespmem:$0xB8] =	vst v0  }
0xe: {  	[tilespmem:$0xC8] =	vst v0  }
0xf: {  	[tilespmem:$0xD8] =	vst v0  }
0x10: {  	[tilespmem:$0xE8] =	vst v0  }
0x11: {  	[tilespmem:$0xF8] =	vst v0  }
0x12: {  	[tilespmem:$0x108] =	vst v0  }
0x13: {  	[tilespmem:$0x118] =	vst v0  }
0x14: {  	[tilespmem:$0x128] =	vst v0  }
0x15: {  	[tilespmem:$0x138] =	vst v0  }
0x16: {  	[tilespmem:$0x148] =	vst v0  }
0x17: {  	[tilespmem:$0x158] =	vst v0  }
0x18: {  	[tilespmem:$0x168] =	vst v0  }
0x19: {  	[tilespmem:$0x178] =	vst v0  }
0x1a: {  	[tilespmem:$0x188] =	vst v0  }
0x1b: {  	[tilespmem:$0x198] =	vst v0  }
0x1c: {  	[tilespmem:$0x1A8] =	vst v0  }
0x1d: {  	[tilespmem:$0x1B8] =	vst v0  }
0x1e: {  	[tilespmem:$0x1C8] =	vst v0  }
0x1f: {  	[tilespmem:$0x1D8] =	vst v0  }
0x20: {  	[tilespmem:$0x1E8] =	vst v0  }
0x21: {  	[tilespmem:$0x1F8] =	vst v0  }
0x22: {  	[tilespmem:$0x208] =	vst v0  }
0x23: {  	[tilespmem:$0x218] =	vst v0  }
0x24: {  	[tilespmem:$0x228] =	vst v0  }
0x25: {  	[tilespmem:$0x238] =	vst v0  }
0x26: {  	[tilespmem:$0x248] =	vst v0  }
0x27: {  	[tilespmem:$0x258] =	vst v0  }
0x28: {  	[tilespmem:$0x268] =	vst v0  }
0x29: {  	[tilespmem:$0x278] =	vst v0  }
0x2a: {  	[tilespmem:$0x288] =	vst v0  }
0x2b: {  	[tilespmem:$0x298] =	vst v0  }
0x2c: {  	[tilespmem:$0x2A8] =	vst v0  }
0x2d: {  	[tilespmem:$0x2B8] =	vst v0  }
0x2e: {  	[tilespmem:$0x2C8] =	vst v0  }
0x2f: {  	[tilespmem:$0x2D8] =	vst v0  }
0x30: {  	[tilespmem:$0x2E8] =	vst v0  }
0x31: {  	[tilespmem:$0x2F8] =	vst v0  }
0x32: {  	[tilespmem:$0x308] =	vst v0  }
0x33: {  	[tilespmem:$0x318] =	vst v0  }
0x34: {  	[tilespmem:$0x328] =	vst v0  }
0x35: {  	[tilespmem:$0x338] =	vst v0  }
0x36: {  	[tilespmem:$0x348] =	vst v0  }
0x37: {  	[tilespmem:$0x358] =	vst v0  }
0x38: {  	[tilespmem:$0x368] =	vst v0  }
0x39: {  	[tilespmem:$0x378] =	vst v0  }
0x3a: {  	[tilespmem:$0x388] =	vst v0  }
0x3b: {  	[tilespmem:$0x398] =	vst v0  }
0x3c: {  	[tilespmem:$0x3A8] =	vst v0  }
0x3d: {  	[tilespmem:$0x3B8] =	vst v0  }
0x3e: {  	[tilespmem:$0x3C8] =	vst v0  }
0x3f: {  	[tilespmem:$0x3D8] =	vst v0  }
0x40: {  	[tilespmem:$0x3E8] =	vst v0  }
0x41: {  	[tilespmem:$0x3F8] =	vst v0  }
0x42: {  	[tilespmem:$0x408] =	vst v0  }
0x43: {  	[tilespmem:$0x418] =	vst v0  }
0x44: {  	[tilespmem:$0x428] =	vst v0  }
0x45: {  	[tilespmem:$0x438] =	vst v0  }
0x46: {  	[tilespmem:$0x448] =	vst v0  }
0x47: {  	[tilespmem:$0x458] =	vst v0  }
0x48: {  	[tilespmem:$0x468] =	vst v0  }
0x49: {  	[tilespmem:$0x478] =	vst v0  }
0x4a: {  	[tilespmem:$0x488] =	vst v0  }
0x4b: {  	[tilespmem:$0x498] =	vst v0  }
0x4c: {  	[tilespmem:$0x4A8] =	vst v0  }
0x4d: {  	[tilespmem:$0x4B8] =	vst v0  }
0x4e: {  	[tilespmem:$0x4C8] =	vst v0  }
0x4f: {  	[tilespmem:$0x4D8] =	vst v0  }
0x50: {  	[tilespmem:$0x4E8] =	vst v0  }
0x51: {  	[tilespmem:$0x4F8] =	vst v0  }
0x52: {  	[tilespmem:$0x508] =	vst v0  }
0x53: {  	[tilespmem:$0x518] =	vst v0  }
0x54: {  	[tilespmem:$0x528] =	vst v0  }
0x55: {  	[tilespmem:$0x538] =	vst v0  }
0x56: {  	[tilespmem:$0x548] =	vst v0  }
0x57: {  	[tilespmem:$0x558] =	vst v0  }
0x58: {  	[tilespmem:$0x568] =	vst v0  }
0x59: {  	[tilespmem:$0x578] =	vst v0  }
0x5a: {  	[tilespmem:$0x588] =	vst v0  }
0x5b: {  	[tilespmem:$0x598] =	vst v0  }
0x5c: {  	[tilespmem:$0x5A8] =	vst v0  }
0x5d: {  	[tilespmem:$0x5B8] =	vst v0  }
0x5e: {  	[tilespmem:$0x5C8] =	vst v0  }
0x5f: {  	[tilespmem:$0x5D8] =	vst v0  }
0x60: {  	[tilespmem:$0x5E8] =	vst v0  }
0x61: {  	[tilespmem:$0x5F8] =	vst v0  }
0x62: {  	[tilespmem:$0x608] =	vst v0  }
0x63: {  	[tilespmem:$0x618] =	vst v0  }
0x64: {  	[tilespmem:$0x628] =	vst v0  }
0x65: {  	[tilespmem:$0x638] =	vst v0  }
0x66: {  	[tilespmem:$0x648] =	vst v0  }
0x67: {  	[tilespmem:$0x658] =	vst v0  }
0x68: {  	[tilespmem:$0x668] =	vst v0  }
0x69: {  	[tilespmem:$0x678] =	vst v0  }
0x6a: {  	[tilespmem:$0x688] =	vst v0  }
0x6b: {  	[tilespmem:$0x698] =	vst v0  }
0x6c: {  	[tilespmem:$0x6A8] =	vst v0  }
0x6d: {  	[tilespmem:$0x6B8] =	vst v0  }
0x6e: {  	[tilespmem:$0x6C8] =	vst v0  }
0x6f: {  	[tilespmem:$0x6D8] =	vst v0  }
0x70: {  	[tilespmem:$0x6E8] =	vst v0  }
0x71: {  	[tilespmem:$0x6F8] =	vst v0  }
0x72: {  	[tilespmem:$0x708] =	vst v0  }
0x73: {  	[tilespmem:$0x718] =	vst v0  }
0x74: {  	[tilespmem:$0x728] =	vst v0  }
0x75: {  	[tilespmem:$0x738] =	vst v0  }
0x76: {  	[tilespmem:$0x748] =	vst v0  }
0x77: {  	[tilespmem:$0x758] =	vst v0  }
0x78: {  	[tilespmem:$0x768] =	vst v0  }
0x79: {  	[tilespmem:$0x778] =	vst v0  }
0x7a: {  	[tilespmem:$0x788] =	vst v0  }
0x7b: {  	[tilespmem:$0x798] =	vst v0  }
0x7c: {  	[tilespmem:$0x7A8] =	vst v0  }
0x7d: {  	[tilespmem:$0x7B8] =	vst v0  }
0x7e: {  	[tilespmem:$0x7C8] =	vst v0  }
0x7f: {  	[tilespmem:$0x7D8] =	vst v0  }
0x80: {  	[tilespmem:$0x7E8] =	vst v0  }
0x81: {  	[tilespmem:$0x7F8] =	vst v0  }
0x82: {  	[tilespmem:$0x808] =	vst v0  }
0x83: {  	[tilespmem:$0x818] =	vst v0  }
0x84: {  	[tilespmem:$0x828] =	vst v0  }
0x85: {  	[tilespmem:$0x838] =	vst v0  }
0x86: {  	[tilespmem:$0x848] =	vst v0  }
0x87: {  	[tilespmem:$0x858] =	vst v0  }
0x88: {  	[tilespmem:$0x868] =	vst v0  }
0x89: {  	[tilespmem:$0x878] =	vst v0  }
0x8a: {  	[tilespmem:$0x888] =	vst v0  }
0x8b: {  	[tilespmem:$0x898] =	vst v0  }
0x8c: {  	[tilespmem:$0x8A8] =	vst v0  }
0x8d: {  	[tilespmem:$0x8B8] =	vst v0  }
0x8e: {  	[tilespmem:$0x8C8] =	vst v0  }
0x8f: {  	[tilespmem:$0x8D8] =	vst v0  }
0x90: {  	[tilespmem:$0x8E8] =	vst v0  }
0x91: {  	[tilespmem:$0x8F8] =	vst v0  }
0x92: {  	[tilespmem:$0x908] =	vst v0  }
0x93: {  	[tilespmem:$0x918] =	vst v0  }
0x94: {  	[tilespmem:$0x928] =	vst v0  }
0x95: {  	[tilespmem:$0x938] =	vst v0  }
0x96: {  	[tilespmem:$0x948] =	vst v0  }
0x97: {  	[tilespmem:$0x958] =	vst v0  }
0x98: {  	[tilespmem:$0x968] =	vst v0  }
0x99: {  	[tilespmem:$0x978] =	vst v0  }
0x9a: {  	[tilespmem:$0x988] =	vst v0  }
0x9b: {  	[tilespmem:$0x998] =	vst v0  }
0x9c: {  	[tilespmem:$0x9A8] =	vst v0  }
0x9d: {  	[tilespmem:$0x9B8] =	vst v0  }
0x9e: {  	[tilespmem:$0x9C8] =	vst v0  }
0x9f: {  	[tilespmem:$0x9D8] =	vst v0  }
0xa0: {  	[tilespmem:$0x9E8] =	vst v0  }
0xa1: {  	[tilespmem:$0x9F8] =	vst v0  }
0xa2: {  	[tilespmem:$0xA08] =	vst v0  }
0xa3: {  	[tilespmem:$0xA18] =	vst v0  }
0xa4: {  	[tilespmem:$0xA28] =	vst v0  }
0xa5: {  	[tilespmem:$0xA38] =	vst v0  }
0xa6: {  	[tilespmem:$0xA48] =	vst v0  }
0xa7: {  	[tilespmem:$0xA58] =	vst v0  }
0xa8: {  	[tilespmem:$0xA68] =	vst v0  }
0xa9: {  	[tilespmem:$0xA78] =	vst v0  }
0xaa: {  	[tilespmem:$0xA88] =	vst v0  }
0xab: {  	[tilespmem:$0xA98] =	vst v0  }
0xac: {  	[tilespmem:$0xAA8] =	vst v0  }
0xad: {  	[tilespmem:$0xAB8] =	vst v0  }
0xae: {  	[tilespmem:$0xAC8] =	vst v0  }
0xaf: {  	[tilespmem:$0xAD8] =	vst v0  }
0xb0: {  	[tilespmem:$0xAE8] =	vst v0  }
0xb1: {  	[tilespmem:$0xAF8] =	vst v0  }
0xb2: {  	[tilespmem:$0xB08] =	vst v0  }
0xb3: {  	[tilespmem:$0xB18] =	vst v0  }
0xb4: {  	[tilespmem:$0xB28] =	vst v0  }
0xb5: {  	[tilespmem:$0xB38] =	vst v0  }
0xb6: {  	[tilespmem:$0xB48] =	vst v0  }
0xb7: {  	[tilespmem:$0xB58] =	vst v0  }
0xb8: {  	[tilespmem:$0xB68] =	vst v0  }
0xb9: {  	[tilespmem:$0xB78] =	vst v0  }
0xba: {  	[tilespmem:$0xB88] =	vst v0  }
0xbb: {  	[tilespmem:$0xB98] =	vst v0  }
0xbc: {  	[tilespmem:$0xBA8] =	vst v0  }
0xbd: {  	[tilespmem:$0xBB8] =	vst v0  }
0xbe: {  	[tilespmem:$0xBC8] =	vst v0  }
0xbf: {  	[tilespmem:$0xBD8] =	vst v0  }
0xc0: {  	[tilespmem:$0xBE8] =	vst v0  }
0xc1: {  	[tilespmem:$0xBF8] =	vst v0  }
0xc2: {  	[tilespmem:$0xC08] =	vst v0  }
0xc3: {  	[tilespmem:$0xC18] =	vst v0  }
0xc4: {  	[tilespmem:$0xC28] =	vst v0  }
0xc5: {  	[tilespmem:$0xC38] =	vst v0  }
0xc6: {  	[tilespmem:$0xC48] =	vst v0  }
0xc7: {  	[tilespmem:$0xC58] =	vst v0  }
0xc8: {  	[tilespmem:$0xC68] =	vst v0  }
0xc9: {  	[tilespmem:$0xC78] =	vst v0  }
0xca: {  	[tilespmem:$0xC88] =	vst v0  }
0xcb: {  	[tilespmem:$0xC98] =	vst v0  }
0xcc: {  	[tilespmem:$0xCA8] =	vst v0  }
0xcd: {  	[tilespmem:$0xCB8] =	vst v0  }
0xce: {  	[tilespmem:$0xCC8] =	vst v0  }
0xcf: {  	[tilespmem:$0xCD8] =	vst v0  }
0xd0: {  	[tilespmem:$0xCE8] =	vst v0  }
0xd1: {  	[tilespmem:$0xCF8] =	vst v0  }
0xd2: {  	[tilespmem:$0xD08] =	vst v0  }
0xd3: {  	[tilespmem:$0xD18] =	vst v0  }
0xd4: {  	[tilespmem:$0xD28] =	vst v0  }
0xd5: {  	[tilespmem:$0xD38] =	vst v0  }
0xd6: {  	[tilespmem:$0xD48] =	vst v0  }
0xd7: {  	[tilespmem:$0xD58] =	vst v0  }
0xd8: {  	[tilespmem:$0xD68] =	vst v0  }
0xd9: {  	[tilespmem:$0xD78] =	vst v0  }
0xda: {  	[tilespmem:$0xD88] =	vst v0  }
0xdb: {  	[tilespmem:$0xD98] =	vst v0  }
0xdc: {  	[tilespmem:$0xDA8] =	vst v0  }
0xdd: {  	[tilespmem:$0xDB8] =	vst v0  }
0xde: {  	[tilespmem:$0xDC8] =	vst v0  }
0xdf: {  	[tilespmem:$0xDD8] =	vst v0  }
0xe0: {  	[tilespmem:$0xDE8] =	vst v0  }
0xe1: {  	[tilespmem:$0xDF8] =	vst v0  }
0xe2: {  	[tilespmem:$0xE08] =	vst v0  }
0xe3: {  	[tilespmem:$0xE18] =	vst v0  }
0xe4: {  	[tilespmem:$0xE28] =	vst v0  }
0xe5: {  	[tilespmem:$0xE38] =	vst v0  }
0xe6: {  	[tilespmem:$0xE48] =	vst v0  }
0xe7: {  	[tilespmem:$0xE58] =	vst v0  }
0xe8: {  	[tilespmem:$0xE68] =	vst v0  }
0xe9: {  	[tilespmem:$0xE78] =	vst v0  }
0xea: {  	[tilespmem:$0xE88] =	vst v0  }
0xeb: {  	[tilespmem:$0xE98] =	vst v0  }
0xec: {  	[tilespmem:$0xEA8] =	vst v0  }
0xed: {  	[tilespmem:$0xEB8] =	vst v0  }
0xee: {  	[tilespmem:$0xEC8] =	vst v0  }
0xef: {  	[tilespmem:$0xED8] =	vst v0  }
0xf0: {  	[tilespmem:$0xEE8] =	vst v0  }
0xf1: {  	[tilespmem:$0xEF8] =	vst v0  }
0xf2: {  	[tilespmem:$0xF08] =	vst v0  }
0xf3: {  	[tilespmem:$0xF18] =	vst v0  }
0xf4: {  	[tilespmem:$0xF28] =	vst v0  }
0xf5: {  	[tilespmem:$0xF38] =	vst v0  }
0xf6: {  	[tilespmem:$0xF48] =	vst v0  }
0xf7: {  	[tilespmem:$0xF58] =	vst v0  }
0xf8: {  	[tilespmem:$0xF68] =	vst v0  }
0xf9: {  	[tilespmem:$0xF78] =	vst v0  }
0xfa: {  	[tilespmem:$0xF88] =	vst v0  }
0xfb: {  	[tilespmem:$0xF98] =	vst v0  }
0xfc: {  	[tilespmem:$0xFA8] =	vst v0  }
0xfd: {  	[tilespmem:$0xFB8] =	vst v0  }
0xfe: {  	[tilespmem:$0xFC8] =	vst v0  }
0xff: {  	[tilespmem:$0xFD8] =	vst v0  }
0x100: {  	[tilespmem:$0xFE8] =	vst v0  }
0x101: {  	[tilespmem:$0xFF8] =	vst v0  }
0x102: {  	[tilespmem:$0x1028] =	vst v0  }
0x103: {  	[tilespmem:$0x10E8] =	vst v0  }
0x104: {  	[tilespmem:$0x1068] =	vst v0  }
0x105: {  	[tilespmem:$0x1B28] =	vst v0  }
0x106: {  	[tilespmem:$0x1B18] =	vst v0  }
0x107: {  	[tilespmem:$0x1B08] =	vst v0  }
0x108: {  	[tilespmem:$0x1AF8] =	vst v0  }
0x109: {  	[tilespmem:$0x1AE8] =	vst v0  }
0x10a: {  	[tilespmem:$0x1AD8] =	vst v0  }
0x10b: {  	[tilespmem:$0x1AC8] =	vst v0  }
0x10c: {  	[tilespmem:$0x1AB8] =	vst v0  }
0x10d: {  	[tilespmem:$0x1AA8] =	vst v0  }
0x10e: {  	[tilespmem:$0x1A98] =	vst v0  }
0x10f: {  	[tilespmem:$0x1A88] =	vst v0  }
0x110: {  	[tilespmem:$0x1A78] =	vst v0  }
0x111: {  	[tilespmem:$0x1A68] =	vst v0  }
0x112: {  	[tilespmem:$0x1A58] =	vst v0  }
0x113: {  	[tilespmem:$0x1A48] =	vst v0  }
0x114: {  	[tilespmem:$0x1A38] =	vst v0  }
0x115: {  	[tilespmem:$0x1A28] =	vst v0  }
0x116: {  	[tilespmem:$0x1A18] =	vst v0  }
0x117: {  	[tilespmem:$0x1A08] =	vst v0  }
0x118: {  	[tilespmem:$0x19F8] =	vst v0  }
0x119: {  	[tilespmem:$0x19E8] =	vst v0  }
0x11a: {  	[tilespmem:$0x19D8] =	vst v0  }
0x11b: {  	[tilespmem:$0x19C8] =	vst v0  }
0x11c: {  	[tilespmem:$0x19B8] =	vst v0  }
0x11d: {  	[tilespmem:$0x19A8] =	vst v0  }
0x11e: {  	[tilespmem:$0x1998] =	vst v0  }
0x11f: {  	[tilespmem:$0x1988] =	vst v0  }
0x120: {  	[tilespmem:$0x1978] =	vst v0  }
0x121: {  	[tilespmem:$0x1968] =	vst v0  }
0x122: {  	[tilespmem:$0x1958] =	vst v0  }
0x123: {  	[tilespmem:$0x1948] =	vst v0  }
0x124: {  	[tilespmem:$0x1938] =	vst v0  }
0x125: {  	[tilespmem:$0x1928] =	vst v0  }
0x126: {  	[tilespmem:$0x1918] =	vst v0  }
0x127: {  	[tilespmem:$0x1908] =	vst v0  }
0x128: {  	[tilespmem:$0x18F8] =	vst v0  }
0x129: {  	[tilespmem:$0x18E8] =	vst v0  }
0x12a: {  	[tilespmem:$0x18D8] =	vst v0  }
0x12b: {  	[tilespmem:$0x18C8] =	vst v0  }
0x12c: {  	[tilespmem:$0x18B8] =	vst v0  }
0x12d: {  	[tilespmem:$0x18A8] =	vst v0  }
0x12e: {  	[tilespmem:$0x1898] =	vst v0  }
0x12f: {  	[tilespmem:$0x1888] =	vst v0  }
0x130: {  	[tilespmem:$0x1878] =	vst v0  }
0x131: {  	[tilespmem:$0x1868] =	vst v0  }
0x132: {  	[tilespmem:$0x1858] =	vst v0  }
0x133: {  	[tilespmem:$0x1848] =	vst v0  }
0x134: {  	[tilespmem:$0x1838] =	vst v0  }
0x135: {  	[tilespmem:$0x1828] =	vst v0  }
0x136: {  	[tilespmem:$0x1818] =	vst v0  }
0x137: {  	[tilespmem:$0x1808] =	vst v0  }
0x138: {  	[tilespmem:$0x17F8] =	vst v0  }
0x139: {  	[tilespmem:$0x17E8] =	vst v0  }
0x13a: {  	[tilespmem:$0x17D8] =	vst v0  }
0x13b: {  	[tilespmem:$0x17C8] =	vst v0  }
0x13c: {  	[tilespmem:$0x17B8] =	vst v0  }
0x13d: {  	[tilespmem:$0x17A8] =	vst v0  }
0x13e: {  	[tilespmem:$0x1798] =	vst v0  }
0x13f: {  	[tilespmem:$0x1788] =	vst v0  }
0x140: {  	[tilespmem:$0x1778] =	vst v0  }
0x141: {  	[tilespmem:$0x1768] =	vst v0  }
0x142: {  	[tilespmem:$0x1758] =	vst v0  }
0x143: {  	[tilespmem:$0x1748] =	vst v0  }
0x144: {  	[tilespmem:$0x1738] =	vst v0  }
0x145: {  	[tilespmem:$0x1728] =	vst v0  }
0x146: {  	[tilespmem:$0x1718] =	vst v0  }
0x147: {  	[tilespmem:$0x1708] =	vst v0  }
0x148: {  	[tilespmem:$0x16F8] =	vst v0  }
0x149: {  	[tilespmem:$0x16E8] =	vst v0  }
0x14a: {  	[tilespmem:$0x16D8] =	vst v0  }
0x14b: {  	[tilespmem:$0x16C8] =	vst v0  }
0x14c: {  	[tilespmem:$0x16B8] =	vst v0  }
0x14d: {  	[tilespmem:$0x16A8] =	vst v0  }
0x14e: {  	[tilespmem:$0x1698] =	vst v0  }
0x14f: {  	[tilespmem:$0x1688] =	vst v0  }
0x150: {  	[tilespmem:$0x1678] =	vst v0  }
0x151: {  	[tilespmem:$0x1668] =	vst v0  }
0x152: {  	[tilespmem:$0x1658] =	vst v0  }
0x153: {  	[tilespmem:$0x1648] =	vst v0  }
0x154: {  	[tilespmem:$0x1638] =	vst v0  }
0x155: {  	[tilespmem:$0x1628] =	vst v0  }
0x156: {  	[tilespmem:$0x1618] =	vst v0  }
0x157: {  	[tilespmem:$0x1608] =	vst v0  }
0x158: {  	[tilespmem:$0x15F8] =	vst v0  }
0x159: {  	[tilespmem:$0x15E8] =	vst v0  }
0x15a: {  	[tilespmem:$0x15D8] =	vst v0  }
0x15b: {  	[tilespmem:$0x15C8] =	vst v0  }
0x15c: {  	[tilespmem:$0x15B8] =	vst v0  }
0x15d: {  	[tilespmem:$0x15A8] =	vst v0  }
0x15e: {  	[tilespmem:$0x1598] =	vst v0  }
0x15f: {  	[tilespmem:$0x1588] =	vst v0  }
0x160: {  	[tilespmem:$0x1578] =	vst v0  }
0x161: {  	[tilespmem:$0x1568] =	vst v0  }
0x162: {  	[tilespmem:$0x1558] =	vst v0  }
0x163: {  	[tilespmem:$0x1548] =	vst v0  }
0x164: {  	[tilespmem:$0x1538] =	vst v0  }
0x165: {  	[tilespmem:$0x1528] =	vst v0  }
0x166: {  	[tilespmem:$0x1518] =	vst v0  }
0x167: {  	[tilespmem:$0x1508] =	vst v0  }
0x168: {  	[tilespmem:$0x14F8] =	vst v0  }
0x169: {  	[tilespmem:$0x14E8] =	vst v0  }
0x16a: {  	[tilespmem:$0x14D8] =	vst v0  }
0x16b: {  	[tilespmem:$0x14C8] =	vst v0  }
0x16c: {  	[tilespmem:$0x14B8] =	vst v0  }
0x16d: {  	[tilespmem:$0x14A8] =	vst v0  }
0x16e: {  	[tilespmem:$0x1498] =	vst v0  }
0x16f: {  	[tilespmem:$0x1488] =	vst v0  }
0x170: {  	[tilespmem:$0x1478] =	vst v0  }
0x171: {  	[tilespmem:$0x1468] =	vst v0  }
0x172: {  	[tilespmem:$0x1458] =	vst v0  }
0x173: {  	[tilespmem:$0x1448] =	vst v0  }
0x174: {  	[tilespmem:$0x1438] =	vst v0  }
0x175: {  	[tilespmem:$0x1428] =	vst v0  }
0x176: {  	[tilespmem:$0x1418] =	vst v0  }
0x177: {  	[tilespmem:$0x1408] =	vst v0  }
0x178: {  	[tilespmem:$0x13F8] =	vst v0  }
0x179: {  	[tilespmem:$0x13E8] =	vst v0  }
0x17a: {  	[tilespmem:$0x13D8] =	vst v0  }
0x17b: {  	[tilespmem:$0x13C8] =	vst v0  }
0x17c: {  	[tilespmem:$0x13B8] =	vst v0  }
0x17d: {  	[tilespmem:$0x13A8] =	vst v0  }
0x17e: {  	[tilespmem:$0x1398] =	vst v0  }
0x17f: {  	[tilespmem:$0x1388] =	vst v0  }
0x180: {  	[tilespmem:$0x1378] =	vst v0  }
0x181: {  	[tilespmem:$0x1368] =	vst v0  }
0x182: {  	[tilespmem:$0x1358] =	vst v0  }
0x183: {  	[tilespmem:$0x1348] =	vst v0  }
0x184: {  	[tilespmem:$0x1338] =	vst v0  }
0x185: {  	[tilespmem:$0x1328] =	vst v0  }
0x186: {  	[tilespmem:$0x1318] =	vst v0  }
0x187: {  	[tilespmem:$0x1308] =	vst v0  }
0x188: {  	[tilespmem:$0x12F8] =	vst v0  }
0x189: {  	[tilespmem:$0x12E8] =	vst v0  }
0x18a: {  	[tilespmem:$0x12D8] =	vst v0  }
0x18b: {  	[tilespmem:$0x12C8] =	vst v0  }
0x18c: {  	[tilespmem:$0x12B8] =	vst v0  }
0x18d: {  	[tilespmem:$0x12A8] =	vst v0  }
0x18e: {  	[tilespmem:$0x1298] =	vst v0  }
0x18f: {  	[tilespmem:$0x1288] =	vst v0  }
0x190: {  	[tilespmem:$0x1278] =	vst v0  }
0x191: {  	[tilespmem:$0x1268] =	vst v0  }
0x192: {  	[tilespmem:$0x1258] =	vst v0  }
0x193: {  	[tilespmem:$0x1248] =	vst v0  }
0x194: {  	[tilespmem:$0x1238] =	vst v0  }
0x195: {  	[tilespmem:$0x1228] =	vst v0  }
0x196: {  	[tilespmem:$0x1218] =	vst v0  }
0x197: {  	[tilespmem:$0x1208] =	vst v0  }
0x198: {  	[tilespmem:$0x11F8] =	vst v0  }
0x199: {  	[tilespmem:$0x11E8] =	vst v0  }
0x19a: {  	[tilespmem:$0x11D8] =	vst v0  }
0x19b: {  	[tilespmem:$0x11C8] =	vst v0  }
0x19c: {  	[tilespmem:$0x11B8] =	vst v0  }
0x19d: {  	[tilespmem:$0x11A8] =	vst v0  }
0x19e: {  	[tilespmem:$0x1198] =	vst v0  }
0x19f: {  	[tilespmem:$0x1188] =	vst v0  }
0x1a0: {  	[tilespmem:$0x1178] =	vst v0  }
0x1a1: {  	[tilespmem:$0x1168] =	vst v0  }
0x1a2: {  	[tilespmem:$0x1158] =	vst v0  }
0x1a3: {  	[tilespmem:$0x1148] =	vst v0  }
0x1a4: {  	[tilespmem:$0x1138] =	vst v0  }
0x1a5: {  	[tilespmem:$0x1128] =	vst v0  }
0x1a6: {  	[tilespmem:$0x1118] =	vst v0  }
0x1a7: {  	s4 =	stileid.u32;
	[tilespmem:$0x1108] =	vst v0  }
0x1a8: {  	s0 =	smul.u32 $0x2E, s4;
	[tilespmem:$0x10F8] =	vst v0  }
0x1a9: {  	s1 =	smin.u32 s4, $0x5;
	[tilespmem:$0x10C8] =	vst v0  }
0x1aa: {  	[tilespmem:$0x10D8] =	vst v0;
	s0 =	sadd.s32 s1, s0  }
0x1ab: {  	p0 =	slt.u32 s4, $0x5;
	[tilespmem:$0x10B8] =	vst v0;
	s1 =	simm.s32 $0x4F50;
	s6 =	smul.u32 $0x1B0, s0  }
0x1ac: {  	s1 =	simm.s32 @!p0 $0x4DA0;
	[tilespmem:$0x1038] =	vst v0  }
0x1ad: {  	[tilespmem:$0x10A8] =	vst v0;
	s0 =	sadd.s32 s1, s6  }
0x1ae: {  	s3 =	simm.s32 $0x2;
	s8 =	simm.s32 $0x9;
	[tilespmem:$0x1098] =	vst v0;
	s7 =	smin.u32 s0, $0x4E200  }
0x1af: {  	s10 =	simm.s32 $0xA;
	s30 =	simm.s32 $0xB;
	[tilespmem:$0x1088] =	vst v0;
	s0 =	ssub.s32 s7, s6  }
0x1b0: {  	s16 =	simm.s32 $0x0;
	p4 =	por $0x0, $0x0;
	[tilespmem:$0x1078] =	vst v0;
	p0 =	sgt.s32 s0, $0x0  }
0x1b1: {  	s17 =	simm.s32 $0xC;
	s21 =	simm.s32 $0x0;
	[tilespmem:$0x1058] =	vst v0;
	s0 =	simm.s32 @!p0 $0x0  }
0x1b2: {  	s18 =	simm.s32 $0x0;
	s2 =	sand.u32 $0x1, s2;
	[tilespmem:$0x1048] =	vst v0;
	s29 =	smulhi.u32 $0x4BDA12F7, s0  }
0x1b3: {  	s20 =	simm.s32 $0x0;
	s31 =	sshll.u32 s4, $0x5;
	[tilespmem:$0x1018] =	vst v0;
	[dreg:$0x5] =	wrdreg s2  }
0x1b4: {  	s2 =	smul.u32 $0x9C40, s2;
	[tilespmem:$0x1008] =	vst v0;
	[sflag:s3] =	ssyncpa.u1 $0x0;
	s1 =	sshrl.u32 s29, $0x7  }
0x1b5: {  	v0 =	vimm.s32 $0xFFFFFFFF;
	s3 =	sadd.s32 $0x22AF000, s11;
	[dreg:$0x4] =	wrdreg s31;
	s5 =	smul.u32 $0x1B0, s1  }
.Ltmp0:
0x1b6: {  	[tilespmem:$0x3648] =	vst v0;
	[sflag:s8] =	ssyncpa.u1 $0x0;
	s2 =	sadd.s32 s2, s11;
	(pc) =	sbr.rel .LBB2_1-.Ltmp0, $4  }
0x1b7: {  	[sflag:s10] =	ssyncpa.u1 $0x0;
	s11 =	sadd.s32 $0x18EB000, s11;
	p0 =	sne.s32 s0, s5  }
0x1b8: {  	[sflag:s30] =	ssyncpa.u1 $0x0;
	s14 =	sadd.s32 $0x1666600, s2;
	s12 =	simm.s32 @!p0 $0x0  }
0x1b9: {  	s15 =	sadd.s32 $0x1652C00, s2;
	s19 =	smov.u32 s6;
	s12 =	sadd.s32 s12, s1  }
0x1ba: {  	v0 =	vlaneseq.u32;
	[dreg:$0x6] =	wrdreg s6;
	p0 =	por $0x1, $0x1;
	s4 =	sadd.s32 $0x1, s12  }
.LBB2_18:
0x1bb: {  	s0 =	simm.s32 $0x2  }
0x1bc: {  	_ =	swait.ge [sflag:s0], $0x0  }
0x1bd: {  	[sflag:s0] =	ssyncset.done $0x0;
	s0 =	simm.s32 $0x0  }
.LBB2_19:
0x1be: {  	_ =	swait.ge [sflag:s17], s0  }
0x1bf: {  	s31 =	ssub.s32 $0x0, s0;
	v1 =	vmov s23;
	vm0 =	veq.s32 v0, $0x0;
	[sflag:s17] =	ssyncset.done $0x0  }
0x1c0: {  	vm15 =	veq.s32 v0, $0x2;
	v1 =	vsel vm0, s28, v1;
	[sflag:s17] =	ssyncadd.s32 s31  }
0x1c1: {  	v1 =	vsel vm15, s21, v1;
	[sflag:s17] =	ssyncpa.u1 $0x1  }
0x1c2: {  	[tilespmem:$0x3648] =	vst v1  }
.LBB2_20:
0x1c3: {  	s0 =	sadd.s32 $0x1B0, s19  }
0x1c4: {  	s1 =	smov.u32 s6;
	p1 =	slt.s32 s0, s7  }
0x1c5: {  	s1 =	smov.u32 @p1 s0;
	p1 =	sne.s32 s20, s4  }
.Ltmp1:
0x1c6: {  	_ = 	snop;
	(pc) =	sbr.rel @!p1 .LBB2_21-.Ltmp1, $4  }
0x1c7: {  	_ = 	snop  }
0x1c8: {  	s21 =	smov.u32 s18  }
0x1c9: {  	s31 =	sadd.s32 $0x1, s20;
	s18 =	smov.u32 s19;
	p0 =	por !p0, !p0  }
0x1ca: {  	p4 =	por !p4, !p4;
	s20 =	smov.u32 s31;
	s19 =	smov.u32 s1  }
.LBB2_1:
0x1cb: {  	p2 =	sge.u32 s20, s12  }
0x1cc: {  	s0 =	smulhi.u32 @!p2 $0xAAAAAAAB, s20  }
0x1cd: {  	s1 =	smov.u32 s19;
	p3 =	sgt.s32 @!p2 s19, $0x4E050  }
0x1ce: {  	s2 =	sshra.s32 @!p2 s19, $0x1F;
	p3 =	por !p3, p2;
	s0 =	sshrl.u32 @!p2 s0, $0x1  }
0x1cf: {  	s2 =	sand.u32 @!p2 s2, s19;
	s1 =	simm.s32 @p3 $0x4E050;
	s0 =	smul.u32 @!p2 $0x3, s0  }
0x1d0: {  	s1 =	ssub.s32 @!p2 s1, s2  }
0x1d1: {  	s23 =	sadd.s32 $0xFFFFFFFF, s20;
	s1 =	sadd.s32 @!p2 $0xFFFB1FB0, s1;
	s0 =	ssub.s32 @!p2 s20, s0  }
0x1d2: {  	s2 =	sshll.u32 @!p2 s1, $0x2;
	p3 =	sgt.s32 @!p2 s1, $0x1AF;
	s0 =	smul.u32 @!p2 $0x6C0, s0  }
0x1d3: {  	s5 =	sand.u32 @!p2 $0x7, s19;
	s1 =	ssub.s32 @!p2 $0x6C0, s2;
	p3 =	por !p3, p2  }
0x1d4: {  	s2 =	sshrl.u32 @!p2 s19, $0x3;
	s1 =	sshrl.u32 @!p2 s1, $0x2;
	s0 =	sshrl.u32 @!p2 s0, $0x2  }
0x1d5: {  	s2 =	sadd.s32 @!p2 s2, s14;
	s1 =	simm.s32 @!p3 $0x0;
	s0 =	sadd.s32 @!p2 $0x3888, s0  }
0x1d6: {  	[tilespmem:s0], [sflag:$0xA] =	stream.linear.gather @!p2 [hbm4b:s2+s5], s1, $0x38;
	[tilespmem:$0x1F0F8] =	vst v63  }
0x1d7: {  	p2 =	sge.u32 s23, s12  }
0x1d8: {  	p3 =	sgt.s32 @!p2 s18, $0x4E050  }
0x1d9: {  	s0 =	smov.u32 s18;
	s1 =	sshra.s32 @!p2 s18, $0x1F;
	p3 =	por !p3, p2  }
0x1da: {  	s1 =	sand.u32 @!p2 s1, s18;
	s0 =	simm.s32 @p3 $0x4E050  }
0x1db: {  	s0 =	ssub.s32 @!p2 s0, s1  }
0x1dc: {  	s0 =	sadd.s32 @!p2 $0xFFFB1FB0, s0  }
0x1dd: {  	s1 =	sshll.u32 @!p2 s0, $0x2  }
0x1de: {  	p3 =	sgt.s32 @!p2 s0, $0x1AF;
	s0 =	ssub.s32 @!p2 $0x6C0, s1  }
0x1df: {  	s22 =	ssub.s32 @!p2 $0x4E200, s18;
	p3 =	por !p3, p2;
	s0 =	sshrl.u32 @!p2 s0, $0x2  }
0x1e0: {  	s1 =	sand.u32 @!p2 $0x1, s23;
	s0 =	simm.s32 @!p3 $0x0;
	p3 =	slt.s32 @!p2 s22, $0x1  }
0x1e1: {  	s2 =	simm.s32 @!p2 $0xA;
	s1 =	smul.u32 @!p2 $0x6C0, s1;
	p3 =	por p2, p3  }
.Ltmp2:
0x1e2: {  	_ =	swait.ge @!p2 [sflag:s2], s0;
	(pc) =	sbr.rel @p3 .LBB2_7-.Ltmp2, $4  }
0x1e3: {  	s5 =	ssub.s32 @!p2 $0x0, s0;
	[sflag:s2] =	ssyncset.done @!p2 $0x0  }
0x1e4: {  	s1 =	sshrl.u32 @!p2 s1, $0x2;
	[sflag:s2] =	ssyncadd.s32 @!p2 s5;
	s2 =	sshrl.u32 @!p2 s18, $0x3  }
0x1e5: {  	s1 =	sadd.s32 @!p2 $0x3D98, s1;
	s5 =	sand.u32 @!p2 $0x7, s18;
	s2 =	sadd.s32 @!p2 s2, s15  }
0x1e6: {  	[tilespmem:s1], [sflag:$0xB] =	stream.linear.gather @!p2 [hbm4b:s2+s5], s0, $0x38;
	[tilespmem:$0x1F0F8] =	vst v63  }
0x1e7: {  	s0 =	smulhi.u32 $0xAAAAAAAB, s23;
	_ =	sdelay $0x1  }
0x1e8: {  	s0 =	sshrl.u32 s0, $0x1  }
0x1e9: {  	s0 =	smul.u32 $0x3, s0;
	_ =	sdelay $0x1  }
0x1ea: {  	s0 =	ssub.s32 s23, s0  }
0x1eb: {  	s1 =	simm.s32 $0x1;
	s0 =	smul.u32 $0x6C0, s0  }
.Ltmp3:
0x1ec: {  	s1 =	simm.s32 @!p0 $0x0;
	(pc) =	sbr.rel .LBB2_4-.Ltmp3, $4  }
0x1ed: {  	s1 =	smul.u32 $0x36000, s1  }
0x1ee: {  	p3 =	slt.s32 @!p2 s22, $0x1B0;
	s0 =	sshrl.u32 s0, $0x2  }
0x1ef: {  	p2 =	por !p3, p2;
	s1 =	sshrl.u32 s1, $0x2;
	s0 =	sadd.s32 $0x3888, s0  }
0x1f0: {  	s24 =	simm.s32 $0x0;
	s22 =	simm.s32 @p2 $0x1B0;
	s23 =	sadd.s32 $0x40F8, s1;
	v1 =	vmov s0  }
.LBB2_3:
0x1f1: {  	p2 =	sge.s32 s24, s22  }
.Ltmp4:
0x1f2: {  	_ = 	snop;
	(pc) =	sbr.rel @p2 .LBB2_7-.Ltmp4, $2  }
0x1f3: {  	_ =	sdelay $0x2  }
0x1f4: {  	s23 =	sadd.s32 $0x800, s23  }
.LBB2_4:
0x1f5: {  	p2 =	sle.s32 s22, s24  }
.Ltmp5:
0x1f6: {  	_ = 	snop;
	(pc) =	sbr.rel @p2 .LBB2_3-.Ltmp5, $2  }
0x1f7: {  	_ =	sdelay $0x2  }
0x1f8: {  	s0 =	smov.u32 s24;
	s24 =	sadd.s32 $0x10, s24  }
0x1f9: {  	s1 =	ssub.s32 s22, s0  }
0x1fa: {  	p2 =	slt.s32 s1, $0x10  }
0x1fb: {  	s1 =	simm.s32 @!p2 $0x10  }
0x1fc: {  	v2 =	vmov s1  }
0x1fd: {  	vm0 =	vgt.s32 v2, v0;
	_ =	sdelay $0x5  }
0x1fe: {  	v2 =	vld.idx.msk [tilespmem:v1+s0+$0x0 ss:$0x1], vm0;
	_ =	sdelay $0x2  }
0x1ff: {  	p2 =	slt.s32 s24, s22;
	s1 =	smov.u32 s22  }
0x200: {  	s2 =	smov.u32 s23;
	s25 =	simm.s32 $0x0;
	s1 =	smov.u32 @p2 s24  }
.LBB2_6:
0x201: {  	(v2sf) =	vpush v2, s25;
	_ =	sdelay $0xc  }
0x202: {  	s25 =	sadd.s32 $0x1, s25  }
0x203: {  	s31 =	sadd.s32 s25, s0  }
0x204: {  	p2 =	slt.s32 s31, s1;
	s5 =	spop (v2sf)  }
.Ltmp6:
0x205: {  	s5 =	sshll.u32 s5, $0x4;
	(pc) =	sbr.rel @p2 .LBB2_6-.Ltmp6, $4  }
0x206: {  	s5 =	sand.u32 $0x1FFFFFF0, s5  }
0x207: {  	s5 =	sadd.s32 s11, s5  }
0x208: {  	[tilespmem:s2], [sflag:$0x9] =	stream.linear.gather [hbm4b:s5+s16], $0x2, $0x38;
	[tilespmem:$0x1F0F8] =	vst v63  }
0x209: {  	s2 =	sadd.s32 $0x80, s2  }
.Ltmp7:
0x20a: {  	_ = 	snop;
	(pc) =	sbr.rel .LBB2_3-.Ltmp7, $1  }
0x20b: {  	_ =	sdelay $0x3  }
.LBB2_7:
0x20c: {  	p2 =	slt.u32 s20, $0x2  }
.Ltmp8:
0x20d: {  	_ = 	snop;
	(pc) =	sbr.rel @p2 .LBB2_20-.Ltmp8, $1  }
0x20e: {  	_ =	sdelay $0x3  }
0x20f: {  	p2 =	sgt.s32 s21, $0x4E050  }
0x210: {  	s0 =	smov.u32 s21;
	s1 =	sshra.s32 s21, $0x1F;
	s2 =	ssub.s32 $0x4E200, s21  }
0x211: {  	s0 =	simm.s32 @!p2 $0x4E050;
	s1 =	sand.u32 s1, s21;
	p2 =	slt.s32 s2, $0x1B0  }
0x212: {  	s0 =	ssub.s32 s0, s1;
	s2 =	simm.s32 @!p2 $0x1B0  }
0x213: {  	s0 =	sadd.s32 $0xFFFB1FB0, s0;
	s24 =	sshll.u32 s2, $0x1  }
0x214: {  	s28 =	simm.s32 $0x9;
	s25 =	sshll.u32 s0, $0x2;
	s1 =	sand.u32 $0x3FFFFFFE, s24  }
0x215: {  	p2 =	sgt.s32 s0, $0x1AF;
	s26 =	ssub.s32 $0x6C0, s25;
	_ =	swait.ge [sflag:s28], s1  }
0x216: {  	s1 =	ssub.s32 $0x0, s1;
	[sflag:s28] =	ssyncset.done $0x0;
	s0 =	sshrl.u32 s26, $0x2  }
0x217: {  	s30 =	simm.s32 $0xB;
	[sflag:s28] =	ssyncadd.s32 s1;
	s0 =	simm.s32 @p2 $0x0  }
0x218: {  	_ =	swait.ge [sflag:s30], s0  }
0x219: {  	s0 =	ssub.s32 $0x0, s0;
	[sflag:s30] =	ssyncset.done $0x0  }
0x21a: {  	[sflag:s30] =	ssyncadd.s32 s0  }
0x21b: {  	v1 =	vld [tilespmem:$0x3648];
	_ =	sdelay $0x4  }
0x21c: {  	(v2sf) =	vpush v1, $0x0  }
0x21d: {  	(v2sf) =	vpush v1, $0x1  }
0x21e: {  	(v2sf) =	vpush v1, $0x2;
	_ =	sdelay $0x3  }
0x21f: {  	s0 =	sadd.s32 $0x1B0, s21  }
0x220: {  	s1 =	ssub.s32 $0x9C400, s21;
	p2 =	slt.s32 s7, s0  }
0x221: {  	s0 =	smov.u32 @p2 s7;
	p2 =	sgt.s32 s1, $0x0  }
0x222: {  	s25 =	ssub.s32 s0, s21;
	s1 =	simm.s32 @!p2 $0x0  }
0x223: {  	p2 =	slt.s32 s1, s25  }
0x224: {  	s25 =	smov.u32 @p2 s1  }
0x225: {  	s24 =	simm.s32 $0x1;
	p2 =	slt.s32 s25, $0x1  }
.Ltmp9:
0x226: {  	s24 =	simm.s32 @!p4 $0x0;
	(pc) =	sbr.rel @p2 .LBB2_12-.Ltmp9, $4  }
0x227: {  	s31 =	smul.u32 $0x6C0, s24  }
0x228: {  	s26 =	spop (v2sf)  }
0x229: {  	s0 =	sshrl.u32 s31, $0x2;
	s29 =	spop (v2sf)  }
0x22a: {  	s22 =	sadd.s32 $0x3D98, s0;
	s21 =	spop (v2sf)  }
0x22b: {  	s0 =	smin.u32 s25, $0x10  }
0x22c: {  	v1 =	vmov s0  }
0x22d: {  	p3 =	sgt.s32 s25, $0x10;
	vm1 =	vgt.u32 v1, v0  }
.Ltmp10:
0x22e: {  	_ = 	snop;
	(pc) =	sbr.rel @!p3 .LBB2_11-.Ltmp10, $2  }
0x22f: {  	_ =	sdelay $0x2  }
0x230: {  	s23 =	simm.s32 $0x10;
	s28 =	sadd.s32 $0xFFFFFFF0, s25;
	s0 =	smov.u32 s22;
	vm0 =	vmmov vm1  }
.LBB2_10:
0x231: {  	s1 =	smin.u32 s28, $0x10;
	s23 =	sadd.s32 $0x10, s23;
	v1 =	vld.msk [tilespmem:s0+$0x0 ss:$0x1], vm1  }
0x232: {  	v2 =	vmov s1;
	p3 =	slt.s32 s23, s25  }
0x233: {  	vm1 =	vgt.u32 v2, v0  }
.Ltmp11:
0x234: {  	(pc) =	sbr.rel @p3 .LBB2_10-.Ltmp11, $3  }
0x235: {  	_ =	sdelay $0x1  }
0x236: {  	v1 =	vshll.u32 v1, $0x4  }
0x237: {  	s28 =	sadd.s32 $0xFFFFFFF0, s28;
	[tilespmem:s0+$0x0] =	vst.msk vm0, v1;
	s0 =	sadd.s32 $0x10, s0;
	vm0 =	vmmov vm1  }
.LBB2_11:
0x238: {  	_ =	sdelay $0x4  }
0x239: {  	v1 =	vld.msk [tilespmem:s0+$0x0 ss:$0x1], vm1;
	_ =	sdelay $0x4  }
0x23a: {  	v1 =	vshll.u32 v1, $0x4  }
0x23b: {  	[tilespmem:s0+$0x0] =	vst.msk vm0, v1  }
.LBB2_12:
0x23c: {  	s0 =	sand.u32 $0x1, s20  }
0x23d: {  	s0 =	smul.u32 $0x1B0, s0  }
0x23e: {  	p3 =	sne.s32 s29, $0xFFFFFFFF  }
0x23f: {  	v1 =	vld.msk @!p3 [tilespmem:s0+$0x3D98], $0x1;
	_ =	sdelay $0x4  }
0x240: {  	(v2sf) =	vpush @!p3 v1, $0x0;
	_ =	sdelay $0xc  }
.Ltmp12:
0x241: {  	_ = 	snop;
	(pc) =	sbr.rel @p2 .LBB2_18-.Ltmp12, $4  }
0x242: {  	_ = 	snop  }
0x243: {  	s28 =	spop @!p3 (v2sf)  }
0x244: {  	s21 =	simm.s32 @!p3 $0x0;
	s23 =	smov.u32 s28  }
0x245: {  	[sflag:s17] =	ssyncpa.u1 $0x0;
	s28 =	smov.u32 @p3 s26;
	s23 =	smov.u32 @p3 s29  }
0x246: {  	v1 =	vld.msk [tilespmem:s22+$0x0], $0x1;
	_ =	sdelay $0x4  }
0x247: {  	(v2sf) =	vpush v1, $0x0;
	_ =	sdelay $0xe  }
0x248: {  	s0 =	simm.s32 @!p4 $0x0;
	s26 =	smul.u32 $0x36000, s24;
	s31 =	spop (v2sf)  }
0x249: {  	s29 =	ssub.s32 $0x0, s25;
	s0 =	simm.s32 @p4 $0x1;
	p2 =	seq.s32 s28, s31  }
0x24a: {  	s1 =	smov.u32 s28;
	[smem:$0x7FD] =	sst s0;
	p3 =	sgt.s32 @!p2 s28, $0x0  }
0x24b: {  	s0 =	sshrl.u32 s26, $0x2;
	s26 =	sadd.s32 $0x1, s29;
	p3 =	por !p3, p2  }
0x24c: {  	s1 =	simm.s32 @p3 $0x0;
	p3 =	seq.s32 s26, $0x0  }
.Ltmp13:
0x24d: {  	_ = 	snop;
	(pc) =	sbr.rel @p3 .LBB2_15-.Ltmp13, $4  }
0x24e: {  	s6 =	smov.u32 s4;
	s25 =	simm.s32 $0x0  }
0x24f: {  	s24 =	sadd.s32 $0x40F8, s0;
	s0 =	simm.s32 @!p2 $0x1;
	s2 =	smin.u32 @!p2 s1, $0x270FFF  }
0x250: {  	s30 =	sadd.s32 $0x1, s22;
	s0 =	smov.u32 @p2 s25;
	s5 =	sand.u32 @!p2 $0x3FFFF8, s2  }
0x251: {  	s1 =	simm.s32 @!p2 $0x1B38;
	s2 =	sand.u32 @!p2 $0x7, s2;
	s5 =	sadd.s32 @!p2 s3, s5  }
.LBB2_14:
0x252: {  	s4 =	smov.u32 s0  }
0x253: {  	[tilespmem:s1], [sflag:$0x2] =	stream.linear.gather @!p2 [hbm4b:s5+s2], $0x2, $0x38;
	[tilespmem:$0x1F0F8] =	vst v63  }
0x254: {  	s26 =	sadd.s32 $0x1, s26;
	s2 =	smov.u32 s31;
	v1 =	vld.msk [tilespmem:s30+$0x0], $0x1  }
0x255: {  	p3 =	seq.s32 s26, $0x0;
	_ =	sdelay $0x3  }
0x256: {  	(v2sf) =	vpush v1, $0x0;
	_ =	sdelay $0xe  }
0x257: {  	s31 =	spop (v2sf)  }
0x258: {  	p2 =	seq.s32 s2, s31  }
0x259: {  	p4 =	sgt.s32 @!p2 s2, $0x0;
	s1 =	sshll.u32 @!p2 s0, $0x6;
	s0 =	sadd.s32 @!p2 $0x1, s0  }
.Ltmp14:
0x25a: {  	p4 =	por !p4, p2;
	s1 =	sshra.s32 @!p2 s1, $0x2;
	(pc) =	sbr.rel @!p3 .LBB2_14-.Ltmp14, $4  }
0x25b: {  	s0 =	smov.u32 @p2 s4;
	s2 =	simm.s32 @p4 $0x0;
	s1 =	sadd.s32 @!p2 $0x1B38, s1  }
0x25c: {  	s2 =	smin.u32 @!p2 s2, $0x270FFF  }
0x25d: {  	s4 =	sand.u32 @!p2 $0x3FFFF8, s2;
	s2 =	sand.u32 @!p2 $0x7, s2  }
0x25e: {  	s30 =	sadd.s32 $0x1, s30;
	s5 =	sadd.s32 @!p2 s3, s4  }
.LBB2_15:
0x25f: {  	[tilespmem:s1], [sflag:$0x2] =	stream.linear.gather @!p2 [hbm4b:s5+s2], $0x2, $0x38;
	[tilespmem:$0x1F0F8] =	vst v63  }
0x260: {  	s0 =	sshll.u32 s0, $0x1  }
0x261: {  	s31 =	simm.s32 $0x2;
	s0 =	sand.u32 $0x3FFFFFFE, s0  }
0x262: {  	_ =	swait.ge [sflag:s31], s0  }
0x263: {  	s0 =	ssub.s32 $0x0, s0;
	[sflag:s31] =	ssyncset.done $0x0  }
0x264: {  	[sflag:s31] =	ssyncadd.s32 s0  }
0x265: {  	v1 =	vld.msk [tilespmem:s22+$0x0], $0x1;
	_ =	sdelay $0x4  }
0x266: {  	(v2sf) =	vpush v1, $0x0;
	_ =	sdelay $0xe  }
0x267: {  	s26 =	spop (v2sf)  }
0x268: {  	p2 =	sne.s32 s28, s26  }
0x269: {  	p4 =	sne.s32 @p2 s28, s23  }
0x26a: {  	p3 =	por !p4, !p2  }
0x26b: {  	s0 =	simm.s32 @!p3 $0x0  }
0x26c: {  	v1 =	vld.msk @!p3 [tilespmem:s0+$0x1B38], $0x3  }
0x26d: {  	p5 =	sgt.u32 @!p3 s28, $0x270FFF  }
0x26e: {  	s1 =	sshll.u32 @!p3 s21, $0x6;
	p6 =	por @p2 p5, !p4  }
0x26f: {  	s1 =	sshra.s32 @!p3 s1, $0x2;
	p1 =	por p6, !p2;
	p6 =	por p4, !p2  }
0x270: {  	s2 =	sadd.s32 @!p3 $0x28, s1;
	s4 =	sand.u32 @!p1 $0x3FFFF8, s28;
	s5 =	sshll.u32 @!p6 s21, $0x6  }
0x271: {  	s28 =	sand.u32 @!p1 $0x7, s28;
	[tilespmem:s1+$0x28] =	vst.add.f32.msk @!p3 $0x3, v1;
	s1 =	sadd.s32 @!p1 s3, s4;
	s4 =	sshra.s32 @!p6 s5, $0x2  }
0x272: {  	[hbm4b:s1+s28] =	stream.linear.scatter @!p1 [tilespmem:s2], [sflag:$0xC], $0x2, $0x38;
	[tilespmem:$0x1F0F8] =	vst v63  }
0x273: {  	s0 =	rddreg [dreg:$0x4];
	s1 =	sadd.s32 @!p6 $0x28, s4;
	s2 =	simm.s32 @!p6 $0x1  }
0x274: {  	[spmem:s0] =	stream.linear.scatter @!p6 [tilespmem:s1], [sflag:$0x1], $0x2, $0x38;
	[tilespmem:$0x1F0F8] =	vst v63  }
0x275: {  	s0 =	sadd.s32 @p2 $0x1, s21;
	_ =	swait.ge @!p6 [sflag:s2], $0x2  }
0x276: {  	s1 =	sshrl.u32 @p2 s0, $0x4;
	[sflag:s2] =	ssyncset.done @!p6 $0x0  }
0x277: {  	s1 =	smulhi.u32 @p2 $0x97B425F, s1;
	[sflag:s2] =	ssyncadd.s32 @!p6 $0xFFFFFFFE  }
0x278: {  	s28 =	sadd.s32 $0x1, s29;
	v1 =	vld.msk @p2 [tilespmem:s24+$0x0], $0x3  }
0x279: {  	p1 =	por @p2 !p5, !p4;
	p4 =	seq.s32 s28, $0x0;
	s1 =	smul.u32 @p2 $0x1B0, s1  }
.Ltmp15:
0x27a: {  	p1 =	por !p1, !p2;
	s2 =	simm.s32 @!p3 $0x0;
	(pc) =	sbr.rel @p4 .LBB2_17-.Ltmp15, $4  }
0x27b: {  	s4 =	sshll.u32 @!p2 s21, $0x6;
	s2 =	simm.s32 @!p1 $0x8;
	s0 =	ssub.s32 @p2 s0, s1  }
0x27c: {  	s29 =	simm.s32 $0x0;
	s2 =	sadd.s32 @!p3 $0x0, s2;
	s5 =	sshll.u32 @p2 s0, $0x4  }
0x27d: {  	s30 =	sshra.s32 @!p2 s4, $0x2;
	s1 =	simm.s32 @p2 $0x1;
	s2 =	smov.u32 @p3 s25;
	[tilespmem:s5+$0x28] =	vst.msk @p2 $0x3, v1  }
0x27e: {  	s21 =	smov.u32 @p2 s0;
	s29 =	smov.u32 @p2 s2;
	s25 =	smov.u32 @p2 s1;
	v1 =	vld.msk @!p2 [tilespmem:s24+$0x0], $0x3  }
.LBB2_16:
0x27f: {  	_ =	sdelay $0x3  }
0x280: {  	s22 =	sadd.s32 $0x1, s22;
	[tilespmem:s30+$0x28] =	vst.add.f32.msk @!p2 $0x3, v1  }
0x281: {  	v1 =	vld.msk [tilespmem:s22+$0x0], $0x1;
	_ =	sdelay $0x4  }
0x282: {  	(v2sf) =	vpush v1, $0x0;
	_ =	sdelay $0xe  }
0x283: {  	s0 =	smov.u32 s26;
	s26 =	spop (v2sf)  }
0x284: {  	p2 =	sne.s32 s0, s26  }
0x285: {  	p5 =	sne.s32 @p2 s0, s23  }
0x286: {  	s4 =	sshll.u32 @!p2 s21, $0x6;
	p4 =	por !p5, !p2  }
0x287: {  	s30 =	sshra.s32 @!p2 s4, $0x2;
	s4 =	sshll.u32 @!p4 s25, $0x6  }
0x288: {  	s4 =	sshra.s32 @!p4 s4, $0x2  }
0x289: {  	p1 =	sgt.u32 @!p4 s0, $0x270FFF;
	v1 =	vld.msk @!p4 [tilespmem:s4+$0x1B38], $0x3  }
0x28a: {  	s31 =	sshll.u32 @!p4 s21, $0x6;
	p6 =	por @p2 p1, !p5;
	p1 =	por @p2 !p1, !p5  }
0x28b: {  	s8 =	simm.s32 @!p4 $0x0;
	s31 =	sshra.s32 @!p4 s31, $0x2;
	p1 =	por !p1, !p2  }
0x28c: {  	p5 =	por p5, !p2;
	s8 =	simm.s32 @!p1 $0x8;
	p1 =	por p6, !p2  }
0x28d: {  	s4 =	sadd.s32 @!p4 $0x28, s31;
	s13 =	sshll.u32 @!p5 s21, $0x6;
	s10 =	sand.u32 @!p1 $0x3FFFF8, s0  }
0x28e: {  	s13 =	sshra.s32 @!p5 s13, $0x2;
	s0 =	sand.u32 @!p1 $0x7, s0;
	s10 =	sadd.s32 @!p1 s3, s10;
	[tilespmem:s31+$0x28] =	vst.add.f32.msk @!p4 $0x3, v1  }
0x28f: {  	[hbm4b:s10+s0] =	stream.linear.scatter @!p1 [tilespmem:s4], [sflag:$0xC], $0x2, $0x38;
	[tilespmem:$0x1F0F8] =	vst v63  }
0x290: {  	s1 =	rddreg [dreg:$0x4];
	s0 =	sadd.s32 @!p5 $0x28, s13;
	s4 =	simm.s32 @!p5 $0x1  }
0x291: {  	[spmem:s1] =	stream.linear.scatter @!p5 [tilespmem:s0], [sflag:$0x1], $0x2, $0x38;
	[tilespmem:$0x1F0F8] =	vst v63  }
0x292: {  	s2 =	sadd.s32 @p2 $0x1, s21;
	_ =	swait.ge @!p5 [sflag:s4], $0x2  }
0x293: {  	s5 =	sshrl.u32 @p2 s2, $0x4;
	[sflag:s4] =	ssyncset.done @!p5 $0x0  }
0x294: {  	s24 =	sadd.s32 $0x80, s24;
	s5 =	smulhi.u32 @p2 $0x97B425F, s5;
	[sflag:s4] =	ssyncadd.s32 @!p5 $0xFFFFFFFE  }
0x295: {  	s28 =	sadd.s32 $0x1, s28;
	v1 =	vld.msk @p2 [tilespmem:s24+$0x0], $0x3  }
0x296: {  	p3 =	seq.s32 s28, $0x0;
	s5 =	smul.u32 @p2 $0x1B0, s5  }
.Ltmp16:
0x297: {  	_ = 	snop;
	(pc) =	sbr.rel @!p3 .LBB2_16-.Ltmp16, $4  }
0x298: {  	s2 =	ssub.s32 @p2 s2, s5  }
0x299: {  	s8 =	sadd.s32 @!p4 s8, s29;
	s5 =	sshll.u32 @p2 s2, $0x4  }
0x29a: {  	s9 =	sadd.s32 @p2 $0x1, s25;
	s8 =	smov.u32 @p4 s29;
	[tilespmem:s5+$0x28] =	vst.msk @p2 $0x3, v1  }
0x29b: {  	s25 =	smov.u32 @p2 s9;
	s21 =	smov.u32 @p2 s2;
	s29 =	smov.u32 @p2 s8;
	v1 =	vld.msk @!p2 [tilespmem:s24+$0x0], $0x3  }
.LBB2_17:
.Ltmp17:
0x29c: {  	_ = 	snop;
	(pc) =	sbr.rel .LBB2_19-.Ltmp17, $3  }
0x29d: {  	s1 =	sld [smem:$0x7FD];
	_ =	sdelay $0x1  }
0x29e: {  	s0 =	sshrl.u32 s29, $0x2;
	s28 =	smov.u32 s26  }
0x29f: {  	s4 =	smov.u32 s6;
	s6 =	rddreg [dreg:$0x6];
	p4 =	seq.s32 s1, $0x1;
	[tilespmem:s30+$0x28] =	vst.add.f32.msk @!p2 $0x3, v1  }
.LBB2_21:
0x2a0: {  	_ =	sfence.sel $0x180000  }
0x2a1: {  	s0 =	simm.s32 $0x9;
	[bflag:$0x0] =	sbarrier.arrive $0xFFFF  }
0x2a2: {  	s24 =	simm.s32 $0xA;
	[sflag:s0] =	ssyncpa.u1 $0x1  }
0x2a3: {  	s25 =	simm.s32 $0xB;
	[sflag:s24] =	ssyncpa.u1 $0x1  }
0x2a4: {  	s26 =	simm.s32 $0x2;
	[sflag:s25] =	ssyncpa.u1 $0x1  }
0x2a5: {  	[sflag:s26] =	ssyncpa.u1 $0x1  }
0x2a6: {  	v0 =	vld [tilespmem:$0x3648];
	_ =	sdelay $0x4  }
0x2a7: {  	(v2sf) =	vpush v0, $0x0  }
0x2a8: {  	(v2sf) =	vpush v0, $0x1;
	_ =	sdelay $0x1  }
0x2a9: {  	(v2sf) =	vpush v0, $0x2;
	_ =	sdelay $0xb  }
0x2aa: {  	s0 =	spop (v2sf)  }
0x2ab: {  	s1 =	spop (v2sf)  }
0x2ac: {  	s2 =	smov.u32 s0;
	p0 =	sne.s32 s0, s1  }
0x2ad: {  	s4 =	spop (v2sf);
	s2 =	simm.s32 @!p0 $0xFFFFFFFF  }
0x2ae: {  	v2 =	vimm.s32 $0x1;
	v3 =	vlaneseq.u32;
	p0 =	seq.s32 s4, $0xFFFFFFFF;
	v1 =	vmov s2  }
0x2af: {  	s16 =	stileid.u32;
	v0 =	vperm.xlane v0, v2;
	p1 =	sne.s32 @!p0 s0, s1;
	v1 =	vperm.xlane v1, v3  }
0x2b0: {  	vm0 =	vcmask $0x3F04;
	s6 =	simm.s32 $0x3648;
	s0 =	simm.s32 @!p0 $0x1;
	p1 =	por !p1, p0  }
0x2b1: {  	s2 =	sshll.u32 s16, $0x1;
	s1 =	sshll.u32 @!p0 s4, $0x6;
	s0 =	simm.s32 @p1 $0x0;
	v0 =	vsel vm0, v1, v0  }
0x2b2: {  	s5 =	sor.u32 $0x200, s2;
	s1 =	sshra.s32 @!p0 s1, $0x2;
	s0 =	sor.u32 @!p0 s0, s2;
	[tilespmem:$0x3648] =	vst v0  }
0x2b3: {  	[spmem:s5] =	stream.linear.scatter [tilespmem:s6], [sflag:$0x1], $0x2, $0x38;
	[tilespmem:$0x1F0F8] =	vst v63  }
0x2b4: {  	s1 =	sadd.s32 @!p0 $0x28, s1;
	s0 =	sshll.u32 @!p0 s0, $0x4  }
0x2b5: {  	[spmem:s0] =	stream.linear.scatter @!p0 [tilespmem:s1], [sflag:$0x1], $0x10, $0x38;
	[tilespmem:$0x1F0F8] =	vst v63  }
0x2b6: {  	s0 =	simm.s32 @!p0 $0x12  }
0x2b7: {  	s28 =	simm.s32 $0x1;
	s0 =	simm.s32 @p0 $0x2  }
0x2b8: {  	_ =	swait.ge [sflag:s28], s0  }
0x2b9: {  	s0 =	ssub.s32 $0x0, s0;
	[sflag:s28] =	ssyncset.done $0x0  }
0x2ba: {  	p0 =	sne.s32 s16, $0x0;
	[sflag:s28] =	ssyncadd.s32 s0  }
.Ltmp18:
0x2bb: {  	_ =	sfence.stream.spmem;
	(pc) =	sbr.rel @p0 .LBB2_38-.Ltmp18, $4  }
0x2bc: {  	s29 =	simm.s32 $0x3;
	[bflag:$0x0] =	sbarrier.arrive $0xFFFF  }
0x2bd: {  	s30 =	simm.s32 $0x4;
	[sflag:s29] =	ssyncpa.u1 $0x1  }
0x2be: {  	s31 =	simm.s32 $0x3C;
	[sflag:s30] =	ssyncpa.u1 $0x1  }
0x2bf: {  	s17 =	rddreg [dreg:$0x5];
	[sflag:s31] =	ssyncpa.u1 $0x1  }
0x2c0: {  	_ =	sfence.stream.spmem;
	s0 =	simm.s32 $0x5  }
0x2c1: {  	s1 =	simm.s32 $0x200;
	s2 =	simm.s32 $0x3658;
	[sflag:s0] =	ssyncpa.u1 $0x0  }
0x2c2: {  	[tilespmem:s2], [sflag:$0x5] =	stream.linear.gather [spmem:s1], $0x20, $0x38;
	[tilespmem:$0x1F0F8] =	vst v63  }
0x2c3: {  	s26 =	simm.s32 $0x0;
	s28 =	simm.s32 $0x3678  }
0x2c4: {  	[tilespmem:s28], [sflag:$0x5] =	stream.linear.gather [spmem:s26], $0x200, $0x38;
	[tilespmem:$0x1F0F8] =	vst v63  }
0x2c5: {  	_ =	swait.ge [sflag:s0], $0x220  }
0x2c6: {  	[sflag:s0] =	ssyncset.done $0x0  }
0x2c7: {  	s29 =	simm.s32 $0x0;
	[sflag:s0] =	ssyncadd.s32 $0xFFFFFDE0  }
0x2c8: {  	v0 =	vld.msk [tilespmem:s29+$0x3658], $0x1;
	_ =	sdelay $0x1  }
0x2c9: {  	s30 =	simm.s32 $0x1  }
0x2ca: {  	v1 =	vld.msk [tilespmem:s30+$0x3658], $0x1;
	_ =	sdelay $0x1  }
0x2cb: {  	(v2sf) =	vpush v0, $0x0;
	_ =	sdelay $0x2  }
0x2cc: {  	(v2sf) =	vpush v1, $0x0;
	_ =	sdelay $0x2  }
0x2cd: {  	s31 =	simm.s32 $0x2  }
0x2ce: {  	v0 =	vld.msk [tilespmem:s31+$0x3658], $0x1;
	_ =	sdelay $0x2  }
0x2cf: {  	s6 =	simm.s32 $0xFFFFFFFF;
	s1 =	simm.s32 $0xFFFFFFFF;
	s0 =	simm.s32 $0xC  }
.LBB2_23:
0x2d0: {  	s2 =	smov.u32 s6;
	s4 =	smov.u32 s1  }
0x2d1: {  	s1 =	sshra.s32 s0, $0x2;
	p1 =	sne.s32 s0, $0x7C;
	s0 =	sadd.s32 $0x4, s0;
	(v2sf) =	vpush v0, $0x0  }
0x2d2: {  	v0 =	vld.msk [tilespmem:s1+$0x3658], $0x1  }
.Ltmp19:
0x2d3: {  	(pc) =	sbr.rel @p1 .LBB2_23-.Ltmp19, $4  }
0x2d4: {  	s6 =	spop (v2sf)  }
0x2d5: {  	p2 =	sne.s32 s4, $0xFFFFFFFF;
	s1 =	smov.u32 s6  }
0x2d6: {  	p3 =	seq.s32 s6, $0xFFFFFFFF;
	s1 =	smov.u32 @p2 s4  }
0x2d7: {  	s6 =	smov.u32 @p3 s2;
	s1 =	smov.u32 @p3 s4  }
0x2d8: {  	(v2sf) =	vpush v0, $0x0;
	_ =	sdelay $0x8  }
0x2d9: {  	s0 =	spop (v2sf)  }
0x2da: {  	p1 =	sne.s32 s1, $0xFFFFFFFF;
	s2 =	smov.u32 s0  }
0x2db: {  	s9 =	simm.s32 $0x6;
	p2 =	seq.s32 s0, $0xFFFFFFFF;
	s2 =	smov.u32 @p1 s1  }
0x2dc: {  	s10 =	simm.s32 $0x3638;
	s2 =	smov.u32 @p2 s1;
	s1 =	spop (v2sf)  }
0x2dd: {  	s0 =	smov.u32 @p2 s6;
	p1 =	sne.s32 s2, $0xFFFFFFFF;
	s4 =	smov.u32 s1  }
.Ltmp20:
0x2de: {  	p2 =	seq.s32 s1, $0xFFFFFFFF;
	s4 =	smov.u32 @p1 s2;
	(pc) =	sbr.rel .LBB2_25-.Ltmp20, $4  }
0x2df: {  	s11 =	simm.s32 $0x0;
	s4 =	smov.u32 @p2 s2;
	s7 =	spop (v2sf)  }
0x2e0: {  	[sflag:s9] =	ssyncpa.u1 $0x0;
	p1 =	sne.s32 s4, $0xFFFFFFFF;
	s8 =	smov.u32 s7  }
0x2e1: {  	s1 =	smov.u32 @p2 s0;
	p2 =	seq.s32 s7, $0xFFFFFFFF;
	s8 =	smov.u32 @p1 s4  }
0x2e2: {  	s6 =	simm.s32 $0x0;
	s7 =	smov.u32 @p2 s1;
	s8 =	smov.u32 @p2 s4  }
.LBB2_30:
0x2e3: {  	p1 =	sgt.u32 s12, $0x270FFF  }
0x2e4: {  	p2 =	seq.s32 @!p1 s12, s8  }
0x2e5: {  	p1 =	por p1, p2  }
0x2e6: {  	p2 =	sne.s32 @!p1 s12, s7  }
0x2e7: {  	p1 =	por p1, !p2  }
0x2e8: {  	s0 =	sshll.u32 @p1 s11, $0x6  }
0x2e9: {  	s0 =	sand.u32 @!p1 $0x3FFFF8, s12  }
0x2ea: {  	s1 =	sand.u32 @!p1 $0x7, s12;
	s0 =	sadd.s32 @!p1 s3, s0  }
0x2eb: {  	[tilespmem:s10], [sflag:$0x6] =	stream.linear.gather @!p1 [hbm4b:s0+s1], $0x2, $0x38;
	[tilespmem:$0x1F0F8] =	vst v63  }
0x2ec: {  	_ =	swait.ge @!p1 [sflag:s9], $0x2  }
0x2ed: {  	[sflag:s9] =	ssyncset.done @!p1 $0x0  }
0x2ee: {  	[sflag:s9] =	ssyncadd.s32 @!p1 $0xFFFFFFFE  }
0x2ef: {  	v1 =	vld @!p1 [tilespmem:$0x3638];
	_ =	sdelay $0x2  }
0x2f0: {  	s0 =	sshll.u32 @!p1 s11, $0x6  }
0x2f1: {  	s1 =	sshrl.u32 @!p1 s0, $0x2  }
0x2f2: {  	[tilespmem:s1+$0x3678] =	vst.add.f32.msk @!p1 $0xffff, v1  }
0x2f3: {  	s0 =	sshrl.u32 s0, $0x2;
	[tilespmem:s6+$0x3658] =	vst.msk $0x1, v0  }
0x2f4: {  	v0 =	vld [tilespmem:s0+$0x3678];
	_ =	sdelay $0x2  }
0x2f5: {  	s31 =	sshll.u32 s6, $0x6  }
0x2f6: {  	s0 =	sshra.s32 s31, $0x2  }
0x2f7: {  	s6 =	sadd.s32 $0x1, s6;
	[tilespmem:s0+$0x3678] =	vst v0  }
.LBB2_32:
0x2f8: {  	s11 =	sadd.s32 $0x1, s11  }
0x2f9: {  	p1 =	sne.s32 s11, $0x20  }
.Ltmp21:
0x2fa: {  	_ = 	snop;
	(pc) =	sbr.rel @!p1 .LBB2_33-.Ltmp21, $1  }
0x2fb: {  	_ =	sdelay $0x3  }
.LBB2_25:
0x2fc: {  	v0 =	vld.msk [tilespmem:s11+$0x3658], $0x1;
	_ =	sdelay $0x4  }
0x2fd: {  	(v2sf) =	vpush v0, $0x0;
	_ =	sdelay $0xe  }
0x2fe: {  	s12 =	spop (v2sf)  }
0x2ff: {  	p1 =	seq.s32 s12, $0xFFFFFFFF  }
.Ltmp22:
0x300: {  	_ = 	snop;
	(pc) =	sbr.rel @p1 .LBB2_32-.Ltmp22, $1  }
0x301: {  	_ =	sdelay $0x3  }
0x302: {  	p1 =	slt.s32 s6, $0x1  }
.Ltmp23:
0x303: {  	_ = 	snop;
	(pc) =	sbr.rel @p1 .LBB2_30-.Ltmp23, $1  }
0x304: {  	_ =	sdelay $0x3  }
0x305: {  	s13 =	simm.s32 $0x3658;
	p1 =	por $0x0, $0x0  }
0x306: {  	v1 =	vld.msk @!p1 [tilespmem:s13+$0x0], $0x1;
	_ =	sdelay $0x4  }
0x307: {  	(v2sf) =	vpush @!p1 v1, $0x0;
	_ =	sdelay $0xd  }
0x308: {  	p3 =	sne.s32 s6, $0x1  }
.Ltmp24:
0x309: {  	s0 =	spop @!p1 (v2sf);
	(pc) =	sbr.rel @!p3 .LBB2_29-.Ltmp24, $4  }
0x30a: {  	p2 =	seq.s32 @!p1 s12, s0  }
0x30b: {  	s14 =	simm.s32 $0x0;
	p2 =	por !p2, p1  }
0x30c: {  	s0 =	simm.s32 $0xFFFFFFFF;
	s14 =	simm.s32 @p2 $0xFFFFFFFF  }
0x30d: {  	s15 =	simm.s32 $0x1;
	s14 =	smov.u32 @p1 s0  }
.LBB2_28:
0x30e: {  	s0 =	smov.u32 s14;
	p1 =	sne.s32 s14, $0xFFFFFFFF  }
0x30f: {  	s13 =	sadd.s32 $0x1, s13;
	s14 =	smov.u32 s15;
	s15 =	sadd.s32 $0x1, s15  }
0x310: {  	p2 =	sne.s32 s6, s15;
	v1 =	vld.msk @!p1 [tilespmem:s13+$0x0], $0x1;
	_ =	sdelay $0x4  }
0x311: {  	(v2sf) =	vpush @!p1 v1, $0x0;
	_ =	sdelay $0xe  }
.Ltmp25:
0x312: {  	s1 =	spop @!p1 (v2sf);
	(pc) =	sbr.rel @p2 .LBB2_28-.Ltmp25, $4  }
0x313: {  	p3 =	seq.s32 @!p1 s12, s1  }
0x314: {  	p3 =	por !p3, p1  }
0x315: {  	s14 =	simm.s32 @p3 $0xFFFFFFFF  }
0x316: {  	s14 =	smov.u32 @p1 s0  }
.LBB2_29:
0x317: {  	p1 =	sne.s32 s14, $0xFFFFFFFF  }
.Ltmp26:
0x318: {  	_ = 	snop;
	(pc) =	sbr.rel @!p1 .LBB2_30-.Ltmp26, $1  }
0x319: {  	_ =	sdelay $0x3  }
0x31a: {  	s0 =	sshll.u32 s11, $0x4  }
0x31b: {  	s0 =	sand.u32 $0x3FFFFFF0, s0  }
0x31c: {  	v0 =	vld [tilespmem:s0+$0x3678]  }
.Ltmp27:
0x31d: {  	_ = 	snop;
	(pc) =	sbr.rel .LBB2_32-.Ltmp27, $4  }
0x31e: {  	_ = 	snop  }
0x31f: {  	s31 =	sshll.u32 s14, $0x6  }
0x320: {  	s0 =	sshra.s32 s31, $0x2  }
0x321: {  	[tilespmem:s0+$0x3678] =	vst.add.f32.msk $0xffff, v0  }
.LBB2_33:
0x322: {  	s0 =	simm.s32 $0x6;
	p1 =	seq.s32 s6, $0x0  }
0x323: {  	[sflag:s0] =	ssyncpa.u1 $0x1;
	v0 =	vimm.s32 @p1 $0xFFFFFFFF  }
0x324: {  	s9 =	sadd.s32 $0xFFFFFFFF, s6;
	[tilespmem:$0x3878] =	vst @p1 v0  }
0x325: {  	v0 =	vld.msk @!p1 [tilespmem:s9+$0x3658], $0x1;
	_ =	sdelay $0x1  }
0x326: {  	v1 =	vld.msk @!p1 [tilespmem:$0x3658], $0x1;
	_ =	sdelay $0x2  }
0x327: {  	p2 =	seq.s32 @!p1 s9, $0x0;
	v0 =	vbroadcast @!p1 v0, $0x0  }
0x328: {  	vm0 =	vmmov @!p1 $0x1;
	p2 =	por !p2, p1  }
0x329: {  	v1 =	vnsel @!p1 vm0, $0xFFFFFFFF, v1;
	vm0 =	vcmask @!p1 $0x308;
	v0 =	vpsel !p2, $0xFFFFFFFF, v0  }
0x32a: {  	p2 =	sne.s32 @!p1 s8, s7;
	v0 =	vsel @!p1 vm0, v1, v0  }
0x32b: {  	s0 =	simm.s32 @!p1 $0x3678;
	s1 =	simm.s32 @!p1 $0x0;
	p3 =	por !p2, p1;
	[tilespmem:$0x3878] =	vst @!p1 v0  }
0x32c: {  	[spmem:s1] =	stream.linear.scatter @!p1 [tilespmem:s0], [sflag:$0x1], $0x10, $0x38;
	[tilespmem:$0x1F0F8] =	vst v63  }
0x32d: {  	s0 =	sshll.u32 @!p3 s9, $0x6  }
0x32e: {  	s0 =	sshra.s32 @!p3 s0, $0x2  }
0x32f: {  	s1 =	simm.s32 @!p3 $0x10;
	s0 =	sadd.s32 @!p3 $0x3678, s0  }
0x330: {  	[spmem:s1] =	stream.linear.scatter @!p3 [tilespmem:s0], [sflag:$0x1], $0x10, $0x38;
	[tilespmem:$0x1F0F8] =	vst v63  }
0x331: {  	s0 =	simm.s32 @!p3 $0x1  }
0x332: {  	_ =	swait.ge @!p3 [sflag:s0], $0x20  }
0x333: {  	p1 =	por p2, p1;
	[sflag:s0] =	ssyncset.done @!p3 $0x0  }
0x334: {  	[sflag:s0] =	ssyncadd.s32 @!p3 $0xFFFFFFE0;
	s0 =	simm.s32 @!p1 $0x1  }
0x335: {  	_ =	swait.ge @!p1 [sflag:s0], $0x10  }
0x336: {  	s29 =	simm.s32 $0x3878;
	[sflag:s0] =	ssyncset.done @!p1 $0x0  }
0x337: {  	s30 =	simm.s32 $0x200;
	s31 =	simm.s32 $0x1;
	[sflag:s0] =	ssyncadd.s32 @!p1 $0xFFFFFFF0  }
0x338: {  	[spmem:s30] =	stream.linear.scatter [tilespmem:s29], [sflag:$0x1], $0x10, $0x38;
	[tilespmem:$0x1F0F8] =	vst v63  }
0x339: {  	_ =	swait.ge [sflag:s31], $0x10  }
0x33a: {  	[sflag:s31] =	ssyncset.done $0x0  }
0x33b: {  	p1 =	seq.s32 s17, $0x0;
	s8 =	rddreg [dreg:$0x1];
	[sflag:s31] =	ssyncadd.s32 $0xFFFFFFF0  }
0x33c: {  	s1 =	sshll.u32 @p1 s8, $0xE;
	s7 =	rddreg [dreg:$0x2]  }
0x33d: {  	s0 =	sadd.s32 @p1 $0x15C3C, s1;
	s1 =	sshll.u32 @p1 s7, $0x11  }
0x33e: {  	_ =	sfence.stream.spmem;
	s0 =	sor.u32 @p1 s1, s0  }
0x33f: {  	[sflag:s0] =	ssyncadd.remote.s32 @p1 $0x1;
	s0 =	simm.s32 @p1 $0x4  }
0x340: {  	s2 =	simm.s32 @!p1 $0x3C;
	s1 =	sand.u32 $0xFFFFFFFE, s8;
	_ =	swait.ge @p1 [sflag:s0], $0x6  }
0x341: {  	s4 =	simm.s32 @!p1 $0x0;
	s1 =	sadd.s32 @!p1 $0x4, s1;
	[sflag:s0] =	ssyncset.done @p1 $0x0  }
0x342: {  	s5 =	simm.s32 @!p1 $0x20;
	[sflag:s0] =	ssyncadd.s32 @p1 $0xFFFFFFFA;
	s0 =	sshll.u32 @!p1 s1, $0x1A  }
0x343: {  	s1 =	sshll.u32 @!p1 s1, $0xD;
	s0 =	sor.u32 @!p1 s0, s7;
	_ =	swait.eq @!p1 [sflag:s2], $0x1  }
0x344: {  	s1 =	sor.u32 @!p1 $0x1C04, s1;
	s2 =	simm.s32 @!p1 $0x1C03;
	s0 =	sor.u32 @!p1 $0x80004000, s0  }
0x345: {  	[spmem:s5], [sflag:s1] =	dma.general @!p1 [spmem:s4], [sflag:s2], length:$0x4, [dreg:$0x0], stride_count:$0x0, ici_dest:s0, dma_misc:DstOpCode:WRITE  }
0x346: {  	p2 =	slt.s32 s9, $0x2;
	s4 =	simm.s32 @!p1 $0x40;
	s5 =	simm.s32 @!p1 $0x42  }
0x347: {  	[spmem:s5], [sflag:s1] =	dma.general @!p1 [spmem:s4], [sflag:s2], length:$0x2, [dreg:$0x0], stride_count:$0x0, ici_dest:s0, dma_misc:DstOpCode:WRITE  }
.Ltmp28:
0x348: {  	s0 =	simm.s32 @!p1 $0x3;
	(pc) =	sbr.rel @p2 .LBB2_37-.Ltmp28, $4  }
0x349: {  	s1 =	sshll.u32 @!p1 s8, $0xE;
	_ =	swait.ge @!p1 [sflag:s0], $0x6  }
0x34a: {  	s2 =	sshll.u32 @!p1 s7, $0x11;
	s1 =	sadd.s32 @!p1 $0x11C3C, s1;
	[sflag:s0] =	ssyncset.done @!p1 $0x0  }
0x34b: {  	[sflag:s0] =	ssyncadd.s32 @!p1 $0xFFFFFFFA;
	s0 =	sor.u32 @!p1 s2, s1  }
0x34c: {  	[sflag:s0] =	ssyncadd.remote.s32 @!p1 $0xFFFFFFFF;
	s0 =	simm.s32 $0x0  }
0x34d: {  	s0 =	simm.s32 $0x3659  }
0x34e: {  	v0 =	vld.msk [tilespmem:s0+$0x0], $0x1;
	_ =	sdelay $0x4  }
0x34f: {  	(v2sf) =	vpush v0, $0x0;
	_ =	sdelay $0xd  }
0x350: {  	s2 =	sadd.s32 $0xFFFFFFFE, s6  }
0x351: {  	s2 =	sadd.s32 $0xFFFFFFFF, s2;
	s0 =	spop (v2sf)  }
0x352: {  	p2 =	sne.s32 s2, $0x0;
	p1 =	sgt.u32 s0, $0x270FFF  }
.Ltmp29:
0x353: {  	s4 =	sand.u32 @!p1 $0x3FFFF8, s0;
	(pc) =	sbr.rel @!p2 .LBB2_36-.Ltmp29, $4  }
0x354: {  	s1 =	simm.s32 $0x3688;
	s0 =	sand.u32 @!p1 $0x7, s0;
	s4 =	sadd.s32 @!p1 s3, s4  }
0x355: {  	[hbm4b:s4+s0] =	stream.linear.scatter @!p1 [tilespmem:s1], [sflag:$0x5], $0x2, $0x38;
	[tilespmem:$0x1F0F8] =	vst v63  }
0x356: {  	s0 =	simm.s32 $0x0  }
0x357: {  	s6 =	simm.s32 $0x0;
	s7 =	simm.s32 $0x365A;
	s0 =	simm.s32 @!p1 $0x8  }
.LBB2_35:
0x358: {  	v0 =	vld.msk [tilespmem:s7+$0x0], $0x1;
	s2 =	sadd.s32 $0xFFFFFFFF, s2;
	s6 =	sadd.s32 s6, s0  }
0x359: {  	p1 =	sne.s32 s2, $0x0;
	_ =	sdelay $0x3  }
0x35a: {  	(v2sf) =	vpush v0, $0x0;
	_ =	sdelay $0xe  }
.Ltmp30:
0x35b: {  	s4 =	spop (v2sf);
	(pc) =	sbr.rel @p1 .LBB2_35-.Ltmp30, $4  }
0x35c: {  	s0 =	simm.s32 $0x0;
	p2 =	sgt.u32 s4, $0x270FFF  }
0x35d: {  	s1 =	sadd.s32 $0x10, s1;
	s0 =	simm.s32 @!p2 $0x8;
	s5 =	sand.u32 @!p2 $0x3FFFF8, s4  }
0x35e: {  	s7 =	sadd.s32 $0x1, s7;
	s4 =	sand.u32 @!p2 $0x7, s4;
	s5 =	sadd.s32 @!p2 s3, s5  }
0x35f: {  	[hbm4b:s5+s4] =	stream.linear.scatter @!p2 [tilespmem:s1], [sflag:$0x5], $0x2, $0x38;
	[tilespmem:$0x1F0F8] =	vst v63  }
.LBB2_36:
0x360: {  	s0 =	sadd.s32 s6, s0  }
0x361: {  	s0 =	sshrl.u32 s0, $0x2  }
.LBB2_37:
0x362: {  	s1 =	simm.s32 $0x5  }
0x363: {  	_ =	swait.ge [sflag:s1], s0  }
0x364: {  	s31 =	ssub.s32 $0x0, s0;
	[sflag:s1] =	ssyncset.done $0x0  }
0x365: {  	[sflag:s1] =	ssyncadd.s32 s31  }
0x366: {  	[sflag:s1] =	ssyncpa.u1 $0x1  }
.LBB2_38:
0x367: {  	s0 =	sor.u32 s17, s16  }
0x368: {  	p1 =	sne.s32 s0, $0x0  }
.Ltmp31:
0x369: {  	_ = 	snop;
	(pc) =	sbr.rel @p1 .LBB2_53-.Ltmp31, $3  }
0x36a: {  	_ =	sdelay $0x1  }
0x36b: {  	[bflag:$0x0] =	sbarrier.arrive $0xFFFF  }
0x36c: {  	_ =	sfence  }
0x36d: {  	s0 =	simm.s32 $0x7  }
0x36e: {  	s1 =	simm.s32 $0x200;
	s2 =	simm.s32 $0x3658;
	[sflag:s0] =	ssyncpa.u1 $0x0  }
0x36f: {  	[tilespmem:s2], [sflag:$0x7] =	stream.linear.gather [spmem:s1], $0x20, $0x38;
	[tilespmem:$0x1F0F8] =	vst v63  }
0x370: {  	s30 =	simm.s32 $0x3678;
	s1 =	simm.s32 $0x0  }
0x371: {  	[tilespmem:s30], [sflag:$0x7] =	stream.linear.gather [spmem:s1], $0x200, $0x38;
	[tilespmem:$0x1F0F8] =	vst v63  }
.Ltmp32:
0x372: {  	_ = 	snop;
	(pc) =	sbr.rel .LBB2_40-.Ltmp32, $4  }
0x373: {  	_ =	swait.ge [sflag:s0], $0x220  }
0x374: {  	[sflag:s0] =	ssyncset.done $0x0  }
0x375: {  	s31 =	simm.s32 $0x8;
	[sflag:s0] =	ssyncadd.s32 $0xFFFFFDE0  }
0x376: {  	s2 =	simm.s32 $0x0;
	[sflag:s31] =	ssyncpa.u1 $0x0  }
.LBB2_45:
0x377: {  	p1 =	slt.u32 s4, $0x271000  }
0x378: {  	s0 =	sand.u32 @p1 $0x3FFFF8, s4  }
0x379: {  	s4 =	sand.u32 @p1 $0x7, s4;
	s5 =	simm.s32 @p1 $0x3638;
	s0 =	sadd.s32 @p1 s3, s0  }
0x37a: {  	[tilespmem:s5], [sflag:$0x8] =	stream.linear.gather @p1 [hbm4b:s0+s4], $0x2, $0x38;
	[tilespmem:$0x1F0F8] =	vst v63  }
0x37b: {  	s0 =	simm.s32 @p1 $0x8  }
0x37c: {  	_ =	swait.ge @p1 [sflag:s0], $0x2  }
0x37d: {  	[sflag:s0] =	ssyncset.done @p1 $0x0  }
0x37e: {  	[sflag:s0] =	ssyncadd.s32 @p1 $0xFFFFFFFE  }
0x37f: {  	v1 =	vld @p1 [tilespmem:$0x3638];
	_ =	sdelay $0x2  }
0x380: {  	s0 =	sshll.u32 @p1 s2, $0x6  }
0x381: {  	s5 =	sshll.u32 @!p1 s2, $0x6;
	s4 =	sshrl.u32 @p1 s0, $0x2  }
0x382: {  	s5 =	smov.u32 @p1 s0;
	[tilespmem:s4+$0x3678] =	vst.add.f32.msk @p1 $0xffff, v1  }
0x383: {  	s0 =	sshrl.u32 s5, $0x2;
	[tilespmem:s1+$0x3658] =	vst.msk $0x1, v0  }
0x384: {  	v0 =	vld [tilespmem:s0+$0x3678];
	_ =	sdelay $0x2  }
0x385: {  	s31 =	sshll.u32 s1, $0x6  }
0x386: {  	s0 =	sshra.s32 s31, $0x2  }
0x387: {  	s1 =	sadd.s32 $0x1, s1;
	[tilespmem:s0+$0x3678] =	vst v0  }
.LBB2_47:
0x388: {  	s2 =	sadd.s32 $0x1, s2  }
0x389: {  	p1 =	sne.s32 s2, $0x20  }
.Ltmp33:
0x38a: {  	_ = 	snop;
	(pc) =	sbr.rel @!p1 .LBB2_48-.Ltmp33, $1  }
0x38b: {  	_ =	sdelay $0x3  }
.LBB2_40:
0x38c: {  	v0 =	vld.msk [tilespmem:s2+$0x3658], $0x1;
	_ =	sdelay $0x4  }
0x38d: {  	(v2sf) =	vpush v0, $0x0;
	_ =	sdelay $0xe  }
0x38e: {  	s4 =	spop (v2sf)  }
0x38f: {  	p1 =	seq.s32 s4, $0xFFFFFFFF  }
.Ltmp34:
0x390: {  	_ = 	snop;
	(pc) =	sbr.rel @p1 .LBB2_47-.Ltmp34, $1  }
0x391: {  	_ =	sdelay $0x3  }
0x392: {  	p1 =	slt.s32 s1, $0x1  }
.Ltmp35:
0x393: {  	_ = 	snop;
	(pc) =	sbr.rel @p1 .LBB2_45-.Ltmp35, $1  }
0x394: {  	_ =	sdelay $0x3  }
0x395: {  	s5 =	simm.s32 $0x3658;
	p1 =	por $0x0, $0x0  }
0x396: {  	v1 =	vld.msk @!p1 [tilespmem:s5+$0x0], $0x1;
	_ =	sdelay $0x4  }
0x397: {  	(v2sf) =	vpush @!p1 v1, $0x0;
	_ =	sdelay $0xd  }
0x398: {  	p3 =	sne.s32 s1, $0x1  }
.Ltmp36:
0x399: {  	s0 =	spop @!p1 (v2sf);
	(pc) =	sbr.rel @!p3 .LBB2_44-.Ltmp36, $4  }
0x39a: {  	p2 =	seq.s32 @!p1 s4, s0  }
0x39b: {  	s6 =	simm.s32 $0x0;
	p2 =	por !p2, p1  }
0x39c: {  	s0 =	simm.s32 $0xFFFFFFFF;
	s6 =	simm.s32 @p2 $0xFFFFFFFF  }
0x39d: {  	s7 =	simm.s32 $0x1;
	s6 =	smov.u32 @p1 s0  }
.LBB2_43:
0x39e: {  	s0 =	smov.u32 s6;
	p1 =	sne.s32 s6, $0xFFFFFFFF  }
0x39f: {  	s5 =	sadd.s32 $0x1, s5;
	s6 =	smov.u32 s7;
	s7 =	sadd.s32 $0x1, s7  }
0x3a0: {  	p2 =	sne.s32 s1, s7;
	v1 =	vld.msk @!p1 [tilespmem:s5+$0x0], $0x1;
	_ =	sdelay $0x4  }
0x3a1: {  	(v2sf) =	vpush @!p1 v1, $0x0;
	_ =	sdelay $0xe  }
.Ltmp37:
0x3a2: {  	s8 =	spop @!p1 (v2sf);
	(pc) =	sbr.rel @p2 .LBB2_43-.Ltmp37, $4  }
0x3a3: {  	p3 =	seq.s32 @!p1 s4, s8  }
0x3a4: {  	p3 =	por !p3, p1  }
0x3a5: {  	s6 =	simm.s32 @p3 $0xFFFFFFFF  }
0x3a6: {  	s6 =	smov.u32 @p1 s0  }
.LBB2_44:
0x3a7: {  	p1 =	sne.s32 s6, $0xFFFFFFFF  }
.Ltmp38:
0x3a8: {  	_ = 	snop;
	(pc) =	sbr.rel @!p1 .LBB2_45-.Ltmp38, $1  }
0x3a9: {  	_ =	sdelay $0x3  }
0x3aa: {  	s0 =	sshll.u32 s2, $0x4  }
0x3ab: {  	s0 =	sand.u32 $0x3FFFFFF0, s0  }
0x3ac: {  	v0 =	vld [tilespmem:s0+$0x3678]  }
.Ltmp39:
0x3ad: {  	_ = 	snop;
	(pc) =	sbr.rel .LBB2_47-.Ltmp39, $4  }
0x3ae: {  	_ = 	snop  }
0x3af: {  	s31 =	sshll.u32 s6, $0x6  }
0x3b0: {  	s0 =	sshra.s32 s31, $0x2  }
0x3b1: {  	[tilespmem:s0+$0x3678] =	vst.add.f32.msk $0xffff, v0  }
.LBB2_48:
0x3b2: {  	p1 =	slt.s32 s1, $0x1  }
.Ltmp40:
0x3b3: {  	_ = 	snop;
	(pc) =	sbr.rel @p1 .LBB2_52-.Ltmp40, $3  }
0x3b4: {  	_ =	sdelay $0x1  }
0x3b5: {  	s0 =	simm.s32 $0x8  }
0x3b6: {  	s2 =	simm.s32 $0x0;
	[sflag:s0] =	ssyncpa.u1 $0x1  }
0x3b7: {  	s0 =	simm.s32 $0x3658  }
0x3b8: {  	v0 =	vld.msk [tilespmem:s0+$0x0], $0x1;
	_ =	sdelay $0x4  }
0x3b9: {  	(v2sf) =	vpush v0, $0x0;
	_ =	sdelay $0xe  }
0x3ba: {  	s1 =	sadd.s32 $0xFFFFFFFF, s1;
	s0 =	spop (v2sf)  }
0x3bb: {  	p2 =	sne.s32 s1, $0x0;
	p1 =	sgt.u32 s0, $0x270FFF  }
.Ltmp41:
0x3bc: {  	s5 =	sand.u32 @!p1 $0x3FFFF8, s0;
	(pc) =	sbr.rel @!p2 .LBB2_51-.Ltmp41, $4  }
0x3bd: {  	s4 =	simm.s32 $0x3678;
	s0 =	sand.u32 @!p1 $0x7, s0;
	s5 =	sadd.s32 @!p1 s3, s5  }
0x3be: {  	[hbm4b:s5+s0] =	stream.linear.scatter @!p1 [tilespmem:s4], [sflag:$0x7], $0x2, $0x38;
	[tilespmem:$0x1F0F8] =	vst v63  }
0x3bf: {  	s0 =	simm.s32 $0x0  }
0x3c0: {  	s5 =	simm.s32 $0x3659;
	s0 =	simm.s32 @!p1 $0x8  }
.LBB2_50:
0x3c1: {  	v0 =	vld.msk [tilespmem:s5+$0x0], $0x1;
	s1 =	sadd.s32 $0xFFFFFFFF, s1;
	s2 =	sadd.s32 s2, s0  }
0x3c2: {  	p1 =	sne.s32 s1, $0x0;
	_ =	sdelay $0x3  }
0x3c3: {  	(v2sf) =	vpush v0, $0x0;
	_ =	sdelay $0xe  }
.Ltmp42:
0x3c4: {  	s6 =	spop (v2sf);
	(pc) =	sbr.rel @p1 .LBB2_50-.Ltmp42, $4  }
0x3c5: {  	s0 =	simm.s32 $0x0;
	p2 =	sgt.u32 s6, $0x270FFF  }
0x3c6: {  	s4 =	sadd.s32 $0x10, s4;
	s0 =	simm.s32 @!p2 $0x8;
	s7 =	sand.u32 @!p2 $0x3FFFF8, s6  }
0x3c7: {  	s5 =	sadd.s32 $0x1, s5;
	s6 =	sand.u32 @!p2 $0x7, s6;
	s7 =	sadd.s32 @!p2 s3, s7  }
0x3c8: {  	[hbm4b:s7+s6] =	stream.linear.scatter @!p2 [tilespmem:s4], [sflag:$0x7], $0x2, $0x38;
	[tilespmem:$0x1F0F8] =	vst v63  }
.LBB2_51:
0x3c9: {  	s0 =	sadd.s32 s2, s0  }
0x3ca: {  	s2 =	sshrl.u32 s0, $0x2  }
.LBB2_52:
0x3cb: {  	s0 =	simm.s32 $0x7  }
0x3cc: {  	_ =	swait.ge [sflag:s0], s2  }
0x3cd: {  	s1 =	ssub.s32 $0x0, s2;
	[sflag:s0] =	ssyncset.done $0x0  }
0x3ce: {  	[sflag:s0] =	ssyncadd.s32 s1  }
0x3cf: {  	[sflag:s0] =	ssyncpa.u1 $0x1  }
.LBB2_53:
0x3d0: {  	_ =	sfence;
	s0 =	simm.s32 $0x1  }
0x3d1: {  	[sflag:s0] =	ssyncpa.u1 $0x1  }
0x3d2: {  	_ =	strace $0x90000059  }
0x3d3: {  	[bflag:$0x2] =	sbarrier.arrive $0xFFFF  }
0x3d4: {  	s0 =	rddreg [dreg:$0x3]  }
0x3d5: {  	s0 =	sadd.s32 @!p0 $0x100000, s0  }
0x3d6: {  	[sflag:s0] =	ssyncadd.tile.s32 @!p0 $0x1;
	_ =	shalt  }
.Lfunc_end2:
_tile_overlayer_lowered:
.L_overlay_start_2:
0x3d7: {  	(tag) =	ssettag $0x2  }
0x3d8: {  	s0 =	rddreg [dreg:$0x0];
	s2 =	stileid.u32  }
0x3d9: {  	s1 =	rddreg [dreg:$0x1];
	p0 =	sne.s32 s2, $0x0  }
0x3da: {  	s3 =	rddreg [dreg:$0x2];
	[bflag:$0x3] =	sbarrier.arrive $0xFFFF;
	s2 =	simm.s32 @!p0 $0x1C01  }
0x3db: {  	[timem:s3], [sflag:s2] =	dma.local @!p0 [hbm:s0], s1  }
0x3dc: {  	s0 =	simm.s32 @!p0 $0x1  }
0x3dd: {  	_ =	swait.ge @!p0 [sflag:s0], s1  }
0x3de: {  	s1 =	ssub.s32 @!p0 $0x0, s1;
	[sflag:s0] =	ssyncset.done @!p0 $0x0  }
0x3df: {  	[sflag:s0] =	ssyncadd.s32 @!p0 s1  }
0x3e0: {  	[bflag:$0x3] =	sbarrier.arrive $0xFFFF  }
0x3e1: {  	_ =	shalt  }

</sc_bundles>
